<compile_context>
chip_gen: v7x
topology: tpu7x:2x2x1
jax: 0.10.2.dev20260603
libtpu: 0.0.44.dev20260713+nightly
codegen_flags: <defaults>
</compile_context>

<pallas_src>
import functools
import jax
import jax.numpy as jnp
from jax import lax
from jax.experimental import pallas as pl
from jax.experimental.pallas import tpu as pltpu
from jax.experimental.pallas import tpu_sc as plsc

_NUM_SETS = 26
_SET_LEN = 10
_EMBED_DIM = 64
_BATCH = 16384
_NUM_ROWS = _NUM_SETS * _SET_LEN

_L = 16
_NC, _NS = 2, 16
_NW = _NC * _NS
_CT = _EMBED_DIM // 8
_BCH = 4
_TPU_B = _BATCH // (_BCH * 128)
_UNITS = _NUM_SETS * _CT * _BCH
_U_PER_W = _UNITS // _NW

_mesh = plsc.VectorSubcoreMesh(core_axis_name="c", subcore_axis_name="s")


@functools.partial(
    pl.kernel,
    out_type=jax.ShapeDtypeStruct((_NUM_SETS, _EMBED_DIM, _BATCH), jnp.float32),
    mesh=_mesh,
    compiler_params=pltpu.CompilerParams(
        needs_layout_passes=False, use_tc_tiling_on_sc=True
    ),
    scratch_types=[
        pltpu.VMEM((_NUM_ROWS * _EMBED_DIM,), jnp.float32),
        pltpu.VMEM((2, _BATCH), jnp.int32),
        pltpu.VMEM((1, 8, _TPU_B * 128), jnp.float32),
        pltpu.VMEM((1, 8, _TPU_B * 128), jnp.float32),
        pltpu.SemaphoreType.DMA,
        pltpu.SemaphoreType.DMA,
    ],
)
def _sc_gather(idx_hbm, table_hbm, out_hbm, table_v, idx_v, stg_a, stg_b,
               sem_a, sem_b):
    wid = lax.axis_index("s") * _NC + lax.axis_index("c")
    ubase = wid * _U_PER_W
    s0 = ubase // (_CT * _BCH)

    s_last = (ubase + _U_PER_W - 1) // (_CT * _BCH)
    tbl_cp = pltpu.async_copy(table_hbm, table_v, sem_a)
    i0_cp = pltpu.async_copy(idx_hbm.at[pl.ds(s0, 1)], idx_v.at[pl.ds(0, 1)],
                             sem_b)
    i1_cp = pltpu.async_copy(idx_hbm.at[pl.ds(s_last, 1)],
                             idx_v.at[pl.ds(1, 1)], sem_b)
    tbl_cp.wait()
    i0_cp.wait()
    i1_cp.wait()

    lane = lax.iota(jnp.int32, _L)
    lane_c = jnp.minimum(lane, _SET_LEN - 1)

    def out_unit(s, ct, ch):
        return out_hbm.at[
            pl.ds(s, 1), pl.ds(ct * 8, 8), pl.ds(ch * (_TPU_B * 128), _TPU_B * 128)
        ]

    def do_unit(ul, stg, sem, drain):
        u = ubase + ul
        s = u // (_CT * _BCH)
        r = lax.rem(u, _CT * _BCH)
        ct = r // _BCH
        ch = lax.rem(r, _BCH)
        irow = jnp.where(s == s0, 0, 1)
        if drain:
            pltpu.make_async_copy(stg, out_unit(s, ct, ch), sem).wait()
        tvecs = [
            plsc.load_gather(
                table_v,
                [s * (_SET_LEN * _EMBED_DIM) + lane_c * _EMBED_DIM
                 + (ct * 8 + i)],
            )
            for i in range(8)
        ]

        @pl.loop(0, _TPU_B)
        def _(t):
            b0 = ch * (_TPU_B * 128) + t * 128
            ivs = [idx_v[irow, pl.ds(b0 + g * _L, _L)] for g in range(8)]
            for i in range(8):
                for g in range(8):
                    stg[0, i, pl.ds(t * 128 + g * _L, _L)] = jnp.take_along_axis(
                        tvecs[i], ivs[g], axis=0, mode="promise_in_bounds"
                    )

        pltpu.async_copy(stg, out_unit(s, ct, ch), sem)

    do_unit(0, stg_a, sem_a, False)
    do_unit(1, stg_b, sem_b, False)

    @pl.loop(2, _U_PER_W, step=2)
    def _(ul):
        do_unit(ul, stg_a, sem_a, True)
        do_unit(ul + 1, stg_b, sem_b, True)

    pltpu.make_async_copy(stg_a, out_unit(0, 0, 0), sem_a).wait()
    pltpu.make_async_copy(stg_b, out_unit(0, 0, 0), sem_b).wait()


def kernel(indices, table):
    idx_t = indices.T
    table_flat = table.reshape(-1)
    out = _sc_gather(idx_t, table_flat)
    return out.transpose(2, 0, 1)

# --- scband reference (transcript-rebuilt; emitter-appended) ---
"""Pipeline reference for scband-discrete-continuous-selector-1400159339151 (READ-ONLY COPY).

The authoritative reference and input builder live on the scoring server;
editing this copy changes nothing except your own understanding.
"""

import jax, jax.numpy as jnp
import numpy as np

NUM_SETS = 26
SET_LEN = 10
EMBED_DIM = 64
BATCH = 16384
NUM_ROWS = NUM_SETS * SET_LEN

# config buffers mirroring DiscreteSelector.__init__
_DISCRETE_SET_INDICES = np.arange(NUM_ROWS, dtype=np.int32).reshape(NUM_SETS, SET_LEN)
_SET_LENS = np.full((NUM_SETS,), SET_LEN, dtype=np.int32)
_SET_OFFSETS = np.concatenate([[0], np.cumsum(_SET_LENS)[:-1]]).astype(np.int32)  # exclusive cumsum
_FLAT_DISCRETE_INDICES = _DISCRETE_SET_INDICES.reshape(-1)


def setup_inputs(seed: int = 0) -> dict:
    key = jax.random.key(seed)
    k1, k2 = jax.random.split(key)
    indices = jax.random.randint(k1, (BATCH, NUM_SETS), 0, SET_LEN)
    # learned parameter: nn.Embedding(NUM_ROWS, EMBED_DIM).weight
    table = jax.random.normal(k2, (NUM_ROWS, EMBED_DIM), dtype=jnp.float32) * 0.02
    return {"indices": indices, "table": table}


def reference(indices, table):
    # DiscreteSelector.embed: num_discrete_sets > 1 -> add per-set offsets
    offsets = jnp.asarray(_SET_OFFSETS)
    idx = indices + offsets  # [B, NUM_SETS]
    discrete_indices = jnp.asarray(_FLAT_DISCRETE_INDICES)
    embed_indices = discrete_indices[idx]  # gather buffer -> table row ids
    out = jnp.take(table, embed_indices, axis=0)  # embedding lookup -> [B, NUM_SETS, EMBED_DIM]
    return out

if __name__ == "__main__":
    import jax
    _d = setup_inputs()
    print(jax.jit(kernel)(*tuple(_d.values())))

</pallas_src>

<mosaic_0001>
#map = affine_map<(d0, d1) -> (0, 0)>
#map1 = affine_map<(d0, d1) -> (0)>
#map2 = affine_map<(d0, d1) -> (0, 0, 0)>
module attributes {stable_mosaic.version = 14 : i64} {
  func.func @_sc_gather(%arg0: i32, %arg1: i32, %arg2: memref<26x16384xi32, #tpu.memory_space<hbm>>, %arg3: memref<16640xf32, #tpu.memory_space<hbm>>, %arg4: memref<26x64x16384xf32, #tpu.memory_space<hbm>>, %arg5: memref<16640xf32, #tpu.memory_space<vmem>>, %arg6: memref<2x16384xi32, #tpu.memory_space<vmem>>, %arg7: memref<1x8x4096xf32, #tpu.memory_space<vmem>>, %arg8: memref<1x8x4096xf32, #tpu.memory_space<vmem>>, %arg9: memref<!tpu.dma_semaphore, #tpu.memory_space<semaphore_mem>>, %arg10: memref<!tpu.dma_semaphore, #tpu.memory_space<semaphore_mem>>) attributes {dimension_semantics = [#tpu.dimension_semantics<core_parallel>, #tpu.dimension_semantics<subcore_parallel>], iteration_bounds = array<i64: 2, 16>, scalar_prefetch = 0 : i64, scratch_operands = 6 : i64, tpu.core_type = #tpu.core_type<sc_vector_subcore>, window_params = [{transform_indices = #map}, {transform_indices = #map1}, {transform_indices = #map2}]} {
    %mul3A = arith.constant 2 : i32
    %mul3A_0 = arith.muli %arg1, %mul3A : i32
    %add3A = arith.addi %mul3A_0, %arg0 : i32
    %mul3A_1 = arith.constant 26 : i32
    %mul3A_2 = arith.muli %add3A, %mul3A_1 : i32
    %jit3A = arith.constant 32 : i32
    %div3A = arith.divsi %mul3A_2, %jit3A : i32
    %sign3A = arith.constant 0 : i32
    %sign3A_3 = arith.cmpi sgt, %mul3A_2, %sign3A : i32
    %sign3A_4 = arith.extui %sign3A_3 : i1 to i32
    %sign3A_5 = arith.constant 0 : i32
    %sign3A_6 = arith.cmpi slt, %mul3A_2, %sign3A_5 : i32
    %sign3A_7 = arith.extui %sign3A_6 : i1 to i32
    %sign3A_8 = arith.subi %sign3A_4, %sign3A_7 : i32
    %sign3A_9 = arith.constant 0 : i32
    %sign3A_10 = arith.cmpi sgt, %jit3A, %sign3A_9 : i32
    %sign3A_11 = arith.extui %sign3A_10 : i1 to i32
    %sign3A_12 = arith.constant 0 : i32
    %sign3A_13 = arith.cmpi slt, %jit3A, %sign3A_12 : i32
    %sign3A_14 = arith.extui %sign3A_13 : i1 to i32
    %sign3A_15 = arith.subi %sign3A_11, %sign3A_14 : i32
    %ne3A = arith.cmpi ne, %sign3A_8, %sign3A_15 : i32
    %rem3A = arith.remsi %mul3A_2, %jit3A : i32
    %ne3A_16 = arith.constant 0 : i32
    %ne3A_17 = arith.cmpi ne, %rem3A, %ne3A_16 : i32
    %and3A = arith.andi %ne3A, %ne3A_17 : i1
    %sub3A = arith.constant 1 : i32
    %sub3A_18 = arith.subi %div3A, %sub3A : i32
    %select_n3A = arith.select %and3A, %sub3A_18, %div3A : i32
    %add3A_19 = arith.constant 26 : i32
    %add3A_20 = arith.addi %mul3A_2, %add3A_19 : i32
    %sub3A_21 = arith.constant 1 : i32
    %sub3A_22 = arith.subi %add3A_20, %sub3A_21 : i32
    %jit3A_23 = arith.constant 32 : i32
    %div3A_24 = arith.divsi %sub3A_22, %jit3A_23 : i32
    %sign3A_25 = arith.constant 0 : i32
    %sign3A_26 = arith.cmpi sgt, %sub3A_22, %sign3A_25 : i32
    %sign3A_27 = arith.extui %sign3A_26 : i1 to i32
    %sign3A_28 = arith.constant 0 : i32
    %sign3A_29 = arith.cmpi slt, %sub3A_22, %sign3A_28 : i32
    %sign3A_30 = arith.extui %sign3A_29 : i1 to i32
    %sign3A_31 = arith.subi %sign3A_27, %sign3A_30 : i32
    %sign3A_32 = arith.constant 0 : i32
    %sign3A_33 = arith.cmpi sgt, %jit3A_23, %sign3A_32 : i32
    %sign3A_34 = arith.extui %sign3A_33 : i1 to i32
    %sign3A_35 = arith.constant 0 : i32
    %sign3A_36 = arith.cmpi slt, %jit3A_23, %sign3A_35 : i32
    %sign3A_37 = arith.extui %sign3A_36 : i1 to i32
    %sign3A_38 = arith.subi %sign3A_34, %sign3A_37 : i32
    %ne3A_39 = arith.cmpi ne, %sign3A_31, %sign3A_38 : i32
    %rem3A_40 = arith.remsi %sub3A_22, %jit3A_23 : i32
    %ne3A_41 = arith.constant 0 : i32
    %ne3A_42 = arith.cmpi ne, %rem3A_40, %ne3A_41 : i32
    %and3A_43 = arith.andi %ne3A_39, %ne3A_42 : i1
    %sub3A_44 = arith.constant 1 : i32
    %sub3A_45 = arith.subi %div3A_24, %sub3A_44 : i32
    %select_n3A_46 = arith.select %and3A_43, %sub3A_45, %div3A_24 : i32
    tpu.enqueue_dma source(%arg3 : memref<16640xf32, #tpu.memory_space<hbm>>) target(%arg5 : memref<16640xf32, #tpu.memory_space<vmem>>) target_semaphore(%arg9 : memref<!tpu.dma_semaphore, #tpu.memory_space<semaphore_mem>>)
    %dma_start3A = arith.constant 0 : i32
    %dma_start3A_47 = arith.constant 0 : i32
    %dma_start3A_48 = tpu.memref_slice %arg6[%dma_start3A, %dma_start3A_47] : memref<2x16384xi32, #tpu.memory_space<vmem>> -> memref<1x16384xi32, #tpu.memory_space<vmem>>
    %dma_start3A_49 = arith.constant 0 : i32
    %dma_start3A_50 = tpu.memref_slice %arg2[%select_n3A, %dma_start3A_49] : memref<26x16384xi32, #tpu.memory_space<hbm>> -> memref<1x16384xi32, #tpu.memory_space<hbm>>
    %dma_start3A_51 = arith.constant 0 : i32
    %dma_start3A_52 = arith.constant 0 : i32
    %dma_start3A_53 = tpu.memref_slice %arg6[%dma_start3A_51, %dma_start3A_52] : memref<2x16384xi32, #tpu.memory_space<vmem>> -> memref<1x16384xi32, #tpu.memory_space<vmem>>
    %dma_start3A_54 = arith.constant 0 : i32
    %dma_start3A_55 = tpu.memref_slice %arg2[%select_n3A, %dma_start3A_54] : memref<26x16384xi32, #tpu.memory_space<hbm>> -> memref<1x16384xi32, #tpu.memory_space<hbm>>
    tpu.enqueue_dma source(%dma_start3A_55 : memref<1x16384xi32, #tpu.memory_space<hbm>>) target(%dma_start3A_53 : memref<1x16384xi32, #tpu.memory_space<vmem>>) target_semaphore(%arg10 : memref<!tpu.dma_semaphore, #tpu.memory_space<semaphore_mem>>)
    %dma_start3A_56 = arith.constant 1 : i32
    %dma_start3A_57 = arith.constant 0 : i32
    %dma_start3A_58 = tpu.memref_slice %arg6[%dma_start3A_56, %dma_start3A_57] : memref<2x16384xi32, #tpu.memory_space<vmem>> -> memref<1x16384xi32, #tpu.memory_space<vmem>>
    %dma_start3A_59 = arith.constant 0 : i32
    %dma_start3A_60 = tpu.memref_slice %arg2[%select_n3A_46, %dma_start3A_59] : memref<26x16384xi32, #tpu.memory_space<hbm>> -> memref<1x16384xi32, #tpu.memory_space<hbm>>
    %dma_start3A_61 = arith.constant 1 : i32
    %dma_start3A_62 = arith.constant 0 : i32
    %dma_start3A_63 = tpu.memref_slice %arg6[%dma_start3A_61, %dma_start3A_62] : memref<2x16384xi32, #tpu.memory_space<vmem>> -> memref<1x16384xi32, #tpu.memory_space<vmem>>
    %dma_start3A_64 = arith.constant 0 : i32
    %dma_start3A_65 = tpu.memref_slice %arg2[%select_n3A_46, %dma_start3A_64] : memref<26x16384xi32, #tpu.memory_space<hbm>> -> memref<1x16384xi32, #tpu.memory_space<hbm>>
    tpu.enqueue_dma source(%dma_start3A_65 : memref<1x16384xi32, #tpu.memory_space<hbm>>) target(%dma_start3A_63 : memref<1x16384xi32, #tpu.memory_space<vmem>>) target_semaphore(%arg10 : memref<!tpu.dma_semaphore, #tpu.memory_space<semaphore_mem>>)
    tpu.wait_dma2 semaphore(%arg9 : memref<!tpu.dma_semaphore, #tpu.memory_space<semaphore_mem>>) src(%arg3 : memref<16640xf32, #tpu.memory_space<hbm>>) dst(%arg5 : memref<16640xf32, #tpu.memory_space<vmem>>)
    %dma_wait3A = arith.constant 0 : i32
    %dma_wait3A_66 = arith.constant 0 : i32
    %dma_wait3A_67 = tpu.memref_slice %arg6[%dma_wait3A, %dma_wait3A_66] : memref<2x16384xi32, #tpu.memory_space<vmem>> -> memref<1x16384xi32, #tpu.memory_space<vmem>>
    %dma_wait3A_68 = arith.constant 0 : i32
    %dma_wait3A_69 = tpu.memref_slice %arg2[%select_n3A, %dma_wait3A_68] : memref<26x16384xi32, #tpu.memory_space<hbm>> -> memref<1x16384xi32, #tpu.memory_space<hbm>>
    %dma_wait3A_70 = arith.constant 0 : i32
    %dma_wait3A_71 = arith.constant 0 : i32
    %dma_wait3A_72 = tpu.memref_slice %arg6[%dma_wait3A_70, %dma_wait3A_71] : memref<2x16384xi32, #tpu.memory_space<vmem>> -> memref<1x16384xi32, #tpu.memory_space<vmem>>
    %dma_wait3A_73 = arith.constant 0 : i32
    %dma_wait3A_74 = tpu.memref_slice %arg2[%select_n3A, %dma_wait3A_73] : memref<26x16384xi32, #tpu.memory_space<hbm>> -> memref<1x16384xi32, #tpu.memory_space<hbm>>
    tpu.wait_dma2 semaphore(%arg10 : memref<!tpu.dma_semaphore, #tpu.memory_space<semaphore_mem>>) src(%dma_wait3A_74 : memref<1x16384xi32, #tpu.memory_space<hbm>>) dst(%dma_wait3A_72 : memref<1x16384xi32, #tpu.memory_space<vmem>>)
    %dma_wait3A_75 = arith.constant 1 : i32
    %dma_wait3A_76 = arith.constant 0 : i32
    %dma_wait3A_77 = tpu.memref_slice %arg6[%dma_wait3A_75, %dma_wait3A_76] : memref<2x16384xi32, #tpu.memory_space<vmem>> -> memref<1x16384xi32, #tpu.memory_space<vmem>>
    %dma_wait3A_78 = arith.constant 0 : i32
    %dma_wait3A_79 = tpu.memref_slice %arg2[%select_n3A_46, %dma_wait3A_78] : memref<26x16384xi32, #tpu.memory_space<hbm>> -> memref<1x16384xi32, #tpu.memory_space<hbm>>
    %dma_wait3A_80 = arith.constant 1 : i32
    %dma_wait3A_81 = arith.constant 0 : i32
    %dma_wait3A_82 = tpu.memref_slice %arg6[%dma_wait3A_80, %dma_wait3A_81] : memref<2x16384xi32, #tpu.memory_space<vmem>> -> memref<1x16384xi32, #tpu.memory_space<vmem>>
    %dma_wait3A_83 = arith.constant 0 : i32
    %dma_wait3A_84 = tpu.memref_slice %arg2[%select_n3A_46, %dma_wait3A_83] : memref<26x16384xi32, #tpu.memory_space<hbm>> -> memref<1x16384xi32, #tpu.memory_space<hbm>>
    tpu.wait_dma2 semaphore(%arg10 : memref<!tpu.dma_semaphore, #tpu.memory_space<semaphore_mem>>) src(%dma_wait3A_84 : memref<1x16384xi32, #tpu.memory_space<hbm>>) dst(%dma_wait3A_82 : memref<1x16384xi32, #tpu.memory_space<vmem>>)
    %iota3A = tpu.iota {dimensions = array<i32: 0>} : vector<16xi32>
    %min3A = arith.constant 9 : i32
    %min3A_85 = vector.broadcast %min3A : i32 to vector<16xi32>
    %min3A_86 = arith.minsi %iota3A, %min3A_85 : vector<16xi32>
    %add3A_87 = arith.constant 0 : i32
    %add3A_88 = arith.addi %mul3A_2, %add3A_87 : i32
    %jit3A_89 = arith.constant 32 : i32
    %div3A_90 = arith.divsi %add3A_88, %jit3A_89 : i32
    %sign3A_91 = arith.constant 0 : i32
    %sign3A_92 = arith.cmpi sgt, %add3A_88, %sign3A_91 : i32
    %sign3A_93 = arith.extui %sign3A_92 : i1 to i32
    %sign3A_94 = arith.constant 0 : i32
    %sign3A_95 = arith.cmpi slt, %add3A_88, %sign3A_94 : i32
    %sign3A_96 = arith.extui %sign3A_95 : i1 to i32
    %sign3A_97 = arith.subi %sign3A_93, %sign3A_96 : i32
    %sign3A_98 = arith.constant 0 : i32
    %sign3A_99 = arith.cmpi sgt, %jit3A_89, %sign3A_98 : i32
    %sign3A_100 = arith.extui %sign3A_99 : i1 to i32
    %sign3A_101 = arith.constant 0 : i32
    %sign3A_102 = arith.cmpi slt, %jit3A_89, %sign3A_101 : i32
    %sign3A_103 = arith.extui %sign3A_102 : i1 to i32
    %sign3A_104 = arith.subi %sign3A_100, %sign3A_103 : i32
    %ne3A_105 = arith.cmpi ne, %sign3A_97, %sign3A_104 : i32
    %rem3A_106 = arith.remsi %add3A_88, %jit3A_89 : i32
    %ne3A_107 = arith.constant 0 : i32
    %ne3A_108 = arith.cmpi ne, %rem3A_106, %ne3A_107 : i32
    %and3A_109 = arith.andi %ne3A_105, %ne3A_108 : i1
    %sub3A_110 = arith.constant 1 : i32
    %sub3A_111 = arith.subi %div3A_90, %sub3A_110 : i32
    %select_n3A_112 = arith.select %and3A_109, %sub3A_111, %div3A_90 : i32
    %rem3A_113 = arith.constant 32 : i32
    %rem3A_114 = arith.remsi %add3A_88, %rem3A_113 : i32
    %jit3A_115 = arith.constant 4 : i32
    %div3A_116 = arith.divsi %rem3A_114, %jit3A_115 : i32
    %sign3A_117 = arith.constant 0 : i32
    %sign3A_118 = arith.cmpi sgt, %rem3A_114, %sign3A_117 : i32
    %sign3A_119 = arith.extui %sign3A_118 : i1 to i32
    %sign3A_120 = arith.constant 0 : i32
    %sign3A_121 = arith.cmpi slt, %rem3A_114, %sign3A_120 : i32
    %sign3A_122 = arith.extui %sign3A_121 : i1 to i32
    %sign3A_123 = arith.subi %sign3A_119, %sign3A_122 : i32
    %sign3A_124 = arith.constant 0 : i32
    %sign3A_125 = arith.cmpi sgt, %jit3A_115, %sign3A_124 : i32
    %sign3A_126 = arith.extui %sign3A_125 : i1 to i32
    %sign3A_127 = arith.constant 0 : i32
    %sign3A_128 = arith.cmpi slt, %jit3A_115, %sign3A_127 : i32
    %sign3A_129 = arith.extui %sign3A_128 : i1 to i32
    %sign3A_130 = arith.subi %sign3A_126, %sign3A_129 : i32
    %ne3A_131 = arith.cmpi ne, %sign3A_123, %sign3A_130 : i32
    %rem3A_132 = arith.remsi %rem3A_114, %jit3A_115 : i32
    %ne3A_133 = arith.constant 0 : i32
    %ne3A_134 = arith.cmpi ne, %rem3A_132, %ne3A_133 : i32
    %and3A_135 = arith.andi %ne3A_131, %ne3A_134 : i1
    %sub3A_136 = arith.constant 1 : i32
    %sub3A_137 = arith.subi %div3A_116, %sub3A_136 : i32
    %select_n3A_138 = arith.select %and3A_135, %sub3A_137, %div3A_116 : i32
    %rem3A_139 = arith.constant 4 : i32
    %rem3A_140 = arith.remsi %rem3A_114, %rem3A_139 : i32
    %eq3A = arith.cmpi eq, %select_n3A_112, %select_n3A : i32
    %jit3A_141 = arith.constant 0 : i32
    %jit3A_142 = arith.constant 1 : i32
    %select_n3A_143 = arith.select %eq3A, %jit3A_141, %jit3A_142 : i32
    %mul3A_144 = arith.constant 640 : i32
    %mul3A_145 = arith.muli %select_n3A_112, %mul3A_144 : i32
    %mul3A_146 = arith.constant 64 : i32
    %mul3A_147 = vector.broadcast %mul3A_146 : i32 to vector<16xi32>
    %mul3A_148 = arith.muli %min3A_86, %mul3A_147 : vector<16xi32>
    %add3A_149 = vector.broadcast %mul3A_145 : i32 to vector<16xi32>
    %add3A_150 = arith.addi %add3A_149, %mul3A_148 : vector<16xi32>
    %mul3A_151 = arith.constant 8 : i32
    %mul3A_152 = arith.muli %select_n3A_138, %mul3A_151 : i32
    %add3A_153 = arith.constant 0 : i32
    %add3A_154 = arith.addi %mul3A_152, %add3A_153 : i32
    %add3A_155 = vector.broadcast %add3A_154 : i32 to vector<16xi32>
    %add3A_156 = arith.addi %add3A_150, %add3A_155 : vector<16xi32>
    %gather3A = tpu.vector_load_idx %arg5[%add3A_156] : memref<16640xf32, #tpu.memory_space<vmem>>[vector<16xi32>], vector<16xf32>,
    %mul3A_157 = arith.constant 640 : i32
    %mul3A_158 = arith.muli %select_n3A_112, %mul3A_157 : i32
    %mul3A_159 = arith.constant 64 : i32
    %mul3A_160 = vector.broadcast %mul3A_159 : i32 to vector<16xi32>
    %mul3A_161 = arith.muli %min3A_86, %mul3A_160 : vector<16xi32>
    %add3A_162 = vector.broadcast %mul3A_158 : i32 to vector<16xi32>
    %add3A_163 = arith.addi %add3A_162, %mul3A_161 : vector<16xi32>
    %mul3A_164 = arith.constant 8 : i32
    %mul3A_165 = arith.muli %select_n3A_138, %mul3A_164 : i32
    %add3A_166 = arith.constant 1 : i32
    %add3A_167 = arith.addi %mul3A_165, %add3A_166 : i32
    %add3A_168 = vector.broadcast %add3A_167 : i32 to vector<16xi32>
    %add3A_169 = arith.addi %add3A_163, %add3A_168 : vector<16xi32>
    %gather3A_170 = tpu.vector_load_idx %arg5[%add3A_169] : memref<16640xf32, #tpu.memory_space<vmem>>[vector<16xi32>], vector<16xf32>,
    %mul3A_171 = arith.constant 640 : i32
    %mul3A_172 = arith.muli %select_n3A_112, %mul3A_171 : i32
    %mul3A_173 = arith.constant 64 : i32
    %mul3A_174 = vector.broadcast %mul3A_173 : i32 to vector<16xi32>
    %mul3A_175 = arith.muli %min3A_86, %mul3A_174 : vector<16xi32>
    %add3A_176 = vector.broadcast %mul3A_172 : i32 to vector<16xi32>
    %add3A_177 = arith.addi %add3A_176, %mul3A_175 : vector<16xi32>
    %mul3A_178 = arith.constant 8 : i32
    %mul3A_179 = arith.muli %select_n3A_138, %mul3A_178 : i32
    %add3A_180 = arith.constant 2 : i32
    %add3A_181 = arith.addi %mul3A_179, %add3A_180 : i32
    %add3A_182 = vector.broadcast %add3A_181 : i32 to vector<16xi32>
    %add3A_183 = arith.addi %add3A_177, %add3A_182 : vector<16xi32>
    %gather3A_184 = tpu.vector_load_idx %arg5[%add3A_183] : memref<16640xf32, #tpu.memory_space<vmem>>[vector<16xi32>], vector<16xf32>,
    %mul3A_185 = arith.constant 640 : i32
    %mul3A_186 = arith.muli %select_n3A_112, %mul3A_185 : i32
    %mul3A_187 = arith.constant 64 : i32
    %mul3A_188 = vector.broadcast %mul3A_187 : i32 to vector<16xi32>
    %mul3A_189 = arith.muli %min3A_86, %mul3A_188 : vector<16xi32>
    %add3A_190 = vector.broadcast %mul3A_186 : i32 to vector<16xi32>
    %add3A_191 = arith.addi %add3A_190, %mul3A_189 : vector<16xi32>
    %mul3A_192 = arith.constant 8 : i32
    %mul3A_193 = arith.muli %select_n3A_138, %mul3A_192 : i32
    %add3A_194 = arith.constant 3 : i32
    %add3A_195 = arith.addi %mul3A_193, %add3A_194 : i32
    %add3A_196 = vector.broadcast %add3A_195 : i32 to vector<16xi32>
    %add3A_197 = arith.addi %add3A_191, %add3A_196 : vector<16xi32>
    %gather3A_198 = tpu.vector_load_idx %arg5[%add3A_197] : memref<16640xf32, #tpu.memory_space<vmem>>[vector<16xi32>], vector<16xf32>,
    %mul3A_199 = arith.constant 640 : i32
    %mul3A_200 = arith.muli %select_n3A_112, %mul3A_199 : i32
    %mul3A_201 = arith.constant 64 : i32
    %mul3A_202 = vector.broadcast %mul3A_201 : i32 to vector<16xi32>
    %mul3A_203 = arith.muli %min3A_86, %mul3A_202 : vector<16xi32>
    %add3A_204 = vector.broadcast %mul3A_200 : i32 to vector<16xi32>
    %add3A_205 = arith.addi %add3A_204, %mul3A_203 : vector<16xi32>
    %mul3A_206 = arith.constant 8 : i32
    %mul3A_207 = arith.muli %select_n3A_138, %mul3A_206 : i32
    %add3A_208 = arith.constant 4 : i32
    %add3A_209 = arith.addi %mul3A_207, %add3A_208 : i32
    %add3A_210 = vector.broadcast %add3A_209 : i32 to vector<16xi32>
    %add3A_211 = arith.addi %add3A_205, %add3A_210 : vector<16xi32>
    %gather3A_212 = tpu.vector_load_idx %arg5[%add3A_211] : memref<16640xf32, #tpu.memory_space<vmem>>[vector<16xi32>], vector<16xf32>,
    %mul3A_213 = arith.constant 640 : i32
    %mul3A_214 = arith.muli %select_n3A_112, %mul3A_213 : i32
    %mul3A_215 = arith.constant 64 : i32
    %mul3A_216 = vector.broadcast %mul3A_215 : i32 to vector<16xi32>
    %mul3A_217 = arith.muli %min3A_86, %mul3A_216 : vector<16xi32>
    %add3A_218 = vector.broadcast %mul3A_214 : i32 to vector<16xi32>
    %add3A_219 = arith.addi %add3A_218, %mul3A_217 : vector<16xi32>
    %mul3A_220 = arith.constant 8 : i32
    %mul3A_221 = arith.muli %select_n3A_138, %mul3A_220 : i32
    %add3A_222 = arith.constant 5 : i32
    %add3A_223 = arith.addi %mul3A_221, %add3A_222 : i32
    %add3A_224 = vector.broadcast %add3A_223 : i32 to vector<16xi32>
    %add3A_225 = arith.addi %add3A_219, %add3A_224 : vector<16xi32>
    %gather3A_226 = tpu.vector_load_idx %arg5[%add3A_225] : memref<16640xf32, #tpu.memory_space<vmem>>[vector<16xi32>], vector<16xf32>,
    %mul3A_227 = arith.constant 640 : i32
    %mul3A_228 = arith.muli %select_n3A_112, %mul3A_227 : i32
    %mul3A_229 = arith.constant 64 : i32
    %mul3A_230 = vector.broadcast %mul3A_229 : i32 to vector<16xi32>
    %mul3A_231 = arith.muli %min3A_86, %mul3A_230 : vector<16xi32>
    %add3A_232 = vector.broadcast %mul3A_228 : i32 to vector<16xi32>
    %add3A_233 = arith.addi %add3A_232, %mul3A_231 : vector<16xi32>
    %mul3A_234 = arith.constant 8 : i32
    %mul3A_235 = arith.muli %select_n3A_138, %mul3A_234 : i32
    %add3A_236 = arith.constant 6 : i32
    %add3A_237 = arith.addi %mul3A_235, %add3A_236 : i32
    %add3A_238 = vector.broadcast %add3A_237 : i32 to vector<16xi32>
    %add3A_239 = arith.addi %add3A_233, %add3A_238 : vector<16xi32>
    %gather3A_240 = tpu.vector_load_idx %arg5[%add3A_239] : memref<16640xf32, #tpu.memory_space<vmem>>[vector<16xi32>], vector<16xf32>,
    %mul3A_241 = arith.constant 640 : i32
    %mul3A_242 = arith.muli %select_n3A_112, %mul3A_241 : i32
    %mul3A_243 = arith.constant 64 : i32
    %mul3A_244 = vector.broadcast %mul3A_243 : i32 to vector<16xi32>
    %mul3A_245 = arith.muli %min3A_86, %mul3A_244 : vector<16xi32>
    %add3A_246 = vector.broadcast %mul3A_242 : i32 to vector<16xi32>
    %add3A_247 = arith.addi %add3A_246, %mul3A_245 : vector<16xi32>
    %mul3A_248 = arith.constant 8 : i32
    %mul3A_249 = arith.muli %select_n3A_138, %mul3A_248 : i32
    %add3A_250 = arith.constant 7 : i32
    %add3A_251 = arith.addi %mul3A_249, %add3A_250 : i32
    %add3A_252 = vector.broadcast %add3A_251 : i32 to vector<16xi32>
    %add3A_253 = arith.addi %add3A_247, %add3A_252 : vector<16xi32>
    %gather3A_254 = tpu.vector_load_idx %arg5[%add3A_253] : memref<16640xf32, #tpu.memory_space<vmem>>[vector<16xi32>], vector<16xf32>,
    %scan3A = arith.constant 0 : i32
    %scan3A_255 = arith.constant 32 : i32
    %scan3A_256 = arith.addi %scan3A, %scan3A_255 : i32
    %scan3A_257 = arith.constant 1 : i32
    scf.for %scan3A_467 = %scan3A to %scan3A_256 step %scan3A_257  : i32 {
      %mul3A_468 = arith.constant 1 : i32
      %mul3A_469 = arith.muli %scan3A_467, %mul3A_468 : i32
      %add3A_470 = arith.constant 0 : i32
      %add3A_471 = arith.addi %add3A_470, %mul3A_469 : i32
      %mul3A_472 = arith.constant 4096 : i32
      %mul3A_473 = arith.muli %rem3A_140, %mul3A_472 : i32
      %mul3A_474 = arith.constant 128 : i32
      %mul3A_475 = arith.muli %add3A_471, %mul3A_474 : i32
      %add3A_476 = arith.addi %mul3A_473, %mul3A_475 : i32
      %add3A_477 = arith.constant 0 : i32
      %add3A_478 = arith.addi %add3A_476, %add3A_477 : i32
      %get3A = arith.index_cast %select_n3A_143 : i32 to index
      %get3A_479 = arith.index_cast %add3A_478 : i32 to index
      %get3A_480 = tpu.vector_load %arg6[%get3A, %get3A_479] {strides = array<i32>} : memref<2x16384xi32, #tpu.memory_space<vmem>>, vector<16xi32>,
      %add3A_481 = arith.constant 16 : i32
      %add3A_482 = arith.addi %add3A_476, %add3A_481 : i32
      %get3A_483 = arith.index_cast %select_n3A_143 : i32 to index
      %get3A_484 = arith.index_cast %add3A_482 : i32 to index
      %get3A_485 = tpu.vector_load %arg6[%get3A_483, %get3A_484] {strides = array<i32>} : memref<2x16384xi32, #tpu.memory_space<vmem>>, vector<16xi32>,
      %add3A_486 = arith.constant 32 : i32
      %add3A_487 = arith.addi %add3A_476, %add3A_486 : i32
      %get3A_488 = arith.index_cast %select_n3A_143 : i32 to index
      %get3A_489 = arith.index_cast %add3A_487 : i32 to index
      %get3A_490 = tpu.vector_load %arg6[%get3A_488, %get3A_489] {strides = array<i32>} : memref<2x16384xi32, #tpu.memory_space<vmem>>, vector<16xi32>,
      %add3A_491 = arith.constant 48 : i32
      %add3A_492 = arith.addi %add3A_476, %add3A_491 : i32
      %get3A_493 = arith.index_cast %select_n3A_143 : i32 to index
      %get3A_494 = arith.index_cast %add3A_492 : i32 to index
      %get3A_495 = tpu.vector_load %arg6[%get3A_493, %get3A_494] {strides = array<i32>} : memref<2x16384xi32, #tpu.memory_space<vmem>>, vector<16xi32>,
      %add3A_496 = arith.constant 64 : i32
      %add3A_497 = arith.addi %add3A_476, %add3A_496 : i32
      %get3A_498 = arith.index_cast %select_n3A_143 : i32 to index
      %get3A_499 = arith.index_cast %add3A_497 : i32 to index
      %get3A_500 = tpu.vector_load %arg6[%get3A_498, %get3A_499] {strides = array<i32>} : memref<2x16384xi32, #tpu.memory_space<vmem>>, vector<16xi32>,
      %add3A_501 = arith.constant 80 : i32
      %add3A_502 = arith.addi %add3A_476, %add3A_501 : i32
      %get3A_503 = arith.index_cast %select_n3A_143 : i32 to index
      %get3A_504 = arith.index_cast %add3A_502 : i32 to index
      %get3A_505 = tpu.vector_load %arg6[%get3A_503, %get3A_504] {strides = array<i32>} : memref<2x16384xi32, #tpu.memory_space<vmem>>, vector<16xi32>,
      %add3A_506 = arith.constant 96 : i32
      %add3A_507 = arith.addi %add3A_476, %add3A_506 : i32
      %get3A_508 = arith.index_cast %select_n3A_143 : i32 to index
      %get3A_509 = arith.index_cast %add3A_507 : i32 to index
      %get3A_510 = tpu.vector_load %arg6[%get3A_508, %get3A_509] {strides = array<i32>} : memref<2x16384xi32, #tpu.memory_space<vmem>>, vector<16xi32>,
      %add3A_511 = arith.constant 112 : i32
      %add3A_512 = arith.addi %add3A_476, %add3A_511 : i32
      %get3A_513 = arith.index_cast %select_n3A_143 : i32 to index
      %get3A_514 = arith.index_cast %add3A_512 : i32 to index
      %get3A_515 = tpu.vector_load %arg6[%get3A_513, %get3A_514] {strides = array<i32>} : memref<2x16384xi32, #tpu.memory_space<vmem>>, vector<16xi32>,
      %reshape3A = vector.shape_cast %get3A_480 : vector<16xi32> to vector<16x1xi32>
      %gather3A_516 = vector.shape_cast %reshape3A : vector<16x1xi32> to vector<16xi32>
      %gather3A_517 = tpu.dynamic_gather %gather3A[%gather3A_516] in [0] : vector<16xf32>, vector<16xi32> -> vector<16xf32>
      %mul3A_518 = arith.constant 128 : i32
      %mul3A_519 = arith.muli %add3A_471, %mul3A_518 : i32
      %add3A_520 = arith.constant 0 : i32
      %add3A_521 = arith.addi %mul3A_519, %add3A_520 : i32
      %swap3A = arith.constant 0 : i32
      %swap3A_522 = arith.constant 0 : i32
      %swap3A_523 = arith.index_cast %swap3A : i32 to index
      %swap3A_524 = arith.index_cast %swap3A_522 : i32 to index
      %swap3A_525 = arith.index_cast %add3A_521 : i32 to index
      %swap3A_526 = tpu.vector_load %arg7[%swap3A_523, %swap3A_524, %swap3A_525] {strides = array<i32>} : memref<1x8x4096xf32, #tpu.memory_space<vmem>>, vector<16xf32>,
      tpu.vector_store %arg7[%swap3A_523, %swap3A_524, %swap3A_525], %gather3A_517 {strides = array<i32>} : memref<1x8x4096xf32, #tpu.memory_space<vmem>>, vector<16xf32>,
      %reshape3A_527 = vector.shape_cast %get3A_485 : vector<16xi32> to vector<16x1xi32>
      %gather3A_528 = vector.shape_cast %reshape3A_527 : vector<16x1xi32> to vector<16xi32>
      %gather3A_529 = tpu.dynamic_gather %gather3A[%gather3A_528] in [0] : vector<16xf32>, vector<16xi32> -> vector<16xf32>
      %mul3A_530 = arith.constant 128 : i32
      %mul3A_531 = arith.muli %add3A_471, %mul3A_530 : i32
      %add3A_532 = arith.constant 16 : i32
      %add3A_533 = arith.addi %mul3A_531, %add3A_532 : i32
      %swap3A_534 = arith.constant 0 : i32
      %swap3A_535 = arith.constant 0 : i32
      %swap3A_536 = arith.index_cast %swap3A_534 : i32 to index
      %swap3A_537 = arith.index_cast %swap3A_535 : i32 to index
      %swap3A_538 = arith.index_cast %add3A_533 : i32 to index
      %swap3A_539 = tpu.vector_load %arg7[%swap3A_536, %swap3A_537, %swap3A_538] {strides = array<i32>} : memref<1x8x4096xf32, #tpu.memory_space<vmem>>, vector<16xf32>,
      tpu.vector_store %arg7[%swap3A_536, %swap3A_537, %swap3A_538], %gather3A_529 {strides = array<i32>} : memref<1x8x4096xf32, #tpu.memory_space<vmem>>, vector<16xf32>,
      %reshape3A_540 = vector.shape_cast %get3A_490 : vector<16xi32> to vector<16x1xi32>
      %gather3A_541 = vector.shape_cast %reshape3A_540 : vector<16x1xi32> to vector<16xi32>
      %gather3A_542 = tpu.dynamic_gather %gather3A[%gather3A_541] in [0] : vector<16xf32>, vector<16xi32> -> vector<16xf32>
      %mul3A_543 = arith.constant 128 : i32
      %mul3A_544 = arith.muli %add3A_471, %mul3A_543 : i32
      %add3A_545 = arith.constant 32 : i32
      %add3A_546 = arith.addi %mul3A_544, %add3A_545 : i32
      %swap3A_547 = arith.constant 0 : i32
      %swap3A_548 = arith.constant 0 : i32
      %swap3A_549 = arith.index_cast %swap3A_547 : i32 to index
      %swap3A_550 = arith.index_cast %swap3A_548 : i32 to index
      %swap3A_551 = arith.index_cast %add3A_546 : i32 to index
      %swap3A_552 = tpu.vector_load %arg7[%swap3A_549, %swap3A_550, %swap3A_551] {strides = array<i32>} : memref<1x8x4096xf32, #tpu.memory_space<vmem>>, vector<16xf32>,
      tpu.vector_store %arg7[%swap3A_549, %swap3A_550, %swap3A_551], %gather3A_542 {strides = array<i32>} : memref<1x8x4096xf32, #tpu.memory_space<vmem>>, vector<16xf32>,
      %reshape3A_553 = vector.shape_cast %get3A_495 : vector<16xi32> to vector<16x1xi32>
      %gather3A_554 = vector.shape_cast %reshape3A_553 : vector<16x1xi32> to vector<16xi32>
      %gather3A_555 = tpu.dynamic_gather %gather3A[%gather3A_554] in [0] : vector<16xf32>, vector<16xi32> -> vector<16xf32>
      %mul3A_556 = arith.constant 128 : i32
      %mul3A_557 = arith.muli %add3A_471, %mul3A_556 : i32
      %add3A_558 = arith.constant 48 : i32
      %add3A_559 = arith.addi %mul3A_557, %add3A_558 : i32
      %swap3A_560 = arith.constant 0 : i32
      %swap3A_561 = arith.constant 0 : i32
      %swap3A_562 = arith.index_cast %swap3A_560 : i32 to index
      %swap3A_563 = arith.index_cast %swap3A_561 : i32 to index
      %swap3A_564 = arith.index_cast %add3A_559 : i32 to index
      %swap3A_565 = tpu.vector_load %arg7[%swap3A_562, %swap3A_563, %swap3A_564] {strides = array<i32>} : memref<1x8x4096xf32, #tpu.memory_space<vmem>>, vector<16xf32>,
      tpu.vector_store %arg7[%swap3A_562, %swap3A_563, %swap3A_564], %gather3A_555 {strides = array<i32>} : memref<1x8x4096xf32, #tpu.memory_space<vmem>>, vector<16xf32>,
      %reshape3A_566 = vector.shape_cast %get3A_500 : vector<16xi32> to vector<16x1xi32>
      %gather3A_567 = vector.shape_cast %reshape3A_566 : vector<16x1xi32> to vector<16xi32>
      %gather3A_568 = tpu.dynamic_gather %gather3A[%gather3A_567] in [0] : vector<16xf32>, vector<16xi32> -> vector<16xf32>
      %mul3A_569 = arith.constant 128 : i32
      %mul3A_570 = arith.muli %add3A_471, %mul3A_569 : i32
      %add3A_571 = arith.constant 64 : i32
      %add3A_572 = arith.addi %mul3A_570, %add3A_571 : i32
      %swap3A_573 = arith.constant 0 : i32
      %swap3A_574 = arith.constant 0 : i32
      %swap3A_575 = arith.index_cast %swap3A_573 : i32 to index
      %swap3A_576 = arith.index_cast %swap3A_574 : i32 to index
      %swap3A_577 = arith.index_cast %add3A_572 : i32 to index
      %swap3A_578 = tpu.vector_load %arg7[%swap3A_575, %swap3A_576, %swap3A_577] {strides = array<i32>} : memref<1x8x4096xf32, #tpu.memory_space<vmem>>, vector<16xf32>,
      tpu.vector_store %arg7[%swap3A_575, %swap3A_576, %swap3A_577], %gather3A_568 {strides = array<i32>} : memref<1x8x4096xf32, #tpu.memory_space<vmem>>, vector<16xf32>,
      %reshape3A_579 = vector.shape_cast %get3A_505 : vector<16xi32> to vector<16x1xi32>
      %gather3A_580 = vector.shape_cast %reshape3A_579 : vector<16x1xi32> to vector<16xi32>
      %gather3A_581 = tpu.dynamic_gather %gather3A[%gather3A_580] in [0] : vector<16xf32>, vector<16xi32> -> vector<16xf32>
      %mul3A_582 = arith.constant 128 : i32
      %mul3A_583 = arith.muli %add3A_471, %mul3A_582 : i32
      %add3A_584 = arith.constant 80 : i32
      %add3A_585 = arith.addi %mul3A_583, %add3A_584 : i32
      %swap3A_586 = arith.constant 0 : i32
      %swap3A_587 = arith.constant 0 : i32
      %swap3A_588 = arith.index_cast %swap3A_586 : i32 to index
      %swap3A_589 = arith.index_cast %swap3A_587 : i32 to index
      %swap3A_590 = arith.index_cast %add3A_585 : i32 to index
      %swap3A_591 = tpu.vector_load %arg7[%swap3A_588, %swap3A_589, %swap3A_590] {strides = array<i32>} : memref<1x8x4096xf32, #tpu.memory_space<vmem>>, vector<16xf32>,
      tpu.vector_store %arg7[%swap3A_588, %swap3A_589, %swap3A_590], %gather3A_581 {strides = array<i32>} : memref<1x8x4096xf32, #tpu.memory_space<vmem>>, vector<16xf32>,
      %reshape3A_592 = vector.shape_cast %get3A_510 : vector<16xi32> to vector<16x1xi32>
      %gather3A_593 = vector.shape_cast %reshape3A_592 : vector<16x1xi32> to vector<16xi32>
      %gather3A_594 = tpu.dynamic_gather %gather3A[%gather3A_593] in [0] : vector<16xf32>, vector<16xi32> -> vector<16xf32>
      %mul3A_595 = arith.constant 128 : i32
      %mul3A_596 = arith.muli %add3A_471, %mul3A_595 : i32
      %add3A_597 = arith.constant 96 : i32
      %add3A_598 = arith.addi %mul3A_596, %add3A_597 : i32
      %swap3A_599 = arith.constant 0 : i32
      %swap3A_600 = arith.constant 0 : i32
      %swap3A_601 = arith.index_cast %swap3A_599 : i32 to index
      %swap3A_602 = arith.index_cast %swap3A_600 : i32 to index
      %swap3A_603 = arith.index_cast %add3A_598 : i32 to index
      %swap3A_604 = tpu.vector_load %arg7[%swap3A_601, %swap3A_602, %swap3A_603] {strides = array<i32>} : memref<1x8x4096xf32, #tpu.memory_space<vmem>>, vector<16xf32>,
      tpu.vector_store %arg7[%swap3A_601, %swap3A_602, %swap3A_603], %gather3A_594 {strides = array<i32>} : memref<1x8x4096xf32, #tpu.memory_space<vmem>>, vector<16xf32>,
      %reshape3A_605 = vector.shape_cast %get3A_515 : vector<16xi32> to vector<16x1xi32>
      %gather3A_606 = vector.shape_cast %reshape3A_605 : vector<16x1xi32> to vector<16xi32>
      %gather3A_607 = tpu.dynamic_gather %gather3A[%gather3A_606] in [0] : vector<16xf32>, vector<16xi32> -> vector<16xf32>
      %mul3A_608 = arith.constant 128 : i32
      %mul3A_609 = arith.muli %add3A_471, %mul3A_608 : i32
      %add3A_610 = arith.constant 112 : i32
      %add3A_611 = arith.addi %mul3A_609, %add3A_610 : i32
      %swap3A_612 = arith.constant 0 : i32
      %swap3A_613 = arith.constant 0 : i32
      %swap3A_614 = arith.index_cast %swap3A_612 : i32 to index
      %swap3A_615 = arith.index_cast %swap3A_613 : i32 to index
      %swap3A_616 = arith.index_cast %add3A_611 : i32 to index
      %swap3A_617 = tpu.vector_load %arg7[%swap3A_614, %swap3A_615, %swap3A_616] {strides = array<i32>} : memref<1x8x4096xf32, #tpu.memory_space<vmem>>, vector<16xf32>,
      tpu.vector_store %arg7[%swap3A_614, %swap3A_615, %swap3A_616], %gather3A_607 {strides = array<i32>} : memref<1x8x4096xf32, #tpu.memory_space<vmem>>, vector<16xf32>,
      %reshape3A_618 = vector.shape_cast %get3A_480 : vector<16xi32> to vector<16x1xi32>
      %gather3A_619 = vector.shape_cast %reshape3A_618 : vector<16x1xi32> to vector<16xi32>
      %gather3A_620 = tpu.dynamic_gather %gather3A_170[%gather3A_619] in [0] : vector<16xf32>, vector<16xi32> -> vector<16xf32>
      %mul3A_621 = arith.constant 128 : i32
      %mul3A_622 = arith.muli %add3A_471, %mul3A_621 : i32
      %add3A_623 = arith.constant 0 : i32
      %add3A_624 = arith.addi %mul3A_622, %add3A_623 : i32
      %swap3A_625 = arith.constant 0 : i32
      %swap3A_626 = arith.constant 1 : i32
      %swap3A_627 = arith.index_cast %swap3A_625 : i32 to index
      %swap3A_628 = arith.index_cast %swap3A_626 : i32 to index
      %swap3A_629 = arith.index_cast %add3A_624 : i32 to index
      %swap3A_630 = tpu.vector_load %arg7[%swap3A_627, %swap3A_628, %swap3A_629] {strides = array<i32>} : memref<1x8x4096xf32, #tpu.memory_space<vmem>>, vector<16xf32>,
      tpu.vector_store %arg7[%swap3A_627, %swap3A_628, %swap3A_629], %gather3A_620 {strides = array<i32>} : memref<1x8x4096xf32, #tpu.memory_space<vmem>>, vector<16xf32>,
      %reshape3A_631 = vector.shape_cast %get3A_485 : vector<16xi32> to vector<16x1xi32>
      %gather3A_632 = vector.shape_cast %reshape3A_631 : vector<16x1xi32> to vector<16xi32>
      %gather3A_633 = tpu.dynamic_gather %gather3A_170[%gather3A_632] in [0] : vector<16xf32>, vector<16xi32> -> vector<16xf32>
      %mul3A_634 = arith.constant 128 : i32
      %mul3A_635 = arith.muli %add3A_471, %mul3A_634 : i32
      %add3A_636 = arith.constant 16 : i32
      %add3A_637 = arith.addi %mul3A_635, %add3A_636 : i32
      %swap3A_638 = arith.constant 0 : i32
      %swap3A_639 = arith.constant 1 : i32
      %swap3A_640 = arith.index_cast %swap3A_638 : i32 to index
      %swap3A_641 = arith.index_cast %swap3A_639 : i32 to index
      %swap3A_642 = arith.index_cast %add3A_637 : i32 to index
      %swap3A_643 = tpu.vector_load %arg7[%swap3A_640, %swap3A_641, %swap3A_642] {strides = array<i32>} : memref<1x8x4096xf32, #tpu.memory_space<vmem>>, vector<16xf32>,
      tpu.vector_store %arg7[%swap3A_640, %swap3A_641, %swap3A_642], %gather3A_633 {strides = array<i32>} : memref<1x8x4096xf32, #tpu.memory_space<vmem>>, vector<16xf32>,
      %reshape3A_644 = vector.shape_cast %get3A_490 : vector<16xi32> to vector<16x1xi32>
      %gather3A_645 = vector.shape_cast %reshape3A_644 : vector<16x1xi32> to vector<16xi32>
      %gather3A_646 = tpu.dynamic_gather %gather3A_170[%gather3A_645] in [0] : vector<16xf32>, vector<16xi32> -> vector<16xf32>
      %mul3A_647 = arith.constant 128 : i32
      %mul3A_648 = arith.muli %add3A_471, %mul3A_647 : i32
      %add3A_649 = arith.constant 32 : i32
      %add3A_650 = arith.addi %mul3A_648, %add3A_649 : i32
      %swap3A_651 = arith.constant 0 : i32
      %swap3A_652 = arith.constant 1 : i32
      %swap3A_653 = arith.index_cast %swap3A_651 : i32 to index
      %swap3A_654 = arith.index_cast %swap3A_652 : i32 to index
      %swap3A_655 = arith.index_cast %add3A_650 : i32 to index
      %swap3A_656 = tpu.vector_load %arg7[%swap3A_653, %swap3A_654, %swap3A_655] {strides = array<i32>} : memref<1x8x4096xf32, #tpu.memory_space<vmem>>, vector<16xf32>,
      tpu.vector_store %arg7[%swap3A_653, %swap3A_654, %swap3A_655], %gather3A_646 {strides = array<i32>} : memref<1x8x4096xf32, #tpu.memory_space<vmem>>, vector<16xf32>,
      %reshape3A_657 = vector.shape_cast %get3A_495 : vector<16xi32> to vector<16x1xi32>
      %gather3A_658 = vector.shape_cast %reshape3A_657 : vector<16x1xi32> to vector<16xi32>
      %gather3A_659 = tpu.dynamic_gather %gather3A_170[%gather3A_658] in [0] : vector<16xf32>, vector<16xi32> -> vector<16xf32>
      %mul3A_660 = arith.constant 128 : i32
      %mul3A_661 = arith.muli %add3A_471, %mul3A_660 : i32
      %add3A_662 = arith.constant 48 : i32
      %add3A_663 = arith.addi %mul3A_661, %add3A_662 : i32
      %swap3A_664 = arith.constant 0 : i32
      %swap3A_665 = arith.constant 1 : i32
      %swap3A_666 = arith.index_cast %swap3A_664 : i32 to index
      %swap3A_667 = arith.index_cast %swap3A_665 : i32 to index
      %swap3A_668 = arith.index_cast %add3A_663 : i32 to index
      %swap3A_669 = tpu.vector_load %arg7[%swap3A_666, %swap3A_667, %swap3A_668] {strides = array<i32>} : memref<1x8x4096xf32, #tpu.memory_space<vmem>>, vector<16xf32>,
      tpu.vector_store %arg7[%swap3A_666, %swap3A_667, %swap3A_668], %gather3A_659 {strides = array<i32>} : memref<1x8x4096xf32, #tpu.memory_space<vmem>>, vector<16xf32>,
      %reshape3A_670 = vector.shape_cast %get3A_500 : vector<16xi32> to vector<16x1xi32>
      %gather3A_671 = vector.shape_cast %reshape3A_670 : vector<16x1xi32> to vector<16xi32>
      %gather3A_672 = tpu.dynamic_gather %gather3A_170[%gather3A_671] in [0] : vector<16xf32>, vector<16xi32> -> vector<16xf32>
      %mul3A_673 = arith.constant 128 : i32
      %mul3A_674 = arith.muli %add3A_471, %mul3A_673 : i32
      %add3A_675 = arith.constant 64 : i32
      %add3A_676 = arith.addi %mul3A_674, %add3A_675 : i32
      %swap3A_677 = arith.constant 0 : i32
      %swap3A_678 = arith.constant 1 : i32
      %swap3A_679 = arith.index_cast %swap3A_677 : i32 to index
      %swap3A_680 = arith.index_cast %swap3A_678 : i32 to index
      %swap3A_681 = arith.index_cast %add3A_676 : i32 to index
      %swap3A_682 = tpu.vector_load %arg7[%swap3A_679, %swap3A_680, %swap3A_681] {strides = array<i32>} : memref<1x8x4096xf32, #tpu.memory_space<vmem>>, vector<16xf32>,
      tpu.vector_store %arg7[%swap3A_679, %swap3A_680, %swap3A_681], %gather3A_672 {strides = array<i32>} : memref<1x8x4096xf32, #tpu.memory_space<vmem>>, vector<16xf32>,
      %reshape3A_683 = vector.shape_cast %get3A_505 : vector<16xi32> to vector<16x1xi32>
      %gather3A_684 = vector.shape_cast %reshape3A_683 : vector<16x1xi32> to vector<16xi32>
      %gather3A_685 = tpu.dynamic_gather %gather3A_170[%gather3A_684] in [0] : vector<16xf32>, vector<16xi32> -> vector<16xf32>
      %mul3A_686 = arith.constant 128 : i32
      %mul3A_687 = arith.muli %add3A_471, %mul3A_686 : i32
      %add3A_688 = arith.constant 80 : i32
      %add3A_689 = arith.addi %mul3A_687, %add3A_688 : i32
      %swap3A_690 = arith.constant 0 : i32
      %swap3A_691 = arith.constant 1 : i32
      %swap3A_692 = arith.index_cast %swap3A_690 : i32 to index
      %swap3A_693 = arith.index_cast %swap3A_691 : i32 to index
      %swap3A_694 = arith.index_cast %add3A_689 : i32 to index
      %swap3A_695 = tpu.vector_load %arg7[%swap3A_692, %swap3A_693, %swap3A_694] {strides = array<i32>} : memref<1x8x4096xf32, #tpu.memory_space<vmem>>, vector<16xf32>,
      tpu.vector_store %arg7[%swap3A_692, %swap3A_693, %swap3A_694], %gather3A_685 {strides = array<i32>} : memref<1x8x4096xf32, #tpu.memory_space<vmem>>, vector<16xf32>,
      %reshape3A_696 = vector.shape_cast %get3A_510 : vector<16xi32> to vector<16x1xi32>
      %gather3A_697 = vector.shape_cast %reshape3A_696 : vector<16x1xi32> to vector<16xi32>
      %gather3A_698 = tpu.dynamic_gather %gather3A_170[%gather3A_697] in [0] : vector<16xf32>, vector<16xi32> -> vector<16xf32>
      %mul3A_699 = arith.constant 128 : i32
      %mul3A_700 = arith.muli %add3A_471, %mul3A_699 : i32
      %add3A_701 = arith.constant 96 : i32
      %add3A_702 = arith.addi %mul3A_700, %add3A_701 : i32
      %swap3A_703 = arith.constant 0 : i32
      %swap3A_704 = arith.constant 1 : i32
      %swap3A_705 = arith.index_cast %swap3A_703 : i32 to index
      %swap3A_706 = arith.index_cast %swap3A_704 : i32 to index
      %swap3A_707 = arith.index_cast %add3A_702 : i32 to index
      %swap3A_708 = tpu.vector_load %arg7[%swap3A_705, %swap3A_706, %swap3A_707] {strides = array<i32>} : memref<1x8x4096xf32, #tpu.memory_space<vmem>>, vector<16xf32>,
      tpu.vector_store %arg7[%swap3A_705, %swap3A_706, %swap3A_707], %gather3A_698 {strides = array<i32>} : memref<1x8x4096xf32, #tpu.memory_space<vmem>>, vector<16xf32>,
      %reshape3A_709 = vector.shape_cast %get3A_515 : vector<16xi32> to vector<16x1xi32>
      %gather3A_710 = vector.shape_cast %reshape3A_709 : vector<16x1xi32> to vector<16xi32>
      %gather3A_711 = tpu.dynamic_gather %gather3A_170[%gather3A_710] in [0] : vector<16xf32>, vector<16xi32> -> vector<16xf32>
      %mul3A_712 = arith.constant 128 : i32
      %mul3A_713 = arith.muli %add3A_471, %mul3A_712 : i32
      %add3A_714 = arith.constant 112 : i32
      %add3A_715 = arith.addi %mul3A_713, %add3A_714 : i32
      %swap3A_716 = arith.constant 0 : i32
      %swap3A_717 = arith.constant 1 : i32
      %swap3A_718 = arith.index_cast %swap3A_716 : i32 to index
      %swap3A_719 = arith.index_cast %swap3A_717 : i32 to index
      %swap3A_720 = arith.index_cast %add3A_715 : i32 to index
      %swap3A_721 = tpu.vector_load %arg7[%swap3A_718, %swap3A_719, %swap3A_720] {strides = array<i32>} : memref<1x8x4096xf32, #tpu.memory_space<vmem>>, vector<16xf32>,
      tpu.vector_store %arg7[%swap3A_718, %swap3A_719, %swap3A_720], %gather3A_711 {strides = array<i32>} : memref<1x8x4096xf32, #tpu.memory_space<vmem>>, vector<16xf32>,
      %reshape3A_722 = vector.shape_cast %get3A_480 : vector<16xi32> to vector<16x1xi32>
      %gather3A_723 = vector.shape_cast %reshape3A_722 : vector<16x1xi32> to vector<16xi32>
      %gather3A_724 = tpu.dynamic_gather %gather3A_184[%gather3A_723] in [0] : vector<16xf32>, vector<16xi32> -> vector<16xf32>
      %mul3A_725 = arith.constant 128 : i32
      %mul3A_726 = arith.muli %add3A_471, %mul3A_725 : i32
      %add3A_727 = arith.constant 0 : i32
      %add3A_728 = arith.addi %mul3A_726, %add3A_727 : i32
      %swap3A_729 = arith.constant 0 : i32
      %swap3A_730 = arith.constant 2 : i32
      %swap3A_731 = arith.index_cast %swap3A_729 : i32 to index
      %swap3A_732 = arith.index_cast %swap3A_730 : i32 to index
      %swap3A_733 = arith.index_cast %add3A_728 : i32 to index
      %swap3A_734 = tpu.vector_load %arg7[%swap3A_731, %swap3A_732, %swap3A_733] {strides = array<i32>} : memref<1x8x4096xf32, #tpu.memory_space<vmem>>, vector<16xf32>,
      tpu.vector_store %arg7[%swap3A_731, %swap3A_732, %swap3A_733], %gather3A_724 {strides = array<i32>} : memref<1x8x4096xf32, #tpu.memory_space<vmem>>, vector<16xf32>,
      %reshape3A_735 = vector.shape_cast %get3A_485 : vector<16xi32> to vector<16x1xi32>
      %gather3A_736 = vector.shape_cast %reshape3A_735 : vector<16x1xi32> to vector<16xi32>
      %gather3A_737 = tpu.dynamic_gather %gather3A_184[%gather3A_736] in [0] : vector<16xf32>, vector<16xi32> -> vector<16xf32>
      %mul3A_738 = arith.constant 128 : i32
      %mul3A_739 = arith.muli %add3A_471, %mul3A_738 : i32
      %add3A_740 = arith.constant 16 : i32
      %add3A_741 = arith.addi %mul3A_739, %add3A_740 : i32
      %swap3A_742 = arith.constant 0 : i32
      %swap3A_743 = arith.constant 2 : i32
      %swap3A_744 = arith.index_cast %swap3A_742 : i32 to index
      %swap3A_745 = arith.index_cast %swap3A_743 : i32 to index
      %swap3A_746 = arith.index_cast %add3A_741 : i32 to index
      %swap3A_747 = tpu.vector_load %arg7[%swap3A_744, %swap3A_745, %swap3A_746] {strides = array<i32>} : memref<1x8x4096xf32, #tpu.memory_space<vmem>>, vector<16xf32>,
      tpu.vector_store %arg7[%swap3A_744, %swap3A_745, %swap3A_746], %gather3A_737 {strides = array<i32>} : memref<1x8x4096xf32, #tpu.memory_space<vmem>>, vector<16xf32>,
      %reshape3A_748 = vector.shape_cast %get3A_490 : vector<16xi32> to vector<16x1xi32>
      %gather3A_749 = vector.shape_cast %reshape3A_748 : vector<16x1xi32> to vector<16xi32>
      %gather3A_750 = tpu.dynamic_gather %gather3A_184[%gather3A_749] in [0] : vector<16xf32>, vector<16xi32> -> vector<16xf32>
      %mul3A_751 = arith.constant 128 : i32
      %mul3A_752 = arith.muli %add3A_471, %mul3A_751 : i32
      %add3A_753 = arith.constant 32 : i32
      %add3A_754 = arith.addi %mul3A_752, %add3A_753 : i32
      %swap3A_755 = arith.constant 0 : i32
      %swap3A_756 = arith.constant 2 : i32
      %swap3A_757 = arith.index_cast %swap3A_755 : i32 to index
      %swap3A_758 = arith.index_cast %swap3A_756 : i32 to index
      %swap3A_759 = arith.index_cast %add3A_754 : i32 to index
      %swap3A_760 = tpu.vector_load %arg7[%swap3A_757, %swap3A_758, %swap3A_759] {strides = array<i32>} : memref<1x8x4096xf32, #tpu.memory_space<vmem>>, vector<16xf32>,
      tpu.vector_store %arg7[%swap3A_757, %swap3A_758, %swap3A_759], %gather3A_750 {strides = array<i32>} : memref<1x8x4096xf32, #tpu.memory_space<vmem>>, vector<16xf32>,
      %reshape3A_761 = vector.shape_cast %get3A_495 : vector<16xi32> to vector<16x1xi32>
      %gather3A_762 = vector.shape_cast %reshape3A_761 : vector<16x1xi32> to vector<16xi32>
      %gather3A_763 = tpu.dynamic_gather %gather3A_184[%gather3A_762] in [0] : vector<16xf32>, vector<16xi32> -> vector<16xf32>
      %mul3A_764 = arith.constant 128 : i32
      %mul3A_765 = arith.muli %add3A_471, %mul3A_764 : i32
      %add3A_766 = arith.constant 48 : i32
      %add3A_767 = arith.addi %mul3A_765, %add3A_766 : i32
      %swap3A_768 = arith.constant 0 : i32
      %swap3A_769 = arith.constant 2 : i32
      %swap3A_770 = arith.index_cast %swap3A_768 : i32 to index
      %swap3A_771 = arith.index_cast %swap3A_769 : i32 to index
      %swap3A_772 = arith.index_cast %add3A_767 : i32 to index
      %swap3A_773 = tpu.vector_load %arg7[%swap3A_770, %swap3A_771, %swap3A_772] {strides = array<i32>} : memref<1x8x4096xf32, #tpu.memory_space<vmem>>, vector<16xf32>,
      tpu.vector_store %arg7[%swap3A_770, %swap3A_771, %swap3A_772], %gather3A_763 {strides = array<i32>} : memref<1x8x4096xf32, #tpu.memory_space<vmem>>, vector<16xf32>,
      %reshape3A_774 = vector.shape_cast %get3A_500 : vector<16xi32> to vector<16x1xi32>
      %gather3A_775 = vector.shape_cast %reshape3A_774 : vector<16x1xi32> to vector<16xi32>
      %gather3A_776 = tpu.dynamic_gather %gather3A_184[%gather3A_775] in [0] : vector<16xf32>, vector<16xi32> -> vector<16xf32>
      %mul3A_777 = arith.constant 128 : i32
      %mul3A_778 = arith.muli %add3A_471, %mul3A_777 : i32
      %add3A_779 = arith.constant 64 : i32
      %add3A_780 = arith.addi %mul3A_778, %add3A_779 : i32
      %swap3A_781 = arith.constant 0 : i32
      %swap3A_782 = arith.constant 2 : i32
      %swap3A_783 = arith.index_cast %swap3A_781 : i32 to index
      %swap3A_784 = arith.index_cast %swap3A_782 : i32 to index
      %swap3A_785 = arith.index_cast %add3A_780 : i32 to index
      %swap3A_786 = tpu.vector_load %arg7[%swap3A_783, %swap3A_784, %swap3A_785] {strides = array<i32>} : memref<1x8x4096xf32, #tpu.memory_space<vmem>>, vector<16xf32>,
      tpu.vector_store %arg7[%swap3A_783, %swap3A_784, %swap3A_785], %gather3A_776 {strides = array<i32>} : memref<1x8x4096xf32, #tpu.memory_space<vmem>>, vector<16xf32>,
      %reshape3A_787 = vector.shape_cast %get3A_505 : vector<16xi32> to vector<16x1xi32>
      %gather3A_788 = vector.shape_cast %reshape3A_787 : vector<16x1xi32> to vector<16xi32>
      %gather3A_789 = tpu.dynamic_gather %gather3A_184[%gather3A_788] in [0] : vector<16xf32>, vector<16xi32> -> vector<16xf32>
      %mul3A_790 = arith.constant 128 : i32
      %mul3A_791 = arith.muli %add3A_471, %mul3A_790 : i32
      %add3A_792 = arith.constant 80 : i32
      %add3A_793 = arith.addi %mul3A_791, %add3A_792 : i32
      %swap3A_794 = arith.constant 0 : i32
      %swap3A_795 = arith.constant 2 : i32
      %swap3A_796 = arith.index_cast %swap3A_794 : i32 to index
      %swap3A_797 = arith.index_cast %swap3A_795 : i32 to index
      %swap3A_798 = arith.index_cast %add3A_793 : i32 to index
      %swap3A_799 = tpu.vector_load %arg7[%swap3A_796, %swap3A_797, %swap3A_798] {strides = array<i32>} : memref<1x8x4096xf32, #tpu.memory_space<vmem>>, vector<16xf32>,
      tpu.vector_store %arg7[%swap3A_796, %swap3A_797, %swap3A_798], %gather3A_789 {strides = array<i32>} : memref<1x8x4096xf32, #tpu.memory_space<vmem>>, vector<16xf32>,
      %reshape3A_800 = vector.shape_cast %get3A_510 : vector<16xi32> to vector<16x1xi32>
      %gather3A_801 = vector.shape_cast %reshape3A_800 : vector<16x1xi32> to vector<16xi32>
      %gather3A_802 = tpu.dynamic_gather %gather3A_184[%gather3A_801] in [0] : vector<16xf32>, vector<16xi32> -> vector<16xf32>
      %mul3A_803 = arith.constant 128 : i32
      %mul3A_804 = arith.muli %add3A_471, %mul3A_803 : i32
      %add3A_805 = arith.constant 96 : i32
      %add3A_806 = arith.addi %mul3A_804, %add3A_805 : i32
      %swap3A_807 = arith.constant 0 : i32
      %swap3A_808 = arith.constant 2 : i32
      %swap3A_809 = arith.index_cast %swap3A_807 : i32 to index
      %swap3A_810 = arith.index_cast %swap3A_808 : i32 to index
      %swap3A_811 = arith.index_cast %add3A_806 : i32 to index
      %swap3A_812 = tpu.vector_load %arg7[%swap3A_809, %swap3A_810, %swap3A_811] {strides = array<i32>} : memref<1x8x4096xf32, #tpu.memory_space<vmem>>, vector<16xf32>,
      tpu.vector_store %arg7[%swap3A_809, %swap3A_810, %swap3A_811], %gather3A_802 {strides = array<i32>} : memref<1x8x4096xf32, #tpu.memory_space<vmem>>, vector<16xf32>,
      %reshape3A_813 = vector.shape_cast %get3A_515 : vector<16xi32> to vector<16x1xi32>
      %gather3A_814 = vector.shape_cast %reshape3A_813 : vector<16x1xi32> to vector<16xi32>
      %gather3A_815 = tpu.dynamic_gather %gather3A_184[%gather3A_814] in [0] : vector<16xf32>, vector<16xi32> -> vector<16xf32>
      %mul3A_816 = arith.constant 128 : i32
      %mul3A_817 = arith.muli %add3A_471, %mul3A_816 : i32
      %add3A_818 = arith.constant 112 : i32
      %add3A_819 = arith.addi %mul3A_817, %add3A_818 : i32
      %swap3A_820 = arith.constant 0 : i32
      %swap3A_821 = arith.constant 2 : i32
      %swap3A_822 = arith.index_cast %swap3A_820 : i32 to index
      %swap3A_823 = arith.index_cast %swap3A_821 : i32 to index
      %swap3A_824 = arith.index_cast %add3A_819 : i32 to index
      %swap3A_825 = tpu.vector_load %arg7[%swap3A_822, %swap3A_823, %swap3A_824] {strides = array<i32>} : memref<1x8x4096xf32, #tpu.memory_space<vmem>>, vector<16xf32>,
      tpu.vector_store %arg7[%swap3A_822, %swap3A_823, %swap3A_824], %gather3A_815 {strides = array<i32>} : memref<1x8x4096xf32, #tpu.memory_space<vmem>>, vector<16xf32>,
      %reshape3A_826 = vector.shape_cast %get3A_480 : vector<16xi32> to vector<16x1xi32>
      %gather3A_827 = vector.shape_cast %reshape3A_826 : vector<16x1xi32> to vector<16xi32>
      %gather3A_828 = tpu.dynamic_gather %gather3A_198[%gather3A_827] in [0] : vector<16xf32>, vector<16xi32> -> vector<16xf32>
      %mul3A_829 = arith.constant 128 : i32
      %mul3A_830 = arith.muli %add3A_471, %mul3A_829 : i32
      %add3A_831 = arith.constant 0 : i32
      %add3A_832 = arith.addi %mul3A_830, %add3A_831 : i32
      %swap3A_833 = arith.constant 0 : i32
      %swap3A_834 = arith.constant 3 : i32
      %swap3A_835 = arith.index_cast %swap3A_833 : i32 to index
      %swap3A_836 = arith.index_cast %swap3A_834 : i32 to index
      %swap3A_837 = arith.index_cast %add3A_832 : i32 to index
      %swap3A_838 = tpu.vector_load %arg7[%swap3A_835, %swap3A_836, %swap3A_837] {strides = array<i32>} : memref<1x8x4096xf32, #tpu.memory_space<vmem>>, vector<16xf32>,
      tpu.vector_store %arg7[%swap3A_835, %swap3A_836, %swap3A_837], %gather3A_828 {strides = array<i32>} : memref<1x8x4096xf32, #tpu.memory_space<vmem>>, vector<16xf32>,
      %reshape3A_839 = vector.shape_cast %get3A_485 : vector<16xi32> to vector<16x1xi32>
      %gather3A_840 = vector.shape_cast %reshape3A_839 : vector<16x1xi32> to vector<16xi32>
      %gather3A_841 = tpu.dynamic_gather %gather3A_198[%gather3A_840] in [0] : vector<16xf32>, vector<16xi32> -> vector<16xf32>
      %mul3A_842 = arith.constant 128 : i32
      %mul3A_843 = arith.muli %add3A_471, %mul3A_842 : i32
      %add3A_844 = arith.constant 16 : i32
      %add3A_845 = arith.addi %mul3A_843, %add3A_844 : i32
      %swap3A_846 = arith.constant 0 : i32
      %swap3A_847 = arith.constant 3 : i32
      %swap3A_848 = arith.index_cast %swap3A_846 : i32 to index
      %swap3A_849 = arith.index_cast %swap3A_847 : i32 to index
      %swap3A_850 = arith.index_cast %add3A_845 : i32 to index
      %swap3A_851 = tpu.vector_load %arg7[%swap3A_848, %swap3A_849, %swap3A_850] {strides = array<i32>} : memref<1x8x4096xf32, #tpu.memory_space<vmem>>, vector<16xf32>,
      tpu.vector_store %arg7[%swap3A_848, %swap3A_849, %swap3A_850], %gather3A_841 {strides = array<i32>} : memref<1x8x4096xf32, #tpu.memory_space<vmem>>, vector<16xf32>,
      %reshape3A_852 = vector.shape_cast %get3A_490 : vector<16xi32> to vector<16x1xi32>
      %gather3A_853 = vector.shape_cast %reshape3A_852 : vector<16x1xi32> to vector<16xi32>
      %gather3A_854 = tpu.dynamic_gather %gather3A_198[%gather3A_853] in [0] : vector<16xf32>, vector<16xi32> -> vector<16xf32>
      %mul3A_855 = arith.constant 128 : i32
      %mul3A_856 = arith.muli %add3A_471, %mul3A_855 : i32
      %add3A_857 = arith.constant 32 : i32
      %add3A_858 = arith.addi %mul3A_856, %add3A_857 : i32
      %swap3A_859 = arith.constant 0 : i32
      %swap3A_860 = arith.constant 3 : i32
      %swap3A_861 = arith.index_cast %swap3A_859 : i32 to index
      %swap3A_862 = arith.index_cast %swap3A_860 : i32 to index
      %swap3A_863 = arith.index_cast %add3A_858 : i32 to index
      %swap3A_864 = tpu.vector_load %arg7[%swap3A_861, %swap3A_862, %swap3A_863] {strides = array<i32>} : memref<1x8x4096xf32, #tpu.memory_space<vmem>>, vector<16xf32>,
      tpu.vector_store %arg7[%swap3A_861, %swap3A_862, %swap3A_863], %gather3A_854 {strides = array<i32>} : memref<1x8x4096xf32, #tpu.memory_space<vmem>>, vector<16xf32>,
      %reshape3A_865 = vector.shape_cast %get3A_495 : vector<16xi32> to vector<16x1xi32>
      %gather3A_866 = vector.shape_cast %reshape3A_865 : vector<16x1xi32> to vector<16xi32>
      %gather3A_867 = tpu.dynamic_gather %gather3A_198[%gather3A_866] in [0] : vector<16xf32>, vector<16xi32> -> vector<16xf32>
      %mul3A_868 = arith.constant 128 : i32
      %mul3A_869 = arith.muli %add3A_471, %mul3A_868 : i32
      %add3A_870 = arith.constant 48 : i32
      %add3A_871 = arith.addi %mul3A_869, %add3A_870 : i32
      %swap3A_872 = arith.constant 0 : i32
      %swap3A_873 = arith.constant 3 : i32
      %swap3A_874 = arith.index_cast %swap3A_872 : i32 to index
      %swap3A_875 = arith.index_cast %swap3A_873 : i32 to index
      %swap3A_876 = arith.index_cast %add3A_871 : i32 to index
      %swap3A_877 = tpu.vector_load %arg7[%swap3A_874, %swap3A_875, %swap3A_876] {strides = array<i32>} : memref<1x8x4096xf32, #tpu.memory_space<vmem>>, vector<16xf32>,
      tpu.vector_store %arg7[%swap3A_874, %swap3A_875, %swap3A_876], %gather3A_867 {strides = array<i32>} : memref<1x8x4096xf32, #tpu.memory_space<vmem>>, vector<16xf32>,
      %reshape3A_878 = vector.shape_cast %get3A_500 : vector<16xi32> to vector<16x1xi32>
      %gather3A_879 = vector.shape_cast %reshape3A_878 : vector<16x1xi32> to vector<16xi32>
      %gather3A_880 = tpu.dynamic_gather %gather3A_198[%gather3A_879] in [0] : vector<16xf32>, vector<16xi32> -> vector<16xf32>
      %mul3A_881 = arith.constant 128 : i32
      %mul3A_882 = arith.muli %add3A_471, %mul3A_881 : i32
      %add3A_883 = arith.constant 64 : i32
      %add3A_884 = arith.addi %mul3A_882, %add3A_883 : i32
      %swap3A_885 = arith.constant 0 : i32
      %swap3A_886 = arith.constant 3 : i32
      %swap3A_887 = arith.index_cast %swap3A_885 : i32 to index
      %swap3A_888 = arith.index_cast %swap3A_886 : i32 to index
      %swap3A_889 = arith.index_cast %add3A_884 : i32 to index
      %swap3A_890 = tpu.vector_load %arg7[%swap3A_887, %swap3A_888, %swap3A_889] {strides = array<i32>} : memref<1x8x4096xf32, #tpu.memory_space<vmem>>, vector<16xf32>,
      tpu.vector_store %arg7[%swap3A_887, %swap3A_888, %swap3A_889], %gather3A_880 {strides = array<i32>} : memref<1x8x4096xf32, #tpu.memory_space<vmem>>, vector<16xf32>,
      %reshape3A_891 = vector.shape_cast %get3A_505 : vector<16xi32> to vector<16x1xi32>
      %gather3A_892 = vector.shape_cast %reshape3A_891 : vector<16x1xi32> to vector<16xi32>
      %gather3A_893 = tpu.dynamic_gather %gather3A_198[%gather3A_892] in [0] : vector<16xf32>, vector<16xi32> -> vector<16xf32>
      %mul3A_894 = arith.constant 128 : i32
      %mul3A_895 = arith.muli %add3A_471, %mul3A_894 : i32
      %add3A_896 = arith.constant 80 : i32
      %add3A_897 = arith.addi %mul3A_895, %add3A_896 : i32
      %swap3A_898 = arith.constant 0 : i32
      %swap3A_899 = arith.constant 3 : i32
      %swap3A_900 = arith.index_cast %swap3A_898 : i32 to index
      %swap3A_901 = arith.index_cast %swap3A_899 : i32 to index
      %swap3A_902 = arith.index_cast %add3A_897 : i32 to index
      %swap3A_903 = tpu.vector_load %arg7[%swap3A_900, %swap3A_901, %swap3A_902] {strides = array<i32>} : memref<1x8x4096xf32, #tpu.memory_space<vmem>>, vector<16xf32>,
      tpu.vector_store %arg7[%swap3A_900, %swap3A_901, %swap3A_902], %gather3A_893 {strides = array<i32>} : memref<1x8x4096xf32, #tpu.memory_space<vmem>>, vector<16xf32>,
      %reshape3A_904 = vector.shape_cast %get3A_510 : vector<16xi32> to vector<16x1xi32>
      %gather3A_905 = vector.shape_cast %reshape3A_904 : vector<16x1xi32> to vector<16xi32>
      %gather3A_906 = tpu.dynamic_gather %gather3A_198[%gather3A_905] in [0] : vector<16xf32>, vector<16xi32> -> vector<16xf32>
      %mul3A_907 = arith.constant 128 : i32
      %mul3A_908 = arith.muli %add3A_471, %mul3A_907 : i32
      %add3A_909 = arith.constant 96 : i32
      %add3A_910 = arith.addi %mul3A_908, %add3A_909 : i32
      %swap3A_911 = arith.constant 0 : i32
      %swap3A_912 = arith.constant 3 : i32
      %swap3A_913 = arith.index_cast %swap3A_911 : i32 to index
      %swap3A_914 = arith.index_cast %swap3A_912 : i32 to index
      %swap3A_915 = arith.index_cast %add3A_910 : i32 to index
      %swap3A_916 = tpu.vector_load %arg7[%swap3A_913, %swap3A_914, %swap3A_915] {strides = array<i32>} : memref<1x8x4096xf32, #tpu.memory_space<vmem>>, vector<16xf32>,
      tpu.vector_store %arg7[%swap3A_913, %swap3A_914, %swap3A_915], %gather3A_906 {strides = array<i32>} : memref<1x8x4096xf32, #tpu.memory_space<vmem>>, vector<16xf32>,
      %reshape3A_917 = vector.shape_cast %get3A_515 : vector<16xi32> to vector<16x1xi32>
      %gather3A_918 = vector.shape_cast %reshape3A_917 : vector<16x1xi32> to vector<16xi32>
      %gather3A_919 = tpu.dynamic_gather %gather3A_198[%gather3A_918] in [0] : vector<16xf32>, vector<16xi32> -> vector<16xf32>
      %mul3A_920 = arith.constant 128 : i32
      %mul3A_921 = arith.muli %add3A_471, %mul3A_920 : i32
      %add3A_922 = arith.constant 112 : i32
      %add3A_923 = arith.addi %mul3A_921, %add3A_922 : i32
      %swap3A_924 = arith.constant 0 : i32
      %swap3A_925 = arith.constant 3 : i32
      %swap3A_926 = arith.index_cast %swap3A_924 : i32 to index
      %swap3A_927 = arith.index_cast %swap3A_925 : i32 to index
      %swap3A_928 = arith.index_cast %add3A_923 : i32 to index
      %swap3A_929 = tpu.vector_load %arg7[%swap3A_926, %swap3A_927, %swap3A_928] {strides = array<i32>} : memref<1x8x4096xf32, #tpu.memory_space<vmem>>, vector<16xf32>,
      tpu.vector_store %arg7[%swap3A_926, %swap3A_927, %swap3A_928], %gather3A_919 {strides = array<i32>} : memref<1x8x4096xf32, #tpu.memory_space<vmem>>, vector<16xf32>,
      %reshape3A_930 = vector.shape_cast %get3A_480 : vector<16xi32> to vector<16x1xi32>
      %gather3A_931 = vector.shape_cast %reshape3A_930 : vector<16x1xi32> to vector<16xi32>
      %gather3A_932 = tpu.dynamic_gather %gather3A_212[%gather3A_931] in [0] : vector<16xf32>, vector<16xi32> -> vector<16xf32>
      %mul3A_933 = arith.constant 128 : i32
      %mul3A_934 = arith.muli %add3A_471, %mul3A_933 : i32
      %add3A_935 = arith.constant 0 : i32
      %add3A_936 = arith.addi %mul3A_934, %add3A_935 : i32
      %swap3A_937 = arith.constant 0 : i32
      %swap3A_938 = arith.constant 4 : i32
      %swap3A_939 = arith.index_cast %swap3A_937 : i32 to index
      %swap3A_940 = arith.index_cast %swap3A_938 : i32 to index
      %swap3A_941 = arith.index_cast %add3A_936 : i32 to index
      %swap3A_942 = tpu.vector_load %arg7[%swap3A_939, %swap3A_940, %swap3A_941] {strides = array<i32>} : memref<1x8x4096xf32, #tpu.memory_space<vmem>>, vector<16xf32>,
      tpu.vector_store %arg7[%swap3A_939, %swap3A_940, %swap3A_941], %gather3A_932 {strides = array<i32>} : memref<1x8x4096xf32, #tpu.memory_space<vmem>>, vector<16xf32>,
      %reshape3A_943 = vector.shape_cast %get3A_485 : vector<16xi32> to vector<16x1xi32>
      %gather3A_944 = vector.shape_cast %reshape3A_943 : vector<16x1xi32> to vector<16xi32>
      %gather3A_945 = tpu.dynamic_gather %gather3A_212[%gather3A_944] in [0] : vector<16xf32>, vector<16xi32> -> vector<16xf32>
      %mul3A_946 = arith.constant 128 : i32
      %mul3A_947 = arith.muli %add3A_471, %mul3A_946 : i32
      %add3A_948 = arith.constant 16 : i32
      %add3A_949 = arith.addi %mul3A_947, %add3A_948 : i32
      %swap3A_950 = arith.constant 0 : i32
      %swap3A_951 = arith.constant 4 : i32
      %swap3A_952 = arith.index_cast %swap3A_950 : i32 to index
      %swap3A_953 = arith.index_cast %swap3A_951 : i32 to index
      %swap3A_954 = arith.index_cast %add3A_949 : i32 to index
      %swap3A_955 = tpu.vector_load %arg7[%swap3A_952, %swap3A_953, %swap3A_954] {strides = array<i32>} : memref<1x8x4096xf32, #tpu.memory_space<vmem>>, vector<16xf32>,
      tpu.vector_store %arg7[%swap3A_952, %swap3A_953, %swap3A_954], %gather3A_945 {strides = array<i32>} : memref<1x8x4096xf32, #tpu.memory_space<vmem>>, vector<16xf32>,
      %reshape3A_956 = vector.shape_cast %get3A_490 : vector<16xi32> to vector<16x1xi32>
      %gather3A_957 = vector.shape_cast %reshape3A_956 : vector<16x1xi32> to vector<16xi32>
      %gather3A_958 = tpu.dynamic_gather %gather3A_212[%gather3A_957] in [0] : vector<16xf32>, vector<16xi32> -> vector<16xf32>
      %mul3A_959 = arith.constant 128 : i32
      %mul3A_960 = arith.muli %add3A_471, %mul3A_959 : i32
      %add3A_961 = arith.constant 32 : i32
      %add3A_962 = arith.addi %mul3A_960, %add3A_961 : i32
      %swap3A_963 = arith.constant 0 : i32
      %swap3A_964 = arith.constant 4 : i32
      %swap3A_965 = arith.index_cast %swap3A_963 : i32 to index
      %swap3A_966 = arith.index_cast %swap3A_964 : i32 to index
      %swap3A_967 = arith.index_cast %add3A_962 : i32 to index
      %swap3A_968 = tpu.vector_load %arg7[%swap3A_965, %swap3A_966, %swap3A_967] {strides = array<i32>} : memref<1x8x4096xf32, #tpu.memory_space<vmem>>, vector<16xf32>,
      tpu.vector_store %arg7[%swap3A_965, %swap3A_966, %swap3A_967], %gather3A_958 {strides = array<i32>} : memref<1x8x4096xf32, #tpu.memory_space<vmem>>, vector<16xf32>,
      %reshape3A_969 = vector.shape_cast %get3A_495 : vector<16xi32> to vector<16x1xi32>
      %gather3A_970 = vector.shape_cast %reshape3A_969 : vector<16x1xi32> to vector<16xi32>
      %gather3A_971 = tpu.dynamic_gather %gather3A_212[%gather3A_970] in [0] : vector<16xf32>, vector<16xi32> -> vector<16xf32>
      %mul3A_972 = arith.constant 128 : i32
      %mul3A_973 = arith.muli %add3A_471, %mul3A_972 : i32
      %add3A_974 = arith.constant 48 : i32
      %add3A_975 = arith.addi %mul3A_973, %add3A_974 : i32
      %swap3A_976 = arith.constant 0 : i32
      %swap3A_977 = arith.constant 4 : i32
      %swap3A_978 = arith.index_cast %swap3A_976 : i32 to index
      %swap3A_979 = arith.index_cast %swap3A_977 : i32 to index
      %swap3A_980 = arith.index_cast %add3A_975 : i32 to index
      %swap3A_981 = tpu.vector_load %arg7[%swap3A_978, %swap3A_979, %swap3A_980] {strides = array<i32>} : memref<1x8x4096xf32, #tpu.memory_space<vmem>>, vector<16xf32>,
      tpu.vector_store %arg7[%swap3A_978, %swap3A_979, %swap3A_980], %gather3A_971 {strides = array<i32>} : memref<1x8x4096xf32, #tpu.memory_space<vmem>>, vector<16xf32>,
      %reshape3A_982 = vector.shape_cast %get3A_500 : vector<16xi32> to vector<16x1xi32>
      %gather3A_983 = vector.shape_cast %reshape3A_982 : vector<16x1xi32> to vector<16xi32>
      %gather3A_984 = tpu.dynamic_gather %gather3A_212[%gather3A_983] in [0] : vector<16xf32>, vector<16xi32> -> vector<16xf32>
      %mul3A_985 = arith.constant 128 : i32
      %mul3A_986 = arith.muli %add3A_471, %mul3A_985 : i32
      %add3A_987 = arith.constant 64 : i32
      %add3A_988 = arith.addi %mul3A_986, %add3A_987 : i32
      %swap3A_989 = arith.constant 0 : i32
      %swap3A_990 = arith.constant 4 : i32
      %swap3A_991 = arith.index_cast %swap3A_989 : i32 to index
      %swap3A_992 = arith.index_cast %swap3A_990 : i32 to index
      %swap3A_993 = arith.index_cast %add3A_988 : i32 to index
      %swap3A_994 = tpu.vector_load %arg7[%swap3A_991, %swap3A_992, %swap3A_993] {strides = array<i32>} : memref<1x8x4096xf32, #tpu.memory_space<vmem>>, vector<16xf32>,
      tpu.vector_store %arg7[%swap3A_991, %swap3A_992, %swap3A_993], %gather3A_984 {strides = array<i32>} : memref<1x8x4096xf32, #tpu.memory_space<vmem>>, vector<16xf32>,
      %reshape3A_995 = vector.shape_cast %get3A_505 : vector<16xi32> to vector<16x1xi32>
      %gather3A_996 = vector.shape_cast %reshape3A_995 : vector<16x1xi32> to vector<16xi32>
      %gather3A_997 = tpu.dynamic_gather %gather3A_212[%gather3A_996] in [0] : vector<16xf32>, vector<16xi32> -> vector<16xf32>
      %mul3A_998 = arith.constant 128 : i32
      %mul3A_999 = arith.muli %add3A_471, %mul3A_998 : i32
      %add3A_1000 = arith.constant 80 : i32
      %add3A_1001 = arith.addi %mul3A_999, %add3A_1000 : i32
      %swap3A_1002 = arith.constant 0 : i32
      %swap3A_1003 = arith.constant 4 : i32
      %swap3A_1004 = arith.index_cast %swap3A_1002 : i32 to index
      %swap3A_1005 = arith.index_cast %swap3A_1003 : i32 to index
      %swap3A_1006 = arith.index_cast %add3A_1001 : i32 to index
      %swap3A_1007 = tpu.vector_load %arg7[%swap3A_1004, %swap3A_1005, %swap3A_1006] {strides = array<i32>} : memref<1x8x4096xf32, #tpu.memory_space<vmem>>, vector<16xf32>,
      tpu.vector_store %arg7[%swap3A_1004, %swap3A_1005, %swap3A_1006], %gather3A_997 {strides = array<i32>} : memref<1x8x4096xf32, #tpu.memory_space<vmem>>, vector<16xf32>,
      %reshape3A_1008 = vector.shape_cast %get3A_510 : vector<16xi32> to vector<16x1xi32>
      %gather3A_1009 = vector.shape_cast %reshape3A_1008 : vector<16x1xi32> to vector<16xi32>
      %gather3A_1010 = tpu.dynamic_gather %gather3A_212[%gather3A_1009] in [0] : vector<16xf32>, vector<16xi32> -> vector<16xf32>
      %mul3A_1011 = arith.constant 128 : i32
      %mul3A_1012 = arith.muli %add3A_471, %mul3A_1011 : i32
      %add3A_1013 = arith.constant 96 : i32
      %add3A_1014 = arith.addi %mul3A_1012, %add3A_1013 : i32
      %swap3A_1015 = arith.constant 0 : i32
      %swap3A_1016 = arith.constant 4 : i32
      %swap3A_1017 = arith.index_cast %swap3A_1015 : i32 to index
      %swap3A_1018 = arith.index_cast %swap3A_1016 : i32 to index
      %swap3A_1019 = arith.index_cast %add3A_1014 : i32 to index
      %swap3A_1020 = tpu.vector_load %arg7[%swap3A_1017, %swap3A_1018, %swap3A_1019] {strides = array<i32>} : memref<1x8x4096xf32, #tpu.memory_space<vmem>>, vector<16xf32>,
      tpu.vector_store %arg7[%swap3A_1017, %swap3A_1018, %swap3A_1019], %gather3A_1010 {strides = array<i32>} : memref<1x8x4096xf32, #tpu.memory_space<vmem>>, vector<16xf32>,
      %reshape3A_1021 = vector.shape_cast %get3A_515 : vector<16xi32> to vector<16x1xi32>
      %gather3A_1022 = vector.shape_cast %reshape3A_1021 : vector<16x1xi32> to vector<16xi32>
      %gather3A_1023 = tpu.dynamic_gather %gather3A_212[%gather3A_1022] in [0] : vector<16xf32>, vector<16xi32> -> vector<16xf32>
      %mul3A_1024 = arith.constant 128 : i32
      %mul3A_1025 = arith.muli %add3A_471, %mul3A_1024 : i32
      %add3A_1026 = arith.constant 112 : i32
      %add3A_1027 = arith.addi %mul3A_1025, %add3A_1026 : i32
      %swap3A_1028 = arith.constant 0 : i32
      %swap3A_1029 = arith.constant 4 : i32
      %swap3A_1030 = arith.index_cast %swap3A_1028 : i32 to index
      %swap3A_1031 = arith.index_cast %swap3A_1029 : i32 to index
      %swap3A_1032 = arith.index_cast %add3A_1027 : i32 to index
      %swap3A_1033 = tpu.vector_load %arg7[%swap3A_1030, %swap3A_1031, %swap3A_1032] {strides = array<i32>} : memref<1x8x4096xf32, #tpu.memory_space<vmem>>, vector<16xf32>,
      tpu.vector_store %arg7[%swap3A_1030, %swap3A_1031, %swap3A_1032], %gather3A_1023 {strides = array<i32>} : memref<1x8x4096xf32, #tpu.memory_space<vmem>>, vector<16xf32>,
      %reshape3A_1034 = vector.shape_cast %get3A_480 : vector<16xi32> to vector<16x1xi32>
      %gather3A_1035 = vector.shape_cast %reshape3A_1034 : vector<16x1xi32> to vector<16xi32>
      %gather3A_1036 = tpu.dynamic_gather %gather3A_226[%gather3A_1035] in [0] : vector<16xf32>, vector<16xi32> -> vector<16xf32>
      %mul3A_1037 = arith.constant 128 : i32
      %mul3A_1038 = arith.muli %add3A_471, %mul3A_1037 : i32
      %add3A_1039 = arith.constant 0 : i32
      %add3A_1040 = arith.addi %mul3A_1038, %add3A_1039 : i32
      %swap3A_1041 = arith.constant 0 : i32
      %swap3A_1042 = arith.constant 5 : i32
      %swap3A_1043 = arith.index_cast %swap3A_1041 : i32 to index
      %swap3A_1044 = arith.index_cast %swap3A_1042 : i32 to index
      %swap3A_1045 = arith.index_cast %add3A_1040 : i32 to index
      %swap3A_1046 = tpu.vector_load %arg7[%swap3A_1043, %swap3A_1044, %swap3A_1045] {strides = array<i32>} : memref<1x8x4096xf32, #tpu.memory_space<vmem>>, vector<16xf32>,
      tpu.vector_store %arg7[%swap3A_1043, %swap3A_1044, %swap3A_1045], %gather3A_1036 {strides = array<i32>} : memref<1x8x4096xf32, #tpu.memory_space<vmem>>, vector<16xf32>,
      %reshape3A_1047 = vector.shape_cast %get3A_485 : vector<16xi32> to vector<16x1xi32>
      %gather3A_1048 = vector.shape_cast %reshape3A_1047 : vector<16x1xi32> to vector<16xi32>
      %gather3A_1049 = tpu.dynamic_gather %gather3A_226[%gather3A_1048] in [0] : vector<16xf32>, vector<16xi32> -> vector<16xf32>
      %mul3A_1050 = arith.constant 128 : i32
      %mul3A_1051 = arith.muli %add3A_471, %mul3A_1050 : i32
      %add3A_1052 = arith.constant 16 : i32
      %add3A_1053 = arith.addi %mul3A_1051, %add3A_1052 : i32
      %swap3A_1054 = arith.constant 0 : i32
      %swap3A_1055 = arith.constant 5 : i32
      %swap3A_1056 = arith.index_cast %swap3A_1054 : i32 to index
      %swap3A_1057 = arith.index_cast %swap3A_1055 : i32 to index
      %swap3A_1058 = arith.index_cast %add3A_1053 : i32 to index
      %swap3A_1059 = tpu.vector_load %arg7[%swap3A_1056, %swap3A_1057, %swap3A_1058] {strides = array<i32>} : memref<1x8x4096xf32, #tpu.memory_space<vmem>>, vector<16xf32>,
      tpu.vector_store %arg7[%swap3A_1056, %swap3A_1057, %swap3A_1058], %gather3A_1049 {strides = array<i32>} : memref<1x8x4096xf32, #tpu.memory_space<vmem>>, vector<16xf32>,
      %reshape3A_1060 = vector.shape_cast %get3A_490 : vector<16xi32> to vector<16x1xi32>
      %gather3A_1061 = vector.shape_cast %reshape3A_1060 : vector<16x1xi32> to vector<16xi32>
      %gather3A_1062 = tpu.dynamic_gather %gather3A_226[%gather3A_1061] in [0] : vector<16xf32>, vector<16xi32> -> vector<16xf32>
      %mul3A_1063 = arith.constant 128 : i32
      %mul3A_1064 = arith.muli %add3A_471, %mul3A_1063 : i32
      %add3A_1065 = arith.constant 32 : i32
      %add3A_1066 = arith.addi %mul3A_1064, %add3A_1065 : i32
      %swap3A_1067 = arith.constant 0 : i32
      %swap3A_1068 = arith.constant 5 : i32
      %swap3A_1069 = arith.index_cast %swap3A_1067 : i32 to index
      %swap3A_1070 = arith.index_cast %swap3A_1068 : i32 to index
      %swap3A_1071 = arith.index_cast %add3A_1066 : i32 to index
      %swap3A_1072 = tpu.vector_load %arg7[%swap3A_1069, %swap3A_1070, %swap3A_1071] {strides = array<i32>} : memref<1x8x4096xf32, #tpu.memory_space<vmem>>, vector<16xf32>,
      tpu.vector_store %arg7[%swap3A_1069, %swap3A_1070, %swap3A_1071], %gather3A_1062 {strides = array<i32>} : memref<1x8x4096xf32, #tpu.memory_space<vmem>>, vector<16xf32>,
      %reshape3A_1073 = vector.shape_cast %get3A_495 : vector<16xi32> to vector<16x1xi32>
      %gather3A_1074 = vector.shape_cast %reshape3A_1073 : vector<16x1xi32> to vector<16xi32>
      %gather3A_1075 = tpu.dynamic_gather %gather3A_226[%gather3A_1074] in [0] : vector<16xf32>, vector<16xi32> -> vector<16xf32>
      %mul3A_1076 = arith.constant 128 : i32
      %mul3A_1077 = arith.muli %add3A_471, %mul3A_1076 : i32
      %add3A_1078 = arith.constant 48 : i32
      %add3A_1079 = arith.addi %mul3A_1077, %add3A_1078 : i32
      %swap3A_1080 = arith.constant 0 : i32
      %swap3A_1081 = arith.constant 5 : i32
      %swap3A_1082 = arith.index_cast %swap3A_1080 : i32 to index
      %swap3A_1083 = arith.index_cast %swap3A_1081 : i32 to index
      %swap3A_1084 = arith.index_cast %add3A_1079 : i32 to index
      %swap3A_1085 = tpu.vector_load %arg7[%swap3A_1082, %swap3A_1083, %swap3A_1084] {strides = array<i32>} : memref<1x8x4096xf32, #tpu.memory_space<vmem>>, vector<16xf32>,
      tpu.vector_store %arg7[%swap3A_1082, %swap3A_1083, %swap3A_1084], %gather3A_1075 {strides = array<i32>} : memref<1x8x4096xf32, #tpu.memory_space<vmem>>, vector<16xf32>,
      %reshape3A_1086 = vector.shape_cast %get3A_500 : vector<16xi32> to vector<16x1xi32>
      %gather3A_1087 = vector.shape_cast %reshape3A_1086 : vector<16x1xi32> to vector<16xi32>
      %gather3A_1088 = tpu.dynamic_gather %gather3A_226[%gather3A_1087] in [0] : vector<16xf32>, vector<16xi32> -> vector<16xf32>
      %mul3A_1089 = arith.constant 128 : i32
      %mul3A_1090 = arith.muli %add3A_471, %mul3A_1089 : i32
      %add3A_1091 = arith.constant 64 : i32
      %add3A_1092 = arith.addi %mul3A_1090, %add3A_1091 : i32
      %swap3A_1093 = arith.constant 0 : i32
      %swap3A_1094 = arith.constant 5 : i32
      %swap3A_1095 = arith.index_cast %swap3A_1093 : i32 to index
      %swap3A_1096 = arith.index_cast %swap3A_1094 : i32 to index
      %swap3A_1097 = arith.index_cast %add3A_1092 : i32 to index
      %swap3A_1098 = tpu.vector_load %arg7[%swap3A_1095, %swap3A_1096, %swap3A_1097] {strides = array<i32>} : memref<1x8x4096xf32, #tpu.memory_space<vmem>>, vector<16xf32>,
      tpu.vector_store %arg7[%swap3A_1095, %swap3A_1096, %swap3A_1097], %gather3A_1088 {strides = array<i32>} : memref<1x8x4096xf32, #tpu.memory_space<vmem>>, vector<16xf32>,
      %reshape3A_1099 = vector.shape_cast %get3A_505 : vector<16xi32> to vector<16x1xi32>
      %gather3A_1100 = vector.shape_cast %reshape3A_1099 : vector<16x1xi32> to vector<16xi32>
      %gather3A_1101 = tpu.dynamic_gather %gather3A_226[%gather3A_1100] in [0] : vector<16xf32>, vector<16xi32> -> vector<16xf32>
      %mul3A_1102 = arith.constant 128 : i32
      %mul3A_1103 = arith.muli %add3A_471, %mul3A_1102 : i32
      %add3A_1104 = arith.constant 80 : i32
      %add3A_1105 = arith.addi %mul3A_1103, %add3A_1104 : i32
      %swap3A_1106 = arith.constant 0 : i32
      %swap3A_1107 = arith.constant 5 : i32
      %swap3A_1108 = arith.index_cast %swap3A_1106 : i32 to index
      %swap3A_1109 = arith.index_cast %swap3A_1107 : i32 to index
      %swap3A_1110 = arith.index_cast %add3A_1105 : i32 to index
      %swap3A_1111 = tpu.vector_load %arg7[%swap3A_1108, %swap3A_1109, %swap3A_1110] {strides = array<i32>} : memref<1x8x4096xf32, #tpu.memory_space<vmem>>, vector<16xf32>,
      tpu.vector_store %arg7[%swap3A_1108, %swap3A_1109, %swap3A_1110], %gather3A_1101 {strides = array<i32>} : memref<1x8x4096xf32, #tpu.memory_space<vmem>>, vector<16xf32>,
      %reshape3A_1112 = vector.shape_cast %get3A_510 : vector<16xi32> to vector<16x1xi32>
      %gather3A_1113 = vector.shape_cast %reshape3A_1112 : vector<16x1xi32> to vector<16xi32>
      %gather3A_1114 = tpu.dynamic_gather %gather3A_226[%gather3A_1113] in [0] : vector<16xf32>, vector<16xi32> -> vector<16xf32>
      %mul3A_1115 = arith.constant 128 : i32
      %mul3A_1116 = arith.muli %add3A_471, %mul3A_1115 : i32
      %add3A_1117 = arith.constant 96 : i32
      %add3A_1118 = arith.addi %mul3A_1116, %add3A_1117 : i32
      %swap3A_1119 = arith.constant 0 : i32
      %swap3A_1120 = arith.constant 5 : i32
      %swap3A_1121 = arith.index_cast %swap3A_1119 : i32 to index
      %swap3A_1122 = arith.index_cast %swap3A_1120 : i32 to index
      %swap3A_1123 = arith.index_cast %add3A_1118 : i32 to index
      %swap3A_1124 = tpu.vector_load %arg7[%swap3A_1121, %swap3A_1122, %swap3A_1123] {strides = array<i32>} : memref<1x8x4096xf32, #tpu.memory_space<vmem>>, vector<16xf32>,
      tpu.vector_store %arg7[%swap3A_1121, %swap3A_1122, %swap3A_1123], %gather3A_1114 {strides = array<i32>} : memref<1x8x4096xf32, #tpu.memory_space<vmem>>, vector<16xf32>,
      %reshape3A_1125 = vector.shape_cast %get3A_515 : vector<16xi32> to vector<16x1xi32>
      %gather3A_1126 = vector.shape_cast %reshape3A_1125 : vector<16x1xi32> to vector<16xi32>
      %gather3A_1127 = tpu.dynamic_gather %gather3A_226[%gather3A_1126] in [0] : vector<16xf32>, vector<16xi32> -> vector<16xf32>
      %mul3A_1128 = arith.constant 128 : i32
      %mul3A_1129 = arith.muli %add3A_471, %mul3A_1128 : i32
      %add3A_1130 = arith.constant 112 : i32
      %add3A_1131 = arith.addi %mul3A_1129, %add3A_1130 : i32
      %swap3A_1132 = arith.constant 0 : i32
      %swap3A_1133 = arith.constant 5 : i32
      %swap3A_1134 = arith.index_cast %swap3A_1132 : i32 to index
      %swap3A_1135 = arith.index_cast %swap3A_1133 : i32 to index
      %swap3A_1136 = arith.index_cast %add3A_1131 : i32 to index
      %swap3A_1137 = tpu.vector_load %arg7[%swap3A_1134, %swap3A_1135, %swap3A_1136] {strides = array<i32>} : memref<1x8x4096xf32, #tpu.memory_space<vmem>>, vector<16xf32>,
      tpu.vector_store %arg7[%swap3A_1134, %swap3A_1135, %swap3A_1136], %gather3A_1127 {strides = array<i32>} : memref<1x8x4096xf32, #tpu.memory_space<vmem>>, vector<16xf32>,
      %reshape3A_1138 = vector.shape_cast %get3A_480 : vector<16xi32> to vector<16x1xi32>
      %gather3A_1139 = vector.shape_cast %reshape3A_1138 : vector<16x1xi32> to vector<16xi32>
      %gather3A_1140 = tpu.dynamic_gather %gather3A_240[%gather3A_1139] in [0] : vector<16xf32>, vector<16xi32> -> vector<16xf32>
      %mul3A_1141 = arith.constant 128 : i32
      %mul3A_1142 = arith.muli %add3A_471, %mul3A_1141 : i32
      %add3A_1143 = arith.constant 0 : i32
      %add3A_1144 = arith.addi %mul3A_1142, %add3A_1143 : i32
      %swap3A_1145 = arith.constant 0 : i32
      %swap3A_1146 = arith.constant 6 : i32
      %swap3A_1147 = arith.index_cast %swap3A_1145 : i32 to index
      %swap3A_1148 = arith.index_cast %swap3A_1146 : i32 to index
      %swap3A_1149 = arith.index_cast %add3A_1144 : i32 to index
      %swap3A_1150 = tpu.vector_load %arg7[%swap3A_1147, %swap3A_1148, %swap3A_1149] {strides = array<i32>} : memref<1x8x4096xf32, #tpu.memory_space<vmem>>, vector<16xf32>,
      tpu.vector_store %arg7[%swap3A_1147, %swap3A_1148, %swap3A_1149], %gather3A_1140 {strides = array<i32>} : memref<1x8x4096xf32, #tpu.memory_space<vmem>>, vector<16xf32>,
      %reshape3A_1151 = vector.shape_cast %get3A_485 : vector<16xi32> to vector<16x1xi32>
      %gather3A_1152 = vector.shape_cast %reshape3A_1151 : vector<16x1xi32> to vector<16xi32>
      %gather3A_1153 = tpu.dynamic_gather %gather3A_240[%gather3A_1152] in [0] : vector<16xf32>, vector<16xi32> -> vector<16xf32>
      %mul3A_1154 = arith.constant 128 : i32
      %mul3A_1155 = arith.muli %add3A_471, %mul3A_1154 : i32
      %add3A_1156 = arith.constant 16 : i32
      %add3A_1157 = arith.addi %mul3A_1155, %add3A_1156 : i32
      %swap3A_1158 = arith.constant 0 : i32
      %swap3A_1159 = arith.constant 6 : i32
      %swap3A_1160 = arith.index_cast %swap3A_1158 : i32 to index
      %swap3A_1161 = arith.index_cast %swap3A_1159 : i32 to index
      %swap3A_1162 = arith.index_cast %add3A_1157 : i32 to index
      %swap3A_1163 = tpu.vector_load %arg7[%swap3A_1160, %swap3A_1161, %swap3A_1162] {strides = array<i32>} : memref<1x8x4096xf32, #tpu.memory_space<vmem>>, vector<16xf32>,
      tpu.vector_store %arg7[%swap3A_1160, %swap3A_1161, %swap3A_1162], %gather3A_1153 {strides = array<i32>} : memref<1x8x4096xf32, #tpu.memory_space<vmem>>, vector<16xf32>,
      %reshape3A_1164 = vector.shape_cast %get3A_490 : vector<16xi32> to vector<16x1xi32>
      %gather3A_1165 = vector.shape_cast %reshape3A_1164 : vector<16x1xi32> to vector<16xi32>
      %gather3A_1166 = tpu.dynamic_gather %gather3A_240[%gather3A_1165] in [0] : vector<16xf32>, vector<16xi32> -> vector<16xf32>
      %mul3A_1167 = arith.constant 128 : i32
      %mul3A_1168 = arith.muli %add3A_471, %mul3A_1167 : i32
      %add3A_1169 = arith.constant 32 : i32
      %add3A_1170 = arith.addi %mul3A_1168, %add3A_1169 : i32
      %swap3A_1171 = arith.constant 0 : i32
      %swap3A_1172 = arith.constant 6 : i32
      %swap3A_1173 = arith.index_cast %swap3A_1171 : i32 to index
      %swap3A_1174 = arith.index_cast %swap3A_1172 : i32 to index
      %swap3A_1175 = arith.index_cast %add3A_1170 : i32 to index
      %swap3A_1176 = tpu.vector_load %arg7[%swap3A_1173, %swap3A_1174, %swap3A_1175] {strides = array<i32>} : memref<1x8x4096xf32, #tpu.memory_space<vmem>>, vector<16xf32>,
      tpu.vector_store %arg7[%swap3A_1173, %swap3A_1174, %swap3A_1175], %gather3A_1166 {strides = array<i32>} : memref<1x8x4096xf32, #tpu.memory_space<vmem>>, vector<16xf32>,
      %reshape3A_1177 = vector.shape_cast %get3A_495 : vector<16xi32> to vector<16x1xi32>
      %gather3A_1178 = vector.shape_cast %reshape3A_1177 : vector<16x1xi32> to vector<16xi32>
      %gather3A_1179 = tpu.dynamic_gather %gather3A_240[%gather3A_1178] in [0] : vector<16xf32>, vector<16xi32> -> vector<16xf32>
      %mul3A_1180 = arith.constant 128 : i32
      %mul3A_1181 = arith.muli %add3A_471, %mul3A_1180 : i32
      %add3A_1182 = arith.constant 48 : i32
      %add3A_1183 = arith.addi %mul3A_1181, %add3A_1182 : i32
      %swap3A_1184 = arith.constant 0 : i32
      %swap3A_1185 = arith.constant 6 : i32
      %swap3A_1186 = arith.index_cast %swap3A_1184 : i32 to index
      %swap3A_1187 = arith.index_cast %swap3A_1185 : i32 to index
      %swap3A_1188 = arith.index_cast %add3A_1183 : i32 to index
      %swap3A_1189 = tpu.vector_load %arg7[%swap3A_1186, %swap3A_1187, %swap3A_1188] {strides = array<i32>} : memref<1x8x4096xf32, #tpu.memory_space<vmem>>, vector<16xf32>,
      tpu.vector_store %arg7[%swap3A_1186, %swap3A_1187, %swap3A_1188], %gather3A_1179 {strides = array<i32>} : memref<1x8x4096xf32, #tpu.memory_space<vmem>>, vector<16xf32>,
      %reshape3A_1190 = vector.shape_cast %get3A_500 : vector<16xi32> to vector<16x1xi32>
      %gather3A_1191 = vector.shape_cast %reshape3A_1190 : vector<16x1xi32> to vector<16xi32>
      %gather3A_1192 = tpu.dynamic_gather %gather3A_240[%gather3A_1191] in [0] : vector<16xf32>, vector<16xi32> -> vector<16xf32>
      %mul3A_1193 = arith.constant 128 : i32
      %mul3A_1194 = arith.muli %add3A_471, %mul3A_1193 : i32
      %add3A_1195 = arith.constant 64 : i32
      %add3A_1196 = arith.addi %mul3A_1194, %add3A_1195 : i32
      %swap3A_1197 = arith.constant 0 : i32
      %swap3A_1198 = arith.constant 6 : i32
      %swap3A_1199 = arith.index_cast %swap3A_1197 : i32 to index
      %swap3A_1200 = arith.index_cast %swap3A_1198 : i32 to index
      %swap3A_1201 = arith.index_cast %add3A_1196 : i32 to index
      %swap3A_1202 = tpu.vector_load %arg7[%swap3A_1199, %swap3A_1200, %swap3A_1201] {strides = array<i32>} : memref<1x8x4096xf32, #tpu.memory_space<vmem>>, vector<16xf32>,
      tpu.vector_store %arg7[%swap3A_1199, %swap3A_1200, %swap3A_1201], %gather3A_1192 {strides = array<i32>} : memref<1x8x4096xf32, #tpu.memory_space<vmem>>, vector<16xf32>,
      %reshape3A_1203 = vector.shape_cast %get3A_505 : vector<16xi32> to vector<16x1xi32>
      %gather3A_1204 = vector.shape_cast %reshape3A_1203 : vector<16x1xi32> to vector<16xi32>
      %gather3A_1205 = tpu.dynamic_gather %gather3A_240[%gather3A_1204] in [0] : vector<16xf32>, vector<16xi32> -> vector<16xf32>
      %mul3A_1206 = arith.constant 128 : i32
      %mul3A_1207 = arith.muli %add3A_471, %mul3A_1206 : i32
      %add3A_1208 = arith.constant 80 : i32
      %add3A_1209 = arith.addi %mul3A_1207, %add3A_1208 : i32
      %swap3A_1210 = arith.constant 0 : i32
      %swap3A_1211 = arith.constant 6 : i32
      %swap3A_1212 = arith.index_cast %swap3A_1210 : i32 to index
      %swap3A_1213 = arith.index_cast %swap3A_1211 : i32 to index
      %swap3A_1214 = arith.index_cast %add3A_1209 : i32 to index
      %swap3A_1215 = tpu.vector_load %arg7[%swap3A_1212, %swap3A_1213, %swap3A_1214] {strides = array<i32>} : memref<1x8x4096xf32, #tpu.memory_space<vmem>>, vector<16xf32>,
      tpu.vector_store %arg7[%swap3A_1212, %swap3A_1213, %swap3A_1214], %gather3A_1205 {strides = array<i32>} : memref<1x8x4096xf32, #tpu.memory_space<vmem>>, vector<16xf32>,
      %reshape3A_1216 = vector.shape_cast %get3A_510 : vector<16xi32> to vector<16x1xi32>
      %gather3A_1217 = vector.shape_cast %reshape3A_1216 : vector<16x1xi32> to vector<16xi32>
      %gather3A_1218 = tpu.dynamic_gather %gather3A_240[%gather3A_1217] in [0] : vector<16xf32>, vector<16xi32> -> vector<16xf32>
      %mul3A_1219 = arith.constant 128 : i32
      %mul3A_1220 = arith.muli %add3A_471, %mul3A_1219 : i32
      %add3A_1221 = arith.constant 96 : i32
      %add3A_1222 = arith.addi %mul3A_1220, %add3A_1221 : i32
      %swap3A_1223 = arith.constant 0 : i32
      %swap3A_1224 = arith.constant 6 : i32
      %swap3A_1225 = arith.index_cast %swap3A_1223 : i32 to index
      %swap3A_1226 = arith.index_cast %swap3A_1224 : i32 to index
      %swap3A_1227 = arith.index_cast %add3A_1222 : i32 to index
      %swap3A_1228 = tpu.vector_load %arg7[%swap3A_1225, %swap3A_1226, %swap3A_1227] {strides = array<i32>} : memref<1x8x4096xf32, #tpu.memory_space<vmem>>, vector<16xf32>,
      tpu.vector_store %arg7[%swap3A_1225, %swap3A_1226, %swap3A_1227], %gather3A_1218 {strides = array<i32>} : memref<1x8x4096xf32, #tpu.memory_space<vmem>>, vector<16xf32>,
      %reshape3A_1229 = vector.shape_cast %get3A_515 : vector<16xi32> to vector<16x1xi32>
      %gather3A_1230 = vector.shape_cast %reshape3A_1229 : vector<16x1xi32> to vector<16xi32>
      %gather3A_1231 = tpu.dynamic_gather %gather3A_240[%gather3A_1230] in [0] : vector<16xf32>, vector<16xi32> -> vector<16xf32>
      %mul3A_1232 = arith.constant 128 : i32
      %mul3A_1233 = arith.muli %add3A_471, %mul3A_1232 : i32
      %add3A_1234 = arith.constant 112 : i32
      %add3A_1235 = arith.addi %mul3A_1233, %add3A_1234 : i32
      %swap3A_1236 = arith.constant 0 : i32
      %swap3A_1237 = arith.constant 6 : i32
      %swap3A_1238 = arith.index_cast %swap3A_1236 : i32 to index
      %swap3A_1239 = arith.index_cast %swap3A_1237 : i32 to index
      %swap3A_1240 = arith.index_cast %add3A_1235 : i32 to index
      %swap3A_1241 = tpu.vector_load %arg7[%swap3A_1238, %swap3A_1239, %swap3A_1240] {strides = array<i32>} : memref<1x8x4096xf32, #tpu.memory_space<vmem>>, vector<16xf32>,
      tpu.vector_store %arg7[%swap3A_1238, %swap3A_1239, %swap3A_1240], %gather3A_1231 {strides = array<i32>} : memref<1x8x4096xf32, #tpu.memory_space<vmem>>, vector<16xf32>,
      %reshape3A_1242 = vector.shape_cast %get3A_480 : vector<16xi32> to vector<16x1xi32>
      %gather3A_1243 = vector.shape_cast %reshape3A_1242 : vector<16x1xi32> to vector<16xi32>
      %gather3A_1244 = tpu.dynamic_gather %gather3A_254[%gather3A_1243] in [0] : vector<16xf32>, vector<16xi32> -> vector<16xf32>
      %mul3A_1245 = arith.constant 128 : i32
      %mul3A_1246 = arith.muli %add3A_471, %mul3A_1245 : i32
      %add3A_1247 = arith.constant 0 : i32
      %add3A_1248 = arith.addi %mul3A_1246, %add3A_1247 : i32
      %swap3A_1249 = arith.constant 0 : i32
      %swap3A_1250 = arith.constant 7 : i32
      %swap3A_1251 = arith.index_cast %swap3A_1249 : i32 to index
      %swap3A_1252 = arith.index_cast %swap3A_1250 : i32 to index
      %swap3A_1253 = arith.index_cast %add3A_1248 : i32 to index
      %swap3A_1254 = tpu.vector_load %arg7[%swap3A_1251, %swap3A_1252, %swap3A_1253] {strides = array<i32>} : memref<1x8x4096xf32, #tpu.memory_space<vmem>>, vector<16xf32>,
      tpu.vector_store %arg7[%swap3A_1251, %swap3A_1252, %swap3A_1253], %gather3A_1244 {strides = array<i32>} : memref<1x8x4096xf32, #tpu.memory_space<vmem>>, vector<16xf32>,
      %reshape3A_1255 = vector.shape_cast %get3A_485 : vector<16xi32> to vector<16x1xi32>
      %gather3A_1256 = vector.shape_cast %reshape3A_1255 : vector<16x1xi32> to vector<16xi32>
      %gather3A_1257 = tpu.dynamic_gather %gather3A_254[%gather3A_1256] in [0] : vector<16xf32>, vector<16xi32> -> vector<16xf32>
      %mul3A_1258 = arith.constant 128 : i32
      %mul3A_1259 = arith.muli %add3A_471, %mul3A_1258 : i32
      %add3A_1260 = arith.constant 16 : i32
      %add3A_1261 = arith.addi %mul3A_1259, %add3A_1260 : i32
      %swap3A_1262 = arith.constant 0 : i32
      %swap3A_1263 = arith.constant 7 : i32
      %swap3A_1264 = arith.index_cast %swap3A_1262 : i32 to index
      %swap3A_1265 = arith.index_cast %swap3A_1263 : i32 to index
      %swap3A_1266 = arith.index_cast %add3A_1261 : i32 to index
      %swap3A_1267 = tpu.vector_load %arg7[%swap3A_1264, %swap3A_1265, %swap3A_1266] {strides = array<i32>} : memref<1x8x4096xf32, #tpu.memory_space<vmem>>, vector<16xf32>,
      tpu.vector_store %arg7[%swap3A_1264, %swap3A_1265, %swap3A_1266], %gather3A_1257 {strides = array<i32>} : memref<1x8x4096xf32, #tpu.memory_space<vmem>>, vector<16xf32>,
      %reshape3A_1268 = vector.shape_cast %get3A_490 : vector<16xi32> to vector<16x1xi32>
      %gather3A_1269 = vector.shape_cast %reshape3A_1268 : vector<16x1xi32> to vector<16xi32>
      %gather3A_1270 = tpu.dynamic_gather %gather3A_254[%gather3A_1269] in [0] : vector<16xf32>, vector<16xi32> -> vector<16xf32>
      %mul3A_1271 = arith.constant 128 : i32
      %mul3A_1272 = arith.muli %add3A_471, %mul3A_1271 : i32
      %add3A_1273 = arith.constant 32 : i32
      %add3A_1274 = arith.addi %mul3A_1272, %add3A_1273 : i32
      %swap3A_1275 = arith.constant 0 : i32
      %swap3A_1276 = arith.constant 7 : i32
      %swap3A_1277 = arith.index_cast %swap3A_1275 : i32 to index
      %swap3A_1278 = arith.index_cast %swap3A_1276 : i32 to index
      %swap3A_1279 = arith.index_cast %add3A_1274 : i32 to index
      %swap3A_1280 = tpu.vector_load %arg7[%swap3A_1277, %swap3A_1278, %swap3A_1279] {strides = array<i32>} : memref<1x8x4096xf32, #tpu.memory_space<vmem>>, vector<16xf32>,
      tpu.vector_store %arg7[%swap3A_1277, %swap3A_1278, %swap3A_1279], %gather3A_1270 {strides = array<i32>} : memref<1x8x4096xf32, #tpu.memory_space<vmem>>, vector<16xf32>,
      %reshape3A_1281 = vector.shape_cast %get3A_495 : vector<16xi32> to vector<16x1xi32>
      %gather3A_1282 = vector.shape_cast %reshape3A_1281 : vector<16x1xi32> to vector<16xi32>
      %gather3A_1283 = tpu.dynamic_gather %gather3A_254[%gather3A_1282] in [0] : vector<16xf32>, vector<16xi32> -> vector<16xf32>
      %mul3A_1284 = arith.constant 128 : i32
      %mul3A_1285 = arith.muli %add3A_471, %mul3A_1284 : i32
      %add3A_1286 = arith.constant 48 : i32
      %add3A_1287 = arith.addi %mul3A_1285, %add3A_1286 : i32
      %swap3A_1288 = arith.constant 0 : i32
      %swap3A_1289 = arith.constant 7 : i32
      %swap3A_1290 = arith.index_cast %swap3A_1288 : i32 to index
      %swap3A_1291 = arith.index_cast %swap3A_1289 : i32 to index
      %swap3A_1292 = arith.index_cast %add3A_1287 : i32 to index
      %swap3A_1293 = tpu.vector_load %arg7[%swap3A_1290, %swap3A_1291, %swap3A_1292] {strides = array<i32>} : memref<1x8x4096xf32, #tpu.memory_space<vmem>>, vector<16xf32>,
      tpu.vector_store %arg7[%swap3A_1290, %swap3A_1291, %swap3A_1292], %gather3A_1283 {strides = array<i32>} : memref<1x8x4096xf32, #tpu.memory_space<vmem>>, vector<16xf32>,
      %reshape3A_1294 = vector.shape_cast %get3A_500 : vector<16xi32> to vector<16x1xi32>
      %gather3A_1295 = vector.shape_cast %reshape3A_1294 : vector<16x1xi32> to vector<16xi32>
      %gather3A_1296 = tpu.dynamic_gather %gather3A_254[%gather3A_1295] in [0] : vector<16xf32>, vector<16xi32> -> vector<16xf32>
      %mul3A_1297 = arith.constant 128 : i32
      %mul3A_1298 = arith.muli %add3A_471, %mul3A_1297 : i32
      %add3A_1299 = arith.constant 64 : i32
      %add3A_1300 = arith.addi %mul3A_1298, %add3A_1299 : i32
      %swap3A_1301 = arith.constant 0 : i32
      %swap3A_1302 = arith.constant 7 : i32
      %swap3A_1303 = arith.index_cast %swap3A_1301 : i32 to index
      %swap3A_1304 = arith.index_cast %swap3A_1302 : i32 to index
      %swap3A_1305 = arith.index_cast %add3A_1300 : i32 to index
      %swap3A_1306 = tpu.vector_load %arg7[%swap3A_1303, %swap3A_1304, %swap3A_1305] {strides = array<i32>} : memref<1x8x4096xf32, #tpu.memory_space<vmem>>, vector<16xf32>,
      tpu.vector_store %arg7[%swap3A_1303, %swap3A_1304, %swap3A_1305], %gather3A_1296 {strides = array<i32>} : memref<1x8x4096xf32, #tpu.memory_space<vmem>>, vector<16xf32>,
      %reshape3A_1307 = vector.shape_cast %get3A_505 : vector<16xi32> to vector<16x1xi32>
      %gather3A_1308 = vector.shape_cast %reshape3A_1307 : vector<16x1xi32> to vector<16xi32>
      %gather3A_1309 = tpu.dynamic_gather %gather3A_254[%gather3A_1308] in [0] : vector<16xf32>, vector<16xi32> -> vector<16xf32>
      %mul3A_1310 = arith.constant 128 : i32
      %mul3A_1311 = arith.muli %add3A_471, %mul3A_1310 : i32
      %add3A_1312 = arith.constant 80 : i32
      %add3A_1313 = arith.addi %mul3A_1311, %add3A_1312 : i32
      %swap3A_1314 = arith.constant 0 : i32
      %swap3A_1315 = arith.constant 7 : i32
      %swap3A_1316 = arith.index_cast %swap3A_1314 : i32 to index
      %swap3A_1317 = arith.index_cast %swap3A_1315 : i32 to index
      %swap3A_1318 = arith.index_cast %add3A_1313 : i32 to index
      %swap3A_1319 = tpu.vector_load %arg7[%swap3A_1316, %swap3A_1317, %swap3A_1318] {strides = array<i32>} : memref<1x8x4096xf32, #tpu.memory_space<vmem>>, vector<16xf32>,
      tpu.vector_store %arg7[%swap3A_1316, %swap3A_1317, %swap3A_1318], %gather3A_1309 {strides = array<i32>} : memref<1x8x4096xf32, #tpu.memory_space<vmem>>, vector<16xf32>,
      %reshape3A_1320 = vector.shape_cast %get3A_510 : vector<16xi32> to vector<16x1xi32>
      %gather3A_1321 = vector.shape_cast %reshape3A_1320 : vector<16x1xi32> to vector<16xi32>
      %gather3A_1322 = tpu.dynamic_gather %gather3A_254[%gather3A_1321] in [0] : vector<16xf32>, vector<16xi32> -> vector<16xf32>
      %mul3A_1323 = arith.constant 128 : i32
      %mul3A_1324 = arith.muli %add3A_471, %mul3A_1323 : i32
      %add3A_1325 = arith.constant 96 : i32
      %add3A_1326 = arith.addi %mul3A_1324, %add3A_1325 : i32
      %swap3A_1327 = arith.constant 0 : i32
      %swap3A_1328 = arith.constant 7 : i32
      %swap3A_1329 = arith.index_cast %swap3A_1327 : i32 to index
      %swap3A_1330 = arith.index_cast %swap3A_1328 : i32 to index
      %swap3A_1331 = arith.index_cast %add3A_1326 : i32 to index
      %swap3A_1332 = tpu.vector_load %arg7[%swap3A_1329, %swap3A_1330, %swap3A_1331] {strides = array<i32>} : memref<1x8x4096xf32, #tpu.memory_space<vmem>>, vector<16xf32>,
      tpu.vector_store %arg7[%swap3A_1329, %swap3A_1330, %swap3A_1331], %gather3A_1322 {strides = array<i32>} : memref<1x8x4096xf32, #tpu.memory_space<vmem>>, vector<16xf32>,
      %reshape3A_1333 = vector.shape_cast %get3A_515 : vector<16xi32> to vector<16x1xi32>
      %gather3A_1334 = vector.shape_cast %reshape3A_1333 : vector<16x1xi32> to vector<16xi32>
      %gather3A_1335 = tpu.dynamic_gather %gather3A_254[%gather3A_1334] in [0] : vector<16xf32>, vector<16xi32> -> vector<16xf32>
      %mul3A_1336 = arith.constant 128 : i32
      %mul3A_1337 = arith.muli %add3A_471, %mul3A_1336 : i32
      %add3A_1338 = arith.constant 112 : i32
      %add3A_1339 = arith.addi %mul3A_1337, %add3A_1338 : i32
      %swap3A_1340 = arith.constant 0 : i32
      %swap3A_1341 = arith.constant 7 : i32
      %swap3A_1342 = arith.index_cast %swap3A_1340 : i32 to index
      %swap3A_1343 = arith.index_cast %swap3A_1341 : i32 to index
      %swap3A_1344 = arith.index_cast %add3A_1339 : i32 to index
      %swap3A_1345 = tpu.vector_load %arg7[%swap3A_1342, %swap3A_1343, %swap3A_1344] {strides = array<i32>} : memref<1x8x4096xf32, #tpu.memory_space<vmem>>, vector<16xf32>,
      tpu.vector_store %arg7[%swap3A_1342, %swap3A_1343, %swap3A_1344], %gather3A_1335 {strides = array<i32>} : memref<1x8x4096xf32, #tpu.memory_space<vmem>>, vector<16xf32>,
    }
    %scan3A_258 = arith.constant 32 : i32
    %mul3A_259 = arith.constant 8 : i32
    %mul3A_260 = arith.muli %select_n3A_138, %mul3A_259 : i32
    %mul3A_261 = arith.constant 4096 : i32
    %mul3A_262 = arith.muli %rem3A_140, %mul3A_261 : i32
    %dma_start3A_263 = tpu.memref_slice %arg4[%select_n3A_112, %mul3A_260, %mul3A_262] : memref<26x64x16384xf32, #tpu.memory_space<hbm>> -> memref<1x8x4096xf32, #tpu.memory_space<hbm>>
    %dma_start3A_264 = tpu.memref_slice %arg4[%select_n3A_112, %mul3A_260, %mul3A_262] : memref<26x64x16384xf32, #tpu.memory_space<hbm>> -> memref<1x8x4096xf32, #tpu.memory_space<hbm>>
    tpu.enqueue_dma source(%arg7 : memref<1x8x4096xf32, #tpu.memory_space<vmem>>) target(%dma_start3A_264 : memref<1x8x4096xf32, #tpu.memory_space<hbm>>) target_semaphore(%arg9 : memref<!tpu.dma_semaphore, #tpu.memory_space<semaphore_mem>>)
    %add3A_265 = arith.constant 1 : i32
    %add3A_266 = arith.addi %mul3A_2, %add3A_265 : i32
    %jit3A_267 = arith.constant 32 : i32
    %div3A_268 = arith.divsi %add3A_266, %jit3A_267 : i32
    %sign3A_269 = arith.constant 0 : i32
    %sign3A_270 = arith.cmpi sgt, %add3A_266, %sign3A_269 : i32
    %sign3A_271 = arith.extui %sign3A_270 : i1 to i32
    %sign3A_272 = arith.constant 0 : i32
    %sign3A_273 = arith.cmpi slt, %add3A_266, %sign3A_272 : i32
    %sign3A_274 = arith.extui %sign3A_273 : i1 to i32
    %sign3A_275 = arith.subi %sign3A_271, %sign3A_274 : i32
    %sign3A_276 = arith.constant 0 : i32
    %sign3A_277 = arith.cmpi sgt, %jit3A_267, %sign3A_276 : i32
    %sign3A_278 = arith.extui %sign3A_277 : i1 to i32
    %sign3A_279 = arith.constant 0 : i32
    %sign3A_280 = arith.cmpi slt, %jit3A_267, %sign3A_279 : i32
    %sign3A_281 = arith.extui %sign3A_280 : i1 to i32
    %sign3A_282 = arith.subi %sign3A_278, %sign3A_281 : i32
    %ne3A_283 = arith.cmpi ne, %sign3A_275, %sign3A_282 : i32
    %rem3A_284 = arith.remsi %add3A_266, %jit3A_267 : i32
    %ne3A_285 = arith.constant 0 : i32
    %ne3A_286 = arith.cmpi ne, %rem3A_284, %ne3A_285 : i32
    %and3A_287 = arith.andi %ne3A_283, %ne3A_286 : i1
    %sub3A_288 = arith.constant 1 : i32
    %sub3A_289 = arith.subi %div3A_268, %sub3A_288 : i32
    %select_n3A_290 = arith.select %and3A_287, %sub3A_289, %div3A_268 : i32
    %rem3A_291 = arith.constant 32 : i32
    %rem3A_292 = arith.remsi %add3A_266, %rem3A_291 : i32
    %jit3A_293 = arith.constant 4 : i32
    %div3A_294 = arith.divsi %rem3A_292, %jit3A_293 : i32
    %sign3A_295 = arith.constant 0 : i32
    %sign3A_296 = arith.cmpi sgt, %rem3A_292, %sign3A_295 : i32
    %sign3A_297 = arith.extui %sign3A_296 : i1 to i32
    %sign3A_298 = arith.constant 0 : i32
    %sign3A_299 = arith.cmpi slt, %rem3A_292, %sign3A_298 : i32
    %sign3A_300 = arith.extui %sign3A_299 : i1 to i32
    %sign3A_301 = arith.subi %sign3A_297, %sign3A_300 : i32
    %sign3A_302 = arith.constant 0 : i32
    %sign3A_303 = arith.cmpi sgt, %jit3A_293, %sign3A_302 : i32
    %sign3A_304 = arith.extui %sign3A_303 : i1 to i32
    %sign3A_305 = arith.constant 0 : i32
    %sign3A_306 = arith.cmpi slt, %jit3A_293, %sign3A_305 : i32
    %sign3A_307 = arith.extui %sign3A_306 : i1 to i32
    %sign3A_308 = arith.subi %sign3A_304, %sign3A_307 : i32
    %ne3A_309 = arith.cmpi ne, %sign3A_301, %sign3A_308 : i32
    %rem3A_310 = arith.remsi %rem3A_292, %jit3A_293 : i32
    %ne3A_311 = arith.constant 0 : i32
    %ne3A_312 = arith.cmpi ne, %rem3A_310, %ne3A_311 : i32
    %and3A_313 = arith.andi %ne3A_309, %ne3A_312 : i1
    %sub3A_314 = arith.constant 1 : i32
    %sub3A_315 = arith.subi %div3A_294, %sub3A_314 : i32
    %select_n3A_316 = arith.select %and3A_313, %sub3A_315, %div3A_294 : i32
    %rem3A_317 = arith.constant 4 : i32
    %rem3A_318 = arith.remsi %rem3A_292, %rem3A_317 : i32
    %eq3A_319 = arith.cmpi eq, %select_n3A_290, %select_n3A : i32
    %jit3A_320 = arith.constant 0 : i32
    %jit3A_321 = arith.constant 1 : i32
    %select_n3A_322 = arith.select %eq3A_319, %jit3A_320, %jit3A_321 : i32
    %mul3A_323 = arith.constant 640 : i32
    %mul3A_324 = arith.muli %select_n3A_290, %mul3A_323 : i32
    %mul3A_325 = arith.constant 64 : i32
    %mul3A_326 = vector.broadcast %mul3A_325 : i32 to vector<16xi32>
    %mul3A_327 = arith.muli %min3A_86, %mul3A_326 : vector<16xi32>
    %add3A_328 = vector.broadcast %mul3A_324 : i32 to vector<16xi32>
    %add3A_329 = arith.addi %add3A_328, %mul3A_327 : vector<16xi32>
    %mul3A_330 = arith.constant 8 : i32
    %mul3A_331 = arith.muli %select_n3A_316, %mul3A_330 : i32
    %add3A_332 = arith.constant 0 : i32
    %add3A_333 = arith.addi %mul3A_331, %add3A_332 : i32
    %add3A_334 = vector.broadcast %add3A_333 : i32 to vector<16xi32>
    %add3A_335 = arith.addi %add3A_329, %add3A_334 : vector<16xi32>
    %gather3A_336 = tpu.vector_load_idx %arg5[%add3A_335] : memref<16640xf32, #tpu.memory_space<vmem>>[vector<16xi32>], vector<16xf32>,
    %mul3A_337 = arith.constant 640 : i32
    %mul3A_338 = arith.muli %select_n3A_290, %mul3A_337 : i32
    %mul3A_339 = arith.constant 64 : i32
    %mul3A_340 = vector.broadcast %mul3A_339 : i32 to vector<16xi32>
    %mul3A_341 = arith.muli %min3A_86, %mul3A_340 : vector<16xi32>
    %add3A_342 = vector.broadcast %mul3A_338 : i32 to vector<16xi32>
    %add3A_343 = arith.addi %add3A_342, %mul3A_341 : vector<16xi32>
    %mul3A_344 = arith.constant 8 : i32
    %mul3A_345 = arith.muli %select_n3A_316, %mul3A_344 : i32
    %add3A_346 = arith.constant 1 : i32
    %add3A_347 = arith.addi %mul3A_345, %add3A_346 : i32
    %add3A_348 = vector.broadcast %add3A_347 : i32 to vector<16xi32>
    %add3A_349 = arith.addi %add3A_343, %add3A_348 : vector<16xi32>
    %gather3A_350 = tpu.vector_load_idx %arg5[%add3A_349] : memref<16640xf32, #tpu.memory_space<vmem>>[vector<16xi32>], vector<16xf32>,
    %mul3A_351 = arith.constant 640 : i32
    %mul3A_352 = arith.muli %select_n3A_290, %mul3A_351 : i32
    %mul3A_353 = arith.constant 64 : i32
    %mul3A_354 = vector.broadcast %mul3A_353 : i32 to vector<16xi32>
    %mul3A_355 = arith.muli %min3A_86, %mul3A_354 : vector<16xi32>
    %add3A_356 = vector.broadcast %mul3A_352 : i32 to vector<16xi32>
    %add3A_357 = arith.addi %add3A_356, %mul3A_355 : vector<16xi32>
    %mul3A_358 = arith.constant 8 : i32
    %mul3A_359 = arith.muli %select_n3A_316, %mul3A_358 : i32
    %add3A_360 = arith.constant 2 : i32
    %add3A_361 = arith.addi %mul3A_359, %add3A_360 : i32
    %add3A_362 = vector.broadcast %add3A_361 : i32 to vector<16xi32>
    %add3A_363 = arith.addi %add3A_357, %add3A_362 : vector<16xi32>
    %gather3A_364 = tpu.vector_load_idx %arg5[%add3A_363] : memref<16640xf32, #tpu.memory_space<vmem>>[vector<16xi32>], vector<16xf32>,
    %mul3A_365 = arith.constant 640 : i32
    %mul3A_366 = arith.muli %select_n3A_290, %mul3A_365 : i32
    %mul3A_367 = arith.constant 64 : i32
    %mul3A_368 = vector.broadcast %mul3A_367 : i32 to vector<16xi32>
    %mul3A_369 = arith.muli %min3A_86, %mul3A_368 : vector<16xi32>
    %add3A_370 = vector.broadcast %mul3A_366 : i32 to vector<16xi32>
    %add3A_371 = arith.addi %add3A_370, %mul3A_369 : vector<16xi32>
    %mul3A_372 = arith.constant 8 : i32
    %mul3A_373 = arith.muli %select_n3A_316, %mul3A_372 : i32
    %add3A_374 = arith.constant 3 : i32
    %add3A_375 = arith.addi %mul3A_373, %add3A_374 : i32
    %add3A_376 = vector.broadcast %add3A_375 : i32 to vector<16xi32>
    %add3A_377 = arith.addi %add3A_371, %add3A_376 : vector<16xi32>
    %gather3A_378 = tpu.vector_load_idx %arg5[%add3A_377] : memref<16640xf32, #tpu.memory_space<vmem>>[vector<16xi32>], vector<16xf32>,
    %mul3A_379 = arith.constant 640 : i32
    %mul3A_380 = arith.muli %select_n3A_290, %mul3A_379 : i32
    %mul3A_381 = arith.constant 64 : i32
    %mul3A_382 = vector.broadcast %mul3A_381 : i32 to vector<16xi32>
    %mul3A_383 = arith.muli %min3A_86, %mul3A_382 : vector<16xi32>
    %add3A_384 = vector.broadcast %mul3A_380 : i32 to vector<16xi32>
    %add3A_385 = arith.addi %add3A_384, %mul3A_383 : vector<16xi32>
    %mul3A_386 = arith.constant 8 : i32
    %mul3A_387 = arith.muli %select_n3A_316, %mul3A_386 : i32
    %add3A_388 = arith.constant 4 : i32
    %add3A_389 = arith.addi %mul3A_387, %add3A_388 : i32
    %add3A_390 = vector.broadcast %add3A_389 : i32 to vector<16xi32>
    %add3A_391 = arith.addi %add3A_385, %add3A_390 : vector<16xi32>
    %gather3A_392 = tpu.vector_load_idx %arg5[%add3A_391] : memref<16640xf32, #tpu.memory_space<vmem>>[vector<16xi32>], vector<16xf32>,
    %mul3A_393 = arith.constant 640 : i32
    %mul3A_394 = arith.muli %select_n3A_290, %mul3A_393 : i32
    %mul3A_395 = arith.constant 64 : i32
    %mul3A_396 = vector.broadcast %mul3A_395 : i32 to vector<16xi32>
    %mul3A_397 = arith.muli %min3A_86, %mul3A_396 : vector<16xi32>
    %add3A_398 = vector.broadcast %mul3A_394 : i32 to vector<16xi32>
    %add3A_399 = arith.addi %add3A_398, %mul3A_397 : vector<16xi32>
    %mul3A_400 = arith.constant 8 : i32
    %mul3A_401 = arith.muli %select_n3A_316, %mul3A_400 : i32
    %add3A_402 = arith.constant 5 : i32
    %add3A_403 = arith.addi %mul3A_401, %add3A_402 : i32
    %add3A_404 = vector.broadcast %add3A_403 : i32 to vector<16xi32>
    %add3A_405 = arith.addi %add3A_399, %add3A_404 : vector<16xi32>
    %gather3A_406 = tpu.vector_load_idx %arg5[%add3A_405] : memref<16640xf32, #tpu.memory_space<vmem>>[vector<16xi32>], vector<16xf32>,
    %mul3A_407 = arith.constant 640 : i32
    %mul3A_408 = arith.muli %select_n3A_290, %mul3A_407 : i32
    %mul3A_409 = arith.constant 64 : i32
    %mul3A_410 = vector.broadcast %mul3A_409 : i32 to vector<16xi32>
    %mul3A_411 = arith.muli %min3A_86, %mul3A_410 : vector<16xi32>
    %add3A_412 = vector.broadcast %mul3A_408 : i32 to vector<16xi32>
    %add3A_413 = arith.addi %add3A_412, %mul3A_411 : vector<16xi32>
    %mul3A_414 = arith.constant 8 : i32
    %mul3A_415 = arith.muli %select_n3A_316, %mul3A_414 : i32
    %add3A_416 = arith.constant 6 : i32
    %add3A_417 = arith.addi %mul3A_415, %add3A_416 : i32
    %add3A_418 = vector.broadcast %add3A_417 : i32 to vector<16xi32>
    %add3A_419 = arith.addi %add3A_413, %add3A_418 : vector<16xi32>
    %gather3A_420 = tpu.vector_load_idx %arg5[%add3A_419] : memref<16640xf32, #tpu.memory_space<vmem>>[vector<16xi32>], vector<16xf32>,
    %mul3A_421 = arith.constant 640 : i32
    %mul3A_422 = arith.muli %select_n3A_290, %mul3A_421 : i32
    %mul3A_423 = arith.constant 64 : i32
    %mul3A_424 = vector.broadcast %mul3A_423 : i32 to vector<16xi32>
    %mul3A_425 = arith.muli %min3A_86, %mul3A_424 : vector<16xi32>
    %add3A_426 = vector.broadcast %mul3A_422 : i32 to vector<16xi32>
    %add3A_427 = arith.addi %add3A_426, %mul3A_425 : vector<16xi32>
    %mul3A_428 = arith.constant 8 : i32
    %mul3A_429 = arith.muli %select_n3A_316, %mul3A_428 : i32
    %add3A_430 = arith.constant 7 : i32
    %add3A_431 = arith.addi %mul3A_429, %add3A_430 : i32
    %add3A_432 = vector.broadcast %add3A_431 : i32 to vector<16xi32>
    %add3A_433 = arith.addi %add3A_427, %add3A_432 : vector<16xi32>
    %gather3A_434 = tpu.vector_load_idx %arg5[%add3A_433] : memref<16640xf32, #tpu.memory_space<vmem>>[vector<16xi32>], vector<16xf32>,
    %scan3A_435 = arith.constant 0 : i32
    %scan3A_436 = arith.constant 32 : i32
    %scan3A_437 = arith.addi %scan3A_435, %scan3A_436 : i32
    %scan3A_438 = arith.constant 1 : i32
    scf.for %scan3A_467 = %scan3A_435 to %scan3A_437 step %scan3A_438  : i32 {
      %mul3A_468 = arith.constant 1 : i32
      %mul3A_469 = arith.muli %scan3A_467, %mul3A_468 : i32
      %add3A_470 = arith.constant 0 : i32
      %add3A_471 = arith.addi %add3A_470, %mul3A_469 : i32
      %mul3A_472 = arith.constant 4096 : i32
      %mul3A_473 = arith.muli %rem3A_318, %mul3A_472 : i32
      %mul3A_474 = arith.constant 128 : i32
      %mul3A_475 = arith.muli %add3A_471, %mul3A_474 : i32
      %add3A_476 = arith.addi %mul3A_473, %mul3A_475 : i32
      %add3A_477 = arith.constant 0 : i32
      %add3A_478 = arith.addi %add3A_476, %add3A_477 : i32
      %get3A = arith.index_cast %select_n3A_322 : i32 to index
      %get3A_479 = arith.index_cast %add3A_478 : i32 to index
      %get3A_480 = tpu.vector_load %arg6[%get3A, %get3A_479] {strides = array<i32>} : memref<2x16384xi32, #tpu.memory_space<vmem>>, vector<16xi32>,
      %add3A_481 = arith.constant 16 : i32
      %add3A_482 = arith.addi %add3A_476, %add3A_481 : i32
      %get3A_483 = arith.index_cast %select_n3A_322 : i32 to index
      %get3A_484 = arith.index_cast %add3A_482 : i32 to index
      %get3A_485 = tpu.vector_load %arg6[%get3A_483, %get3A_484] {strides = array<i32>} : memref<2x16384xi32, #tpu.memory_space<vmem>>, vector<16xi32>,
      %add3A_486 = arith.constant 32 : i32
      %add3A_487 = arith.addi %add3A_476, %add3A_486 : i32
      %get3A_488 = arith.index_cast %select_n3A_322 : i32 to index
      %get3A_489 = arith.index_cast %add3A_487 : i32 to index
      %get3A_490 = tpu.vector_load %arg6[%get3A_488, %get3A_489] {strides = array<i32>} : memref<2x16384xi32, #tpu.memory_space<vmem>>, vector<16xi32>,
      %add3A_491 = arith.constant 48 : i32
      %add3A_492 = arith.addi %add3A_476, %add3A_491 : i32
      %get3A_493 = arith.index_cast %select_n3A_322 : i32 to index
      %get3A_494 = arith.index_cast %add3A_492 : i32 to index
      %get3A_495 = tpu.vector_load %arg6[%get3A_493, %get3A_494] {strides = array<i32>} : memref<2x16384xi32, #tpu.memory_space<vmem>>, vector<16xi32>,
      %add3A_496 = arith.constant 64 : i32
      %add3A_497 = arith.addi %add3A_476, %add3A_496 : i32
      %get3A_498 = arith.index_cast %select_n3A_322 : i32 to index
      %get3A_499 = arith.index_cast %add3A_497 : i32 to index
      %get3A_500 = tpu.vector_load %arg6[%get3A_498, %get3A_499] {strides = array<i32>} : memref<2x16384xi32, #tpu.memory_space<vmem>>, vector<16xi32>,
      %add3A_501 = arith.constant 80 : i32
      %add3A_502 = arith.addi %add3A_476, %add3A_501 : i32
      %get3A_503 = arith.index_cast %select_n3A_322 : i32 to index
      %get3A_504 = arith.index_cast %add3A_502 : i32 to index
      %get3A_505 = tpu.vector_load %arg6[%get3A_503, %get3A_504] {strides = array<i32>} : memref<2x16384xi32, #tpu.memory_space<vmem>>, vector<16xi32>,
      %add3A_506 = arith.constant 96 : i32
      %add3A_507 = arith.addi %add3A_476, %add3A_506 : i32
      %get3A_508 = arith.index_cast %select_n3A_322 : i32 to index
      %get3A_509 = arith.index_cast %add3A_507 : i32 to index
      %get3A_510 = tpu.vector_load %arg6[%get3A_508, %get3A_509] {strides = array<i32>} : memref<2x16384xi32, #tpu.memory_space<vmem>>, vector<16xi32>,
      %add3A_511 = arith.constant 112 : i32
      %add3A_512 = arith.addi %add3A_476, %add3A_511 : i32
      %get3A_513 = arith.index_cast %select_n3A_322 : i32 to index
      %get3A_514 = arith.index_cast %add3A_512 : i32 to index
      %get3A_515 = tpu.vector_load %arg6[%get3A_513, %get3A_514] {strides = array<i32>} : memref<2x16384xi32, #tpu.memory_space<vmem>>, vector<16xi32>,
      %reshape3A = vector.shape_cast %get3A_480 : vector<16xi32> to vector<16x1xi32>
      %gather3A_516 = vector.shape_cast %reshape3A : vector<16x1xi32> to vector<16xi32>
      %gather3A_517 = tpu.dynamic_gather %gather3A_336[%gather3A_516] in [0] : vector<16xf32>, vector<16xi32> -> vector<16xf32>
      %mul3A_518 = arith.constant 128 : i32
      %mul3A_519 = arith.muli %add3A_471, %mul3A_518 : i32
      %add3A_520 = arith.constant 0 : i32
      %add3A_521 = arith.addi %mul3A_519, %add3A_520 : i32
      %swap3A = arith.constant 0 : i32
      %swap3A_522 = arith.constant 0 : i32
      %swap3A_523 = arith.index_cast %swap3A : i32 to index
      %swap3A_524 = arith.index_cast %swap3A_522 : i32 to index
      %swap3A_525 = arith.index_cast %add3A_521 : i32 to index
      %swap3A_526 = tpu.vector_load %arg8[%swap3A_523, %swap3A_524, %swap3A_525] {strides = array<i32>} : memref<1x8x4096xf32, #tpu.memory_space<vmem>>, vector<16xf32>,
      tpu.vector_store %arg8[%swap3A_523, %swap3A_524, %swap3A_525], %gather3A_517 {strides = array<i32>} : memref<1x8x4096xf32, #tpu.memory_space<vmem>>, vector<16xf32>,
      %reshape3A_527 = vector.shape_cast %get3A_485 : vector<16xi32> to vector<16x1xi32>
      %gather3A_528 = vector.shape_cast %reshape3A_527 : vector<16x1xi32> to vector<16xi32>
      %gather3A_529 = tpu.dynamic_gather %gather3A_336[%gather3A_528] in [0] : vector<16xf32>, vector<16xi32> -> vector<16xf32>
      %mul3A_530 = arith.constant 128 : i32
      %mul3A_531 = arith.muli %add3A_471, %mul3A_530 : i32
      %add3A_532 = arith.constant 16 : i32
      %add3A_533 = arith.addi %mul3A_531, %add3A_532 : i32
      %swap3A_534 = arith.constant 0 : i32
      %swap3A_535 = arith.constant 0 : i32
      %swap3A_536 = arith.index_cast %swap3A_534 : i32 to index
      %swap3A_537 = arith.index_cast %swap3A_535 : i32 to index
      %swap3A_538 = arith.index_cast %add3A_533 : i32 to index
      %swap3A_539 = tpu.vector_load %arg8[%swap3A_536, %swap3A_537, %swap3A_538] {strides = array<i32>} : memref<1x8x4096xf32, #tpu.memory_space<vmem>>, vector<16xf32>,
      tpu.vector_store %arg8[%swap3A_536, %swap3A_537, %swap3A_538], %gather3A_529 {strides = array<i32>} : memref<1x8x4096xf32, #tpu.memory_space<vmem>>, vector<16xf32>,
      %reshape3A_540 = vector.shape_cast %get3A_490 : vector<16xi32> to vector<16x1xi32>
      %gather3A_541 = vector.shape_cast %reshape3A_540 : vector<16x1xi32> to vector<16xi32>
      %gather3A_542 = tpu.dynamic_gather %gather3A_336[%gather3A_541] in [0] : vector<16xf32>, vector<16xi32> -> vector<16xf32>
      %mul3A_543 = arith.constant 128 : i32
      %mul3A_544 = arith.muli %add3A_471, %mul3A_543 : i32
      %add3A_545 = arith.constant 32 : i32
      %add3A_546 = arith.addi %mul3A_544, %add3A_545 : i32
      %swap3A_547 = arith.constant 0 : i32
      %swap3A_548 = arith.constant 0 : i32
      %swap3A_549 = arith.index_cast %swap3A_547 : i32 to index
      %swap3A_550 = arith.index_cast %swap3A_548 : i32 to index
      %swap3A_551 = arith.index_cast %add3A_546 : i32 to index
      %swap3A_552 = tpu.vector_load %arg8[%swap3A_549, %swap3A_550, %swap3A_551] {strides = array<i32>} : memref<1x8x4096xf32, #tpu.memory_space<vmem>>, vector<16xf32>,
      tpu.vector_store %arg8[%swap3A_549, %swap3A_550, %swap3A_551], %gather3A_542 {strides = array<i32>} : memref<1x8x4096xf32, #tpu.memory_space<vmem>>, vector<16xf32>,
      %reshape3A_553 = vector.shape_cast %get3A_495 : vector<16xi32> to vector<16x1xi32>
      %gather3A_554 = vector.shape_cast %reshape3A_553 : vector<16x1xi32> to vector<16xi32>
      %gather3A_555 = tpu.dynamic_gather %gather3A_336[%gather3A_554] in [0] : vector<16xf32>, vector<16xi32> -> vector<16xf32>
      %mul3A_556 = arith.constant 128 : i32
      %mul3A_557 = arith.muli %add3A_471, %mul3A_556 : i32
      %add3A_558 = arith.constant 48 : i32
      %add3A_559 = arith.addi %mul3A_557, %add3A_558 : i32
      %swap3A_560 = arith.constant 0 : i32
      %swap3A_561 = arith.constant 0 : i32
      %swap3A_562 = arith.index_cast %swap3A_560 : i32 to index
      %swap3A_563 = arith.index_cast %swap3A_561 : i32 to index
      %swap3A_564 = arith.index_cast %add3A_559 : i32 to index
      %swap3A_565 = tpu.vector_load %arg8[%swap3A_562, %swap3A_563, %swap3A_564] {strides = array<i32>} : memref<1x8x4096xf32, #tpu.memory_space<vmem>>, vector<16xf32>,
      tpu.vector_store %arg8[%swap3A_562, %swap3A_563, %swap3A_564], %gather3A_555 {strides = array<i32>} : memref<1x8x4096xf32, #tpu.memory_space<vmem>>, vector<16xf32>,
      %reshape3A_566 = vector.shape_cast %get3A_500 : vector<16xi32> to vector<16x1xi32>
      %gather3A_567 = vector.shape_cast %reshape3A_566 : vector<16x1xi32> to vector<16xi32>
      %gather3A_568 = tpu.dynamic_gather %gather3A_336[%gather3A_567] in [0] : vector<16xf32>, vector<16xi32> -> vector<16xf32>
      %mul3A_569 = arith.constant 128 : i32
      %mul3A_570 = arith.muli %add3A_471, %mul3A_569 : i32
      %add3A_571 = arith.constant 64 : i32
      %add3A_572 = arith.addi %mul3A_570, %add3A_571 : i32
      %swap3A_573 = arith.constant 0 : i32
      %swap3A_574 = arith.constant 0 : i32
      %swap3A_575 = arith.index_cast %swap3A_573 : i32 to index
      %swap3A_576 = arith.index_cast %swap3A_574 : i32 to index
      %swap3A_577 = arith.index_cast %add3A_572 : i32 to index
      %swap3A_578 = tpu.vector_load %arg8[%swap3A_575, %swap3A_576, %swap3A_577] {strides = array<i32>} : memref<1x8x4096xf32, #tpu.memory_space<vmem>>, vector<16xf32>,
      tpu.vector_store %arg8[%swap3A_575, %swap3A_576, %swap3A_577], %gather3A_568 {strides = array<i32>} : memref<1x8x4096xf32, #tpu.memory_space<vmem>>, vector<16xf32>,
      %reshape3A_579 = vector.shape_cast %get3A_505 : vector<16xi32> to vector<16x1xi32>
      %gather3A_580 = vector.shape_cast %reshape3A_579 : vector<16x1xi32> to vector<16xi32>
      %gather3A_581 = tpu.dynamic_gather %gather3A_336[%gather3A_580] in [0] : vector<16xf32>, vector<16xi32> -> vector<16xf32>
      %mul3A_582 = arith.constant 128 : i32
      %mul3A_583 = arith.muli %add3A_471, %mul3A_582 : i32
      %add3A_584 = arith.constant 80 : i32
      %add3A_585 = arith.addi %mul3A_583, %add3A_584 : i32
      %swap3A_586 = arith.constant 0 : i32
      %swap3A_587 = arith.constant 0 : i32
      %swap3A_588 = arith.index_cast %swap3A_586 : i32 to index
      %swap3A_589 = arith.index_cast %swap3A_587 : i32 to index
      %swap3A_590 = arith.index_cast %add3A_585 : i32 to index
      %swap3A_591 = tpu.vector_load %arg8[%swap3A_588, %swap3A_589, %swap3A_590] {strides = array<i32>} : memref<1x8x4096xf32, #tpu.memory_space<vmem>>, vector<16xf32>,
      tpu.vector_store %arg8[%swap3A_588, %swap3A_589, %swap3A_590], %gather3A_581 {strides = array<i32>} : memref<1x8x4096xf32, #tpu.memory_space<vmem>>, vector<16xf32>,
      %reshape3A_592 = vector.shape_cast %get3A_510 : vector<16xi32> to vector<16x1xi32>
      %gather3A_593 = vector.shape_cast %reshape3A_592 : vector<16x1xi32> to vector<16xi32>
      %gather3A_594 = tpu.dynamic_gather %gather3A_336[%gather3A_593] in [0] : vector<16xf32>, vector<16xi32> -> vector<16xf32>
      %mul3A_595 = arith.constant 128 : i32
      %mul3A_596 = arith.muli %add3A_471, %mul3A_595 : i32
      %add3A_597 = arith.constant 96 : i32
      %add3A_598 = arith.addi %mul3A_596, %add3A_597 : i32
      %swap3A_599 = arith.constant 0 : i32
      %swap3A_600 = arith.constant 0 : i32
      %swap3A_601 = arith.index_cast %swap3A_599 : i32 to index
      %swap3A_602 = arith.index_cast %swap3A_600 : i32 to index
      %swap3A_603 = arith.index_cast %add3A_598 : i32 to index
      %swap3A_604 = tpu.vector_load %arg8[%swap3A_601, %swap3A_602, %swap3A_603] {strides = array<i32>} : memref<1x8x4096xf32, #tpu.memory_space<vmem>>, vector<16xf32>,
      tpu.vector_store %arg8[%swap3A_601, %swap3A_602, %swap3A_603], %gather3A_594 {strides = array<i32>} : memref<1x8x4096xf32, #tpu.memory_space<vmem>>, vector<16xf32>,
      %reshape3A_605 = vector.shape_cast %get3A_515 : vector<16xi32> to vector<16x1xi32>
      %gather3A_606 = vector.shape_cast %reshape3A_605 : vector<16x1xi32> to vector<16xi32>
      %gather3A_607 = tpu.dynamic_gather %gather3A_336[%gather3A_606] in [0] : vector<16xf32>, vector<16xi32> -> vector<16xf32>
      %mul3A_608 = arith.constant 128 : i32
      %mul3A_609 = arith.muli %add3A_471, %mul3A_608 : i32
      %add3A_610 = arith.constant 112 : i32
      %add3A_611 = arith.addi %mul3A_609, %add3A_610 : i32
      %swap3A_612 = arith.constant 0 : i32
      %swap3A_613 = arith.constant 0 : i32
      %swap3A_614 = arith.index_cast %swap3A_612 : i32 to index
      %swap3A_615 = arith.index_cast %swap3A_613 : i32 to index
      %swap3A_616 = arith.index_cast %add3A_611 : i32 to index
      %swap3A_617 = tpu.vector_load %arg8[%swap3A_614, %swap3A_615, %swap3A_616] {strides = array<i32>} : memref<1x8x4096xf32, #tpu.memory_space<vmem>>, vector<16xf32>,
      tpu.vector_store %arg8[%swap3A_614, %swap3A_615, %swap3A_616], %gather3A_607 {strides = array<i32>} : memref<1x8x4096xf32, #tpu.memory_space<vmem>>, vector<16xf32>,
      %reshape3A_618 = vector.shape_cast %get3A_480 : vector<16xi32> to vector<16x1xi32>
      %gather3A_619 = vector.shape_cast %reshape3A_618 : vector<16x1xi32> to vector<16xi32>
      %gather3A_620 = tpu.dynamic_gather %gather3A_350[%gather3A_619] in [0] : vector<16xf32>, vector<16xi32> -> vector<16xf32>
      %mul3A_621 = arith.constant 128 : i32
      %mul3A_622 = arith.muli %add3A_471, %mul3A_621 : i32
      %add3A_623 = arith.constant 0 : i32
      %add3A_624 = arith.addi %mul3A_622, %add3A_623 : i32
      %swap3A_625 = arith.constant 0 : i32
      %swap3A_626 = arith.constant 1 : i32
      %swap3A_627 = arith.index_cast %swap3A_625 : i32 to index
      %swap3A_628 = arith.index_cast %swap3A_626 : i32 to index
      %swap3A_629 = arith.index_cast %add3A_624 : i32 to index
      %swap3A_630 = tpu.vector_load %arg8[%swap3A_627, %swap3A_628, %swap3A_629] {strides = array<i32>} : memref<1x8x4096xf32, #tpu.memory_space<vmem>>, vector<16xf32>,
      tpu.vector_store %arg8[%swap3A_627, %swap3A_628, %swap3A_629], %gather3A_620 {strides = array<i32>} : memref<1x8x4096xf32, #tpu.memory_space<vmem>>, vector<16xf32>,
      %reshape3A_631 = vector.shape_cast %get3A_485 : vector<16xi32> to vector<16x1xi32>
      %gather3A_632 = vector.shape_cast %reshape3A_631 : vector<16x1xi32> to vector<16xi32>
      %gather3A_633 = tpu.dynamic_gather %gather3A_350[%gather3A_632] in [0] : vector<16xf32>, vector<16xi32> -> vector<16xf32>
      %mul3A_634 = arith.constant 128 : i32
      %mul3A_635 = arith.muli %add3A_471, %mul3A_634 : i32
      %add3A_636 = arith.constant 16 : i32
      %add3A_637 = arith.addi %mul3A_635, %add3A_636 : i32
      %swap3A_638 = arith.constant 0 : i32
      %swap3A_639 = arith.constant 1 : i32
      %swap3A_640 = arith.index_cast %swap3A_638 : i32 to index
      %swap3A_641 = arith.index_cast %swap3A_639 : i32 to index
      %swap3A_642 = arith.index_cast %add3A_637 : i32 to index
      %swap3A_643 = tpu.vector_load %arg8[%swap3A_640, %swap3A_641, %swap3A_642] {strides = array<i32>} : memref<1x8x4096xf32, #tpu.memory_space<vmem>>, vector<16xf32>,
      tpu.vector_store %arg8[%swap3A_640, %swap3A_641, %swap3A_642], %gather3A_633 {strides = array<i32>} : memref<1x8x4096xf32, #tpu.memory_space<vmem>>, vector<16xf32>,
      %reshape3A_644 = vector.shape_cast %get3A_490 : vector<16xi32> to vector<16x1xi32>
      %gather3A_645 = vector.shape_cast %reshape3A_644 : vector<16x1xi32> to vector<16xi32>
      %gather3A_646 = tpu.dynamic_gather %gather3A_350[%gather3A_645] in [0] : vector<16xf32>, vector<16xi32> -> vector<16xf32>
      %mul3A_647 = arith.constant 128 : i32
      %mul3A_648 = arith.muli %add3A_471, %mul3A_647 : i32
      %add3A_649 = arith.constant 32 : i32
      %add3A_650 = arith.addi %mul3A_648, %add3A_649 : i32
      %swap3A_651 = arith.constant 0 : i32
      %swap3A_652 = arith.constant 1 : i32
      %swap3A_653 = arith.index_cast %swap3A_651 : i32 to index
      %swap3A_654 = arith.index_cast %swap3A_652 : i32 to index
      %swap3A_655 = arith.index_cast %add3A_650 : i32 to index
      %swap3A_656 = tpu.vector_load %arg8[%swap3A_653, %swap3A_654, %swap3A_655] {strides = array<i32>} : memref<1x8x4096xf32, #tpu.memory_space<vmem>>, vector<16xf32>,
      tpu.vector_store %arg8[%swap3A_653, %swap3A_654, %swap3A_655], %gather3A_646 {strides = array<i32>} : memref<1x8x4096xf32, #tpu.memory_space<vmem>>, vector<16xf32>,
      %reshape3A_657 = vector.shape_cast %get3A_495 : vector<16xi32> to vector<16x1xi32>
      %gather3A_658 = vector.shape_cast %reshape3A_657 : vector<16x1xi32> to vector<16xi32>
      %gather3A_659 = tpu.dynamic_gather %gather3A_350[%gather3A_658] in [0] : vector<16xf32>, vector<16xi32> -> vector<16xf32>
      %mul3A_660 = arith.constant 128 : i32
      %mul3A_661 = arith.muli %add3A_471, %mul3A_660 : i32
      %add3A_662 = arith.constant 48 : i32
      %add3A_663 = arith.addi %mul3A_661, %add3A_662 : i32
      %swap3A_664 = arith.constant 0 : i32
      %swap3A_665 = arith.constant 1 : i32
      %swap3A_666 = arith.index_cast %swap3A_664 : i32 to index
      %swap3A_667 = arith.index_cast %swap3A_665 : i32 to index
      %swap3A_668 = arith.index_cast %add3A_663 : i32 to index
      %swap3A_669 = tpu.vector_load %arg8[%swap3A_666, %swap3A_667, %swap3A_668] {strides = array<i32>} : memref<1x8x4096xf32, #tpu.memory_space<vmem>>, vector<16xf32>,
      tpu.vector_store %arg8[%swap3A_666, %swap3A_667, %swap3A_668], %gather3A_659 {strides = array<i32>} : memref<1x8x4096xf32, #tpu.memory_space<vmem>>, vector<16xf32>,
      %reshape3A_670 = vector.shape_cast %get3A_500 : vector<16xi32> to vector<16x1xi32>
      %gather3A_671 = vector.shape_cast %reshape3A_670 : vector<16x1xi32> to vector<16xi32>
      %gather3A_672 = tpu.dynamic_gather %gather3A_350[%gather3A_671] in [0] : vector<16xf32>, vector<16xi32> -> vector<16xf32>
      %mul3A_673 = arith.constant 128 : i32
      %mul3A_674 = arith.muli %add3A_471, %mul3A_673 : i32
      %add3A_675 = arith.constant 64 : i32
      %add3A_676 = arith.addi %mul3A_674, %add3A_675 : i32
      %swap3A_677 = arith.constant 0 : i32
      %swap3A_678 = arith.constant 1 : i32
      %swap3A_679 = arith.index_cast %swap3A_677 : i32 to index
      %swap3A_680 = arith.index_cast %swap3A_678 : i32 to index
      %swap3A_681 = arith.index_cast %add3A_676 : i32 to index
      %swap3A_682 = tpu.vector_load %arg8[%swap3A_679, %swap3A_680, %swap3A_681] {strides = array<i32>} : memref<1x8x4096xf32, #tpu.memory_space<vmem>>, vector<16xf32>,
      tpu.vector_store %arg8[%swap3A_679, %swap3A_680, %swap3A_681], %gather3A_672 {strides = array<i32>} : memref<1x8x4096xf32, #tpu.memory_space<vmem>>, vector<16xf32>,
      %reshape3A_683 = vector.shape_cast %get3A_505 : vector<16xi32> to vector<16x1xi32>
      %gather3A_684 = vector.shape_cast %reshape3A_683 : vector<16x1xi32> to vector<16xi32>
      %gather3A_685 = tpu.dynamic_gather %gather3A_350[%gather3A_684] in [0] : vector<16xf32>, vector<16xi32> -> vector<16xf32>
      %mul3A_686 = arith.constant 128 : i32
      %mul3A_687 = arith.muli %add3A_471, %mul3A_686 : i32
      %add3A_688 = arith.constant 80 : i32
      %add3A_689 = arith.addi %mul3A_687, %add3A_688 : i32
      %swap3A_690 = arith.constant 0 : i32
      %swap3A_691 = arith.constant 1 : i32
      %swap3A_692 = arith.index_cast %swap3A_690 : i32 to index
      %swap3A_693 = arith.index_cast %swap3A_691 : i32 to index
      %swap3A_694 = arith.index_cast %add3A_689 : i32 to index
      %swap3A_695 = tpu.vector_load %arg8[%swap3A_692, %swap3A_693, %swap3A_694] {strides = array<i32>} : memref<1x8x4096xf32, #tpu.memory_space<vmem>>, vector<16xf32>,
      tpu.vector_store %arg8[%swap3A_692, %swap3A_693, %swap3A_694], %gather3A_685 {strides = array<i32>} : memref<1x8x4096xf32, #tpu.memory_space<vmem>>, vector<16xf32>,
      %reshape3A_696 = vector.shape_cast %get3A_510 : vector<16xi32> to vector<16x1xi32>
      %gather3A_697 = vector.shape_cast %reshape3A_696 : vector<16x1xi32> to vector<16xi32>
      %gather3A_698 = tpu.dynamic_gather %gather3A_350[%gather3A_697] in [0] : vector<16xf32>, vector<16xi32> -> vector<16xf32>
      %mul3A_699 = arith.constant 128 : i32
      %mul3A_700 = arith.muli %add3A_471, %mul3A_699 : i32
      %add3A_701 = arith.constant 96 : i32
      %add3A_702 = arith.addi %mul3A_700, %add3A_701 : i32
      %swap3A_703 = arith.constant 0 : i32
      %swap3A_704 = arith.constant 1 : i32
      %swap3A_705 = arith.index_cast %swap3A_703 : i32 to index
      %swap3A_706 = arith.index_cast %swap3A_704 : i32 to index
      %swap3A_707 = arith.index_cast %add3A_702 : i32 to index
      %swap3A_708 = tpu.vector_load %arg8[%swap3A_705, %swap3A_706, %swap3A_707] {strides = array<i32>} : memref<1x8x4096xf32, #tpu.memory_space<vmem>>, vector<16xf32>,
      tpu.vector_store %arg8[%swap3A_705, %swap3A_706, %swap3A_707], %gather3A_698 {strides = array<i32>} : memref<1x8x4096xf32, #tpu.memory_space<vmem>>, vector<16xf32>,
      %reshape3A_709 = vector.shape_cast %get3A_515 : vector<16xi32> to vector<16x1xi32>
      %gather3A_710 = vector.shape_cast %reshape3A_709 : vector<16x1xi32> to vector<16xi32>
      %gather3A_711 = tpu.dynamic_gather %gather3A_350[%gather3A_710] in [0] : vector<16xf32>, vector<16xi32> -> vector<16xf32>
      %mul3A_712 = arith.constant 128 : i32
      %mul3A_713 = arith.muli %add3A_471, %mul3A_712 : i32
      %add3A_714 = arith.constant 112 : i32
      %add3A_715 = arith.addi %mul3A_713, %add3A_714 : i32
      %swap3A_716 = arith.constant 0 : i32
      %swap3A_717 = arith.constant 1 : i32
      %swap3A_718 = arith.index_cast %swap3A_716 : i32 to index
      %swap3A_719 = arith.index_cast %swap3A_717 : i32 to index
      %swap3A_720 = arith.index_cast %add3A_715 : i32 to index
      %swap3A_721 = tpu.vector_load %arg8[%swap3A_718, %swap3A_719, %swap3A_720] {strides = array<i32>} : memref<1x8x4096xf32, #tpu.memory_space<vmem>>, vector<16xf32>,
      tpu.vector_store %arg8[%swap3A_718, %swap3A_719, %swap3A_720], %gather3A_711 {strides = array<i32>} : memref<1x8x4096xf32, #tpu.memory_space<vmem>>, vector<16xf32>,
      %reshape3A_722 = vector.shape_cast %get3A_480 : vector<16xi32> to vector<16x1xi32>
      %gather3A_723 = vector.shape_cast %reshape3A_722 : vector<16x1xi32> to vector<16xi32>
      %gather3A_724 = tpu.dynamic_gather %gather3A_364[%gather3A_723] in [0] : vector<16xf32>, vector<16xi32> -> vector<16xf32>
      %mul3A_725 = arith.constant 128 : i32
      %mul3A_726 = arith.muli %add3A_471, %mul3A_725 : i32
      %add3A_727 = arith.constant 0 : i32
      %add3A_728 = arith.addi %mul3A_726, %add3A_727 : i32
      %swap3A_729 = arith.constant 0 : i32
      %swap3A_730 = arith.constant 2 : i32
      %swap3A_731 = arith.index_cast %swap3A_729 : i32 to index
      %swap3A_732 = arith.index_cast %swap3A_730 : i32 to index
      %swap3A_733 = arith.index_cast %add3A_728 : i32 to index
      %swap3A_734 = tpu.vector_load %arg8[%swap3A_731, %swap3A_732, %swap3A_733] {strides = array<i32>} : memref<1x8x4096xf32, #tpu.memory_space<vmem>>, vector<16xf32>,
      tpu.vector_store %arg8[%swap3A_731, %swap3A_732, %swap3A_733], %gather3A_724 {strides = array<i32>} : memref<1x8x4096xf32, #tpu.memory_space<vmem>>, vector<16xf32>,
      %reshape3A_735 = vector.shape_cast %get3A_485 : vector<16xi32> to vector<16x1xi32>
      %gather3A_736 = vector.shape_cast %reshape3A_735 : vector<16x1xi32> to vector<16xi32>
      %gather3A_737 = tpu.dynamic_gather %gather3A_364[%gather3A_736] in [0] : vector<16xf32>, vector<16xi32> -> vector<16xf32>
      %mul3A_738 = arith.constant 128 : i32
      %mul3A_739 = arith.muli %add3A_471, %mul3A_738 : i32
      %add3A_740 = arith.constant 16 : i32
      %add3A_741 = arith.addi %mul3A_739, %add3A_740 : i32
      %swap3A_742 = arith.constant 0 : i32
      %swap3A_743 = arith.constant 2 : i32
      %swap3A_744 = arith.index_cast %swap3A_742 : i32 to index
      %swap3A_745 = arith.index_cast %swap3A_743 : i32 to index
      %swap3A_746 = arith.index_cast %add3A_741 : i32 to index
      %swap3A_747 = tpu.vector_load %arg8[%swap3A_744, %swap3A_745, %swap3A_746] {strides = array<i32>} : memref<1x8x4096xf32, #tpu.memory_space<vmem>>, vector<16xf32>,
      tpu.vector_store %arg8[%swap3A_744, %swap3A_745, %swap3A_746], %gather3A_737 {strides = array<i32>} : memref<1x8x4096xf32, #tpu.memory_space<vmem>>, vector<16xf32>,
      %reshape3A_748 = vector.shape_cast %get3A_490 : vector<16xi32> to vector<16x1xi32>
      %gather3A_749 = vector.shape_cast %reshape3A_748 : vector<16x1xi32> to vector<16xi32>
      %gather3A_750 = tpu.dynamic_gather %gather3A_364[%gather3A_749] in [0] : vector<16xf32>, vector<16xi32> -> vector<16xf32>
      %mul3A_751 = arith.constant 128 : i32
      %mul3A_752 = arith.muli %add3A_471, %mul3A_751 : i32
      %add3A_753 = arith.constant 32 : i32
      %add3A_754 = arith.addi %mul3A_752, %add3A_753 : i32
      %swap3A_755 = arith.constant 0 : i32
      %swap3A_756 = arith.constant 2 : i32
      %swap3A_757 = arith.index_cast %swap3A_755 : i32 to index
      %swap3A_758 = arith.index_cast %swap3A_756 : i32 to index
      %swap3A_759 = arith.index_cast %add3A_754 : i32 to index
      %swap3A_760 = tpu.vector_load %arg8[%swap3A_757, %swap3A_758, %swap3A_759] {strides = array<i32>} : memref<1x8x4096xf32, #tpu.memory_space<vmem>>, vector<16xf32>,
      tpu.vector_store %arg8[%swap3A_757, %swap3A_758, %swap3A_759], %gather3A_750 {strides = array<i32>} : memref<1x8x4096xf32, #tpu.memory_space<vmem>>, vector<16xf32>,
      %reshape3A_761 = vector.shape_cast %get3A_495 : vector<16xi32> to vector<16x1xi32>
      %gather3A_762 = vector.shape_cast %reshape3A_761 : vector<16x1xi32> to vector<16xi32>
      %gather3A_763 = tpu.dynamic_gather %gather3A_364[%gather3A_762] in [0] : vector<16xf32>, vector<16xi32> -> vector<16xf32>
      %mul3A_764 = arith.constant 128 : i32
      %mul3A_765 = arith.muli %add3A_471, %mul3A_764 : i32
      %add3A_766 = arith.constant 48 : i32
      %add3A_767 = arith.addi %mul3A_765, %add3A_766 : i32
      %swap3A_768 = arith.constant 0 : i32
      %swap3A_769 = arith.constant 2 : i32
      %swap3A_770 = arith.index_cast %swap3A_768 : i32 to index
      %swap3A_771 = arith.index_cast %swap3A_769 : i32 to index
      %swap3A_772 = arith.index_cast %add3A_767 : i32 to index
      %swap3A_773 = tpu.vector_load %arg8[%swap3A_770, %swap3A_771, %swap3A_772] {strides = array<i32>} : memref<1x8x4096xf32, #tpu.memory_space<vmem>>, vector<16xf32>,
      tpu.vector_store %arg8[%swap3A_770, %swap3A_771, %swap3A_772], %gather3A_763 {strides = array<i32>} : memref<1x8x4096xf32, #tpu.memory_space<vmem>>, vector<16xf32>,
      %reshape3A_774 = vector.shape_cast %get3A_500 : vector<16xi32> to vector<16x1xi32>
      %gather3A_775 = vector.shape_cast %reshape3A_774 : vector<16x1xi32> to vector<16xi32>
      %gather3A_776 = tpu.dynamic_gather %gather3A_364[%gather3A_775] in [0] : vector<16xf32>, vector<16xi32> -> vector<16xf32>
      %mul3A_777 = arith.constant 128 : i32
      %mul3A_778 = arith.muli %add3A_471, %mul3A_777 : i32
      %add3A_779 = arith.constant 64 : i32
      %add3A_780 = arith.addi %mul3A_778, %add3A_779 : i32
      %swap3A_781 = arith.constant 0 : i32
      %swap3A_782 = arith.constant 2 : i32
      %swap3A_783 = arith.index_cast %swap3A_781 : i32 to index
      %swap3A_784 = arith.index_cast %swap3A_782 : i32 to index
      %swap3A_785 = arith.index_cast %add3A_780 : i32 to index
      %swap3A_786 = tpu.vector_load %arg8[%swap3A_783, %swap3A_784, %swap3A_785] {strides = array<i32>} : memref<1x8x4096xf32, #tpu.memory_space<vmem>>, vector<16xf32>,
      tpu.vector_store %arg8[%swap3A_783, %swap3A_784, %swap3A_785], %gather3A_776 {strides = array<i32>} : memref<1x8x4096xf32, #tpu.memory_space<vmem>>, vector<16xf32>,
      %reshape3A_787 = vector.shape_cast %get3A_505 : vector<16xi32> to vector<16x1xi32>
      %gather3A_788 = vector.shape_cast %reshape3A_787 : vector<16x1xi32> to vector<16xi32>
      %gather3A_789 = tpu.dynamic_gather %gather3A_364[%gather3A_788] in [0] : vector<16xf32>, vector<16xi32> -> vector<16xf32>
      %mul3A_790 = arith.constant 128 : i32
      %mul3A_791 = arith.muli %add3A_471, %mul3A_790 : i32
      %add3A_792 = arith.constant 80 : i32
      %add3A_793 = arith.addi %mul3A_791, %add3A_792 : i32
      %swap3A_794 = arith.constant 0 : i32
      %swap3A_795 = arith.constant 2 : i32
      %swap3A_796 = arith.index_cast %swap3A_794 : i32 to index
      %swap3A_797 = arith.index_cast %swap3A_795 : i32 to index
      %swap3A_798 = arith.index_cast %add3A_793 : i32 to index
      %swap3A_799 = tpu.vector_load %arg8[%swap3A_796, %swap3A_797, %swap3A_798] {strides = array<i32>} : memref<1x8x4096xf32, #tpu.memory_space<vmem>>, vector<16xf32>,
      tpu.vector_store %arg8[%swap3A_796, %swap3A_797, %swap3A_798], %gather3A_789 {strides = array<i32>} : memref<1x8x4096xf32, #tpu.memory_space<vmem>>, vector<16xf32>,
      %reshape3A_800 = vector.shape_cast %get3A_510 : vector<16xi32> to vector<16x1xi32>
      %gather3A_801 = vector.shape_cast %reshape3A_800 : vector<16x1xi32> to vector<16xi32>
      %gather3A_802 = tpu.dynamic_gather %gather3A_364[%gather3A_801] in [0] : vector<16xf32>, vector<16xi32> -> vector<16xf32>
      %mul3A_803 = arith.constant 128 : i32
      %mul3A_804 = arith.muli %add3A_471, %mul3A_803 : i32
      %add3A_805 = arith.constant 96 : i32
      %add3A_806 = arith.addi %mul3A_804, %add3A_805 : i32
      %swap3A_807 = arith.constant 0 : i32
      %swap3A_808 = arith.constant 2 : i32
      %swap3A_809 = arith.index_cast %swap3A_807 : i32 to index
      %swap3A_810 = arith.index_cast %swap3A_808 : i32 to index
      %swap3A_811 = arith.index_cast %add3A_806 : i32 to index
      %swap3A_812 = tpu.vector_load %arg8[%swap3A_809, %swap3A_810, %swap3A_811] {strides = array<i32>} : memref<1x8x4096xf32, #tpu.memory_space<vmem>>, vector<16xf32>,
      tpu.vector_store %arg8[%swap3A_809, %swap3A_810, %swap3A_811], %gather3A_802 {strides = array<i32>} : memref<1x8x4096xf32, #tpu.memory_space<vmem>>, vector<16xf32>,
      %reshape3A_813 = vector.shape_cast %get3A_515 : vector<16xi32> to vector<16x1xi32>
      %gather3A_814 = vector.shape_cast %reshape3A_813 : vector<16x1xi32> to vector<16xi32>
      %gather3A_815 = tpu.dynamic_gather %gather3A_364[%gather3A_814] in [0] : vector<16xf32>, vector<16xi32> -> vector<16xf32>
      %mul3A_816 = arith.constant 128 : i32
      %mul3A_817 = arith.muli %add3A_471, %mul3A_816 : i32
      %add3A_818 = arith.constant 112 : i32
      %add3A_819 = arith.addi %mul3A_817, %add3A_818 : i32
      %swap3A_820 = arith.constant 0 : i32
      %swap3A_821 = arith.constant 2 : i32
      %swap3A_822 = arith.index_cast %swap3A_820 : i32 to index
      %swap3A_823 = arith.index_cast %swap3A_821 : i32 to index
      %swap3A_824 = arith.index_cast %add3A_819 : i32 to index
      %swap3A_825 = tpu.vector_load %arg8[%swap3A_822, %swap3A_823, %swap3A_824] {strides = array<i32>} : memref<1x8x4096xf32, #tpu.memory_space<vmem>>, vector<16xf32>,
      tpu.vector_store %arg8[%swap3A_822, %swap3A_823, %swap3A_824], %gather3A_815 {strides = array<i32>} : memref<1x8x4096xf32, #tpu.memory_space<vmem>>, vector<16xf32>,
      %reshape3A_826 = vector.shape_cast %get3A_480 : vector<16xi32> to vector<16x1xi32>
      %gather3A_827 = vector.shape_cast %reshape3A_826 : vector<16x1xi32> to vector<16xi32>
      %gather3A_828 = tpu.dynamic_gather %gather3A_378[%gather3A_827] in [0] : vector<16xf32>, vector<16xi32> -> vector<16xf32>
      %mul3A_829 = arith.constant 128 : i32
      %mul3A_830 = arith.muli %add3A_471, %mul3A_829 : i32
      %add3A_831 = arith.constant 0 : i32
      %add3A_832 = arith.addi %mul3A_830, %add3A_831 : i32
      %swap3A_833 = arith.constant 0 : i32
      %swap3A_834 = arith.constant 3 : i32
      %swap3A_835 = arith.index_cast %swap3A_833 : i32 to index
      %swap3A_836 = arith.index_cast %swap3A_834 : i32 to index
      %swap3A_837 = arith.index_cast %add3A_832 : i32 to index
      %swap3A_838 = tpu.vector_load %arg8[%swap3A_835, %swap3A_836, %swap3A_837] {strides = array<i32>} : memref<1x8x4096xf32, #tpu.memory_space<vmem>>, vector<16xf32>,
      tpu.vector_store %arg8[%swap3A_835, %swap3A_836, %swap3A_837], %gather3A_828 {strides = array<i32>} : memref<1x8x4096xf32, #tpu.memory_space<vmem>>, vector<16xf32>,
      %reshape3A_839 = vector.shape_cast %get3A_485 : vector<16xi32> to vector<16x1xi32>
      %gather3A_840 = vector.shape_cast %reshape3A_839 : vector<16x1xi32> to vector<16xi32>
      %gather3A_841 = tpu.dynamic_gather %gather3A_378[%gather3A_840] in [0] : vector<16xf32>, vector<16xi32> -> vector<16xf32>
      %mul3A_842 = arith.constant 128 : i32
      %mul3A_843 = arith.muli %add3A_471, %mul3A_842 : i32
      %add3A_844 = arith.constant 16 : i32
      %add3A_845 = arith.addi %mul3A_843, %add3A_844 : i32
      %swap3A_846 = arith.constant 0 : i32
      %swap3A_847 = arith.constant 3 : i32
      %swap3A_848 = arith.index_cast %swap3A_846 : i32 to index
      %swap3A_849 = arith.index_cast %swap3A_847 : i32 to index
      %swap3A_850 = arith.index_cast %add3A_845 : i32 to index
      %swap3A_851 = tpu.vector_load %arg8[%swap3A_848, %swap3A_849, %swap3A_850] {strides = array<i32>} : memref<1x8x4096xf32, #tpu.memory_space<vmem>>, vector<16xf32>,
      tpu.vector_store %arg8[%swap3A_848, %swap3A_849, %swap3A_850], %gather3A_841 {strides = array<i32>} : memref<1x8x4096xf32, #tpu.memory_space<vmem>>, vector<16xf32>,
      %reshape3A_852 = vector.shape_cast %get3A_490 : vector<16xi32> to vector<16x1xi32>
      %gather3A_853 = vector.shape_cast %reshape3A_852 : vector<16x1xi32> to vector<16xi32>
      %gather3A_854 = tpu.dynamic_gather %gather3A_378[%gather3A_853] in [0] : vector<16xf32>, vector<16xi32> -> vector<16xf32>
      %mul3A_855 = arith.constant 128 : i32
      %mul3A_856 = arith.muli %add3A_471, %mul3A_855 : i32
      %add3A_857 = arith.constant 32 : i32
      %add3A_858 = arith.addi %mul3A_856, %add3A_857 : i32
      %swap3A_859 = arith.constant 0 : i32
      %swap3A_860 = arith.constant 3 : i32
      %swap3A_861 = arith.index_cast %swap3A_859 : i32 to index
      %swap3A_862 = arith.index_cast %swap3A_860 : i32 to index
      %swap3A_863 = arith.index_cast %add3A_858 : i32 to index
      %swap3A_864 = tpu.vector_load %arg8[%swap3A_861, %swap3A_862, %swap3A_863] {strides = array<i32>} : memref<1x8x4096xf32, #tpu.memory_space<vmem>>, vector<16xf32>,
      tpu.vector_store %arg8[%swap3A_861, %swap3A_862, %swap3A_863], %gather3A_854 {strides = array<i32>} : memref<1x8x4096xf32, #tpu.memory_space<vmem>>, vector<16xf32>,
      %reshape3A_865 = vector.shape_cast %get3A_495 : vector<16xi32> to vector<16x1xi32>
      %gather3A_866 = vector.shape_cast %reshape3A_865 : vector<16x1xi32> to vector<16xi32>
      %gather3A_867 = tpu.dynamic_gather %gather3A_378[%gather3A_866] in [0] : vector<16xf32>, vector<16xi32> -> vector<16xf32>
      %mul3A_868 = arith.constant 128 : i32
      %mul3A_869 = arith.muli %add3A_471, %mul3A_868 : i32
      %add3A_870 = arith.constant 48 : i32
      %add3A_871 = arith.addi %mul3A_869, %add3A_870 : i32
      %swap3A_872 = arith.constant 0 : i32
      %swap3A_873 = arith.constant 3 : i32
      %swap3A_874 = arith.index_cast %swap3A_872 : i32 to index
      %swap3A_875 = arith.index_cast %swap3A_873 : i32 to index
      %swap3A_876 = arith.index_cast %add3A_871 : i32 to index
      %swap3A_877 = tpu.vector_load %arg8[%swap3A_874, %swap3A_875, %swap3A_876] {strides = array<i32>} : memref<1x8x4096xf32, #tpu.memory_space<vmem>>, vector<16xf32>,
      tpu.vector_store %arg8[%swap3A_874, %swap3A_875, %swap3A_876], %gather3A_867 {strides = array<i32>} : memref<1x8x4096xf32, #tpu.memory_space<vmem>>, vector<16xf32>,
      %reshape3A_878 = vector.shape_cast %get3A_500 : vector<16xi32> to vector<16x1xi32>
      %gather3A_879 = vector.shape_cast %reshape3A_878 : vector<16x1xi32> to vector<16xi32>
      %gather3A_880 = tpu.dynamic_gather %gather3A_378[%gather3A_879] in [0] : vector<16xf32>, vector<16xi32> -> vector<16xf32>
      %mul3A_881 = arith.constant 128 : i32
      %mul3A_882 = arith.muli %add3A_471, %mul3A_881 : i32
      %add3A_883 = arith.constant 64 : i32
      %add3A_884 = arith.addi %mul3A_882, %add3A_883 : i32
      %swap3A_885 = arith.constant 0 : i32
      %swap3A_886 = arith.constant 3 : i32
      %swap3A_887 = arith.index_cast %swap3A_885 : i32 to index
      %swap3A_888 = arith.index_cast %swap3A_886 : i32 to index
      %swap3A_889 = arith.index_cast %add3A_884 : i32 to index
      %swap3A_890 = tpu.vector_load %arg8[%swap3A_887, %swap3A_888, %swap3A_889] {strides = array<i32>} : memref<1x8x4096xf32, #tpu.memory_space<vmem>>, vector<16xf32>,
      tpu.vector_store %arg8[%swap3A_887, %swap3A_888, %swap3A_889], %gather3A_880 {strides = array<i32>} : memref<1x8x4096xf32, #tpu.memory_space<vmem>>, vector<16xf32>,
      %reshape3A_891 = vector.shape_cast %get3A_505 : vector<16xi32> to vector<16x1xi32>
      %gather3A_892 = vector.shape_cast %reshape3A_891 : vector<16x1xi32> to vector<16xi32>
      %gather3A_893 = tpu.dynamic_gather %gather3A_378[%gather3A_892] in [0] : vector<16xf32>, vector<16xi32> -> vector<16xf32>
      %mul3A_894 = arith.constant 128 : i32
      %mul3A_895 = arith.muli %add3A_471, %mul3A_894 : i32
      %add3A_896 = arith.constant 80 : i32
      %add3A_897 = arith.addi %mul3A_895, %add3A_896 : i32
      %swap3A_898 = arith.constant 0 : i32
      %swap3A_899 = arith.constant 3 : i32
      %swap3A_900 = arith.index_cast %swap3A_898 : i32 to index
      %swap3A_901 = arith.index_cast %swap3A_899 : i32 to index
      %swap3A_902 = arith.index_cast %add3A_897 : i32 to index
      %swap3A_903 = tpu.vector_load %arg8[%swap3A_900, %swap3A_901, %swap3A_902] {strides = array<i32>} : memref<1x8x4096xf32, #tpu.memory_space<vmem>>, vector<16xf32>,
      tpu.vector_store %arg8[%swap3A_900, %swap3A_901, %swap3A_902], %gather3A_893 {strides = array<i32>} : memref<1x8x4096xf32, #tpu.memory_space<vmem>>, vector<16xf32>,
      %reshape3A_904 = vector.shape_cast %get3A_510 : vector<16xi32> to vector<16x1xi32>
      %gather3A_905 = vector.shape_cast %reshape3A_904 : vector<16x1xi32> to vector<16xi32>
      %gather3A_906 = tpu.dynamic_gather %gather3A_378[%gather3A_905] in [0] : vector<16xf32>, vector<16xi32> -> vector<16xf32>
      %mul3A_907 = arith.constant 128 : i32
      %mul3A_908 = arith.muli %add3A_471, %mul3A_907 : i32
      %add3A_909 = arith.constant 96 : i32
      %add3A_910 = arith.addi %mul3A_908, %add3A_909 : i32
      %swap3A_911 = arith.constant 0 : i32
      %swap3A_912 = arith.constant 3 : i32
      %swap3A_913 = arith.index_cast %swap3A_911 : i32 to index
      %swap3A_914 = arith.index_cast %swap3A_912 : i32 to index
      %swap3A_915 = arith.index_cast %add3A_910 : i32 to index
      %swap3A_916 = tpu.vector_load %arg8[%swap3A_913, %swap3A_914, %swap3A_915] {strides = array<i32>} : memref<1x8x4096xf32, #tpu.memory_space<vmem>>, vector<16xf32>,
      tpu.vector_store %arg8[%swap3A_913, %swap3A_914, %swap3A_915], %gather3A_906 {strides = array<i32>} : memref<1x8x4096xf32, #tpu.memory_space<vmem>>, vector<16xf32>,
      %reshape3A_917 = vector.shape_cast %get3A_515 : vector<16xi32> to vector<16x1xi32>
      %gather3A_918 = vector.shape_cast %reshape3A_917 : vector<16x1xi32> to vector<16xi32>
      %gather3A_919 = tpu.dynamic_gather %gather3A_378[%gather3A_918] in [0] : vector<16xf32>, vector<16xi32> -> vector<16xf32>
      %mul3A_920 = arith.constant 128 : i32
      %mul3A_921 = arith.muli %add3A_471, %mul3A_920 : i32
      %add3A_922 = arith.constant 112 : i32
      %add3A_923 = arith.addi %mul3A_921, %add3A_922 : i32
      %swap3A_924 = arith.constant 0 : i32
      %swap3A_925 = arith.constant 3 : i32
      %swap3A_926 = arith.index_cast %swap3A_924 : i32 to index
      %swap3A_927 = arith.index_cast %swap3A_925 : i32 to index
      %swap3A_928 = arith.index_cast %add3A_923 : i32 to index
      %swap3A_929 = tpu.vector_load %arg8[%swap3A_926, %swap3A_927, %swap3A_928] {strides = array<i32>} : memref<1x8x4096xf32, #tpu.memory_space<vmem>>, vector<16xf32>,
      tpu.vector_store %arg8[%swap3A_926, %swap3A_927, %swap3A_928], %gather3A_919 {strides = array<i32>} : memref<1x8x4096xf32, #tpu.memory_space<vmem>>, vector<16xf32>,
      %reshape3A_930 = vector.shape_cast %get3A_480 : vector<16xi32> to vector<16x1xi32>
      %gather3A_931 = vector.shape_cast %reshape3A_930 : vector<16x1xi32> to vector<16xi32>
      %gather3A_932 = tpu.dynamic_gather %gather3A_392[%gather3A_931] in [0] : vector<16xf32>, vector<16xi32> -> vector<16xf32>
      %mul3A_933 = arith.constant 128 : i32
      %mul3A_934 = arith.muli %add3A_471, %mul3A_933 : i32
      %add3A_935 = arith.constant 0 : i32
      %add3A_936 = arith.addi %mul3A_934, %add3A_935 : i32
      %swap3A_937 = arith.constant 0 : i32
      %swap3A_938 = arith.constant 4 : i32
      %swap3A_939 = arith.index_cast %swap3A_937 : i32 to index
      %swap3A_940 = arith.index_cast %swap3A_938 : i32 to index
      %swap3A_941 = arith.index_cast %add3A_936 : i32 to index
      %swap3A_942 = tpu.vector_load %arg8[%swap3A_939, %swap3A_940, %swap3A_941] {strides = array<i32>} : memref<1x8x4096xf32, #tpu.memory_space<vmem>>, vector<16xf32>,
      tpu.vector_store %arg8[%swap3A_939, %swap3A_940, %swap3A_941], %gather3A_932 {strides = array<i32>} : memref<1x8x4096xf32, #tpu.memory_space<vmem>>, vector<16xf32>,
      %reshape3A_943 = vector.shape_cast %get3A_485 : vector<16xi32> to vector<16x1xi32>
      %gather3A_944 = vector.shape_cast %reshape3A_943 : vector<16x1xi32> to vector<16xi32>
      %gather3A_945 = tpu.dynamic_gather %gather3A_392[%gather3A_944] in [0] : vector<16xf32>, vector<16xi32> -> vector<16xf32>
      %mul3A_946 = arith.constant 128 : i32
      %mul3A_947 = arith.muli %add3A_471, %mul3A_946 : i32
      %add3A_948 = arith.constant 16 : i32
      %add3A_949 = arith.addi %mul3A_947, %add3A_948 : i32
      %swap3A_950 = arith.constant 0 : i32
      %swap3A_951 = arith.constant 4 : i32
      %swap3A_952 = arith.index_cast %swap3A_950 : i32 to index
      %swap3A_953 = arith.index_cast %swap3A_951 : i32 to index
      %swap3A_954 = arith.index_cast %add3A_949 : i32 to index
      %swap3A_955 = tpu.vector_load %arg8[%swap3A_952, %swap3A_953, %swap3A_954] {strides = array<i32>} : memref<1x8x4096xf32, #tpu.memory_space<vmem>>, vector<16xf32>,
      tpu.vector_store %arg8[%swap3A_952, %swap3A_953, %swap3A_954], %gather3A_945 {strides = array<i32>} : memref<1x8x4096xf32, #tpu.memory_space<vmem>>, vector<16xf32>,
      %reshape3A_956 = vector.shape_cast %get3A_490 : vector<16xi32> to vector<16x1xi32>
      %gather3A_957 = vector.shape_cast %reshape3A_956 : vector<16x1xi32> to vector<16xi32>
      %gather3A_958 = tpu.dynamic_gather %gather3A_392[%gather3A_957] in [0] : vector<16xf32>, vector<16xi32> -> vector<16xf32>
      %mul3A_959 = arith.constant 128 : i32
      %mul3A_960 = arith.muli %add3A_471, %mul3A_959 : i32
      %add3A_961 = arith.constant 32 : i32
      %add3A_962 = arith.addi %mul3A_960, %add3A_961 : i32
      %swap3A_963 = arith.constant 0 : i32
      %swap3A_964 = arith.constant 4 : i32
      %swap3A_965 = arith.index_cast %swap3A_963 : i32 to index
      %swap3A_966 = arith.index_cast %swap3A_964 : i32 to index
      %swap3A_967 = arith.index_cast %add3A_962 : i32 to index
      %swap3A_968 = tpu.vector_load %arg8[%swap3A_965, %swap3A_966, %swap3A_967] {strides = array<i32>} : memref<1x8x4096xf32, #tpu.memory_space<vmem>>, vector<16xf32>,
      tpu.vector_store %arg8[%swap3A_965, %swap3A_966, %swap3A_967], %gather3A_958 {strides = array<i32>} : memref<1x8x4096xf32, #tpu.memory_space<vmem>>, vector<16xf32>,
      %reshape3A_969 = vector.shape_cast %get3A_495 : vector<16xi32> to vector<16x1xi32>
      %gather3A_970 = vector.shape_cast %reshape3A_969 : vector<16x1xi32> to vector<16xi32>
      %gather3A_971 = tpu.dynamic_gather %gather3A_392[%gather3A_970] in [0] : vector<16xf32>, vector<16xi32> -> vector<16xf32>
      %mul3A_972 = arith.constant 128 : i32
      %mul3A_973 = arith.muli %add3A_471, %mul3A_972 : i32
      %add3A_974 = arith.constant 48 : i32
      %add3A_975 = arith.addi %mul3A_973, %add3A_974 : i32
      %swap3A_976 = arith.constant 0 : i32
      %swap3A_977 = arith.constant 4 : i32
      %swap3A_978 = arith.index_cast %swap3A_976 : i32 to index
      %swap3A_979 = arith.index_cast %swap3A_977 : i32 to index
      %swap3A_980 = arith.index_cast %add3A_975 : i32 to index
      %swap3A_981 = tpu.vector_load %arg8[%swap3A_978, %swap3A_979, %swap3A_980] {strides = array<i32>} : memref<1x8x4096xf32, #tpu.memory_space<vmem>>, vector<16xf32>,
      tpu.vector_store %arg8[%swap3A_978, %swap3A_979, %swap3A_980], %gather3A_971 {strides = array<i32>} : memref<1x8x4096xf32, #tpu.memory_space<vmem>>, vector<16xf32>,
      %reshape3A_982 = vector.shape_cast %get3A_500 : vector<16xi32> to vector<16x1xi32>
      %gather3A_983 = vector.shape_cast %reshape3A_982 : vector<16x1xi32> to vector<16xi32>
      %gather3A_984 = tpu.dynamic_gather %gather3A_392[%gather3A_983] in [0] : vector<16xf32>, vector<16xi32> -> vector<16xf32>
      %mul3A_985 = arith.constant 128 : i32
      %mul3A_986 = arith.muli %add3A_471, %mul3A_985 : i32
      %add3A_987 = arith.constant 64 : i32
      %add3A_988 = arith.addi %mul3A_986, %add3A_987 : i32
      %swap3A_989 = arith.constant 0 : i32
      %swap3A_990 = arith.constant 4 : i32
      %swap3A_991 = arith.index_cast %swap3A_989 : i32 to index
      %swap3A_992 = arith.index_cast %swap3A_990 : i32 to index
      %swap3A_993 = arith.index_cast %add3A_988 : i32 to index
      %swap3A_994 = tpu.vector_load %arg8[%swap3A_991, %swap3A_992, %swap3A_993] {strides = array<i32>} : memref<1x8x4096xf32, #tpu.memory_space<vmem>>, vector<16xf32>,
      tpu.vector_store %arg8[%swap3A_991, %swap3A_992, %swap3A_993], %gather3A_984 {strides = array<i32>} : memref<1x8x4096xf32, #tpu.memory_space<vmem>>, vector<16xf32>,
      %reshape3A_995 = vector.shape_cast %get3A_505 : vector<16xi32> to vector<16x1xi32>
      %gather3A_996 = vector.shape_cast %reshape3A_995 : vector<16x1xi32> to vector<16xi32>
      %gather3A_997 = tpu.dynamic_gather %gather3A_392[%gather3A_996] in [0] : vector<16xf32>, vector<16xi32> -> vector<16xf32>
      %mul3A_998 = arith.constant 128 : i32
      %mul3A_999 = arith.muli %add3A_471, %mul3A_998 : i32
      %add3A_1000 = arith.constant 80 : i32
      %add3A_1001 = arith.addi %mul3A_999, %add3A_1000 : i32
      %swap3A_1002 = arith.constant 0 : i32
      %swap3A_1003 = arith.constant 4 : i32
      %swap3A_1004 = arith.index_cast %swap3A_1002 : i32 to index
      %swap3A_1005 = arith.index_cast %swap3A_1003 : i32 to index
      %swap3A_1006 = arith.index_cast %add3A_1001 : i32 to index
      %swap3A_1007 = tpu.vector_load %arg8[%swap3A_1004, %swap3A_1005, %swap3A_1006] {strides = array<i32>} : memref<1x8x4096xf32, #tpu.memory_space<vmem>>, vector<16xf32>,
      tpu.vector_store %arg8[%swap3A_1004, %swap3A_1005, %swap3A_1006], %gather3A_997 {strides = array<i32>} : memref<1x8x4096xf32, #tpu.memory_space<vmem>>, vector<16xf32>,
      %reshape3A_1008 = vector.shape_cast %get3A_510 : vector<16xi32> to vector<16x1xi32>
      %gather3A_1009 = vector.shape_cast %reshape3A_1008 : vector<16x1xi32> to vector<16xi32>
      %gather3A_1010 = tpu.dynamic_gather %gather3A_392[%gather3A_1009] in [0] : vector<16xf32>, vector<16xi32> -> vector<16xf32>
      %mul3A_1011 = arith.constant 128 : i32
      %mul3A_1012 = arith.muli %add3A_471, %mul3A_1011 : i32
      %add3A_1013 = arith.constant 96 : i32
      %add3A_1014 = arith.addi %mul3A_1012, %add3A_1013 : i32
      %swap3A_1015 = arith.constant 0 : i32
      %swap3A_1016 = arith.constant 4 : i32
      %swap3A_1017 = arith.index_cast %swap3A_1015 : i32 to index
      %swap3A_1018 = arith.index_cast %swap3A_1016 : i32 to index
      %swap3A_1019 = arith.index_cast %add3A_1014 : i32 to index
      %swap3A_1020 = tpu.vector_load %arg8[%swap3A_1017, %swap3A_1018, %swap3A_1019] {strides = array<i32>} : memref<1x8x4096xf32, #tpu.memory_space<vmem>>, vector<16xf32>,
      tpu.vector_store %arg8[%swap3A_1017, %swap3A_1018, %swap3A_1019], %gather3A_1010 {strides = array<i32>} : memref<1x8x4096xf32, #tpu.memory_space<vmem>>, vector<16xf32>,
      %reshape3A_1021 = vector.shape_cast %get3A_515 : vector<16xi32> to vector<16x1xi32>
      %gather3A_1022 = vector.shape_cast %reshape3A_1021 : vector<16x1xi32> to vector<16xi32>
      %gather3A_1023 = tpu.dynamic_gather %gather3A_392[%gather3A_1022] in [0] : vector<16xf32>, vector<16xi32> -> vector<16xf32>
      %mul3A_1024 = arith.constant 128 : i32
      %mul3A_1025 = arith.muli %add3A_471, %mul3A_1024 : i32
      %add3A_1026 = arith.constant 112 : i32
      %add3A_1027 = arith.addi %mul3A_1025, %add3A_1026 : i32
      %swap3A_1028 = arith.constant 0 : i32
      %swap3A_1029 = arith.constant 4 : i32
      %swap3A_1030 = arith.index_cast %swap3A_1028 : i32 to index
      %swap3A_1031 = arith.index_cast %swap3A_1029 : i32 to index
      %swap3A_1032 = arith.index_cast %add3A_1027 : i32 to index
      %swap3A_1033 = tpu.vector_load %arg8[%swap3A_1030, %swap3A_1031, %swap3A_1032] {strides = array<i32>} : memref<1x8x4096xf32, #tpu.memory_space<vmem>>, vector<16xf32>,
      tpu.vector_store %arg8[%swap3A_1030, %swap3A_1031, %swap3A_1032], %gather3A_1023 {strides = array<i32>} : memref<1x8x4096xf32, #tpu.memory_space<vmem>>, vector<16xf32>,
      %reshape3A_1034 = vector.shape_cast %get3A_480 : vector<16xi32> to vector<16x1xi32>
      %gather3A_1035 = vector.shape_cast %reshape3A_1034 : vector<16x1xi32> to vector<16xi32>
      %gather3A_1036 = tpu.dynamic_gather %gather3A_406[%gather3A_1035] in [0] : vector<16xf32>, vector<16xi32> -> vector<16xf32>
      %mul3A_1037 = arith.constant 128 : i32
      %mul3A_1038 = arith.muli %add3A_471, %mul3A_1037 : i32
      %add3A_1039 = arith.constant 0 : i32
      %add3A_1040 = arith.addi %mul3A_1038, %add3A_1039 : i32
      %swap3A_1041 = arith.constant 0 : i32
      %swap3A_1042 = arith.constant 5 : i32
      %swap3A_1043 = arith.index_cast %swap3A_1041 : i32 to index
      %swap3A_1044 = arith.index_cast %swap3A_1042 : i32 to index
      %swap3A_1045 = arith.index_cast %add3A_1040 : i32 to index
      %swap3A_1046 = tpu.vector_load %arg8[%swap3A_1043, %swap3A_1044, %swap3A_1045] {strides = array<i32>} : memref<1x8x4096xf32, #tpu.memory_space<vmem>>, vector<16xf32>,
      tpu.vector_store %arg8[%swap3A_1043, %swap3A_1044, %swap3A_1045], %gather3A_1036 {strides = array<i32>} : memref<1x8x4096xf32, #tpu.memory_space<vmem>>, vector<16xf32>,
      %reshape3A_1047 = vector.shape_cast %get3A_485 : vector<16xi32> to vector<16x1xi32>
      %gather3A_1048 = vector.shape_cast %reshape3A_1047 : vector<16x1xi32> to vector<16xi32>
      %gather3A_1049 = tpu.dynamic_gather %gather3A_406[%gather3A_1048] in [0] : vector<16xf32>, vector<16xi32> -> vector<16xf32>
      %mul3A_1050 = arith.constant 128 : i32
      %mul3A_1051 = arith.muli %add3A_471, %mul3A_1050 : i32
      %add3A_1052 = arith.constant 16 : i32
      %add3A_1053 = arith.addi %mul3A_1051, %add3A_1052 : i32
      %swap3A_1054 = arith.constant 0 : i32
      %swap3A_1055 = arith.constant 5 : i32
      %swap3A_1056 = arith.index_cast %swap3A_1054 : i32 to index
      %swap3A_1057 = arith.index_cast %swap3A_1055 : i32 to index
      %swap3A_1058 = arith.index_cast %add3A_1053 : i32 to index
      %swap3A_1059 = tpu.vector_load %arg8[%swap3A_1056, %swap3A_1057, %swap3A_1058] {strides = array<i32>} : memref<1x8x4096xf32, #tpu.memory_space<vmem>>, vector<16xf32>,
      tpu.vector_store %arg8[%swap3A_1056, %swap3A_1057, %swap3A_1058], %gather3A_1049 {strides = array<i32>} : memref<1x8x4096xf32, #tpu.memory_space<vmem>>, vector<16xf32>,
      %reshape3A_1060 = vector.shape_cast %get3A_490 : vector<16xi32> to vector<16x1xi32>
      %gather3A_1061 = vector.shape_cast %reshape3A_1060 : vector<16x1xi32> to vector<16xi32>
      %gather3A_1062 = tpu.dynamic_gather %gather3A_406[%gather3A_1061] in [0] : vector<16xf32>, vector<16xi32> -> vector<16xf32>
      %mul3A_1063 = arith.constant 128 : i32
      %mul3A_1064 = arith.muli %add3A_471, %mul3A_1063 : i32
      %add3A_1065 = arith.constant 32 : i32
      %add3A_1066 = arith.addi %mul3A_1064, %add3A_1065 : i32
      %swap3A_1067 = arith.constant 0 : i32
      %swap3A_1068 = arith.constant 5 : i32
      %swap3A_1069 = arith.index_cast %swap3A_1067 : i32 to index
      %swap3A_1070 = arith.index_cast %swap3A_1068 : i32 to index
      %swap3A_1071 = arith.index_cast %add3A_1066 : i32 to index
      %swap3A_1072 = tpu.vector_load %arg8[%swap3A_1069, %swap3A_1070, %swap3A_1071] {strides = array<i32>} : memref<1x8x4096xf32, #tpu.memory_space<vmem>>, vector<16xf32>,
      tpu.vector_store %arg8[%swap3A_1069, %swap3A_1070, %swap3A_1071], %gather3A_1062 {strides = array<i32>} : memref<1x8x4096xf32, #tpu.memory_space<vmem>>, vector<16xf32>,
      %reshape3A_1073 = vector.shape_cast %get3A_495 : vector<16xi32> to vector<16x1xi32>
      %gather3A_1074 = vector.shape_cast %reshape3A_1073 : vector<16x1xi32> to vector<16xi32>
      %gather3A_1075 = tpu.dynamic_gather %gather3A_406[%gather3A_1074] in [0] : vector<16xf32>, vector<16xi32> -> vector<16xf32>
      %mul3A_1076 = arith.constant 128 : i32
      %mul3A_1077 = arith.muli %add3A_471, %mul3A_1076 : i32
      %add3A_1078 = arith.constant 48 : i32
      %add3A_1079 = arith.addi %mul3A_1077, %add3A_1078 : i32
      %swap3A_1080 = arith.constant 0 : i32
      %swap3A_1081 = arith.constant 5 : i32
      %swap3A_1082 = arith.index_cast %swap3A_1080 : i32 to index
      %swap3A_1083 = arith.index_cast %swap3A_1081 : i32 to index
      %swap3A_1084 = arith.index_cast %add3A_1079 : i32 to index
      %swap3A_1085 = tpu.vector_load %arg8[%swap3A_1082, %swap3A_1083, %swap3A_1084] {strides = array<i32>} : memref<1x8x4096xf32, #tpu.memory_space<vmem>>, vector<16xf32>,
      tpu.vector_store %arg8[%swap3A_1082, %swap3A_1083, %swap3A_1084], %gather3A_1075 {strides = array<i32>} : memref<1x8x4096xf32, #tpu.memory_space<vmem>>, vector<16xf32>,
      %reshape3A_1086 = vector.shape_cast %get3A_500 : vector<16xi32> to vector<16x1xi32>
      %gather3A_1087 = vector.shape_cast %reshape3A_1086 : vector<16x1xi32> to vector<16xi32>
      %gather3A_1088 = tpu.dynamic_gather %gather3A_406[%gather3A_1087] in [0] : vector<16xf32>, vector<16xi32> -> vector<16xf32>
      %mul3A_1089 = arith.constant 128 : i32
      %mul3A_1090 = arith.muli %add3A_471, %mul3A_1089 : i32
      %add3A_1091 = arith.constant 64 : i32
      %add3A_1092 = arith.addi %mul3A_1090, %add3A_1091 : i32
      %swap3A_1093 = arith.constant 0 : i32
      %swap3A_1094 = arith.constant 5 : i32
      %swap3A_1095 = arith.index_cast %swap3A_1093 : i32 to index
      %swap3A_1096 = arith.index_cast %swap3A_1094 : i32 to index
      %swap3A_1097 = arith.index_cast %add3A_1092 : i32 to index
      %swap3A_1098 = tpu.vector_load %arg8[%swap3A_1095, %swap3A_1096, %swap3A_1097] {strides = array<i32>} : memref<1x8x4096xf32, #tpu.memory_space<vmem>>, vector<16xf32>,
      tpu.vector_store %arg8[%swap3A_1095, %swap3A_1096, %swap3A_1097], %gather3A_1088 {strides = array<i32>} : memref<1x8x4096xf32, #tpu.memory_space<vmem>>, vector<16xf32>,
      %reshape3A_1099 = vector.shape_cast %get3A_505 : vector<16xi32> to vector<16x1xi32>
      %gather3A_1100 = vector.shape_cast %reshape3A_1099 : vector<16x1xi32> to vector<16xi32>
      %gather3A_1101 = tpu.dynamic_gather %gather3A_406[%gather3A_1100] in [0] : vector<16xf32>, vector<16xi32> -> vector<16xf32>
      %mul3A_1102 = arith.constant 128 : i32
      %mul3A_1103 = arith.muli %add3A_471, %mul3A_1102 : i32
      %add3A_1104 = arith.constant 80 : i32
      %add3A_1105 = arith.addi %mul3A_1103, %add3A_1104 : i32
      %swap3A_1106 = arith.constant 0 : i32
      %swap3A_1107 = arith.constant 5 : i32
      %swap3A_1108 = arith.index_cast %swap3A_1106 : i32 to index
      %swap3A_1109 = arith.index_cast %swap3A_1107 : i32 to index
      %swap3A_1110 = arith.index_cast %add3A_1105 : i32 to index
      %swap3A_1111 = tpu.vector_load %arg8[%swap3A_1108, %swap3A_1109, %swap3A_1110] {strides = array<i32>} : memref<1x8x4096xf32, #tpu.memory_space<vmem>>, vector<16xf32>,
      tpu.vector_store %arg8[%swap3A_1108, %swap3A_1109, %swap3A_1110], %gather3A_1101 {strides = array<i32>} : memref<1x8x4096xf32, #tpu.memory_space<vmem>>, vector<16xf32>,
      %reshape3A_1112 = vector.shape_cast %get3A_510 : vector<16xi32> to vector<16x1xi32>
      %gather3A_1113 = vector.shape_cast %reshape3A_1112 : vector<16x1xi32> to vector<16xi32>
      %gather3A_1114 = tpu.dynamic_gather %gather3A_406[%gather3A_1113] in [0] : vector<16xf32>, vector<16xi32> -> vector<16xf32>
      %mul3A_1115 = arith.constant 128 : i32
      %mul3A_1116 = arith.muli %add3A_471, %mul3A_1115 : i32
      %add3A_1117 = arith.constant 96 : i32
      %add3A_1118 = arith.addi %mul3A_1116, %add3A_1117 : i32
      %swap3A_1119 = arith.constant 0 : i32
      %swap3A_1120 = arith.constant 5 : i32
      %swap3A_1121 = arith.index_cast %swap3A_1119 : i32 to index
      %swap3A_1122 = arith.index_cast %swap3A_1120 : i32 to index
      %swap3A_1123 = arith.index_cast %add3A_1118 : i32 to index
      %swap3A_1124 = tpu.vector_load %arg8[%swap3A_1121, %swap3A_1122, %swap3A_1123] {strides = array<i32>} : memref<1x8x4096xf32, #tpu.memory_space<vmem>>, vector<16xf32>,
      tpu.vector_store %arg8[%swap3A_1121, %swap3A_1122, %swap3A_1123], %gather3A_1114 {strides = array<i32>} : memref<1x8x4096xf32, #tpu.memory_space<vmem>>, vector<16xf32>,
      %reshape3A_1125 = vector.shape_cast %get3A_515 : vector<16xi32> to vector<16x1xi32>
      %gather3A_1126 = vector.shape_cast %reshape3A_1125 : vector<16x1xi32> to vector<16xi32>
      %gather3A_1127 = tpu.dynamic_gather %gather3A_406[%gather3A_1126] in [0] : vector<16xf32>, vector<16xi32> -> vector<16xf32>
      %mul3A_1128 = arith.constant 128 : i32
      %mul3A_1129 = arith.muli %add3A_471, %mul3A_1128 : i32
      %add3A_1130 = arith.constant 112 : i32
      %add3A_1131 = arith.addi %mul3A_1129, %add3A_1130 : i32
      %swap3A_1132 = arith.constant 0 : i32
      %swap3A_1133 = arith.constant 5 : i32
      %swap3A_1134 = arith.index_cast %swap3A_1132 : i32 to index
      %swap3A_1135 = arith.index_cast %swap3A_1133 : i32 to index
      %swap3A_1136 = arith.index_cast %add3A_1131 : i32 to index
      %swap3A_1137 = tpu.vector_load %arg8[%swap3A_1134, %swap3A_1135, %swap3A_1136] {strides = array<i32>} : memref<1x8x4096xf32, #tpu.memory_space<vmem>>, vector<16xf32>,
      tpu.vector_store %arg8[%swap3A_1134, %swap3A_1135, %swap3A_1136], %gather3A_1127 {strides = array<i32>} : memref<1x8x4096xf32, #tpu.memory_space<vmem>>, vector<16xf32>,
      %reshape3A_1138 = vector.shape_cast %get3A_480 : vector<16xi32> to vector<16x1xi32>
      %gather3A_1139 = vector.shape_cast %reshape3A_1138 : vector<16x1xi32> to vector<16xi32>
      %gather3A_1140 = tpu.dynamic_gather %gather3A_420[%gather3A_1139] in [0] : vector<16xf32>, vector<16xi32> -> vector<16xf32>
      %mul3A_1141 = arith.constant 128 : i32
      %mul3A_1142 = arith.muli %add3A_471, %mul3A_1141 : i32
      %add3A_1143 = arith.constant 0 : i32
      %add3A_1144 = arith.addi %mul3A_1142, %add3A_1143 : i32
      %swap3A_1145 = arith.constant 0 : i32
      %swap3A_1146 = arith.constant 6 : i32
      %swap3A_1147 = arith.index_cast %swap3A_1145 : i32 to index
      %swap3A_1148 = arith.index_cast %swap3A_1146 : i32 to index
      %swap3A_1149 = arith.index_cast %add3A_1144 : i32 to index
      %swap3A_1150 = tpu.vector_load %arg8[%swap3A_1147, %swap3A_1148, %swap3A_1149] {strides = array<i32>} : memref<1x8x4096xf32, #tpu.memory_space<vmem>>, vector<16xf32>,
      tpu.vector_store %arg8[%swap3A_1147, %swap3A_1148, %swap3A_1149], %gather3A_1140 {strides = array<i32>} : memref<1x8x4096xf32, #tpu.memory_space<vmem>>, vector<16xf32>,
      %reshape3A_1151 = vector.shape_cast %get3A_485 : vector<16xi32> to vector<16x1xi32>
      %gather3A_1152 = vector.shape_cast %reshape3A_1151 : vector<16x1xi32> to vector<16xi32>
      %gather3A_1153 = tpu.dynamic_gather %gather3A_420[%gather3A_1152] in [0] : vector<16xf32>, vector<16xi32> -> vector<16xf32>
      %mul3A_1154 = arith.constant 128 : i32
      %mul3A_1155 = arith.muli %add3A_471, %mul3A_1154 : i32
      %add3A_1156 = arith.constant 16 : i32
      %add3A_1157 = arith.addi %mul3A_1155, %add3A_1156 : i32
      %swap3A_1158 = arith.constant 0 : i32
      %swap3A_1159 = arith.constant 6 : i32
      %swap3A_1160 = arith.index_cast %swap3A_1158 : i32 to index
      %swap3A_1161 = arith.index_cast %swap3A_1159 : i32 to index
      %swap3A_1162 = arith.index_cast %add3A_1157 : i32 to index
      %swap3A_1163 = tpu.vector_load %arg8[%swap3A_1160, %swap3A_1161, %swap3A_1162] {strides = array<i32>} : memref<1x8x4096xf32, #tpu.memory_space<vmem>>, vector<16xf32>,
      tpu.vector_store %arg8[%swap3A_1160, %swap3A_1161, %swap3A_1162], %gather3A_1153 {strides = array<i32>} : memref<1x8x4096xf32, #tpu.memory_space<vmem>>, vector<16xf32>,
      %reshape3A_1164 = vector.shape_cast %get3A_490 : vector<16xi32> to vector<16x1xi32>
      %gather3A_1165 = vector.shape_cast %reshape3A_1164 : vector<16x1xi32> to vector<16xi32>
      %gather3A_1166 = tpu.dynamic_gather %gather3A_420[%gather3A_1165] in [0] : vector<16xf32>, vector<16xi32> -> vector<16xf32>
      %mul3A_1167 = arith.constant 128 : i32
      %mul3A_1168 = arith.muli %add3A_471, %mul3A_1167 : i32
      %add3A_1169 = arith.constant 32 : i32
      %add3A_1170 = arith.addi %mul3A_1168, %add3A_1169 : i32
      %swap3A_1171 = arith.constant 0 : i32
      %swap3A_1172 = arith.constant 6 : i32
      %swap3A_1173 = arith.index_cast %swap3A_1171 : i32 to index
      %swap3A_1174 = arith.index_cast %swap3A_1172 : i32 to index
      %swap3A_1175 = arith.index_cast %add3A_1170 : i32 to index
      %swap3A_1176 = tpu.vector_load %arg8[%swap3A_1173, %swap3A_1174, %swap3A_1175] {strides = array<i32>} : memref<1x8x4096xf32, #tpu.memory_space<vmem>>, vector<16xf32>,
      tpu.vector_store %arg8[%swap3A_1173, %swap3A_1174, %swap3A_1175], %gather3A_1166 {strides = array<i32>} : memref<1x8x4096xf32, #tpu.memory_space<vmem>>, vector<16xf32>,
      %reshape3A_1177 = vector.shape_cast %get3A_495 : vector<16xi32> to vector<16x1xi32>
      %gather3A_1178 = vector.shape_cast %reshape3A_1177 : vector<16x1xi32> to vector<16xi32>
      %gather3A_1179 = tpu.dynamic_gather %gather3A_420[%gather3A_1178] in [0] : vector<16xf32>, vector<16xi32> -> vector<16xf32>
      %mul3A_1180 = arith.constant 128 : i32
      %mul3A_1181 = arith.muli %add3A_471, %mul3A_1180 : i32
      %add3A_1182 = arith.constant 48 : i32
      %add3A_1183 = arith.addi %mul3A_1181, %add3A_1182 : i32
      %swap3A_1184 = arith.constant 0 : i32
      %swap3A_1185 = arith.constant 6 : i32
      %swap3A_1186 = arith.index_cast %swap3A_1184 : i32 to index
      %swap3A_1187 = arith.index_cast %swap3A_1185 : i32 to index
      %swap3A_1188 = arith.index_cast %add3A_1183 : i32 to index
      %swap3A_1189 = tpu.vector_load %arg8[%swap3A_1186, %swap3A_1187, %swap3A_1188] {strides = array<i32>} : memref<1x8x4096xf32, #tpu.memory_space<vmem>>, vector<16xf32>,
      tpu.vector_store %arg8[%swap3A_1186, %swap3A_1187, %swap3A_1188], %gather3A_1179 {strides = array<i32>} : memref<1x8x4096xf32, #tpu.memory_space<vmem>>, vector<16xf32>,
      %reshape3A_1190 = vector.shape_cast %get3A_500 : vector<16xi32> to vector<16x1xi32>
      %gather3A_1191 = vector.shape_cast %reshape3A_1190 : vector<16x1xi32> to vector<16xi32>
      %gather3A_1192 = tpu.dynamic_gather %gather3A_420[%gather3A_1191] in [0] : vector<16xf32>, vector<16xi32> -> vector<16xf32>
      %mul3A_1193 = arith.constant 128 : i32
      %mul3A_1194 = arith.muli %add3A_471, %mul3A_1193 : i32
      %add3A_1195 = arith.constant 64 : i32
      %add3A_1196 = arith.addi %mul3A_1194, %add3A_1195 : i32
      %swap3A_1197 = arith.constant 0 : i32
      %swap3A_1198 = arith.constant 6 : i32
      %swap3A_1199 = arith.index_cast %swap3A_1197 : i32 to index
      %swap3A_1200 = arith.index_cast %swap3A_1198 : i32 to index
      %swap3A_1201 = arith.index_cast %add3A_1196 : i32 to index
      %swap3A_1202 = tpu.vector_load %arg8[%swap3A_1199, %swap3A_1200, %swap3A_1201] {strides = array<i32>} : memref<1x8x4096xf32, #tpu.memory_space<vmem>>, vector<16xf32>,
      tpu.vector_store %arg8[%swap3A_1199, %swap3A_1200, %swap3A_1201], %gather3A_1192 {strides = array<i32>} : memref<1x8x4096xf32, #tpu.memory_space<vmem>>, vector<16xf32>,
      %reshape3A_1203 = vector.shape_cast %get3A_505 : vector<16xi32> to vector<16x1xi32>
      %gather3A_1204 = vector.shape_cast %reshape3A_1203 : vector<16x1xi32> to vector<16xi32>
      %gather3A_1205 = tpu.dynamic_gather %gather3A_420[%gather3A_1204] in [0] : vector<16xf32>, vector<16xi32> -> vector<16xf32>
      %mul3A_1206 = arith.constant 128 : i32
      %mul3A_1207 = arith.muli %add3A_471, %mul3A_1206 : i32
      %add3A_1208 = arith.constant 80 : i32
      %add3A_1209 = arith.addi %mul3A_1207, %add3A_1208 : i32
      %swap3A_1210 = arith.constant 0 : i32
      %swap3A_1211 = arith.constant 6 : i32
      %swap3A_1212 = arith.index_cast %swap3A_1210 : i32 to index
      %swap3A_1213 = arith.index_cast %swap3A_1211 : i32 to index
      %swap3A_1214 = arith.index_cast %add3A_1209 : i32 to index
      %swap3A_1215 = tpu.vector_load %arg8[%swap3A_1212, %swap3A_1213, %swap3A_1214] {strides = array<i32>} : memref<1x8x4096xf32, #tpu.memory_space<vmem>>, vector<16xf32>,
      tpu.vector_store %arg8[%swap3A_1212, %swap3A_1213, %swap3A_1214], %gather3A_1205 {strides = array<i32>} : memref<1x8x4096xf32, #tpu.memory_space<vmem>>, vector<16xf32>,
      %reshape3A_1216 = vector.shape_cast %get3A_510 : vector<16xi32> to vector<16x1xi32>
      %gather3A_1217 = vector.shape_cast %reshape3A_1216 : vector<16x1xi32> to vector<16xi32>
      %gather3A_1218 = tpu.dynamic_gather %gather3A_420[%gather3A_1217] in [0] : vector<16xf32>, vector<16xi32> -> vector<16xf32>
      %mul3A_1219 = arith.constant 128 : i32
      %mul3A_1220 = arith.muli %add3A_471, %mul3A_1219 : i32
      %add3A_1221 = arith.constant 96 : i32
      %add3A_1222 = arith.addi %mul3A_1220, %add3A_1221 : i32
      %swap3A_1223 = arith.constant 0 : i32
      %swap3A_1224 = arith.constant 6 : i32
      %swap3A_1225 = arith.index_cast %swap3A_1223 : i32 to index
      %swap3A_1226 = arith.index_cast %swap3A_1224 : i32 to index
      %swap3A_1227 = arith.index_cast %add3A_1222 : i32 to index
      %swap3A_1228 = tpu.vector_load %arg8[%swap3A_1225, %swap3A_1226, %swap3A_1227] {strides = array<i32>} : memref<1x8x4096xf32, #tpu.memory_space<vmem>>, vector<16xf32>,
      tpu.vector_store %arg8[%swap3A_1225, %swap3A_1226, %swap3A_1227], %gather3A_1218 {strides = array<i32>} : memref<1x8x4096xf32, #tpu.memory_space<vmem>>, vector<16xf32>,
      %reshape3A_1229 = vector.shape_cast %get3A_515 : vector<16xi32> to vector<16x1xi32>
      %gather3A_1230 = vector.shape_cast %reshape3A_1229 : vector<16x1xi32> to vector<16xi32>
      %gather3A_1231 = tpu.dynamic_gather %gather3A_420[%gather3A_1230] in [0] : vector<16xf32>, vector<16xi32> -> vector<16xf32>
      %mul3A_1232 = arith.constant 128 : i32
      %mul3A_1233 = arith.muli %add3A_471, %mul3A_1232 : i32
      %add3A_1234 = arith.constant 112 : i32
      %add3A_1235 = arith.addi %mul3A_1233, %add3A_1234 : i32
      %swap3A_1236 = arith.constant 0 : i32
      %swap3A_1237 = arith.constant 6 : i32
      %swap3A_1238 = arith.index_cast %swap3A_1236 : i32 to index
      %swap3A_1239 = arith.index_cast %swap3A_1237 : i32 to index
      %swap3A_1240 = arith.index_cast %add3A_1235 : i32 to index
      %swap3A_1241 = tpu.vector_load %arg8[%swap3A_1238, %swap3A_1239, %swap3A_1240] {strides = array<i32>} : memref<1x8x4096xf32, #tpu.memory_space<vmem>>, vector<16xf32>,
      tpu.vector_store %arg8[%swap3A_1238, %swap3A_1239, %swap3A_1240], %gather3A_1231 {strides = array<i32>} : memref<1x8x4096xf32, #tpu.memory_space<vmem>>, vector<16xf32>,
      %reshape3A_1242 = vector.shape_cast %get3A_480 : vector<16xi32> to vector<16x1xi32>
      %gather3A_1243 = vector.shape_cast %reshape3A_1242 : vector<16x1xi32> to vector<16xi32>
      %gather3A_1244 = tpu.dynamic_gather %gather3A_434[%gather3A_1243] in [0] : vector<16xf32>, vector<16xi32> -> vector<16xf32>
      %mul3A_1245 = arith.constant 128 : i32
      %mul3A_1246 = arith.muli %add3A_471, %mul3A_1245 : i32
      %add3A_1247 = arith.constant 0 : i32
      %add3A_1248 = arith.addi %mul3A_1246, %add3A_1247 : i32
      %swap3A_1249 = arith.constant 0 : i32
      %swap3A_1250 = arith.constant 7 : i32
      %swap3A_1251 = arith.index_cast %swap3A_1249 : i32 to index
      %swap3A_1252 = arith.index_cast %swap3A_1250 : i32 to index
      %swap3A_1253 = arith.index_cast %add3A_1248 : i32 to index
      %swap3A_1254 = tpu.vector_load %arg8[%swap3A_1251, %swap3A_1252, %swap3A_1253] {strides = array<i32>} : memref<1x8x4096xf32, #tpu.memory_space<vmem>>, vector<16xf32>,
      tpu.vector_store %arg8[%swap3A_1251, %swap3A_1252, %swap3A_1253], %gather3A_1244 {strides = array<i32>} : memref<1x8x4096xf32, #tpu.memory_space<vmem>>, vector<16xf32>,
      %reshape3A_1255 = vector.shape_cast %get3A_485 : vector<16xi32> to vector<16x1xi32>
      %gather3A_1256 = vector.shape_cast %reshape3A_1255 : vector<16x1xi32> to vector<16xi32>
      %gather3A_1257 = tpu.dynamic_gather %gather3A_434[%gather3A_1256] in [0] : vector<16xf32>, vector<16xi32> -> vector<16xf32>
      %mul3A_1258 = arith.constant 128 : i32
      %mul3A_1259 = arith.muli %add3A_471, %mul3A_1258 : i32
      %add3A_1260 = arith.constant 16 : i32
      %add3A_1261 = arith.addi %mul3A_1259, %add3A_1260 : i32
      %swap3A_1262 = arith.constant 0 : i32
      %swap3A_1263 = arith.constant 7 : i32
      %swap3A_1264 = arith.index_cast %swap3A_1262 : i32 to index
      %swap3A_1265 = arith.index_cast %swap3A_1263 : i32 to index
      %swap3A_1266 = arith.index_cast %add3A_1261 : i32 to index
      %swap3A_1267 = tpu.vector_load %arg8[%swap3A_1264, %swap3A_1265, %swap3A_1266] {strides = array<i32>} : memref<1x8x4096xf32, #tpu.memory_space<vmem>>, vector<16xf32>,
      tpu.vector_store %arg8[%swap3A_1264, %swap3A_1265, %swap3A_1266], %gather3A_1257 {strides = array<i32>} : memref<1x8x4096xf32, #tpu.memory_space<vmem>>, vector<16xf32>,
      %reshape3A_1268 = vector.shape_cast %get3A_490 : vector<16xi32> to vector<16x1xi32>
      %gather3A_1269 = vector.shape_cast %reshape3A_1268 : vector<16x1xi32> to vector<16xi32>
      %gather3A_1270 = tpu.dynamic_gather %gather3A_434[%gather3A_1269] in [0] : vector<16xf32>, vector<16xi32> -> vector<16xf32>
      %mul3A_1271 = arith.constant 128 : i32
      %mul3A_1272 = arith.muli %add3A_471, %mul3A_1271 : i32
      %add3A_1273 = arith.constant 32 : i32
      %add3A_1274 = arith.addi %mul3A_1272, %add3A_1273 : i32
      %swap3A_1275 = arith.constant 0 : i32
      %swap3A_1276 = arith.constant 7 : i32
      %swap3A_1277 = arith.index_cast %swap3A_1275 : i32 to index
      %swap3A_1278 = arith.index_cast %swap3A_1276 : i32 to index
      %swap3A_1279 = arith.index_cast %add3A_1274 : i32 to index
      %swap3A_1280 = tpu.vector_load %arg8[%swap3A_1277, %swap3A_1278, %swap3A_1279] {strides = array<i32>} : memref<1x8x4096xf32, #tpu.memory_space<vmem>>, vector<16xf32>,
      tpu.vector_store %arg8[%swap3A_1277, %swap3A_1278, %swap3A_1279], %gather3A_1270 {strides = array<i32>} : memref<1x8x4096xf32, #tpu.memory_space<vmem>>, vector<16xf32>,
      %reshape3A_1281 = vector.shape_cast %get3A_495 : vector<16xi32> to vector<16x1xi32>
      %gather3A_1282 = vector.shape_cast %reshape3A_1281 : vector<16x1xi32> to vector<16xi32>
      %gather3A_1283 = tpu.dynamic_gather %gather3A_434[%gather3A_1282] in [0] : vector<16xf32>, vector<16xi32> -> vector<16xf32>
      %mul3A_1284 = arith.constant 128 : i32
      %mul3A_1285 = arith.muli %add3A_471, %mul3A_1284 : i32
      %add3A_1286 = arith.constant 48 : i32
      %add3A_1287 = arith.addi %mul3A_1285, %add3A_1286 : i32
      %swap3A_1288 = arith.constant 0 : i32
      %swap3A_1289 = arith.constant 7 : i32
      %swap3A_1290 = arith.index_cast %swap3A_1288 : i32 to index
      %swap3A_1291 = arith.index_cast %swap3A_1289 : i32 to index
      %swap3A_1292 = arith.index_cast %add3A_1287 : i32 to index
      %swap3A_1293 = tpu.vector_load %arg8[%swap3A_1290, %swap3A_1291, %swap3A_1292] {strides = array<i32>} : memref<1x8x4096xf32, #tpu.memory_space<vmem>>, vector<16xf32>,
      tpu.vector_store %arg8[%swap3A_1290, %swap3A_1291, %swap3A_1292], %gather3A_1283 {strides = array<i32>} : memref<1x8x4096xf32, #tpu.memory_space<vmem>>, vector<16xf32>,
      %reshape3A_1294 = vector.shape_cast %get3A_500 : vector<16xi32> to vector<16x1xi32>
      %gather3A_1295 = vector.shape_cast %reshape3A_1294 : vector<16x1xi32> to vector<16xi32>
      %gather3A_1296 = tpu.dynamic_gather %gather3A_434[%gather3A_1295] in [0] : vector<16xf32>, vector<16xi32> -> vector<16xf32>
      %mul3A_1297 = arith.constant 128 : i32
      %mul3A_1298 = arith.muli %add3A_471, %mul3A_1297 : i32
      %add3A_1299 = arith.constant 64 : i32
      %add3A_1300 = arith.addi %mul3A_1298, %add3A_1299 : i32
      %swap3A_1301 = arith.constant 0 : i32
      %swap3A_1302 = arith.constant 7 : i32
      %swap3A_1303 = arith.index_cast %swap3A_1301 : i32 to index
      %swap3A_1304 = arith.index_cast %swap3A_1302 : i32 to index
      %swap3A_1305 = arith.index_cast %add3A_1300 : i32 to index
      %swap3A_1306 = tpu.vector_load %arg8[%swap3A_1303, %swap3A_1304, %swap3A_1305] {strides = array<i32>} : memref<1x8x4096xf32, #tpu.memory_space<vmem>>, vector<16xf32>,
      tpu.vector_store %arg8[%swap3A_1303, %swap3A_1304, %swap3A_1305], %gather3A_1296 {strides = array<i32>} : memref<1x8x4096xf32, #tpu.memory_space<vmem>>, vector<16xf32>,
      %reshape3A_1307 = vector.shape_cast %get3A_505 : vector<16xi32> to vector<16x1xi32>
      %gather3A_1308 = vector.shape_cast %reshape3A_1307 : vector<16x1xi32> to vector<16xi32>
      %gather3A_1309 = tpu.dynamic_gather %gather3A_434[%gather3A_1308] in [0] : vector<16xf32>, vector<16xi32> -> vector<16xf32>
      %mul3A_1310 = arith.constant 128 : i32
      %mul3A_1311 = arith.muli %add3A_471, %mul3A_1310 : i32
      %add3A_1312 = arith.constant 80 : i32
      %add3A_1313 = arith.addi %mul3A_1311, %add3A_1312 : i32
      %swap3A_1314 = arith.constant 0 : i32
      %swap3A_1315 = arith.constant 7 : i32
      %swap3A_1316 = arith.index_cast %swap3A_1314 : i32 to index
      %swap3A_1317 = arith.index_cast %swap3A_1315 : i32 to index
      %swap3A_1318 = arith.index_cast %add3A_1313 : i32 to index
      %swap3A_1319 = tpu.vector_load %arg8[%swap3A_1316, %swap3A_1317, %swap3A_1318] {strides = array<i32>} : memref<1x8x4096xf32, #tpu.memory_space<vmem>>, vector<16xf32>,
      tpu.vector_store %arg8[%swap3A_1316, %swap3A_1317, %swap3A_1318], %gather3A_1309 {strides = array<i32>} : memref<1x8x4096xf32, #tpu.memory_space<vmem>>, vector<16xf32>,
      %reshape3A_1320 = vector.shape_cast %get3A_510 : vector<16xi32> to vector<16x1xi32>
      %gather3A_1321 = vector.shape_cast %reshape3A_1320 : vector<16x1xi32> to vector<16xi32>
      %gather3A_1322 = tpu.dynamic_gather %gather3A_434[%gather3A_1321] in [0] : vector<16xf32>, vector<16xi32> -> vector<16xf32>
      %mul3A_1323 = arith.constant 128 : i32
      %mul3A_1324 = arith.muli %add3A_471, %mul3A_1323 : i32
      %add3A_1325 = arith.constant 96 : i32
      %add3A_1326 = arith.addi %mul3A_1324, %add3A_1325 : i32
      %swap3A_1327 = arith.constant 0 : i32
      %swap3A_1328 = arith.constant 7 : i32
      %swap3A_1329 = arith.index_cast %swap3A_1327 : i32 to index
      %swap3A_1330 = arith.index_cast %swap3A_1328 : i32 to index
      %swap3A_1331 = arith.index_cast %add3A_1326 : i32 to index
      %swap3A_1332 = tpu.vector_load %arg8[%swap3A_1329, %swap3A_1330, %swap3A_1331] {strides = array<i32>} : memref<1x8x4096xf32, #tpu.memory_space<vmem>>, vector<16xf32>,
      tpu.vector_store %arg8[%swap3A_1329, %swap3A_1330, %swap3A_1331], %gather3A_1322 {strides = array<i32>} : memref<1x8x4096xf32, #tpu.memory_space<vmem>>, vector<16xf32>,
      %reshape3A_1333 = vector.shape_cast %get3A_515 : vector<16xi32> to vector<16x1xi32>
      %gather3A_1334 = vector.shape_cast %reshape3A_1333 : vector<16x1xi32> to vector<16xi32>
      %gather3A_1335 = tpu.dynamic_gather %gather3A_434[%gather3A_1334] in [0] : vector<16xf32>, vector<16xi32> -> vector<16xf32>
      %mul3A_1336 = arith.constant 128 : i32
      %mul3A_1337 = arith.muli %add3A_471, %mul3A_1336 : i32
      %add3A_1338 = arith.constant 112 : i32
      %add3A_1339 = arith.addi %mul3A_1337, %add3A_1338 : i32
      %swap3A_1340 = arith.constant 0 : i32
      %swap3A_1341 = arith.constant 7 : i32
      %swap3A_1342 = arith.index_cast %swap3A_1340 : i32 to index
      %swap3A_1343 = arith.index_cast %swap3A_1341 : i32 to index
      %swap3A_1344 = arith.index_cast %add3A_1339 : i32 to index
      %swap3A_1345 = tpu.vector_load %arg8[%swap3A_1342, %swap3A_1343, %swap3A_1344] {strides = array<i32>} : memref<1x8x4096xf32, #tpu.memory_space<vmem>>, vector<16xf32>,
      tpu.vector_store %arg8[%swap3A_1342, %swap3A_1343, %swap3A_1344], %gather3A_1335 {strides = array<i32>} : memref<1x8x4096xf32, #tpu.memory_space<vmem>>, vector<16xf32>,
    }
    %scan3A_439 = arith.constant 32 : i32
    %mul3A_440 = arith.constant 8 : i32
    %mul3A_441 = arith.muli %select_n3A_316, %mul3A_440 : i32
    %mul3A_442 = arith.constant 4096 : i32
    %mul3A_443 = arith.muli %rem3A_318, %mul3A_442 : i32
    %dma_start3A_444 = tpu.memref_slice %arg4[%select_n3A_290, %mul3A_441, %mul3A_443] : memref<26x64x16384xf32, #tpu.memory_space<hbm>> -> memref<1x8x4096xf32, #tpu.memory_space<hbm>>
    %dma_start3A_445 = tpu.memref_slice %arg4[%select_n3A_290, %mul3A_441, %mul3A_443] : memref<26x64x16384xf32, #tpu.memory_space<hbm>> -> memref<1x8x4096xf32, #tpu.memory_space<hbm>>
    tpu.enqueue_dma source(%arg8 : memref<1x8x4096xf32, #tpu.memory_space<vmem>>) target(%dma_start3A_445 : memref<1x8x4096xf32, #tpu.memory_space<hbm>>) target_semaphore(%arg10 : memref<!tpu.dma_semaphore, #tpu.memory_space<semaphore_mem>>)
    %scan3A_446 = arith.constant 0 : i32
    %scan3A_447 = arith.constant 12 : i32
    %scan3A_448 = arith.addi %scan3A_446, %scan3A_447 : i32
    %scan3A_449 = arith.constant 1 : i32
    scf.for %scan3A_467 = %scan3A_446 to %scan3A_448 step %scan3A_449  : i32 {
      %mul3A_468 = arith.constant 2 : i32
      %mul3A_469 = arith.muli %scan3A_467, %mul3A_468 : i32
      %add3A_470 = arith.constant 2 : i32
      %add3A_471 = arith.addi %add3A_470, %mul3A_469 : i32
      %add3A_472 = arith.addi %mul3A_2, %add3A_471 : i32
      %jit3A_473 = arith.constant 32 : i32
      %div3A_474 = arith.divsi %add3A_472, %jit3A_473 : i32
      %sign3A_475 = arith.constant 0 : i32
      %sign3A_476 = arith.cmpi sgt, %add3A_472, %sign3A_475 : i32
      %sign3A_477 = arith.extui %sign3A_476 : i1 to i32
      %sign3A_478 = arith.constant 0 : i32
      %sign3A_479 = arith.cmpi slt, %add3A_472, %sign3A_478 : i32
      %sign3A_480 = arith.extui %sign3A_479 : i1 to i32
      %sign3A_481 = arith.subi %sign3A_477, %sign3A_480 : i32
      %sign3A_482 = arith.constant 0 : i32
      %sign3A_483 = arith.cmpi sgt, %jit3A_473, %sign3A_482 : i32
      %sign3A_484 = arith.extui %sign3A_483 : i1 to i32
      %sign3A_485 = arith.constant 0 : i32
      %sign3A_486 = arith.cmpi slt, %jit3A_473, %sign3A_485 : i32
      %sign3A_487 = arith.extui %sign3A_486 : i1 to i32
      %sign3A_488 = arith.subi %sign3A_484, %sign3A_487 : i32
      %ne3A_489 = arith.cmpi ne, %sign3A_481, %sign3A_488 : i32
      %rem3A_490 = arith.remsi %add3A_472, %jit3A_473 : i32
      %ne3A_491 = arith.constant 0 : i32
      %ne3A_492 = arith.cmpi ne, %rem3A_490, %ne3A_491 : i32
      %and3A_493 = arith.andi %ne3A_489, %ne3A_492 : i1
      %sub3A_494 = arith.constant 1 : i32
      %sub3A_495 = arith.subi %div3A_474, %sub3A_494 : i32
      %select_n3A_496 = arith.select %and3A_493, %sub3A_495, %div3A_474 : i32
      %rem3A_497 = arith.constant 32 : i32
      %rem3A_498 = arith.remsi %add3A_472, %rem3A_497 : i32
      %jit3A_499 = arith.constant 4 : i32
      %div3A_500 = arith.divsi %rem3A_498, %jit3A_499 : i32
      %sign3A_501 = arith.constant 0 : i32
      %sign3A_502 = arith.cmpi sgt, %rem3A_498, %sign3A_501 : i32
      %sign3A_503 = arith.extui %sign3A_502 : i1 to i32
      %sign3A_504 = arith.constant 0 : i32
      %sign3A_505 = arith.cmpi slt, %rem3A_498, %sign3A_504 : i32
      %sign3A_506 = arith.extui %sign3A_505 : i1 to i32
      %sign3A_507 = arith.subi %sign3A_503, %sign3A_506 : i32
      %sign3A_508 = arith.constant 0 : i32
      %sign3A_509 = arith.cmpi sgt, %jit3A_499, %sign3A_508 : i32
      %sign3A_510 = arith.extui %sign3A_509 : i1 to i32
      %sign3A_511 = arith.constant 0 : i32
      %sign3A_512 = arith.cmpi slt, %jit3A_499, %sign3A_511 : i32
      %sign3A_513 = arith.extui %sign3A_512 : i1 to i32
      %sign3A_514 = arith.subi %sign3A_510, %sign3A_513 : i32
      %ne3A_515 = arith.cmpi ne, %sign3A_507, %sign3A_514 : i32
      %rem3A_516 = arith.remsi %rem3A_498, %jit3A_499 : i32
      %ne3A_517 = arith.constant 0 : i32
      %ne3A_518 = arith.cmpi ne, %rem3A_516, %ne3A_517 : i32
      %and3A_519 = arith.andi %ne3A_515, %ne3A_518 : i1
      %sub3A_520 = arith.constant 1 : i32
      %sub3A_521 = arith.subi %div3A_500, %sub3A_520 : i32
      %select_n3A_522 = arith.select %and3A_519, %sub3A_521, %div3A_500 : i32
      %rem3A_523 = arith.constant 4 : i32
      %rem3A_524 = arith.remsi %rem3A_498, %rem3A_523 : i32
      %eq3A_525 = arith.cmpi eq, %select_n3A_496, %select_n3A : i32
      %jit3A_526 = arith.constant 0 : i32
      %jit3A_527 = arith.constant 1 : i32
      %select_n3A_528 = arith.select %eq3A_525, %jit3A_526, %jit3A_527 : i32
      %mul3A_529 = arith.constant 8 : i32
      %mul3A_530 = arith.muli %select_n3A_522, %mul3A_529 : i32
      %mul3A_531 = arith.constant 4096 : i32
      %mul3A_532 = arith.muli %rem3A_524, %mul3A_531 : i32
      %dma_wait3A_533 = tpu.memref_slice %arg4[%select_n3A_496, %mul3A_530, %mul3A_532] : memref<26x64x16384xf32, #tpu.memory_space<hbm>> -> memref<1x8x4096xf32, #tpu.memory_space<hbm>>
      %dma_wait3A_534 = tpu.memref_slice %arg4[%select_n3A_496, %mul3A_530, %mul3A_532] : memref<26x64x16384xf32, #tpu.memory_space<hbm>> -> memref<1x8x4096xf32, #tpu.memory_space<hbm>>
      tpu.wait_dma2 semaphore(%arg9 : memref<!tpu.dma_semaphore, #tpu.memory_space<semaphore_mem>>) src(%arg7 : memref<1x8x4096xf32, #tpu.memory_space<vmem>>) dst(%dma_wait3A_534 : memref<1x8x4096xf32, #tpu.memory_space<hbm>>)
      %mul3A_535 = arith.constant 640 : i32
      %mul3A_536 = arith.muli %select_n3A_496, %mul3A_535 : i32
      %mul3A_537 = arith.constant 64 : i32
      %mul3A_538 = vector.broadcast %mul3A_537 : i32 to vector<16xi32>
      %mul3A_539 = arith.muli %min3A_86, %mul3A_538 : vector<16xi32>
      %add3A_540 = vector.broadcast %mul3A_536 : i32 to vector<16xi32>
      %add3A_541 = arith.addi %add3A_540, %mul3A_539 : vector<16xi32>
      %mul3A_542 = arith.constant 8 : i32
      %mul3A_543 = arith.muli %select_n3A_522, %mul3A_542 : i32
      %add3A_544 = arith.constant 0 : i32
      %add3A_545 = arith.addi %mul3A_543, %add3A_544 : i32
      %add3A_546 = vector.broadcast %add3A_545 : i32 to vector<16xi32>
      %add3A_547 = arith.addi %add3A_541, %add3A_546 : vector<16xi32>
      %gather3A_548 = tpu.vector_load_idx %arg5[%add3A_547] : memref<16640xf32, #tpu.memory_space<vmem>>[vector<16xi32>], vector<16xf32>,
      %mul3A_549 = arith.constant 640 : i32
      %mul3A_550 = arith.muli %select_n3A_496, %mul3A_549 : i32
      %mul3A_551 = arith.constant 64 : i32
      %mul3A_552 = vector.broadcast %mul3A_551 : i32 to vector<16xi32>
      %mul3A_553 = arith.muli %min3A_86, %mul3A_552 : vector<16xi32>
      %add3A_554 = vector.broadcast %mul3A_550 : i32 to vector<16xi32>
      %add3A_555 = arith.addi %add3A_554, %mul3A_553 : vector<16xi32>
      %mul3A_556 = arith.constant 8 : i32
      %mul3A_557 = arith.muli %select_n3A_522, %mul3A_556 : i32
      %add3A_558 = arith.constant 1 : i32
      %add3A_559 = arith.addi %mul3A_557, %add3A_558 : i32
      %add3A_560 = vector.broadcast %add3A_559 : i32 to vector<16xi32>
      %add3A_561 = arith.addi %add3A_555, %add3A_560 : vector<16xi32>
      %gather3A_562 = tpu.vector_load_idx %arg5[%add3A_561] : memref<16640xf32, #tpu.memory_space<vmem>>[vector<16xi32>], vector<16xf32>,
      %mul3A_563 = arith.constant 640 : i32
      %mul3A_564 = arith.muli %select_n3A_496, %mul3A_563 : i32
      %mul3A_565 = arith.constant 64 : i32
      %mul3A_566 = vector.broadcast %mul3A_565 : i32 to vector<16xi32>
      %mul3A_567 = arith.muli %min3A_86, %mul3A_566 : vector<16xi32>
      %add3A_568 = vector.broadcast %mul3A_564 : i32 to vector<16xi32>
      %add3A_569 = arith.addi %add3A_568, %mul3A_567 : vector<16xi32>
      %mul3A_570 = arith.constant 8 : i32
      %mul3A_571 = arith.muli %select_n3A_522, %mul3A_570 : i32
      %add3A_572 = arith.constant 2 : i32
      %add3A_573 = arith.addi %mul3A_571, %add3A_572 : i32
      %add3A_574 = vector.broadcast %add3A_573 : i32 to vector<16xi32>
      %add3A_575 = arith.addi %add3A_569, %add3A_574 : vector<16xi32>
      %gather3A_576 = tpu.vector_load_idx %arg5[%add3A_575] : memref<16640xf32, #tpu.memory_space<vmem>>[vector<16xi32>], vector<16xf32>,
      %mul3A_577 = arith.constant 640 : i32
      %mul3A_578 = arith.muli %select_n3A_496, %mul3A_577 : i32
      %mul3A_579 = arith.constant 64 : i32
      %mul3A_580 = vector.broadcast %mul3A_579 : i32 to vector<16xi32>
      %mul3A_581 = arith.muli %min3A_86, %mul3A_580 : vector<16xi32>
      %add3A_582 = vector.broadcast %mul3A_578 : i32 to vector<16xi32>
      %add3A_583 = arith.addi %add3A_582, %mul3A_581 : vector<16xi32>
      %mul3A_584 = arith.constant 8 : i32
      %mul3A_585 = arith.muli %select_n3A_522, %mul3A_584 : i32
      %add3A_586 = arith.constant 3 : i32
      %add3A_587 = arith.addi %mul3A_585, %add3A_586 : i32
      %add3A_588 = vector.broadcast %add3A_587 : i32 to vector<16xi32>
      %add3A_589 = arith.addi %add3A_583, %add3A_588 : vector<16xi32>
      %gather3A_590 = tpu.vector_load_idx %arg5[%add3A_589] : memref<16640xf32, #tpu.memory_space<vmem>>[vector<16xi32>], vector<16xf32>,
      %mul3A_591 = arith.constant 640 : i32
      %mul3A_592 = arith.muli %select_n3A_496, %mul3A_591 : i32
      %mul3A_593 = arith.constant 64 : i32
      %mul3A_594 = vector.broadcast %mul3A_593 : i32 to vector<16xi32>
      %mul3A_595 = arith.muli %min3A_86, %mul3A_594 : vector<16xi32>
      %add3A_596 = vector.broadcast %mul3A_592 : i32 to vector<16xi32>
      %add3A_597 = arith.addi %add3A_596, %mul3A_595 : vector<16xi32>
      %mul3A_598 = arith.constant 8 : i32
      %mul3A_599 = arith.muli %select_n3A_522, %mul3A_598 : i32
      %add3A_600 = arith.constant 4 : i32
      %add3A_601 = arith.addi %mul3A_599, %add3A_600 : i32
      %add3A_602 = vector.broadcast %add3A_601 : i32 to vector<16xi32>
      %add3A_603 = arith.addi %add3A_597, %add3A_602 : vector<16xi32>
      %gather3A_604 = tpu.vector_load_idx %arg5[%add3A_603] : memref<16640xf32, #tpu.memory_space<vmem>>[vector<16xi32>], vector<16xf32>,
      %mul3A_605 = arith.constant 640 : i32
      %mul3A_606 = arith.muli %select_n3A_496, %mul3A_605 : i32
      %mul3A_607 = arith.constant 64 : i32
      %mul3A_608 = vector.broadcast %mul3A_607 : i32 to vector<16xi32>
      %mul3A_609 = arith.muli %min3A_86, %mul3A_608 : vector<16xi32>
      %add3A_610 = vector.broadcast %mul3A_606 : i32 to vector<16xi32>
      %add3A_611 = arith.addi %add3A_610, %mul3A_609 : vector<16xi32>
      %mul3A_612 = arith.constant 8 : i32
      %mul3A_613 = arith.muli %select_n3A_522, %mul3A_612 : i32
      %add3A_614 = arith.constant 5 : i32
      %add3A_615 = arith.addi %mul3A_613, %add3A_614 : i32
      %add3A_616 = vector.broadcast %add3A_615 : i32 to vector<16xi32>
      %add3A_617 = arith.addi %add3A_611, %add3A_616 : vector<16xi32>
      %gather3A_618 = tpu.vector_load_idx %arg5[%add3A_617] : memref<16640xf32, #tpu.memory_space<vmem>>[vector<16xi32>], vector<16xf32>,
      %mul3A_619 = arith.constant 640 : i32
      %mul3A_620 = arith.muli %select_n3A_496, %mul3A_619 : i32
      %mul3A_621 = arith.constant 64 : i32
      %mul3A_622 = vector.broadcast %mul3A_621 : i32 to vector<16xi32>
      %mul3A_623 = arith.muli %min3A_86, %mul3A_622 : vector<16xi32>
      %add3A_624 = vector.broadcast %mul3A_620 : i32 to vector<16xi32>
      %add3A_625 = arith.addi %add3A_624, %mul3A_623 : vector<16xi32>
      %mul3A_626 = arith.constant 8 : i32
      %mul3A_627 = arith.muli %select_n3A_522, %mul3A_626 : i32
      %add3A_628 = arith.constant 6 : i32
      %add3A_629 = arith.addi %mul3A_627, %add3A_628 : i32
      %add3A_630 = vector.broadcast %add3A_629 : i32 to vector<16xi32>
      %add3A_631 = arith.addi %add3A_625, %add3A_630 : vector<16xi32>
      %gather3A_632 = tpu.vector_load_idx %arg5[%add3A_631] : memref<16640xf32, #tpu.memory_space<vmem>>[vector<16xi32>], vector<16xf32>,
      %mul3A_633 = arith.constant 640 : i32
      %mul3A_634 = arith.muli %select_n3A_496, %mul3A_633 : i32
      %mul3A_635 = arith.constant 64 : i32
      %mul3A_636 = vector.broadcast %mul3A_635 : i32 to vector<16xi32>
      %mul3A_637 = arith.muli %min3A_86, %mul3A_636 : vector<16xi32>
      %add3A_638 = vector.broadcast %mul3A_634 : i32 to vector<16xi32>
      %add3A_639 = arith.addi %add3A_638, %mul3A_637 : vector<16xi32>
      %mul3A_640 = arith.constant 8 : i32
      %mul3A_641 = arith.muli %select_n3A_522, %mul3A_640 : i32
      %add3A_642 = arith.constant 7 : i32
      %add3A_643 = arith.addi %mul3A_641, %add3A_642 : i32
      %add3A_644 = vector.broadcast %add3A_643 : i32 to vector<16xi32>
      %add3A_645 = arith.addi %add3A_639, %add3A_644 : vector<16xi32>
      %gather3A_646 = tpu.vector_load_idx %arg5[%add3A_645] : memref<16640xf32, #tpu.memory_space<vmem>>[vector<16xi32>], vector<16xf32>,
      %scan3A_647 = arith.constant 0 : i32
      %scan3A_648 = arith.constant 32 : i32
      %scan3A_649 = arith.addi %scan3A_647, %scan3A_648 : i32
      %scan3A_650 = arith.constant 1 : i32
      scf.for %scan3A_846 = %scan3A_647 to %scan3A_649 step %scan3A_650  : i32 {
        %mul3A_847 = arith.constant 1 : i32
        %mul3A_848 = arith.muli %scan3A_846, %mul3A_847 : i32
        %add3A_849 = arith.constant 0 : i32
        %add3A_850 = arith.addi %add3A_849, %mul3A_848 : i32
        %mul3A_851 = arith.constant 4096 : i32
        %mul3A_852 = arith.muli %rem3A_524, %mul3A_851 : i32
        %mul3A_853 = arith.constant 128 : i32
        %mul3A_854 = arith.muli %add3A_850, %mul3A_853 : i32
        %add3A_855 = arith.addi %mul3A_852, %mul3A_854 : i32
        %add3A_856 = arith.constant 0 : i32
        %add3A_857 = arith.addi %add3A_855, %add3A_856 : i32
        %get3A = arith.index_cast %select_n3A_528 : i32 to index
        %get3A_858 = arith.index_cast %add3A_857 : i32 to index
        %get3A_859 = tpu.vector_load %arg6[%get3A, %get3A_858] {strides = array<i32>} : memref<2x16384xi32, #tpu.memory_space<vmem>>, vector<16xi32>,
        %add3A_860 = arith.constant 16 : i32
        %add3A_861 = arith.addi %add3A_855, %add3A_860 : i32
        %get3A_862 = arith.index_cast %select_n3A_528 : i32 to index
        %get3A_863 = arith.index_cast %add3A_861 : i32 to index
        %get3A_864 = tpu.vector_load %arg6[%get3A_862, %get3A_863] {strides = array<i32>} : memref<2x16384xi32, #tpu.memory_space<vmem>>, vector<16xi32>,
        %add3A_865 = arith.constant 32 : i32
        %add3A_866 = arith.addi %add3A_855, %add3A_865 : i32
        %get3A_867 = arith.index_cast %select_n3A_528 : i32 to index
        %get3A_868 = arith.index_cast %add3A_866 : i32 to index
        %get3A_869 = tpu.vector_load %arg6[%get3A_867, %get3A_868] {strides = array<i32>} : memref<2x16384xi32, #tpu.memory_space<vmem>>, vector<16xi32>,
        %add3A_870 = arith.constant 48 : i32
        %add3A_871 = arith.addi %add3A_855, %add3A_870 : i32
        %get3A_872 = arith.index_cast %select_n3A_528 : i32 to index
        %get3A_873 = arith.index_cast %add3A_871 : i32 to index
        %get3A_874 = tpu.vector_load %arg6[%get3A_872, %get3A_873] {strides = array<i32>} : memref<2x16384xi32, #tpu.memory_space<vmem>>, vector<16xi32>,
        %add3A_875 = arith.constant 64 : i32
        %add3A_876 = arith.addi %add3A_855, %add3A_875 : i32
        %get3A_877 = arith.index_cast %select_n3A_528 : i32 to index
        %get3A_878 = arith.index_cast %add3A_876 : i32 to index
        %get3A_879 = tpu.vector_load %arg6[%get3A_877, %get3A_878] {strides = array<i32>} : memref<2x16384xi32, #tpu.memory_space<vmem>>, vector<16xi32>,
        %add3A_880 = arith.constant 80 : i32
        %add3A_881 = arith.addi %add3A_855, %add3A_880 : i32
        %get3A_882 = arith.index_cast %select_n3A_528 : i32 to index
        %get3A_883 = arith.index_cast %add3A_881 : i32 to index
        %get3A_884 = tpu.vector_load %arg6[%get3A_882, %get3A_883] {strides = array<i32>} : memref<2x16384xi32, #tpu.memory_space<vmem>>, vector<16xi32>,
        %add3A_885 = arith.constant 96 : i32
        %add3A_886 = arith.addi %add3A_855, %add3A_885 : i32
        %get3A_887 = arith.index_cast %select_n3A_528 : i32 to index
        %get3A_888 = arith.index_cast %add3A_886 : i32 to index
        %get3A_889 = tpu.vector_load %arg6[%get3A_887, %get3A_888] {strides = array<i32>} : memref<2x16384xi32, #tpu.memory_space<vmem>>, vector<16xi32>,
        %add3A_890 = arith.constant 112 : i32
        %add3A_891 = arith.addi %add3A_855, %add3A_890 : i32
        %get3A_892 = arith.index_cast %select_n3A_528 : i32 to index
        %get3A_893 = arith.index_cast %add3A_891 : i32 to index
        %get3A_894 = tpu.vector_load %arg6[%get3A_892, %get3A_893] {strides = array<i32>} : memref<2x16384xi32, #tpu.memory_space<vmem>>, vector<16xi32>,
        %reshape3A = vector.shape_cast %get3A_859 : vector<16xi32> to vector<16x1xi32>
        %gather3A_895 = vector.shape_cast %reshape3A : vector<16x1xi32> to vector<16xi32>
        %gather3A_896 = tpu.dynamic_gather %gather3A_548[%gather3A_895] in [0] : vector<16xf32>, vector<16xi32> -> vector<16xf32>
        %mul3A_897 = arith.constant 128 : i32
        %mul3A_898 = arith.muli %add3A_850, %mul3A_897 : i32
        %add3A_899 = arith.constant 0 : i32
        %add3A_900 = arith.addi %mul3A_898, %add3A_899 : i32
        %swap3A = arith.constant 0 : i32
        %swap3A_901 = arith.constant 0 : i32
        %swap3A_902 = arith.index_cast %swap3A : i32 to index
        %swap3A_903 = arith.index_cast %swap3A_901 : i32 to index
        %swap3A_904 = arith.index_cast %add3A_900 : i32 to index
        %swap3A_905 = tpu.vector_load %arg7[%swap3A_902, %swap3A_903, %swap3A_904] {strides = array<i32>} : memref<1x8x4096xf32, #tpu.memory_space<vmem>>, vector<16xf32>,
        tpu.vector_store %arg7[%swap3A_902, %swap3A_903, %swap3A_904], %gather3A_896 {strides = array<i32>} : memref<1x8x4096xf32, #tpu.memory_space<vmem>>, vector<16xf32>,
        %reshape3A_906 = vector.shape_cast %get3A_864 : vector<16xi32> to vector<16x1xi32>
        %gather3A_907 = vector.shape_cast %reshape3A_906 : vector<16x1xi32> to vector<16xi32>
        %gather3A_908 = tpu.dynamic_gather %gather3A_548[%gather3A_907] in [0] : vector<16xf32>, vector<16xi32> -> vector<16xf32>
        %mul3A_909 = arith.constant 128 : i32
        %mul3A_910 = arith.muli %add3A_850, %mul3A_909 : i32
        %add3A_911 = arith.constant 16 : i32
        %add3A_912 = arith.addi %mul3A_910, %add3A_911 : i32
        %swap3A_913 = arith.constant 0 : i32
        %swap3A_914 = arith.constant 0 : i32
        %swap3A_915 = arith.index_cast %swap3A_913 : i32 to index
        %swap3A_916 = arith.index_cast %swap3A_914 : i32 to index
        %swap3A_917 = arith.index_cast %add3A_912 : i32 to index
        %swap3A_918 = tpu.vector_load %arg7[%swap3A_915, %swap3A_916, %swap3A_917] {strides = array<i32>} : memref<1x8x4096xf32, #tpu.memory_space<vmem>>, vector<16xf32>,
        tpu.vector_store %arg7[%swap3A_915, %swap3A_916, %swap3A_917], %gather3A_908 {strides = array<i32>} : memref<1x8x4096xf32, #tpu.memory_space<vmem>>, vector<16xf32>,
        %reshape3A_919 = vector.shape_cast %get3A_869 : vector<16xi32> to vector<16x1xi32>
        %gather3A_920 = vector.shape_cast %reshape3A_919 : vector<16x1xi32> to vector<16xi32>
        %gather3A_921 = tpu.dynamic_gather %gather3A_548[%gather3A_920] in [0] : vector<16xf32>, vector<16xi32> -> vector<16xf32>
        %mul3A_922 = arith.constant 128 : i32
        %mul3A_923 = arith.muli %add3A_850, %mul3A_922 : i32
        %add3A_924 = arith.constant 32 : i32
        %add3A_925 = arith.addi %mul3A_923, %add3A_924 : i32
        %swap3A_926 = arith.constant 0 : i32
        %swap3A_927 = arith.constant 0 : i32
        %swap3A_928 = arith.index_cast %swap3A_926 : i32 to index
        %swap3A_929 = arith.index_cast %swap3A_927 : i32 to index
        %swap3A_930 = arith.index_cast %add3A_925 : i32 to index
        %swap3A_931 = tpu.vector_load %arg7[%swap3A_928, %swap3A_929, %swap3A_930] {strides = array<i32>} : memref<1x8x4096xf32, #tpu.memory_space<vmem>>, vector<16xf32>,
        tpu.vector_store %arg7[%swap3A_928, %swap3A_929, %swap3A_930], %gather3A_921 {strides = array<i32>} : memref<1x8x4096xf32, #tpu.memory_space<vmem>>, vector<16xf32>,
        %reshape3A_932 = vector.shape_cast %get3A_874 : vector<16xi32> to vector<16x1xi32>
        %gather3A_933 = vector.shape_cast %reshape3A_932 : vector<16x1xi32> to vector<16xi32>
        %gather3A_934 = tpu.dynamic_gather %gather3A_548[%gather3A_933] in [0] : vector<16xf32>, vector<16xi32> -> vector<16xf32>
        %mul3A_935 = arith.constant 128 : i32
        %mul3A_936 = arith.muli %add3A_850, %mul3A_935 : i32
        %add3A_937 = arith.constant 48 : i32
        %add3A_938 = arith.addi %mul3A_936, %add3A_937 : i32
        %swap3A_939 = arith.constant 0 : i32
        %swap3A_940 = arith.constant 0 : i32
        %swap3A_941 = arith.index_cast %swap3A_939 : i32 to index
        %swap3A_942 = arith.index_cast %swap3A_940 : i32 to index
        %swap3A_943 = arith.index_cast %add3A_938 : i32 to index
        %swap3A_944 = tpu.vector_load %arg7[%swap3A_941, %swap3A_942, %swap3A_943] {strides = array<i32>} : memref<1x8x4096xf32, #tpu.memory_space<vmem>>, vector<16xf32>,
        tpu.vector_store %arg7[%swap3A_941, %swap3A_942, %swap3A_943], %gather3A_934 {strides = array<i32>} : memref<1x8x4096xf32, #tpu.memory_space<vmem>>, vector<16xf32>,
        %reshape3A_945 = vector.shape_cast %get3A_879 : vector<16xi32> to vector<16x1xi32>
        %gather3A_946 = vector.shape_cast %reshape3A_945 : vector<16x1xi32> to vector<16xi32>
        %gather3A_947 = tpu.dynamic_gather %gather3A_548[%gather3A_946] in [0] : vector<16xf32>, vector<16xi32> -> vector<16xf32>
        %mul3A_948 = arith.constant 128 : i32
        %mul3A_949 = arith.muli %add3A_850, %mul3A_948 : i32
        %add3A_950 = arith.constant 64 : i32
        %add3A_951 = arith.addi %mul3A_949, %add3A_950 : i32
        %swap3A_952 = arith.constant 0 : i32
        %swap3A_953 = arith.constant 0 : i32
        %swap3A_954 = arith.index_cast %swap3A_952 : i32 to index
        %swap3A_955 = arith.index_cast %swap3A_953 : i32 to index
        %swap3A_956 = arith.index_cast %add3A_951 : i32 to index
        %swap3A_957 = tpu.vector_load %arg7[%swap3A_954, %swap3A_955, %swap3A_956] {strides = array<i32>} : memref<1x8x4096xf32, #tpu.memory_space<vmem>>, vector<16xf32>,
        tpu.vector_store %arg7[%swap3A_954, %swap3A_955, %swap3A_956], %gather3A_947 {strides = array<i32>} : memref<1x8x4096xf32, #tpu.memory_space<vmem>>, vector<16xf32>,
        %reshape3A_958 = vector.shape_cast %get3A_884 : vector<16xi32> to vector<16x1xi32>
        %gather3A_959 = vector.shape_cast %reshape3A_958 : vector<16x1xi32> to vector<16xi32>
        %gather3A_960 = tpu.dynamic_gather %gather3A_548[%gather3A_959] in [0] : vector<16xf32>, vector<16xi32> -> vector<16xf32>
        %mul3A_961 = arith.constant 128 : i32
        %mul3A_962 = arith.muli %add3A_850, %mul3A_961 : i32
        %add3A_963 = arith.constant 80 : i32
        %add3A_964 = arith.addi %mul3A_962, %add3A_963 : i32
        %swap3A_965 = arith.constant 0 : i32
        %swap3A_966 = arith.constant 0 : i32
        %swap3A_967 = arith.index_cast %swap3A_965 : i32 to index
        %swap3A_968 = arith.index_cast %swap3A_966 : i32 to index
        %swap3A_969 = arith.index_cast %add3A_964 : i32 to index
        %swap3A_970 = tpu.vector_load %arg7[%swap3A_967, %swap3A_968, %swap3A_969] {strides = array<i32>} : memref<1x8x4096xf32, #tpu.memory_space<vmem>>, vector<16xf32>,
        tpu.vector_store %arg7[%swap3A_967, %swap3A_968, %swap3A_969], %gather3A_960 {strides = array<i32>} : memref<1x8x4096xf32, #tpu.memory_space<vmem>>, vector<16xf32>,
        %reshape3A_971 = vector.shape_cast %get3A_889 : vector<16xi32> to vector<16x1xi32>
        %gather3A_972 = vector.shape_cast %reshape3A_971 : vector<16x1xi32> to vector<16xi32>
        %gather3A_973 = tpu.dynamic_gather %gather3A_548[%gather3A_972] in [0] : vector<16xf32>, vector<16xi32> -> vector<16xf32>
        %mul3A_974 = arith.constant 128 : i32
        %mul3A_975 = arith.muli %add3A_850, %mul3A_974 : i32
        %add3A_976 = arith.constant 96 : i32
        %add3A_977 = arith.addi %mul3A_975, %add3A_976 : i32
        %swap3A_978 = arith.constant 0 : i32
        %swap3A_979 = arith.constant 0 : i32
        %swap3A_980 = arith.index_cast %swap3A_978 : i32 to index
        %swap3A_981 = arith.index_cast %swap3A_979 : i32 to index
        %swap3A_982 = arith.index_cast %add3A_977 : i32 to index
        %swap3A_983 = tpu.vector_load %arg7[%swap3A_980, %swap3A_981, %swap3A_982] {strides = array<i32>} : memref<1x8x4096xf32, #tpu.memory_space<vmem>>, vector<16xf32>,
        tpu.vector_store %arg7[%swap3A_980, %swap3A_981, %swap3A_982], %gather3A_973 {strides = array<i32>} : memref<1x8x4096xf32, #tpu.memory_space<vmem>>, vector<16xf32>,
        %reshape3A_984 = vector.shape_cast %get3A_894 : vector<16xi32> to vector<16x1xi32>
        %gather3A_985 = vector.shape_cast %reshape3A_984 : vector<16x1xi32> to vector<16xi32>
        %gather3A_986 = tpu.dynamic_gather %gather3A_548[%gather3A_985] in [0] : vector<16xf32>, vector<16xi32> -> vector<16xf32>
        %mul3A_987 = arith.constant 128 : i32
        %mul3A_988 = arith.muli %add3A_850, %mul3A_987 : i32
        %add3A_989 = arith.constant 112 : i32
        %add3A_990 = arith.addi %mul3A_988, %add3A_989 : i32
        %swap3A_991 = arith.constant 0 : i32
        %swap3A_992 = arith.constant 0 : i32
        %swap3A_993 = arith.index_cast %swap3A_991 : i32 to index
        %swap3A_994 = arith.index_cast %swap3A_992 : i32 to index
        %swap3A_995 = arith.index_cast %add3A_990 : i32 to index
        %swap3A_996 = tpu.vector_load %arg7[%swap3A_993, %swap3A_994, %swap3A_995] {strides = array<i32>} : memref<1x8x4096xf32, #tpu.memory_space<vmem>>, vector<16xf32>,
        tpu.vector_store %arg7[%swap3A_993, %swap3A_994, %swap3A_995], %gather3A_986 {strides = array<i32>} : memref<1x8x4096xf32, #tpu.memory_space<vmem>>, vector<16xf32>,
        %reshape3A_997 = vector.shape_cast %get3A_859 : vector<16xi32> to vector<16x1xi32>
        %gather3A_998 = vector.shape_cast %reshape3A_997 : vector<16x1xi32> to vector<16xi32>
        %gather3A_999 = tpu.dynamic_gather %gather3A_562[%gather3A_998] in [0] : vector<16xf32>, vector<16xi32> -> vector<16xf32>
        %mul3A_1000 = arith.constant 128 : i32
        %mul3A_1001 = arith.muli %add3A_850, %mul3A_1000 : i32
        %add3A_1002 = arith.constant 0 : i32
        %add3A_1003 = arith.addi %mul3A_1001, %add3A_1002 : i32
        %swap3A_1004 = arith.constant 0 : i32
        %swap3A_1005 = arith.constant 1 : i32
        %swap3A_1006 = arith.index_cast %swap3A_1004 : i32 to index
        %swap3A_1007 = arith.index_cast %swap3A_1005 : i32 to index
        %swap3A_1008 = arith.index_cast %add3A_1003 : i32 to index
        %swap3A_1009 = tpu.vector_load %arg7[%swap3A_1006, %swap3A_1007, %swap3A_1008] {strides = array<i32>} : memref<1x8x4096xf32, #tpu.memory_space<vmem>>, vector<16xf32>,
        tpu.vector_store %arg7[%swap3A_1006, %swap3A_1007, %swap3A_1008], %gather3A_999 {strides = array<i32>} : memref<1x8x4096xf32, #tpu.memory_space<vmem>>, vector<16xf32>,
        %reshape3A_1010 = vector.shape_cast %get3A_864 : vector<16xi32> to vector<16x1xi32>
        %gather3A_1011 = vector.shape_cast %reshape3A_1010 : vector<16x1xi32> to vector<16xi32>
        %gather3A_1012 = tpu.dynamic_gather %gather3A_562[%gather3A_1011] in [0] : vector<16xf32>, vector<16xi32> -> vector<16xf32>
        %mul3A_1013 = arith.constant 128 : i32
        %mul3A_1014 = arith.muli %add3A_850, %mul3A_1013 : i32
        %add3A_1015 = arith.constant 16 : i32
        %add3A_1016 = arith.addi %mul3A_1014, %add3A_1015 : i32
        %swap3A_1017 = arith.constant 0 : i32
        %swap3A_1018 = arith.constant 1 : i32
        %swap3A_1019 = arith.index_cast %swap3A_1017 : i32 to index
        %swap3A_1020 = arith.index_cast %swap3A_1018 : i32 to index
        %swap3A_1021 = arith.index_cast %add3A_1016 : i32 to index
        %swap3A_1022 = tpu.vector_load %arg7[%swap3A_1019, %swap3A_1020, %swap3A_1021] {strides = array<i32>} : memref<1x8x4096xf32, #tpu.memory_space<vmem>>, vector<16xf32>,
        tpu.vector_store %arg7[%swap3A_1019, %swap3A_1020, %swap3A_1021], %gather3A_1012 {strides = array<i32>} : memref<1x8x4096xf32, #tpu.memory_space<vmem>>, vector<16xf32>,
        %reshape3A_1023 = vector.shape_cast %get3A_869 : vector<16xi32> to vector<16x1xi32>
        %gather3A_1024 = vector.shape_cast %reshape3A_1023 : vector<16x1xi32> to vector<16xi32>
        %gather3A_1025 = tpu.dynamic_gather %gather3A_562[%gather3A_1024] in [0] : vector<16xf32>, vector<16xi32> -> vector<16xf32>
        %mul3A_1026 = arith.constant 128 : i32
        %mul3A_1027 = arith.muli %add3A_850, %mul3A_1026 : i32
        %add3A_1028 = arith.constant 32 : i32
        %add3A_1029 = arith.addi %mul3A_1027, %add3A_1028 : i32
        %swap3A_1030 = arith.constant 0 : i32
        %swap3A_1031 = arith.constant 1 : i32
        %swap3A_1032 = arith.index_cast %swap3A_1030 : i32 to index
        %swap3A_1033 = arith.index_cast %swap3A_1031 : i32 to index
        %swap3A_1034 = arith.index_cast %add3A_1029 : i32 to index
        %swap3A_1035 = tpu.vector_load %arg7[%swap3A_1032, %swap3A_1033, %swap3A_1034] {strides = array<i32>} : memref<1x8x4096xf32, #tpu.memory_space<vmem>>, vector<16xf32>,
        tpu.vector_store %arg7[%swap3A_1032, %swap3A_1033, %swap3A_1034], %gather3A_1025 {strides = array<i32>} : memref<1x8x4096xf32, #tpu.memory_space<vmem>>, vector<16xf32>,
        %reshape3A_1036 = vector.shape_cast %get3A_874 : vector<16xi32> to vector<16x1xi32>
        %gather3A_1037 = vector.shape_cast %reshape3A_1036 : vector<16x1xi32> to vector<16xi32>
        %gather3A_1038 = tpu.dynamic_gather %gather3A_562[%gather3A_1037] in [0] : vector<16xf32>, vector<16xi32> -> vector<16xf32>
        %mul3A_1039 = arith.constant 128 : i32
        %mul3A_1040 = arith.muli %add3A_850, %mul3A_1039 : i32
        %add3A_1041 = arith.constant 48 : i32
        %add3A_1042 = arith.addi %mul3A_1040, %add3A_1041 : i32
        %swap3A_1043 = arith.constant 0 : i32
        %swap3A_1044 = arith.constant 1 : i32
        %swap3A_1045 = arith.index_cast %swap3A_1043 : i32 to index
        %swap3A_1046 = arith.index_cast %swap3A_1044 : i32 to index
        %swap3A_1047 = arith.index_cast %add3A_1042 : i32 to index
        %swap3A_1048 = tpu.vector_load %arg7[%swap3A_1045, %swap3A_1046, %swap3A_1047] {strides = array<i32>} : memref<1x8x4096xf32, #tpu.memory_space<vmem>>, vector<16xf32>,
        tpu.vector_store %arg7[%swap3A_1045, %swap3A_1046, %swap3A_1047], %gather3A_1038 {strides = array<i32>} : memref<1x8x4096xf32, #tpu.memory_space<vmem>>, vector<16xf32>,
        %reshape3A_1049 = vector.shape_cast %get3A_879 : vector<16xi32> to vector<16x1xi32>
        %gather3A_1050 = vector.shape_cast %reshape3A_1049 : vector<16x1xi32> to vector<16xi32>
        %gather3A_1051 = tpu.dynamic_gather %gather3A_562[%gather3A_1050] in [0] : vector<16xf32>, vector<16xi32> -> vector<16xf32>
        %mul3A_1052 = arith.constant 128 : i32
        %mul3A_1053 = arith.muli %add3A_850, %mul3A_1052 : i32
        %add3A_1054 = arith.constant 64 : i32
        %add3A_1055 = arith.addi %mul3A_1053, %add3A_1054 : i32
        %swap3A_1056 = arith.constant 0 : i32
        %swap3A_1057 = arith.constant 1 : i32
        %swap3A_1058 = arith.index_cast %swap3A_1056 : i32 to index
        %swap3A_1059 = arith.index_cast %swap3A_1057 : i32 to index
        %swap3A_1060 = arith.index_cast %add3A_1055 : i32 to index
        %swap3A_1061 = tpu.vector_load %arg7[%swap3A_1058, %swap3A_1059, %swap3A_1060] {strides = array<i32>} : memref<1x8x4096xf32, #tpu.memory_space<vmem>>, vector<16xf32>,
        tpu.vector_store %arg7[%swap3A_1058, %swap3A_1059, %swap3A_1060], %gather3A_1051 {strides = array<i32>} : memref<1x8x4096xf32, #tpu.memory_space<vmem>>, vector<16xf32>,
        %reshape3A_1062 = vector.shape_cast %get3A_884 : vector<16xi32> to vector<16x1xi32>
        %gather3A_1063 = vector.shape_cast %reshape3A_1062 : vector<16x1xi32> to vector<16xi32>
        %gather3A_1064 = tpu.dynamic_gather %gather3A_562[%gather3A_1063] in [0] : vector<16xf32>, vector<16xi32> -> vector<16xf32>
        %mul3A_1065 = arith.constant 128 : i32
        %mul3A_1066 = arith.muli %add3A_850, %mul3A_1065 : i32
        %add3A_1067 = arith.constant 80 : i32
        %add3A_1068 = arith.addi %mul3A_1066, %add3A_1067 : i32
        %swap3A_1069 = arith.constant 0 : i32
        %swap3A_1070 = arith.constant 1 : i32
        %swap3A_1071 = arith.index_cast %swap3A_1069 : i32 to index
        %swap3A_1072 = arith.index_cast %swap3A_1070 : i32 to index
        %swap3A_1073 = arith.index_cast %add3A_1068 : i32 to index
        %swap3A_1074 = tpu.vector_load %arg7[%swap3A_1071, %swap3A_1072, %swap3A_1073] {strides = array<i32>} : memref<1x8x4096xf32, #tpu.memory_space<vmem>>, vector<16xf32>,
        tpu.vector_store %arg7[%swap3A_1071, %swap3A_1072, %swap3A_1073], %gather3A_1064 {strides = array<i32>} : memref<1x8x4096xf32, #tpu.memory_space<vmem>>, vector<16xf32>,
        %reshape3A_1075 = vector.shape_cast %get3A_889 : vector<16xi32> to vector<16x1xi32>
        %gather3A_1076 = vector.shape_cast %reshape3A_1075 : vector<16x1xi32> to vector<16xi32>
        %gather3A_1077 = tpu.dynamic_gather %gather3A_562[%gather3A_1076] in [0] : vector<16xf32>, vector<16xi32> -> vector<16xf32>
        %mul3A_1078 = arith.constant 128 : i32
        %mul3A_1079 = arith.muli %add3A_850, %mul3A_1078 : i32
        %add3A_1080 = arith.constant 96 : i32
        %add3A_1081 = arith.addi %mul3A_1079, %add3A_1080 : i32
        %swap3A_1082 = arith.constant 0 : i32
        %swap3A_1083 = arith.constant 1 : i32
        %swap3A_1084 = arith.index_cast %swap3A_1082 : i32 to index
        %swap3A_1085 = arith.index_cast %swap3A_1083 : i32 to index
        %swap3A_1086 = arith.index_cast %add3A_1081 : i32 to index
        %swap3A_1087 = tpu.vector_load %arg7[%swap3A_1084, %swap3A_1085, %swap3A_1086] {strides = array<i32>} : memref<1x8x4096xf32, #tpu.memory_space<vmem>>, vector<16xf32>,
        tpu.vector_store %arg7[%swap3A_1084, %swap3A_1085, %swap3A_1086], %gather3A_1077 {strides = array<i32>} : memref<1x8x4096xf32, #tpu.memory_space<vmem>>, vector<16xf32>,
        %reshape3A_1088 = vector.shape_cast %get3A_894 : vector<16xi32> to vector<16x1xi32>
        %gather3A_1089 = vector.shape_cast %reshape3A_1088 : vector<16x1xi32> to vector<16xi32>
        %gather3A_1090 = tpu.dynamic_gather %gather3A_562[%gather3A_1089] in [0] : vector<16xf32>, vector<16xi32> -> vector<16xf32>
        %mul3A_1091 = arith.constant 128 : i32
        %mul3A_1092 = arith.muli %add3A_850, %mul3A_1091 : i32
        %add3A_1093 = arith.constant 112 : i32
        %add3A_1094 = arith.addi %mul3A_1092, %add3A_1093 : i32
        %swap3A_1095 = arith.constant 0 : i32
        %swap3A_1096 = arith.constant 1 : i32
        %swap3A_1097 = arith.index_cast %swap3A_1095 : i32 to index
        %swap3A_1098 = arith.index_cast %swap3A_1096 : i32 to index
        %swap3A_1099 = arith.index_cast %add3A_1094 : i32 to index
        %swap3A_1100 = tpu.vector_load %arg7[%swap3A_1097, %swap3A_1098, %swap3A_1099] {strides = array<i32>} : memref<1x8x4096xf32, #tpu.memory_space<vmem>>, vector<16xf32>,
        tpu.vector_store %arg7[%swap3A_1097, %swap3A_1098, %swap3A_1099], %gather3A_1090 {strides = array<i32>} : memref<1x8x4096xf32, #tpu.memory_space<vmem>>, vector<16xf32>,
        %reshape3A_1101 = vector.shape_cast %get3A_859 : vector<16xi32> to vector<16x1xi32>
        %gather3A_1102 = vector.shape_cast %reshape3A_1101 : vector<16x1xi32> to vector<16xi32>
        %gather3A_1103 = tpu.dynamic_gather %gather3A_576[%gather3A_1102] in [0] : vector<16xf32>, vector<16xi32> -> vector<16xf32>
        %mul3A_1104 = arith.constant 128 : i32
        %mul3A_1105 = arith.muli %add3A_850, %mul3A_1104 : i32
        %add3A_1106 = arith.constant 0 : i32
        %add3A_1107 = arith.addi %mul3A_1105, %add3A_1106 : i32
        %swap3A_1108 = arith.constant 0 : i32
        %swap3A_1109 = arith.constant 2 : i32
        %swap3A_1110 = arith.index_cast %swap3A_1108 : i32 to index
        %swap3A_1111 = arith.index_cast %swap3A_1109 : i32 to index
        %swap3A_1112 = arith.index_cast %add3A_1107 : i32 to index
        %swap3A_1113 = tpu.vector_load %arg7[%swap3A_1110, %swap3A_1111, %swap3A_1112] {strides = array<i32>} : memref<1x8x4096xf32, #tpu.memory_space<vmem>>, vector<16xf32>,
        tpu.vector_store %arg7[%swap3A_1110, %swap3A_1111, %swap3A_1112], %gather3A_1103 {strides = array<i32>} : memref<1x8x4096xf32, #tpu.memory_space<vmem>>, vector<16xf32>,
        %reshape3A_1114 = vector.shape_cast %get3A_864 : vector<16xi32> to vector<16x1xi32>
        %gather3A_1115 = vector.shape_cast %reshape3A_1114 : vector<16x1xi32> to vector<16xi32>
        %gather3A_1116 = tpu.dynamic_gather %gather3A_576[%gather3A_1115] in [0] : vector<16xf32>, vector<16xi32> -> vector<16xf32>
        %mul3A_1117 = arith.constant 128 : i32
        %mul3A_1118 = arith.muli %add3A_850, %mul3A_1117 : i32
        %add3A_1119 = arith.constant 16 : i32
        %add3A_1120 = arith.addi %mul3A_1118, %add3A_1119 : i32
        %swap3A_1121 = arith.constant 0 : i32
        %swap3A_1122 = arith.constant 2 : i32
        %swap3A_1123 = arith.index_cast %swap3A_1121 : i32 to index
        %swap3A_1124 = arith.index_cast %swap3A_1122 : i32 to index
        %swap3A_1125 = arith.index_cast %add3A_1120 : i32 to index
        %swap3A_1126 = tpu.vector_load %arg7[%swap3A_1123, %swap3A_1124, %swap3A_1125] {strides = array<i32>} : memref<1x8x4096xf32, #tpu.memory_space<vmem>>, vector<16xf32>,
        tpu.vector_store %arg7[%swap3A_1123, %swap3A_1124, %swap3A_1125], %gather3A_1116 {strides = array<i32>} : memref<1x8x4096xf32, #tpu.memory_space<vmem>>, vector<16xf32>,
        %reshape3A_1127 = vector.shape_cast %get3A_869 : vector<16xi32> to vector<16x1xi32>
        %gather3A_1128 = vector.shape_cast %reshape3A_1127 : vector<16x1xi32> to vector<16xi32>
        %gather3A_1129 = tpu.dynamic_gather %gather3A_576[%gather3A_1128] in [0] : vector<16xf32>, vector<16xi32> -> vector<16xf32>
        %mul3A_1130 = arith.constant 128 : i32
        %mul3A_1131 = arith.muli %add3A_850, %mul3A_1130 : i32
        %add3A_1132 = arith.constant 32 : i32
        %add3A_1133 = arith.addi %mul3A_1131, %add3A_1132 : i32
        %swap3A_1134 = arith.constant 0 : i32
        %swap3A_1135 = arith.constant 2 : i32
        %swap3A_1136 = arith.index_cast %swap3A_1134 : i32 to index
        %swap3A_1137 = arith.index_cast %swap3A_1135 : i32 to index
        %swap3A_1138 = arith.index_cast %add3A_1133 : i32 to index
        %swap3A_1139 = tpu.vector_load %arg7[%swap3A_1136, %swap3A_1137, %swap3A_1138] {strides = array<i32>} : memref<1x8x4096xf32, #tpu.memory_space<vmem>>, vector<16xf32>,
        tpu.vector_store %arg7[%swap3A_1136, %swap3A_1137, %swap3A_1138], %gather3A_1129 {strides = array<i32>} : memref<1x8x4096xf32, #tpu.memory_space<vmem>>, vector<16xf32>,
        %reshape3A_1140 = vector.shape_cast %get3A_874 : vector<16xi32> to vector<16x1xi32>
        %gather3A_1141 = vector.shape_cast %reshape3A_1140 : vector<16x1xi32> to vector<16xi32>
        %gather3A_1142 = tpu.dynamic_gather %gather3A_576[%gather3A_1141] in [0] : vector<16xf32>, vector<16xi32> -> vector<16xf32>
        %mul3A_1143 = arith.constant 128 : i32
        %mul3A_1144 = arith.muli %add3A_850, %mul3A_1143 : i32
        %add3A_1145 = arith.constant 48 : i32
        %add3A_1146 = arith.addi %mul3A_1144, %add3A_1145 : i32
        %swap3A_1147 = arith.constant 0 : i32
        %swap3A_1148 = arith.constant 2 : i32
        %swap3A_1149 = arith.index_cast %swap3A_1147 : i32 to index
        %swap3A_1150 = arith.index_cast %swap3A_1148 : i32 to index
        %swap3A_1151 = arith.index_cast %add3A_1146 : i32 to index
        %swap3A_1152 = tpu.vector_load %arg7[%swap3A_1149, %swap3A_1150, %swap3A_1151] {strides = array<i32>} : memref<1x8x4096xf32, #tpu.memory_space<vmem>>, vector<16xf32>,
        tpu.vector_store %arg7[%swap3A_1149, %swap3A_1150, %swap3A_1151], %gather3A_1142 {strides = array<i32>} : memref<1x8x4096xf32, #tpu.memory_space<vmem>>, vector<16xf32>,
        %reshape3A_1153 = vector.shape_cast %get3A_879 : vector<16xi32> to vector<16x1xi32>
        %gather3A_1154 = vector.shape_cast %reshape3A_1153 : vector<16x1xi32> to vector<16xi32>
        %gather3A_1155 = tpu.dynamic_gather %gather3A_576[%gather3A_1154] in [0] : vector<16xf32>, vector<16xi32> -> vector<16xf32>
        %mul3A_1156 = arith.constant 128 : i32
        %mul3A_1157 = arith.muli %add3A_850, %mul3A_1156 : i32
        %add3A_1158 = arith.constant 64 : i32
        %add3A_1159 = arith.addi %mul3A_1157, %add3A_1158 : i32
        %swap3A_1160 = arith.constant 0 : i32
        %swap3A_1161 = arith.constant 2 : i32
        %swap3A_1162 = arith.index_cast %swap3A_1160 : i32 to index
        %swap3A_1163 = arith.index_cast %swap3A_1161 : i32 to index
        %swap3A_1164 = arith.index_cast %add3A_1159 : i32 to index
        %swap3A_1165 = tpu.vector_load %arg7[%swap3A_1162, %swap3A_1163, %swap3A_1164] {strides = array<i32>} : memref<1x8x4096xf32, #tpu.memory_space<vmem>>, vector<16xf32>,
        tpu.vector_store %arg7[%swap3A_1162, %swap3A_1163, %swap3A_1164], %gather3A_1155 {strides = array<i32>} : memref<1x8x4096xf32, #tpu.memory_space<vmem>>, vector<16xf32>,
        %reshape3A_1166 = vector.shape_cast %get3A_884 : vector<16xi32> to vector<16x1xi32>
        %gather3A_1167 = vector.shape_cast %reshape3A_1166 : vector<16x1xi32> to vector<16xi32>
        %gather3A_1168 = tpu.dynamic_gather %gather3A_576[%gather3A_1167] in [0] : vector<16xf32>, vector<16xi32> -> vector<16xf32>
        %mul3A_1169 = arith.constant 128 : i32
        %mul3A_1170 = arith.muli %add3A_850, %mul3A_1169 : i32
        %add3A_1171 = arith.constant 80 : i32
        %add3A_1172 = arith.addi %mul3A_1170, %add3A_1171 : i32
        %swap3A_1173 = arith.constant 0 : i32
        %swap3A_1174 = arith.constant 2 : i32
        %swap3A_1175 = arith.index_cast %swap3A_1173 : i32 to index
        %swap3A_1176 = arith.index_cast %swap3A_1174 : i32 to index
        %swap3A_1177 = arith.index_cast %add3A_1172 : i32 to index
        %swap3A_1178 = tpu.vector_load %arg7[%swap3A_1175, %swap3A_1176, %swap3A_1177] {strides = array<i32>} : memref<1x8x4096xf32, #tpu.memory_space<vmem>>, vector<16xf32>,
        tpu.vector_store %arg7[%swap3A_1175, %swap3A_1176, %swap3A_1177], %gather3A_1168 {strides = array<i32>} : memref<1x8x4096xf32, #tpu.memory_space<vmem>>, vector<16xf32>,
        %reshape3A_1179 = vector.shape_cast %get3A_889 : vector<16xi32> to vector<16x1xi32>
        %gather3A_1180 = vector.shape_cast %reshape3A_1179 : vector<16x1xi32> to vector<16xi32>
        %gather3A_1181 = tpu.dynamic_gather %gather3A_576[%gather3A_1180] in [0] : vector<16xf32>, vector<16xi32> -> vector<16xf32>
        %mul3A_1182 = arith.constant 128 : i32
        %mul3A_1183 = arith.muli %add3A_850, %mul3A_1182 : i32
        %add3A_1184 = arith.constant 96 : i32
        %add3A_1185 = arith.addi %mul3A_1183, %add3A_1184 : i32
        %swap3A_1186 = arith.constant 0 : i32
        %swap3A_1187 = arith.constant 2 : i32
        %swap3A_1188 = arith.index_cast %swap3A_1186 : i32 to index
        %swap3A_1189 = arith.index_cast %swap3A_1187 : i32 to index
        %swap3A_1190 = arith.index_cast %add3A_1185 : i32 to index
        %swap3A_1191 = tpu.vector_load %arg7[%swap3A_1188, %swap3A_1189, %swap3A_1190] {strides = array<i32>} : memref<1x8x4096xf32, #tpu.memory_space<vmem>>, vector<16xf32>,
        tpu.vector_store %arg7[%swap3A_1188, %swap3A_1189, %swap3A_1190], %gather3A_1181 {strides = array<i32>} : memref<1x8x4096xf32, #tpu.memory_space<vmem>>, vector<16xf32>,
        %reshape3A_1192 = vector.shape_cast %get3A_894 : vector<16xi32> to vector<16x1xi32>
        %gather3A_1193 = vector.shape_cast %reshape3A_1192 : vector<16x1xi32> to vector<16xi32>
        %gather3A_1194 = tpu.dynamic_gather %gather3A_576[%gather3A_1193] in [0] : vector<16xf32>, vector<16xi32> -> vector<16xf32>
        %mul3A_1195 = arith.constant 128 : i32
        %mul3A_1196 = arith.muli %add3A_850, %mul3A_1195 : i32
        %add3A_1197 = arith.constant 112 : i32
        %add3A_1198 = arith.addi %mul3A_1196, %add3A_1197 : i32
        %swap3A_1199 = arith.constant 0 : i32
        %swap3A_1200 = arith.constant 2 : i32
        %swap3A_1201 = arith.index_cast %swap3A_1199 : i32 to index
        %swap3A_1202 = arith.index_cast %swap3A_1200 : i32 to index
        %swap3A_1203 = arith.index_cast %add3A_1198 : i32 to index
        %swap3A_1204 = tpu.vector_load %arg7[%swap3A_1201, %swap3A_1202, %swap3A_1203] {strides = array<i32>} : memref<1x8x4096xf32, #tpu.memory_space<vmem>>, vector<16xf32>,
        tpu.vector_store %arg7[%swap3A_1201, %swap3A_1202, %swap3A_1203], %gather3A_1194 {strides = array<i32>} : memref<1x8x4096xf32, #tpu.memory_space<vmem>>, vector<16xf32>,
        %reshape3A_1205 = vector.shape_cast %get3A_859 : vector<16xi32> to vector<16x1xi32>
        %gather3A_1206 = vector.shape_cast %reshape3A_1205 : vector<16x1xi32> to vector<16xi32>
        %gather3A_1207 = tpu.dynamic_gather %gather3A_590[%gather3A_1206] in [0] : vector<16xf32>, vector<16xi32> -> vector<16xf32>
        %mul3A_1208 = arith.constant 128 : i32
        %mul3A_1209 = arith.muli %add3A_850, %mul3A_1208 : i32
        %add3A_1210 = arith.constant 0 : i32
        %add3A_1211 = arith.addi %mul3A_1209, %add3A_1210 : i32
        %swap3A_1212 = arith.constant 0 : i32
        %swap3A_1213 = arith.constant 3 : i32
        %swap3A_1214 = arith.index_cast %swap3A_1212 : i32 to index
        %swap3A_1215 = arith.index_cast %swap3A_1213 : i32 to index
        %swap3A_1216 = arith.index_cast %add3A_1211 : i32 to index
        %swap3A_1217 = tpu.vector_load %arg7[%swap3A_1214, %swap3A_1215, %swap3A_1216] {strides = array<i32>} : memref<1x8x4096xf32, #tpu.memory_space<vmem>>, vector<16xf32>,
        tpu.vector_store %arg7[%swap3A_1214, %swap3A_1215, %swap3A_1216], %gather3A_1207 {strides = array<i32>} : memref<1x8x4096xf32, #tpu.memory_space<vmem>>, vector<16xf32>,
        %reshape3A_1218 = vector.shape_cast %get3A_864 : vector<16xi32> to vector<16x1xi32>
        %gather3A_1219 = vector.shape_cast %reshape3A_1218 : vector<16x1xi32> to vector<16xi32>
        %gather3A_1220 = tpu.dynamic_gather %gather3A_590[%gather3A_1219] in [0] : vector<16xf32>, vector<16xi32> -> vector<16xf32>
        %mul3A_1221 = arith.constant 128 : i32
        %mul3A_1222 = arith.muli %add3A_850, %mul3A_1221 : i32
        %add3A_1223 = arith.constant 16 : i32
        %add3A_1224 = arith.addi %mul3A_1222, %add3A_1223 : i32
        %swap3A_1225 = arith.constant 0 : i32
        %swap3A_1226 = arith.constant 3 : i32
        %swap3A_1227 = arith.index_cast %swap3A_1225 : i32 to index
        %swap3A_1228 = arith.index_cast %swap3A_1226 : i32 to index
        %swap3A_1229 = arith.index_cast %add3A_1224 : i32 to index
        %swap3A_1230 = tpu.vector_load %arg7[%swap3A_1227, %swap3A_1228, %swap3A_1229] {strides = array<i32>} : memref<1x8x4096xf32, #tpu.memory_space<vmem>>, vector<16xf32>,
        tpu.vector_store %arg7[%swap3A_1227, %swap3A_1228, %swap3A_1229], %gather3A_1220 {strides = array<i32>} : memref<1x8x4096xf32, #tpu.memory_space<vmem>>, vector<16xf32>,
        %reshape3A_1231 = vector.shape_cast %get3A_869 : vector<16xi32> to vector<16x1xi32>
        %gather3A_1232 = vector.shape_cast %reshape3A_1231 : vector<16x1xi32> to vector<16xi32>
        %gather3A_1233 = tpu.dynamic_gather %gather3A_590[%gather3A_1232] in [0] : vector<16xf32>, vector<16xi32> -> vector<16xf32>
        %mul3A_1234 = arith.constant 128 : i32
        %mul3A_1235 = arith.muli %add3A_850, %mul3A_1234 : i32
        %add3A_1236 = arith.constant 32 : i32
        %add3A_1237 = arith.addi %mul3A_1235, %add3A_1236 : i32
        %swap3A_1238 = arith.constant 0 : i32
        %swap3A_1239 = arith.constant 3 : i32
        %swap3A_1240 = arith.index_cast %swap3A_1238 : i32 to index
        %swap3A_1241 = arith.index_cast %swap3A_1239 : i32 to index
        %swap3A_1242 = arith.index_cast %add3A_1237 : i32 to index
        %swap3A_1243 = tpu.vector_load %arg7[%swap3A_1240, %swap3A_1241, %swap3A_1242] {strides = array<i32>} : memref<1x8x4096xf32, #tpu.memory_space<vmem>>, vector<16xf32>,
        tpu.vector_store %arg7[%swap3A_1240, %swap3A_1241, %swap3A_1242], %gather3A_1233 {strides = array<i32>} : memref<1x8x4096xf32, #tpu.memory_space<vmem>>, vector<16xf32>,
        %reshape3A_1244 = vector.shape_cast %get3A_874 : vector<16xi32> to vector<16x1xi32>
        %gather3A_1245 = vector.shape_cast %reshape3A_1244 : vector<16x1xi32> to vector<16xi32>
        %gather3A_1246 = tpu.dynamic_gather %gather3A_590[%gather3A_1245] in [0] : vector<16xf32>, vector<16xi32> -> vector<16xf32>
        %mul3A_1247 = arith.constant 128 : i32
        %mul3A_1248 = arith.muli %add3A_850, %mul3A_1247 : i32
        %add3A_1249 = arith.constant 48 : i32
        %add3A_1250 = arith.addi %mul3A_1248, %add3A_1249 : i32
        %swap3A_1251 = arith.constant 0 : i32
        %swap3A_1252 = arith.constant 3 : i32
        %swap3A_1253 = arith.index_cast %swap3A_1251 : i32 to index
        %swap3A_1254 = arith.index_cast %swap3A_1252 : i32 to index
        %swap3A_1255 = arith.index_cast %add3A_1250 : i32 to index
        %swap3A_1256 = tpu.vector_load %arg7[%swap3A_1253, %swap3A_1254, %swap3A_1255] {strides = array<i32>} : memref<1x8x4096xf32, #tpu.memory_space<vmem>>, vector<16xf32>,
        tpu.vector_store %arg7[%swap3A_1253, %swap3A_1254, %swap3A_1255], %gather3A_1246 {strides = array<i32>} : memref<1x8x4096xf32, #tpu.memory_space<vmem>>, vector<16xf32>,
        %reshape3A_1257 = vector.shape_cast %get3A_879 : vector<16xi32> to vector<16x1xi32>
        %gather3A_1258 = vector.shape_cast %reshape3A_1257 : vector<16x1xi32> to vector<16xi32>
        %gather3A_1259 = tpu.dynamic_gather %gather3A_590[%gather3A_1258] in [0] : vector<16xf32>, vector<16xi32> -> vector<16xf32>
        %mul3A_1260 = arith.constant 128 : i32
        %mul3A_1261 = arith.muli %add3A_850, %mul3A_1260 : i32
        %add3A_1262 = arith.constant 64 : i32
        %add3A_1263 = arith.addi %mul3A_1261, %add3A_1262 : i32
        %swap3A_1264 = arith.constant 0 : i32
        %swap3A_1265 = arith.constant 3 : i32
        %swap3A_1266 = arith.index_cast %swap3A_1264 : i32 to index
        %swap3A_1267 = arith.index_cast %swap3A_1265 : i32 to index
        %swap3A_1268 = arith.index_cast %add3A_1263 : i32 to index
        %swap3A_1269 = tpu.vector_load %arg7[%swap3A_1266, %swap3A_1267, %swap3A_1268] {strides = array<i32>} : memref<1x8x4096xf32, #tpu.memory_space<vmem>>, vector<16xf32>,
        tpu.vector_store %arg7[%swap3A_1266, %swap3A_1267, %swap3A_1268], %gather3A_1259 {strides = array<i32>} : memref<1x8x4096xf32, #tpu.memory_space<vmem>>, vector<16xf32>,
        %reshape3A_1270 = vector.shape_cast %get3A_884 : vector<16xi32> to vector<16x1xi32>
        %gather3A_1271 = vector.shape_cast %reshape3A_1270 : vector<16x1xi32> to vector<16xi32>
        %gather3A_1272 = tpu.dynamic_gather %gather3A_590[%gather3A_1271] in [0] : vector<16xf32>, vector<16xi32> -> vector<16xf32>
        %mul3A_1273 = arith.constant 128 : i32
        %mul3A_1274 = arith.muli %add3A_850, %mul3A_1273 : i32
        %add3A_1275 = arith.constant 80 : i32
        %add3A_1276 = arith.addi %mul3A_1274, %add3A_1275 : i32
        %swap3A_1277 = arith.constant 0 : i32
        %swap3A_1278 = arith.constant 3 : i32
        %swap3A_1279 = arith.index_cast %swap3A_1277 : i32 to index
        %swap3A_1280 = arith.index_cast %swap3A_1278 : i32 to index
        %swap3A_1281 = arith.index_cast %add3A_1276 : i32 to index
        %swap3A_1282 = tpu.vector_load %arg7[%swap3A_1279, %swap3A_1280, %swap3A_1281] {strides = array<i32>} : memref<1x8x4096xf32, #tpu.memory_space<vmem>>, vector<16xf32>,
        tpu.vector_store %arg7[%swap3A_1279, %swap3A_1280, %swap3A_1281], %gather3A_1272 {strides = array<i32>} : memref<1x8x4096xf32, #tpu.memory_space<vmem>>, vector<16xf32>,
        %reshape3A_1283 = vector.shape_cast %get3A_889 : vector<16xi32> to vector<16x1xi32>
        %gather3A_1284 = vector.shape_cast %reshape3A_1283 : vector<16x1xi32> to vector<16xi32>
        %gather3A_1285 = tpu.dynamic_gather %gather3A_590[%gather3A_1284] in [0] : vector<16xf32>, vector<16xi32> -> vector<16xf32>
        %mul3A_1286 = arith.constant 128 : i32
        %mul3A_1287 = arith.muli %add3A_850, %mul3A_1286 : i32
        %add3A_1288 = arith.constant 96 : i32
        %add3A_1289 = arith.addi %mul3A_1287, %add3A_1288 : i32
        %swap3A_1290 = arith.constant 0 : i32
        %swap3A_1291 = arith.constant 3 : i32
        %swap3A_1292 = arith.index_cast %swap3A_1290 : i32 to index
        %swap3A_1293 = arith.index_cast %swap3A_1291 : i32 to index
        %swap3A_1294 = arith.index_cast %add3A_1289 : i32 to index
        %swap3A_1295 = tpu.vector_load %arg7[%swap3A_1292, %swap3A_1293, %swap3A_1294] {strides = array<i32>} : memref<1x8x4096xf32, #tpu.memory_space<vmem>>, vector<16xf32>,
        tpu.vector_store %arg7[%swap3A_1292, %swap3A_1293, %swap3A_1294], %gather3A_1285 {strides = array<i32>} : memref<1x8x4096xf32, #tpu.memory_space<vmem>>, vector<16xf32>,
        %reshape3A_1296 = vector.shape_cast %get3A_894 : vector<16xi32> to vector<16x1xi32>
        %gather3A_1297 = vector.shape_cast %reshape3A_1296 : vector<16x1xi32> to vector<16xi32>
        %gather3A_1298 = tpu.dynamic_gather %gather3A_590[%gather3A_1297] in [0] : vector<16xf32>, vector<16xi32> -> vector<16xf32>
        %mul3A_1299 = arith.constant 128 : i32
        %mul3A_1300 = arith.muli %add3A_850, %mul3A_1299 : i32
        %add3A_1301 = arith.constant 112 : i32
        %add3A_1302 = arith.addi %mul3A_1300, %add3A_1301 : i32
        %swap3A_1303 = arith.constant 0 : i32
        %swap3A_1304 = arith.constant 3 : i32
        %swap3A_1305 = arith.index_cast %swap3A_1303 : i32 to index
        %swap3A_1306 = arith.index_cast %swap3A_1304 : i32 to index
        %swap3A_1307 = arith.index_cast %add3A_1302 : i32 to index
        %swap3A_1308 = tpu.vector_load %arg7[%swap3A_1305, %swap3A_1306, %swap3A_1307] {strides = array<i32>} : memref<1x8x4096xf32, #tpu.memory_space<vmem>>, vector<16xf32>,
        tpu.vector_store %arg7[%swap3A_1305, %swap3A_1306, %swap3A_1307], %gather3A_1298 {strides = array<i32>} : memref<1x8x4096xf32, #tpu.memory_space<vmem>>, vector<16xf32>,
        %reshape3A_1309 = vector.shape_cast %get3A_859 : vector<16xi32> to vector<16x1xi32>
        %gather3A_1310 = vector.shape_cast %reshape3A_1309 : vector<16x1xi32> to vector<16xi32>
        %gather3A_1311 = tpu.dynamic_gather %gather3A_604[%gather3A_1310] in [0] : vector<16xf32>, vector<16xi32> -> vector<16xf32>
        %mul3A_1312 = arith.constant 128 : i32
        %mul3A_1313 = arith.muli %add3A_850, %mul3A_1312 : i32
        %add3A_1314 = arith.constant 0 : i32
        %add3A_1315 = arith.addi %mul3A_1313, %add3A_1314 : i32
        %swap3A_1316 = arith.constant 0 : i32
        %swap3A_1317 = arith.constant 4 : i32
        %swap3A_1318 = arith.index_cast %swap3A_1316 : i32 to index
        %swap3A_1319 = arith.index_cast %swap3A_1317 : i32 to index
        %swap3A_1320 = arith.index_cast %add3A_1315 : i32 to index
        %swap3A_1321 = tpu.vector_load %arg7[%swap3A_1318, %swap3A_1319, %swap3A_1320] {strides = array<i32>} : memref<1x8x4096xf32, #tpu.memory_space<vmem>>, vector<16xf32>,
        tpu.vector_store %arg7[%swap3A_1318, %swap3A_1319, %swap3A_1320], %gather3A_1311 {strides = array<i32>} : memref<1x8x4096xf32, #tpu.memory_space<vmem>>, vector<16xf32>,
        %reshape3A_1322 = vector.shape_cast %get3A_864 : vector<16xi32> to vector<16x1xi32>
        %gather3A_1323 = vector.shape_cast %reshape3A_1322 : vector<16x1xi32> to vector<16xi32>
        %gather3A_1324 = tpu.dynamic_gather %gather3A_604[%gather3A_1323] in [0] : vector<16xf32>, vector<16xi32> -> vector<16xf32>
        %mul3A_1325 = arith.constant 128 : i32
        %mul3A_1326 = arith.muli %add3A_850, %mul3A_1325 : i32
        %add3A_1327 = arith.constant 16 : i32
        %add3A_1328 = arith.addi %mul3A_1326, %add3A_1327 : i32
        %swap3A_1329 = arith.constant 0 : i32
        %swap3A_1330 = arith.constant 4 : i32
        %swap3A_1331 = arith.index_cast %swap3A_1329 : i32 to index
        %swap3A_1332 = arith.index_cast %swap3A_1330 : i32 to index
        %swap3A_1333 = arith.index_cast %add3A_1328 : i32 to index
        %swap3A_1334 = tpu.vector_load %arg7[%swap3A_1331, %swap3A_1332, %swap3A_1333] {strides = array<i32>} : memref<1x8x4096xf32, #tpu.memory_space<vmem>>, vector<16xf32>,
        tpu.vector_store %arg7[%swap3A_1331, %swap3A_1332, %swap3A_1333], %gather3A_1324 {strides = array<i32>} : memref<1x8x4096xf32, #tpu.memory_space<vmem>>, vector<16xf32>,
        %reshape3A_1335 = vector.shape_cast %get3A_869 : vector<16xi32> to vector<16x1xi32>
        %gather3A_1336 = vector.shape_cast %reshape3A_1335 : vector<16x1xi32> to vector<16xi32>
        %gather3A_1337 = tpu.dynamic_gather %gather3A_604[%gather3A_1336] in [0] : vector<16xf32>, vector<16xi32> -> vector<16xf32>
        %mul3A_1338 = arith.constant 128 : i32
        %mul3A_1339 = arith.muli %add3A_850, %mul3A_1338 : i32
        %add3A_1340 = arith.constant 32 : i32
        %add3A_1341 = arith.addi %mul3A_1339, %add3A_1340 : i32
        %swap3A_1342 = arith.constant 0 : i32
        %swap3A_1343 = arith.constant 4 : i32
        %swap3A_1344 = arith.index_cast %swap3A_1342 : i32 to index
        %swap3A_1345 = arith.index_cast %swap3A_1343 : i32 to index
        %swap3A_1346 = arith.index_cast %add3A_1341 : i32 to index
        %swap3A_1347 = tpu.vector_load %arg7[%swap3A_1344, %swap3A_1345, %swap3A_1346] {strides = array<i32>} : memref<1x8x4096xf32, #tpu.memory_space<vmem>>, vector<16xf32>,
        tpu.vector_store %arg7[%swap3A_1344, %swap3A_1345, %swap3A_1346], %gather3A_1337 {strides = array<i32>} : memref<1x8x4096xf32, #tpu.memory_space<vmem>>, vector<16xf32>,
        %reshape3A_1348 = vector.shape_cast %get3A_874 : vector<16xi32> to vector<16x1xi32>
        %gather3A_1349 = vector.shape_cast %reshape3A_1348 : vector<16x1xi32> to vector<16xi32>
        %gather3A_1350 = tpu.dynamic_gather %gather3A_604[%gather3A_1349] in [0] : vector<16xf32>, vector<16xi32> -> vector<16xf32>
        %mul3A_1351 = arith.constant 128 : i32
        %mul3A_1352 = arith.muli %add3A_850, %mul3A_1351 : i32
        %add3A_1353 = arith.constant 48 : i32
        %add3A_1354 = arith.addi %mul3A_1352, %add3A_1353 : i32
        %swap3A_1355 = arith.constant 0 : i32
        %swap3A_1356 = arith.constant 4 : i32
        %swap3A_1357 = arith.index_cast %swap3A_1355 : i32 to index
        %swap3A_1358 = arith.index_cast %swap3A_1356 : i32 to index
        %swap3A_1359 = arith.index_cast %add3A_1354 : i32 to index
        %swap3A_1360 = tpu.vector_load %arg7[%swap3A_1357, %swap3A_1358, %swap3A_1359] {strides = array<i32>} : memref<1x8x4096xf32, #tpu.memory_space<vmem>>, vector<16xf32>,
        tpu.vector_store %arg7[%swap3A_1357, %swap3A_1358, %swap3A_1359], %gather3A_1350 {strides = array<i32>} : memref<1x8x4096xf32, #tpu.memory_space<vmem>>, vector<16xf32>,
        %reshape3A_1361 = vector.shape_cast %get3A_879 : vector<16xi32> to vector<16x1xi32>
        %gather3A_1362 = vector.shape_cast %reshape3A_1361 : vector<16x1xi32> to vector<16xi32>
        %gather3A_1363 = tpu.dynamic_gather %gather3A_604[%gather3A_1362] in [0] : vector<16xf32>, vector<16xi32> -> vector<16xf32>
        %mul3A_1364 = arith.constant 128 : i32
        %mul3A_1365 = arith.muli %add3A_850, %mul3A_1364 : i32
        %add3A_1366 = arith.constant 64 : i32
        %add3A_1367 = arith.addi %mul3A_1365, %add3A_1366 : i32
        %swap3A_1368 = arith.constant 0 : i32
        %swap3A_1369 = arith.constant 4 : i32
        %swap3A_1370 = arith.index_cast %swap3A_1368 : i32 to index
        %swap3A_1371 = arith.index_cast %swap3A_1369 : i32 to index
        %swap3A_1372 = arith.index_cast %add3A_1367 : i32 to index
        %swap3A_1373 = tpu.vector_load %arg7[%swap3A_1370, %swap3A_1371, %swap3A_1372] {strides = array<i32>} : memref<1x8x4096xf32, #tpu.memory_space<vmem>>, vector<16xf32>,
        tpu.vector_store %arg7[%swap3A_1370, %swap3A_1371, %swap3A_1372], %gather3A_1363 {strides = array<i32>} : memref<1x8x4096xf32, #tpu.memory_space<vmem>>, vector<16xf32>,
        %reshape3A_1374 = vector.shape_cast %get3A_884 : vector<16xi32> to vector<16x1xi32>
        %gather3A_1375 = vector.shape_cast %reshape3A_1374 : vector<16x1xi32> to vector<16xi32>
        %gather3A_1376 = tpu.dynamic_gather %gather3A_604[%gather3A_1375] in [0] : vector<16xf32>, vector<16xi32> -> vector<16xf32>
        %mul3A_1377 = arith.constant 128 : i32
        %mul3A_1378 = arith.muli %add3A_850, %mul3A_1377 : i32
        %add3A_1379 = arith.constant 80 : i32
        %add3A_1380 = arith.addi %mul3A_1378, %add3A_1379 : i32
        %swap3A_1381 = arith.constant 0 : i32
        %swap3A_1382 = arith.constant 4 : i32
        %swap3A_1383 = arith.index_cast %swap3A_1381 : i32 to index
        %swap3A_1384 = arith.index_cast %swap3A_1382 : i32 to index
        %swap3A_1385 = arith.index_cast %add3A_1380 : i32 to index
        %swap3A_1386 = tpu.vector_load %arg7[%swap3A_1383, %swap3A_1384, %swap3A_1385] {strides = array<i32>} : memref<1x8x4096xf32, #tpu.memory_space<vmem>>, vector<16xf32>,
        tpu.vector_store %arg7[%swap3A_1383, %swap3A_1384, %swap3A_1385], %gather3A_1376 {strides = array<i32>} : memref<1x8x4096xf32, #tpu.memory_space<vmem>>, vector<16xf32>,
        %reshape3A_1387 = vector.shape_cast %get3A_889 : vector<16xi32> to vector<16x1xi32>
        %gather3A_1388 = vector.shape_cast %reshape3A_1387 : vector<16x1xi32> to vector<16xi32>
        %gather3A_1389 = tpu.dynamic_gather %gather3A_604[%gather3A_1388] in [0] : vector<16xf32>, vector<16xi32> -> vector<16xf32>
        %mul3A_1390 = arith.constant 128 : i32
        %mul3A_1391 = arith.muli %add3A_850, %mul3A_1390 : i32
        %add3A_1392 = arith.constant 96 : i32
        %add3A_1393 = arith.addi %mul3A_1391, %add3A_1392 : i32
        %swap3A_1394 = arith.constant 0 : i32
        %swap3A_1395 = arith.constant 4 : i32
        %swap3A_1396 = arith.index_cast %swap3A_1394 : i32 to index
        %swap3A_1397 = arith.index_cast %swap3A_1395 : i32 to index
        %swap3A_1398 = arith.index_cast %add3A_1393 : i32 to index
        %swap3A_1399 = tpu.vector_load %arg7[%swap3A_1396, %swap3A_1397, %swap3A_1398] {strides = array<i32>} : memref<1x8x4096xf32, #tpu.memory_space<vmem>>, vector<16xf32>,
        tpu.vector_store %arg7[%swap3A_1396, %swap3A_1397, %swap3A_1398], %gather3A_1389 {strides = array<i32>} : memref<1x8x4096xf32, #tpu.memory_space<vmem>>, vector<16xf32>,
        %reshape3A_1400 = vector.shape_cast %get3A_894 : vector<16xi32> to vector<16x1xi32>
        %gather3A_1401 = vector.shape_cast %reshape3A_1400 : vector<16x1xi32> to vector<16xi32>
        %gather3A_1402 = tpu.dynamic_gather %gather3A_604[%gather3A_1401] in [0] : vector<16xf32>, vector<16xi32> -> vector<16xf32>
        %mul3A_1403 = arith.constant 128 : i32
        %mul3A_1404 = arith.muli %add3A_850, %mul3A_1403 : i32
        %add3A_1405 = arith.constant 112 : i32
        %add3A_1406 = arith.addi %mul3A_1404, %add3A_1405 : i32
        %swap3A_1407 = arith.constant 0 : i32
        %swap3A_1408 = arith.constant 4 : i32
        %swap3A_1409 = arith.index_cast %swap3A_1407 : i32 to index
        %swap3A_1410 = arith.index_cast %swap3A_1408 : i32 to index
        %swap3A_1411 = arith.index_cast %add3A_1406 : i32 to index
        %swap3A_1412 = tpu.vector_load %arg7[%swap3A_1409, %swap3A_1410, %swap3A_1411] {strides = array<i32>} : memref<1x8x4096xf32, #tpu.memory_space<vmem>>, vector<16xf32>,
        tpu.vector_store %arg7[%swap3A_1409, %swap3A_1410, %swap3A_1411], %gather3A_1402 {strides = array<i32>} : memref<1x8x4096xf32, #tpu.memory_space<vmem>>, vector<16xf32>,
        %reshape3A_1413 = vector.shape_cast %get3A_859 : vector<16xi32> to vector<16x1xi32>
        %gather3A_1414 = vector.shape_cast %reshape3A_1413 : vector<16x1xi32> to vector<16xi32>
        %gather3A_1415 = tpu.dynamic_gather %gather3A_618[%gather3A_1414] in [0] : vector<16xf32>, vector<16xi32> -> vector<16xf32>
        %mul3A_1416 = arith.constant 128 : i32
        %mul3A_1417 = arith.muli %add3A_850, %mul3A_1416 : i32
        %add3A_1418 = arith.constant 0 : i32
        %add3A_1419 = arith.addi %mul3A_1417, %add3A_1418 : i32
        %swap3A_1420 = arith.constant 0 : i32
        %swap3A_1421 = arith.constant 5 : i32
        %swap3A_1422 = arith.index_cast %swap3A_1420 : i32 to index
        %swap3A_1423 = arith.index_cast %swap3A_1421 : i32 to index
        %swap3A_1424 = arith.index_cast %add3A_1419 : i32 to index
        %swap3A_1425 = tpu.vector_load %arg7[%swap3A_1422, %swap3A_1423, %swap3A_1424] {strides = array<i32>} : memref<1x8x4096xf32, #tpu.memory_space<vmem>>, vector<16xf32>,
        tpu.vector_store %arg7[%swap3A_1422, %swap3A_1423, %swap3A_1424], %gather3A_1415 {strides = array<i32>} : memref<1x8x4096xf32, #tpu.memory_space<vmem>>, vector<16xf32>,
        %reshape3A_1426 = vector.shape_cast %get3A_864 : vector<16xi32> to vector<16x1xi32>
        %gather3A_1427 = vector.shape_cast %reshape3A_1426 : vector<16x1xi32> to vector<16xi32>
        %gather3A_1428 = tpu.dynamic_gather %gather3A_618[%gather3A_1427] in [0] : vector<16xf32>, vector<16xi32> -> vector<16xf32>
        %mul3A_1429 = arith.constant 128 : i32
        %mul3A_1430 = arith.muli %add3A_850, %mul3A_1429 : i32
        %add3A_1431 = arith.constant 16 : i32
        %add3A_1432 = arith.addi %mul3A_1430, %add3A_1431 : i32
        %swap3A_1433 = arith.constant 0 : i32
        %swap3A_1434 = arith.constant 5 : i32
        %swap3A_1435 = arith.index_cast %swap3A_1433 : i32 to index
        %swap3A_1436 = arith.index_cast %swap3A_1434 : i32 to index
        %swap3A_1437 = arith.index_cast %add3A_1432 : i32 to index
        %swap3A_1438 = tpu.vector_load %arg7[%swap3A_1435, %swap3A_1436, %swap3A_1437] {strides = array<i32>} : memref<1x8x4096xf32, #tpu.memory_space<vmem>>, vector<16xf32>,
        tpu.vector_store %arg7[%swap3A_1435, %swap3A_1436, %swap3A_1437], %gather3A_1428 {strides = array<i32>} : memref<1x8x4096xf32, #tpu.memory_space<vmem>>, vector<16xf32>,
        %reshape3A_1439 = vector.shape_cast %get3A_869 : vector<16xi32> to vector<16x1xi32>
        %gather3A_1440 = vector.shape_cast %reshape3A_1439 : vector<16x1xi32> to vector<16xi32>
        %gather3A_1441 = tpu.dynamic_gather %gather3A_618[%gather3A_1440] in [0] : vector<16xf32>, vector<16xi32> -> vector<16xf32>
        %mul3A_1442 = arith.constant 128 : i32
        %mul3A_1443 = arith.muli %add3A_850, %mul3A_1442 : i32
        %add3A_1444 = arith.constant 32 : i32
        %add3A_1445 = arith.addi %mul3A_1443, %add3A_1444 : i32
        %swap3A_1446 = arith.constant 0 : i32
        %swap3A_1447 = arith.constant 5 : i32
        %swap3A_1448 = arith.index_cast %swap3A_1446 : i32 to index
        %swap3A_1449 = arith.index_cast %swap3A_1447 : i32 to index
        %swap3A_1450 = arith.index_cast %add3A_1445 : i32 to index
        %swap3A_1451 = tpu.vector_load %arg7[%swap3A_1448, %swap3A_1449, %swap3A_1450] {strides = array<i32>} : memref<1x8x4096xf32, #tpu.memory_space<vmem>>, vector<16xf32>,
        tpu.vector_store %arg7[%swap3A_1448, %swap3A_1449, %swap3A_1450], %gather3A_1441 {strides = array<i32>} : memref<1x8x4096xf32, #tpu.memory_space<vmem>>, vector<16xf32>,
        %reshape3A_1452 = vector.shape_cast %get3A_874 : vector<16xi32> to vector<16x1xi32>
        %gather3A_1453 = vector.shape_cast %reshape3A_1452 : vector<16x1xi32> to vector<16xi32>
        %gather3A_1454 = tpu.dynamic_gather %gather3A_618[%gather3A_1453] in [0] : vector<16xf32>, vector<16xi32> -> vector<16xf32>
        %mul3A_1455 = arith.constant 128 : i32
        %mul3A_1456 = arith.muli %add3A_850, %mul3A_1455 : i32
        %add3A_1457 = arith.constant 48 : i32
        %add3A_1458 = arith.addi %mul3A_1456, %add3A_1457 : i32
        %swap3A_1459 = arith.constant 0 : i32
        %swap3A_1460 = arith.constant 5 : i32
        %swap3A_1461 = arith.index_cast %swap3A_1459 : i32 to index
        %swap3A_1462 = arith.index_cast %swap3A_1460 : i32 to index
        %swap3A_1463 = arith.index_cast %add3A_1458 : i32 to index
        %swap3A_1464 = tpu.vector_load %arg7[%swap3A_1461, %swap3A_1462, %swap3A_1463] {strides = array<i32>} : memref<1x8x4096xf32, #tpu.memory_space<vmem>>, vector<16xf32>,
        tpu.vector_store %arg7[%swap3A_1461, %swap3A_1462, %swap3A_1463], %gather3A_1454 {strides = array<i32>} : memref<1x8x4096xf32, #tpu.memory_space<vmem>>, vector<16xf32>,
        %reshape3A_1465 = vector.shape_cast %get3A_879 : vector<16xi32> to vector<16x1xi32>
        %gather3A_1466 = vector.shape_cast %reshape3A_1465 : vector<16x1xi32> to vector<16xi32>
        %gather3A_1467 = tpu.dynamic_gather %gather3A_618[%gather3A_1466] in [0] : vector<16xf32>, vector<16xi32> -> vector<16xf32>
        %mul3A_1468 = arith.constant 128 : i32
        %mul3A_1469 = arith.muli %add3A_850, %mul3A_1468 : i32
        %add3A_1470 = arith.constant 64 : i32
        %add3A_1471 = arith.addi %mul3A_1469, %add3A_1470 : i32
        %swap3A_1472 = arith.constant 0 : i32
        %swap3A_1473 = arith.constant 5 : i32
        %swap3A_1474 = arith.index_cast %swap3A_1472 : i32 to index
        %swap3A_1475 = arith.index_cast %swap3A_1473 : i32 to index
        %swap3A_1476 = arith.index_cast %add3A_1471 : i32 to index
        %swap3A_1477 = tpu.vector_load %arg7[%swap3A_1474, %swap3A_1475, %swap3A_1476] {strides = array<i32>} : memref<1x8x4096xf32, #tpu.memory_space<vmem>>, vector<16xf32>,
        tpu.vector_store %arg7[%swap3A_1474, %swap3A_1475, %swap3A_1476], %gather3A_1467 {strides = array<i32>} : memref<1x8x4096xf32, #tpu.memory_space<vmem>>, vector<16xf32>,
        %reshape3A_1478 = vector.shape_cast %get3A_884 : vector<16xi32> to vector<16x1xi32>
        %gather3A_1479 = vector.shape_cast %reshape3A_1478 : vector<16x1xi32> to vector<16xi32>
        %gather3A_1480 = tpu.dynamic_gather %gather3A_618[%gather3A_1479] in [0] : vector<16xf32>, vector<16xi32> -> vector<16xf32>
        %mul3A_1481 = arith.constant 128 : i32
        %mul3A_1482 = arith.muli %add3A_850, %mul3A_1481 : i32
        %add3A_1483 = arith.constant 80 : i32
        %add3A_1484 = arith.addi %mul3A_1482, %add3A_1483 : i32
        %swap3A_1485 = arith.constant 0 : i32
        %swap3A_1486 = arith.constant 5 : i32
        %swap3A_1487 = arith.index_cast %swap3A_1485 : i32 to index
        %swap3A_1488 = arith.index_cast %swap3A_1486 : i32 to index
        %swap3A_1489 = arith.index_cast %add3A_1484 : i32 to index
        %swap3A_1490 = tpu.vector_load %arg7[%swap3A_1487, %swap3A_1488, %swap3A_1489] {strides = array<i32>} : memref<1x8x4096xf32, #tpu.memory_space<vmem>>, vector<16xf32>,
        tpu.vector_store %arg7[%swap3A_1487, %swap3A_1488, %swap3A_1489], %gather3A_1480 {strides = array<i32>} : memref<1x8x4096xf32, #tpu.memory_space<vmem>>, vector<16xf32>,
        %reshape3A_1491 = vector.shape_cast %get3A_889 : vector<16xi32> to vector<16x1xi32>
        %gather3A_1492 = vector.shape_cast %reshape3A_1491 : vector<16x1xi32> to vector<16xi32>
        %gather3A_1493 = tpu.dynamic_gather %gather3A_618[%gather3A_1492] in [0] : vector<16xf32>, vector<16xi32> -> vector<16xf32>
        %mul3A_1494 = arith.constant 128 : i32
        %mul3A_1495 = arith.muli %add3A_850, %mul3A_1494 : i32
        %add3A_1496 = arith.constant 96 : i32
        %add3A_1497 = arith.addi %mul3A_1495, %add3A_1496 : i32
        %swap3A_1498 = arith.constant 0 : i32
        %swap3A_1499 = arith.constant 5 : i32
        %swap3A_1500 = arith.index_cast %swap3A_1498 : i32 to index
        %swap3A_1501 = arith.index_cast %swap3A_1499 : i32 to index
        %swap3A_1502 = arith.index_cast %add3A_1497 : i32 to index
        %swap3A_1503 = tpu.vector_load %arg7[%swap3A_1500, %swap3A_1501, %swap3A_1502] {strides = array<i32>} : memref<1x8x4096xf32, #tpu.memory_space<vmem>>, vector<16xf32>,
        tpu.vector_store %arg7[%swap3A_1500, %swap3A_1501, %swap3A_1502], %gather3A_1493 {strides = array<i32>} : memref<1x8x4096xf32, #tpu.memory_space<vmem>>, vector<16xf32>,
        %reshape3A_1504 = vector.shape_cast %get3A_894 : vector<16xi32> to vector<16x1xi32>
        %gather3A_1505 = vector.shape_cast %reshape3A_1504 : vector<16x1xi32> to vector<16xi32>
        %gather3A_1506 = tpu.dynamic_gather %gather3A_618[%gather3A_1505] in [0] : vector<16xf32>, vector<16xi32> -> vector<16xf32>
        %mul3A_1507 = arith.constant 128 : i32
        %mul3A_1508 = arith.muli %add3A_850, %mul3A_1507 : i32
        %add3A_1509 = arith.constant 112 : i32
        %add3A_1510 = arith.addi %mul3A_1508, %add3A_1509 : i32
        %swap3A_1511 = arith.constant 0 : i32
        %swap3A_1512 = arith.constant 5 : i32
        %swap3A_1513 = arith.index_cast %swap3A_1511 : i32 to index
        %swap3A_1514 = arith.index_cast %swap3A_1512 : i32 to index
        %swap3A_1515 = arith.index_cast %add3A_1510 : i32 to index
        %swap3A_1516 = tpu.vector_load %arg7[%swap3A_1513, %swap3A_1514, %swap3A_1515] {strides = array<i32>} : memref<1x8x4096xf32, #tpu.memory_space<vmem>>, vector<16xf32>,
        tpu.vector_store %arg7[%swap3A_1513, %swap3A_1514, %swap3A_1515], %gather3A_1506 {strides = array<i32>} : memref<1x8x4096xf32, #tpu.memory_space<vmem>>, vector<16xf32>,
        %reshape3A_1517 = vector.shape_cast %get3A_859 : vector<16xi32> to vector<16x1xi32>
        %gather3A_1518 = vector.shape_cast %reshape3A_1517 : vector<16x1xi32> to vector<16xi32>
        %gather3A_1519 = tpu.dynamic_gather %gather3A_632[%gather3A_1518] in [0] : vector<16xf32>, vector<16xi32> -> vector<16xf32>
        %mul3A_1520 = arith.constant 128 : i32
        %mul3A_1521 = arith.muli %add3A_850, %mul3A_1520 : i32
        %add3A_1522 = arith.constant 0 : i32
        %add3A_1523 = arith.addi %mul3A_1521, %add3A_1522 : i32
        %swap3A_1524 = arith.constant 0 : i32
        %swap3A_1525 = arith.constant 6 : i32
        %swap3A_1526 = arith.index_cast %swap3A_1524 : i32 to index
        %swap3A_1527 = arith.index_cast %swap3A_1525 : i32 to index
        %swap3A_1528 = arith.index_cast %add3A_1523 : i32 to index
        %swap3A_1529 = tpu.vector_load %arg7[%swap3A_1526, %swap3A_1527, %swap3A_1528] {strides = array<i32>} : memref<1x8x4096xf32, #tpu.memory_space<vmem>>, vector<16xf32>,
        tpu.vector_store %arg7[%swap3A_1526, %swap3A_1527, %swap3A_1528], %gather3A_1519 {strides = array<i32>} : memref<1x8x4096xf32, #tpu.memory_space<vmem>>, vector<16xf32>,
        %reshape3A_1530 = vector.shape_cast %get3A_864 : vector<16xi32> to vector<16x1xi32>
        %gather3A_1531 = vector.shape_cast %reshape3A_1530 : vector<16x1xi32> to vector<16xi32>
        %gather3A_1532 = tpu.dynamic_gather %gather3A_632[%gather3A_1531] in [0] : vector<16xf32>, vector<16xi32> -> vector<16xf32>
        %mul3A_1533 = arith.constant 128 : i32
        %mul3A_1534 = arith.muli %add3A_850, %mul3A_1533 : i32
        %add3A_1535 = arith.constant 16 : i32
        %add3A_1536 = arith.addi %mul3A_1534, %add3A_1535 : i32
        %swap3A_1537 = arith.constant 0 : i32
        %swap3A_1538 = arith.constant 6 : i32
        %swap3A_1539 = arith.index_cast %swap3A_1537 : i32 to index
        %swap3A_1540 = arith.index_cast %swap3A_1538 : i32 to index
        %swap3A_1541 = arith.index_cast %add3A_1536 : i32 to index
        %swap3A_1542 = tpu.vector_load %arg7[%swap3A_1539, %swap3A_1540, %swap3A_1541] {strides = array<i32>} : memref<1x8x4096xf32, #tpu.memory_space<vmem>>, vector<16xf32>,
        tpu.vector_store %arg7[%swap3A_1539, %swap3A_1540, %swap3A_1541], %gather3A_1532 {strides = array<i32>} : memref<1x8x4096xf32, #tpu.memory_space<vmem>>, vector<16xf32>,
        %reshape3A_1543 = vector.shape_cast %get3A_869 : vector<16xi32> to vector<16x1xi32>
        %gather3A_1544 = vector.shape_cast %reshape3A_1543 : vector<16x1xi32> to vector<16xi32>
        %gather3A_1545 = tpu.dynamic_gather %gather3A_632[%gather3A_1544] in [0] : vector<16xf32>, vector<16xi32> -> vector<16xf32>
        %mul3A_1546 = arith.constant 128 : i32
        %mul3A_1547 = arith.muli %add3A_850, %mul3A_1546 : i32
        %add3A_1548 = arith.constant 32 : i32
        %add3A_1549 = arith.addi %mul3A_1547, %add3A_1548 : i32
        %swap3A_1550 = arith.constant 0 : i32
        %swap3A_1551 = arith.constant 6 : i32
        %swap3A_1552 = arith.index_cast %swap3A_1550 : i32 to index
        %swap3A_1553 = arith.index_cast %swap3A_1551 : i32 to index
        %swap3A_1554 = arith.index_cast %add3A_1549 : i32 to index
        %swap3A_1555 = tpu.vector_load %arg7[%swap3A_1552, %swap3A_1553, %swap3A_1554] {strides = array<i32>} : memref<1x8x4096xf32, #tpu.memory_space<vmem>>, vector<16xf32>,
        tpu.vector_store %arg7[%swap3A_1552, %swap3A_1553, %swap3A_1554], %gather3A_1545 {strides = array<i32>} : memref<1x8x4096xf32, #tpu.memory_space<vmem>>, vector<16xf32>,
        %reshape3A_1556 = vector.shape_cast %get3A_874 : vector<16xi32> to vector<16x1xi32>
        %gather3A_1557 = vector.shape_cast %reshape3A_1556 : vector<16x1xi32> to vector<16xi32>
        %gather3A_1558 = tpu.dynamic_gather %gather3A_632[%gather3A_1557] in [0] : vector<16xf32>, vector<16xi32> -> vector<16xf32>
        %mul3A_1559 = arith.constant 128 : i32
        %mul3A_1560 = arith.muli %add3A_850, %mul3A_1559 : i32
        %add3A_1561 = arith.constant 48 : i32
        %add3A_1562 = arith.addi %mul3A_1560, %add3A_1561 : i32
        %swap3A_1563 = arith.constant 0 : i32
        %swap3A_1564 = arith.constant 6 : i32
        %swap3A_1565 = arith.index_cast %swap3A_1563 : i32 to index
        %swap3A_1566 = arith.index_cast %swap3A_1564 : i32 to index
        %swap3A_1567 = arith.index_cast %add3A_1562 : i32 to index
        %swap3A_1568 = tpu.vector_load %arg7[%swap3A_1565, %swap3A_1566, %swap3A_1567] {strides = array<i32>} : memref<1x8x4096xf32, #tpu.memory_space<vmem>>, vector<16xf32>,
        tpu.vector_store %arg7[%swap3A_1565, %swap3A_1566, %swap3A_1567], %gather3A_1558 {strides = array<i32>} : memref<1x8x4096xf32, #tpu.memory_space<vmem>>, vector<16xf32>,
        %reshape3A_1569 = vector.shape_cast %get3A_879 : vector<16xi32> to vector<16x1xi32>
        %gather3A_1570 = vector.shape_cast %reshape3A_1569 : vector<16x1xi32> to vector<16xi32>
        %gather3A_1571 = tpu.dynamic_gather %gather3A_632[%gather3A_1570] in [0] : vector<16xf32>, vector<16xi32> -> vector<16xf32>
        %mul3A_1572 = arith.constant 128 : i32
        %mul3A_1573 = arith.muli %add3A_850, %mul3A_1572 : i32
        %add3A_1574 = arith.constant 64 : i32
        %add3A_1575 = arith.addi %mul3A_1573, %add3A_1574 : i32
        %swap3A_1576 = arith.constant 0 : i32
        %swap3A_1577 = arith.constant 6 : i32
        %swap3A_1578 = arith.index_cast %swap3A_1576 : i32 to index
        %swap3A_1579 = arith.index_cast %swap3A_1577 : i32 to index
        %swap3A_1580 = arith.index_cast %add3A_1575 : i32 to index
        %swap3A_1581 = tpu.vector_load %arg7[%swap3A_1578, %swap3A_1579, %swap3A_1580] {strides = array<i32>} : memref<1x8x4096xf32, #tpu.memory_space<vmem>>, vector<16xf32>,
        tpu.vector_store %arg7[%swap3A_1578, %swap3A_1579, %swap3A_1580], %gather3A_1571 {strides = array<i32>} : memref<1x8x4096xf32, #tpu.memory_space<vmem>>, vector<16xf32>,
        %reshape3A_1582 = vector.shape_cast %get3A_884 : vector<16xi32> to vector<16x1xi32>
        %gather3A_1583 = vector.shape_cast %reshape3A_1582 : vector<16x1xi32> to vector<16xi32>
        %gather3A_1584 = tpu.dynamic_gather %gather3A_632[%gather3A_1583] in [0] : vector<16xf32>, vector<16xi32> -> vector<16xf32>
        %mul3A_1585 = arith.constant 128 : i32
        %mul3A_1586 = arith.muli %add3A_850, %mul3A_1585 : i32
        %add3A_1587 = arith.constant 80 : i32
        %add3A_1588 = arith.addi %mul3A_1586, %add3A_1587 : i32
        %swap3A_1589 = arith.constant 0 : i32
        %swap3A_1590 = arith.constant 6 : i32
        %swap3A_1591 = arith.index_cast %swap3A_1589 : i32 to index
        %swap3A_1592 = arith.index_cast %swap3A_1590 : i32 to index
        %swap3A_1593 = arith.index_cast %add3A_1588 : i32 to index
        %swap3A_1594 = tpu.vector_load %arg7[%swap3A_1591, %swap3A_1592, %swap3A_1593] {strides = array<i32>} : memref<1x8x4096xf32, #tpu.memory_space<vmem>>, vector<16xf32>,
        tpu.vector_store %arg7[%swap3A_1591, %swap3A_1592, %swap3A_1593], %gather3A_1584 {strides = array<i32>} : memref<1x8x4096xf32, #tpu.memory_space<vmem>>, vector<16xf32>,
        %reshape3A_1595 = vector.shape_cast %get3A_889 : vector<16xi32> to vector<16x1xi32>
        %gather3A_1596 = vector.shape_cast %reshape3A_1595 : vector<16x1xi32> to vector<16xi32>
        %gather3A_1597 = tpu.dynamic_gather %gather3A_632[%gather3A_1596] in [0] : vector<16xf32>, vector<16xi32> -> vector<16xf32>
        %mul3A_1598 = arith.constant 128 : i32
        %mul3A_1599 = arith.muli %add3A_850, %mul3A_1598 : i32
        %add3A_1600 = arith.constant 96 : i32
        %add3A_1601 = arith.addi %mul3A_1599, %add3A_1600 : i32
        %swap3A_1602 = arith.constant 0 : i32
        %swap3A_1603 = arith.constant 6 : i32
        %swap3A_1604 = arith.index_cast %swap3A_1602 : i32 to index
        %swap3A_1605 = arith.index_cast %swap3A_1603 : i32 to index
        %swap3A_1606 = arith.index_cast %add3A_1601 : i32 to index
        %swap3A_1607 = tpu.vector_load %arg7[%swap3A_1604, %swap3A_1605, %swap3A_1606] {strides = array<i32>} : memref<1x8x4096xf32, #tpu.memory_space<vmem>>, vector<16xf32>,
        tpu.vector_store %arg7[%swap3A_1604, %swap3A_1605, %swap3A_1606], %gather3A_1597 {strides = array<i32>} : memref<1x8x4096xf32, #tpu.memory_space<vmem>>, vector<16xf32>,
        %reshape3A_1608 = vector.shape_cast %get3A_894 : vector<16xi32> to vector<16x1xi32>
        %gather3A_1609 = vector.shape_cast %reshape3A_1608 : vector<16x1xi32> to vector<16xi32>
        %gather3A_1610 = tpu.dynamic_gather %gather3A_632[%gather3A_1609] in [0] : vector<16xf32>, vector<16xi32> -> vector<16xf32>
        %mul3A_1611 = arith.constant 128 : i32
        %mul3A_1612 = arith.muli %add3A_850, %mul3A_1611 : i32
        %add3A_1613 = arith.constant 112 : i32
        %add3A_1614 = arith.addi %mul3A_1612, %add3A_1613 : i32
        %swap3A_1615 = arith.constant 0 : i32
        %swap3A_1616 = arith.constant 6 : i32
        %swap3A_1617 = arith.index_cast %swap3A_1615 : i32 to index
        %swap3A_1618 = arith.index_cast %swap3A_1616 : i32 to index
        %swap3A_1619 = arith.index_cast %add3A_1614 : i32 to index
        %swap3A_1620 = tpu.vector_load %arg7[%swap3A_1617, %swap3A_1618, %swap3A_1619] {strides = array<i32>} : memref<1x8x4096xf32, #tpu.memory_space<vmem>>, vector<16xf32>,
        tpu.vector_store %arg7[%swap3A_1617, %swap3A_1618, %swap3A_1619], %gather3A_1610 {strides = array<i32>} : memref<1x8x4096xf32, #tpu.memory_space<vmem>>, vector<16xf32>,
        %reshape3A_1621 = vector.shape_cast %get3A_859 : vector<16xi32> to vector<16x1xi32>
        %gather3A_1622 = vector.shape_cast %reshape3A_1621 : vector<16x1xi32> to vector<16xi32>
        %gather3A_1623 = tpu.dynamic_gather %gather3A_646[%gather3A_1622] in [0] : vector<16xf32>, vector<16xi32> -> vector<16xf32>
        %mul3A_1624 = arith.constant 128 : i32
        %mul3A_1625 = arith.muli %add3A_850, %mul3A_1624 : i32
        %add3A_1626 = arith.constant 0 : i32
        %add3A_1627 = arith.addi %mul3A_1625, %add3A_1626 : i32
        %swap3A_1628 = arith.constant 0 : i32
        %swap3A_1629 = arith.constant 7 : i32
        %swap3A_1630 = arith.index_cast %swap3A_1628 : i32 to index
        %swap3A_1631 = arith.index_cast %swap3A_1629 : i32 to index
        %swap3A_1632 = arith.index_cast %add3A_1627 : i32 to index
        %swap3A_1633 = tpu.vector_load %arg7[%swap3A_1630, %swap3A_1631, %swap3A_1632] {strides = array<i32>} : memref<1x8x4096xf32, #tpu.memory_space<vmem>>, vector<16xf32>,
        tpu.vector_store %arg7[%swap3A_1630, %swap3A_1631, %swap3A_1632], %gather3A_1623 {strides = array<i32>} : memref<1x8x4096xf32, #tpu.memory_space<vmem>>, vector<16xf32>,
        %reshape3A_1634 = vector.shape_cast %get3A_864 : vector<16xi32> to vector<16x1xi32>
        %gather3A_1635 = vector.shape_cast %reshape3A_1634 : vector<16x1xi32> to vector<16xi32>
        %gather3A_1636 = tpu.dynamic_gather %gather3A_646[%gather3A_1635] in [0] : vector<16xf32>, vector<16xi32> -> vector<16xf32>
        %mul3A_1637 = arith.constant 128 : i32
        %mul3A_1638 = arith.muli %add3A_850, %mul3A_1637 : i32
        %add3A_1639 = arith.constant 16 : i32
        %add3A_1640 = arith.addi %mul3A_1638, %add3A_1639 : i32
        %swap3A_1641 = arith.constant 0 : i32
        %swap3A_1642 = arith.constant 7 : i32
        %swap3A_1643 = arith.index_cast %swap3A_1641 : i32 to index
        %swap3A_1644 = arith.index_cast %swap3A_1642 : i32 to index
        %swap3A_1645 = arith.index_cast %add3A_1640 : i32 to index
        %swap3A_1646 = tpu.vector_load %arg7[%swap3A_1643, %swap3A_1644, %swap3A_1645] {strides = array<i32>} : memref<1x8x4096xf32, #tpu.memory_space<vmem>>, vector<16xf32>,
        tpu.vector_store %arg7[%swap3A_1643, %swap3A_1644, %swap3A_1645], %gather3A_1636 {strides = array<i32>} : memref<1x8x4096xf32, #tpu.memory_space<vmem>>, vector<16xf32>,
        %reshape3A_1647 = vector.shape_cast %get3A_869 : vector<16xi32> to vector<16x1xi32>
        %gather3A_1648 = vector.shape_cast %reshape3A_1647 : vector<16x1xi32> to vector<16xi32>
        %gather3A_1649 = tpu.dynamic_gather %gather3A_646[%gather3A_1648] in [0] : vector<16xf32>, vector<16xi32> -> vector<16xf32>
        %mul3A_1650 = arith.constant 128 : i32
        %mul3A_1651 = arith.muli %add3A_850, %mul3A_1650 : i32
        %add3A_1652 = arith.constant 32 : i32
        %add3A_1653 = arith.addi %mul3A_1651, %add3A_1652 : i32
        %swap3A_1654 = arith.constant 0 : i32
        %swap3A_1655 = arith.constant 7 : i32
        %swap3A_1656 = arith.index_cast %swap3A_1654 : i32 to index
        %swap3A_1657 = arith.index_cast %swap3A_1655 : i32 to index
        %swap3A_1658 = arith.index_cast %add3A_1653 : i32 to index
        %swap3A_1659 = tpu.vector_load %arg7[%swap3A_1656, %swap3A_1657, %swap3A_1658] {strides = array<i32>} : memref<1x8x4096xf32, #tpu.memory_space<vmem>>, vector<16xf32>,
        tpu.vector_store %arg7[%swap3A_1656, %swap3A_1657, %swap3A_1658], %gather3A_1649 {strides = array<i32>} : memref<1x8x4096xf32, #tpu.memory_space<vmem>>, vector<16xf32>,
        %reshape3A_1660 = vector.shape_cast %get3A_874 : vector<16xi32> to vector<16x1xi32>
        %gather3A_1661 = vector.shape_cast %reshape3A_1660 : vector<16x1xi32> to vector<16xi32>
        %gather3A_1662 = tpu.dynamic_gather %gather3A_646[%gather3A_1661] in [0] : vector<16xf32>, vector<16xi32> -> vector<16xf32>
        %mul3A_1663 = arith.constant 128 : i32
        %mul3A_1664 = arith.muli %add3A_850, %mul3A_1663 : i32
        %add3A_1665 = arith.constant 48 : i32
        %add3A_1666 = arith.addi %mul3A_1664, %add3A_1665 : i32
        %swap3A_1667 = arith.constant 0 : i32
        %swap3A_1668 = arith.constant 7 : i32
        %swap3A_1669 = arith.index_cast %swap3A_1667 : i32 to index
        %swap3A_1670 = arith.index_cast %swap3A_1668 : i32 to index
        %swap3A_1671 = arith.index_cast %add3A_1666 : i32 to index
        %swap3A_1672 = tpu.vector_load %arg7[%swap3A_1669, %swap3A_1670, %swap3A_1671] {strides = array<i32>} : memref<1x8x4096xf32, #tpu.memory_space<vmem>>, vector<16xf32>,
        tpu.vector_store %arg7[%swap3A_1669, %swap3A_1670, %swap3A_1671], %gather3A_1662 {strides = array<i32>} : memref<1x8x4096xf32, #tpu.memory_space<vmem>>, vector<16xf32>,
        %reshape3A_1673 = vector.shape_cast %get3A_879 : vector<16xi32> to vector<16x1xi32>
        %gather3A_1674 = vector.shape_cast %reshape3A_1673 : vector<16x1xi32> to vector<16xi32>
        %gather3A_1675 = tpu.dynamic_gather %gather3A_646[%gather3A_1674] in [0] : vector<16xf32>, vector<16xi32> -> vector<16xf32>
        %mul3A_1676 = arith.constant 128 : i32
        %mul3A_1677 = arith.muli %add3A_850, %mul3A_1676 : i32
        %add3A_1678 = arith.constant 64 : i32
        %add3A_1679 = arith.addi %mul3A_1677, %add3A_1678 : i32
        %swap3A_1680 = arith.constant 0 : i32
        %swap3A_1681 = arith.constant 7 : i32
        %swap3A_1682 = arith.index_cast %swap3A_1680 : i32 to index
        %swap3A_1683 = arith.index_cast %swap3A_1681 : i32 to index
        %swap3A_1684 = arith.index_cast %add3A_1679 : i32 to index
        %swap3A_1685 = tpu.vector_load %arg7[%swap3A_1682, %swap3A_1683, %swap3A_1684] {strides = array<i32>} : memref<1x8x4096xf32, #tpu.memory_space<vmem>>, vector<16xf32>,
        tpu.vector_store %arg7[%swap3A_1682, %swap3A_1683, %swap3A_1684], %gather3A_1675 {strides = array<i32>} : memref<1x8x4096xf32, #tpu.memory_space<vmem>>, vector<16xf32>,
        %reshape3A_1686 = vector.shape_cast %get3A_884 : vector<16xi32> to vector<16x1xi32>
        %gather3A_1687 = vector.shape_cast %reshape3A_1686 : vector<16x1xi32> to vector<16xi32>
        %gather3A_1688 = tpu.dynamic_gather %gather3A_646[%gather3A_1687] in [0] : vector<16xf32>, vector<16xi32> -> vector<16xf32>
        %mul3A_1689 = arith.constant 128 : i32
        %mul3A_1690 = arith.muli %add3A_850, %mul3A_1689 : i32
        %add3A_1691 = arith.constant 80 : i32
        %add3A_1692 = arith.addi %mul3A_1690, %add3A_1691 : i32
        %swap3A_1693 = arith.constant 0 : i32
        %swap3A_1694 = arith.constant 7 : i32
        %swap3A_1695 = arith.index_cast %swap3A_1693 : i32 to index
        %swap3A_1696 = arith.index_cast %swap3A_1694 : i32 to index
        %swap3A_1697 = arith.index_cast %add3A_1692 : i32 to index
        %swap3A_1698 = tpu.vector_load %arg7[%swap3A_1695, %swap3A_1696, %swap3A_1697] {strides = array<i32>} : memref<1x8x4096xf32, #tpu.memory_space<vmem>>, vector<16xf32>,
        tpu.vector_store %arg7[%swap3A_1695, %swap3A_1696, %swap3A_1697], %gather3A_1688 {strides = array<i32>} : memref<1x8x4096xf32, #tpu.memory_space<vmem>>, vector<16xf32>,
        %reshape3A_1699 = vector.shape_cast %get3A_889 : vector<16xi32> to vector<16x1xi32>
        %gather3A_1700 = vector.shape_cast %reshape3A_1699 : vector<16x1xi32> to vector<16xi32>
        %gather3A_1701 = tpu.dynamic_gather %gather3A_646[%gather3A_1700] in [0] : vector<16xf32>, vector<16xi32> -> vector<16xf32>
        %mul3A_1702 = arith.constant 128 : i32
        %mul3A_1703 = arith.muli %add3A_850, %mul3A_1702 : i32
        %add3A_1704 = arith.constant 96 : i32
        %add3A_1705 = arith.addi %mul3A_1703, %add3A_1704 : i32
        %swap3A_1706 = arith.constant 0 : i32
        %swap3A_1707 = arith.constant 7 : i32
        %swap3A_1708 = arith.index_cast %swap3A_1706 : i32 to index
        %swap3A_1709 = arith.index_cast %swap3A_1707 : i32 to index
        %swap3A_1710 = arith.index_cast %add3A_1705 : i32 to index
        %swap3A_1711 = tpu.vector_load %arg7[%swap3A_1708, %swap3A_1709, %swap3A_1710] {strides = array<i32>} : memref<1x8x4096xf32, #tpu.memory_space<vmem>>, vector<16xf32>,
        tpu.vector_store %arg7[%swap3A_1708, %swap3A_1709, %swap3A_1710], %gather3A_1701 {strides = array<i32>} : memref<1x8x4096xf32, #tpu.memory_space<vmem>>, vector<16xf32>,
        %reshape3A_1712 = vector.shape_cast %get3A_894 : vector<16xi32> to vector<16x1xi32>
        %gather3A_1713 = vector.shape_cast %reshape3A_1712 : vector<16x1xi32> to vector<16xi32>
        %gather3A_1714 = tpu.dynamic_gather %gather3A_646[%gather3A_1713] in [0] : vector<16xf32>, vector<16xi32> -> vector<16xf32>
        %mul3A_1715 = arith.constant 128 : i32
        %mul3A_1716 = arith.muli %add3A_850, %mul3A_1715 : i32
        %add3A_1717 = arith.constant 112 : i32
        %add3A_1718 = arith.addi %mul3A_1716, %add3A_1717 : i32
        %swap3A_1719 = arith.constant 0 : i32
        %swap3A_1720 = arith.constant 7 : i32
        %swap3A_1721 = arith.index_cast %swap3A_1719 : i32 to index
        %swap3A_1722 = arith.index_cast %swap3A_1720 : i32 to index
        %swap3A_1723 = arith.index_cast %add3A_1718 : i32 to index
        %swap3A_1724 = tpu.vector_load %arg7[%swap3A_1721, %swap3A_1722, %swap3A_1723] {strides = array<i32>} : memref<1x8x4096xf32, #tpu.memory_space<vmem>>, vector<16xf32>,
        tpu.vector_store %arg7[%swap3A_1721, %swap3A_1722, %swap3A_1723], %gather3A_1714 {strides = array<i32>} : memref<1x8x4096xf32, #tpu.memory_space<vmem>>, vector<16xf32>,
      }
      %scan3A_651 = arith.constant 32 : i32
      %mul3A_652 = arith.constant 8 : i32
      %mul3A_653 = arith.muli %select_n3A_522, %mul3A_652 : i32
      %mul3A_654 = arith.constant 4096 : i32
      %mul3A_655 = arith.muli %rem3A_524, %mul3A_654 : i32
      %dma_start3A_656 = tpu.memref_slice %arg4[%select_n3A_496, %mul3A_653, %mul3A_655] : memref<26x64x16384xf32, #tpu.memory_space<hbm>> -> memref<1x8x4096xf32, #tpu.memory_space<hbm>>
      %dma_start3A_657 = tpu.memref_slice %arg4[%select_n3A_496, %mul3A_653, %mul3A_655] : memref<26x64x16384xf32, #tpu.memory_space<hbm>> -> memref<1x8x4096xf32, #tpu.memory_space<hbm>>
      tpu.enqueue_dma source(%arg7 : memref<1x8x4096xf32, #tpu.memory_space<vmem>>) target(%dma_start3A_657 : memref<1x8x4096xf32, #tpu.memory_space<hbm>>) target_semaphore(%arg9 : memref<!tpu.dma_semaphore, #tpu.memory_space<semaphore_mem>>)
      %add3A_658 = arith.constant 1 : i32
      %add3A_659 = arith.addi %add3A_471, %add3A_658 : i32
      %add3A_660 = arith.addi %mul3A_2, %add3A_659 : i32
      %jit3A_661 = arith.constant 32 : i32
      %div3A_662 = arith.divsi %add3A_660, %jit3A_661 : i32
      %sign3A_663 = arith.constant 0 : i32
      %sign3A_664 = arith.cmpi sgt, %add3A_660, %sign3A_663 : i32
      %sign3A_665 = arith.extui %sign3A_664 : i1 to i32
      %sign3A_666 = arith.constant 0 : i32
      %sign3A_667 = arith.cmpi slt, %add3A_660, %sign3A_666 : i32
      %sign3A_668 = arith.extui %sign3A_667 : i1 to i32
      %sign3A_669 = arith.subi %sign3A_665, %sign3A_668 : i32
      %sign3A_670 = arith.constant 0 : i32
      %sign3A_671 = arith.cmpi sgt, %jit3A_661, %sign3A_670 : i32
      %sign3A_672 = arith.extui %sign3A_671 : i1 to i32
      %sign3A_673 = arith.constant 0 : i32
      %sign3A_674 = arith.cmpi slt, %jit3A_661, %sign3A_673 : i32
      %sign3A_675 = arith.extui %sign3A_674 : i1 to i32
      %sign3A_676 = arith.subi %sign3A_672, %sign3A_675 : i32
      %ne3A_677 = arith.cmpi ne, %sign3A_669, %sign3A_676 : i32
      %rem3A_678 = arith.remsi %add3A_660, %jit3A_661 : i32
      %ne3A_679 = arith.constant 0 : i32
      %ne3A_680 = arith.cmpi ne, %rem3A_678, %ne3A_679 : i32
      %and3A_681 = arith.andi %ne3A_677, %ne3A_680 : i1
      %sub3A_682 = arith.constant 1 : i32
      %sub3A_683 = arith.subi %div3A_662, %sub3A_682 : i32
      %select_n3A_684 = arith.select %and3A_681, %sub3A_683, %div3A_662 : i32
      %rem3A_685 = arith.constant 32 : i32
      %rem3A_686 = arith.remsi %add3A_660, %rem3A_685 : i32
      %jit3A_687 = arith.constant 4 : i32
      %div3A_688 = arith.divsi %rem3A_686, %jit3A_687 : i32
      %sign3A_689 = arith.constant 0 : i32
      %sign3A_690 = arith.cmpi sgt, %rem3A_686, %sign3A_689 : i32
      %sign3A_691 = arith.extui %sign3A_690 : i1 to i32
      %sign3A_692 = arith.constant 0 : i32
      %sign3A_693 = arith.cmpi slt, %rem3A_686, %sign3A_692 : i32
      %sign3A_694 = arith.extui %sign3A_693 : i1 to i32
      %sign3A_695 = arith.subi %sign3A_691, %sign3A_694 : i32
      %sign3A_696 = arith.constant 0 : i32
      %sign3A_697 = arith.cmpi sgt, %jit3A_687, %sign3A_696 : i32
      %sign3A_698 = arith.extui %sign3A_697 : i1 to i32
      %sign3A_699 = arith.constant 0 : i32
      %sign3A_700 = arith.cmpi slt, %jit3A_687, %sign3A_699 : i32
      %sign3A_701 = arith.extui %sign3A_700 : i1 to i32
      %sign3A_702 = arith.subi %sign3A_698, %sign3A_701 : i32
      %ne3A_703 = arith.cmpi ne, %sign3A_695, %sign3A_702 : i32
      %rem3A_704 = arith.remsi %rem3A_686, %jit3A_687 : i32
      %ne3A_705 = arith.constant 0 : i32
      %ne3A_706 = arith.cmpi ne, %rem3A_704, %ne3A_705 : i32
      %and3A_707 = arith.andi %ne3A_703, %ne3A_706 : i1
      %sub3A_708 = arith.constant 1 : i32
      %sub3A_709 = arith.subi %div3A_688, %sub3A_708 : i32
      %select_n3A_710 = arith.select %and3A_707, %sub3A_709, %div3A_688 : i32
      %rem3A_711 = arith.constant 4 : i32
      %rem3A_712 = arith.remsi %rem3A_686, %rem3A_711 : i32
      %eq3A_713 = arith.cmpi eq, %select_n3A_684, %select_n3A : i32
      %jit3A_714 = arith.constant 0 : i32
      %jit3A_715 = arith.constant 1 : i32
      %select_n3A_716 = arith.select %eq3A_713, %jit3A_714, %jit3A_715 : i32
      %mul3A_717 = arith.constant 8 : i32
      %mul3A_718 = arith.muli %select_n3A_710, %mul3A_717 : i32
      %mul3A_719 = arith.constant 4096 : i32
      %mul3A_720 = arith.muli %rem3A_712, %mul3A_719 : i32
      %dma_wait3A_721 = tpu.memref_slice %arg4[%select_n3A_684, %mul3A_718, %mul3A_720] : memref<26x64x16384xf32, #tpu.memory_space<hbm>> -> memref<1x8x4096xf32, #tpu.memory_space<hbm>>
      %dma_wait3A_722 = tpu.memref_slice %arg4[%select_n3A_684, %mul3A_718, %mul3A_720] : memref<26x64x16384xf32, #tpu.memory_space<hbm>> -> memref<1x8x4096xf32, #tpu.memory_space<hbm>>
      tpu.wait_dma2 semaphore(%arg10 : memref<!tpu.dma_semaphore, #tpu.memory_space<semaphore_mem>>) src(%arg8 : memref<1x8x4096xf32, #tpu.memory_space<vmem>>) dst(%dma_wait3A_722 : memref<1x8x4096xf32, #tpu.memory_space<hbm>>)
      %mul3A_723 = arith.constant 640 : i32
      %mul3A_724 = arith.muli %select_n3A_684, %mul3A_723 : i32
      %mul3A_725 = arith.constant 64 : i32
      %mul3A_726 = vector.broadcast %mul3A_725 : i32 to vector<16xi32>
      %mul3A_727 = arith.muli %min3A_86, %mul3A_726 : vector<16xi32>
      %add3A_728 = vector.broadcast %mul3A_724 : i32 to vector<16xi32>
      %add3A_729 = arith.addi %add3A_728, %mul3A_727 : vector<16xi32>
      %mul3A_730 = arith.constant 8 : i32
      %mul3A_731 = arith.muli %select_n3A_710, %mul3A_730 : i32
      %add3A_732 = arith.constant 0 : i32
      %add3A_733 = arith.addi %mul3A_731, %add3A_732 : i32
      %add3A_734 = vector.broadcast %add3A_733 : i32 to vector<16xi32>
      %add3A_735 = arith.addi %add3A_729, %add3A_734 : vector<16xi32>
      %gather3A_736 = tpu.vector_load_idx %arg5[%add3A_735] : memref<16640xf32, #tpu.memory_space<vmem>>[vector<16xi32>], vector<16xf32>,
      %mul3A_737 = arith.constant 640 : i32
      %mul3A_738 = arith.muli %select_n3A_684, %mul3A_737 : i32
      %mul3A_739 = arith.constant 64 : i32
      %mul3A_740 = vector.broadcast %mul3A_739 : i32 to vector<16xi32>
      %mul3A_741 = arith.muli %min3A_86, %mul3A_740 : vector<16xi32>
      %add3A_742 = vector.broadcast %mul3A_738 : i32 to vector<16xi32>
      %add3A_743 = arith.addi %add3A_742, %mul3A_741 : vector<16xi32>
      %mul3A_744 = arith.constant 8 : i32
      %mul3A_745 = arith.muli %select_n3A_710, %mul3A_744 : i32
      %add3A_746 = arith.constant 1 : i32
      %add3A_747 = arith.addi %mul3A_745, %add3A_746 : i32
      %add3A_748 = vector.broadcast %add3A_747 : i32 to vector<16xi32>
      %add3A_749 = arith.addi %add3A_743, %add3A_748 : vector<16xi32>
      %gather3A_750 = tpu.vector_load_idx %arg5[%add3A_749] : memref<16640xf32, #tpu.memory_space<vmem>>[vector<16xi32>], vector<16xf32>,
      %mul3A_751 = arith.constant 640 : i32
      %mul3A_752 = arith.muli %select_n3A_684, %mul3A_751 : i32
      %mul3A_753 = arith.constant 64 : i32
      %mul3A_754 = vector.broadcast %mul3A_753 : i32 to vector<16xi32>
      %mul3A_755 = arith.muli %min3A_86, %mul3A_754 : vector<16xi32>
      %add3A_756 = vector.broadcast %mul3A_752 : i32 to vector<16xi32>
      %add3A_757 = arith.addi %add3A_756, %mul3A_755 : vector<16xi32>
      %mul3A_758 = arith.constant 8 : i32
      %mul3A_759 = arith.muli %select_n3A_710, %mul3A_758 : i32
      %add3A_760 = arith.constant 2 : i32
      %add3A_761 = arith.addi %mul3A_759, %add3A_760 : i32
      %add3A_762 = vector.broadcast %add3A_761 : i32 to vector<16xi32>
      %add3A_763 = arith.addi %add3A_757, %add3A_762 : vector<16xi32>
      %gather3A_764 = tpu.vector_load_idx %arg5[%add3A_763] : memref<16640xf32, #tpu.memory_space<vmem>>[vector<16xi32>], vector<16xf32>,
      %mul3A_765 = arith.constant 640 : i32
      %mul3A_766 = arith.muli %select_n3A_684, %mul3A_765 : i32
      %mul3A_767 = arith.constant 64 : i32
      %mul3A_768 = vector.broadcast %mul3A_767 : i32 to vector<16xi32>
      %mul3A_769 = arith.muli %min3A_86, %mul3A_768 : vector<16xi32>
      %add3A_770 = vector.broadcast %mul3A_766 : i32 to vector<16xi32>
      %add3A_771 = arith.addi %add3A_770, %mul3A_769 : vector<16xi32>
      %mul3A_772 = arith.constant 8 : i32
      %mul3A_773 = arith.muli %select_n3A_710, %mul3A_772 : i32
      %add3A_774 = arith.constant 3 : i32
      %add3A_775 = arith.addi %mul3A_773, %add3A_774 : i32
      %add3A_776 = vector.broadcast %add3A_775 : i32 to vector<16xi32>
      %add3A_777 = arith.addi %add3A_771, %add3A_776 : vector<16xi32>
      %gather3A_778 = tpu.vector_load_idx %arg5[%add3A_777] : memref<16640xf32, #tpu.memory_space<vmem>>[vector<16xi32>], vector<16xf32>,
      %mul3A_779 = arith.constant 640 : i32
      %mul3A_780 = arith.muli %select_n3A_684, %mul3A_779 : i32
      %mul3A_781 = arith.constant 64 : i32
      %mul3A_782 = vector.broadcast %mul3A_781 : i32 to vector<16xi32>
      %mul3A_783 = arith.muli %min3A_86, %mul3A_782 : vector<16xi32>
      %add3A_784 = vector.broadcast %mul3A_780 : i32 to vector<16xi32>
      %add3A_785 = arith.addi %add3A_784, %mul3A_783 : vector<16xi32>
      %mul3A_786 = arith.constant 8 : i32
      %mul3A_787 = arith.muli %select_n3A_710, %mul3A_786 : i32
      %add3A_788 = arith.constant 4 : i32
      %add3A_789 = arith.addi %mul3A_787, %add3A_788 : i32
      %add3A_790 = vector.broadcast %add3A_789 : i32 to vector<16xi32>
      %add3A_791 = arith.addi %add3A_785, %add3A_790 : vector<16xi32>
      %gather3A_792 = tpu.vector_load_idx %arg5[%add3A_791] : memref<16640xf32, #tpu.memory_space<vmem>>[vector<16xi32>], vector<16xf32>,
      %mul3A_793 = arith.constant 640 : i32
      %mul3A_794 = arith.muli %select_n3A_684, %mul3A_793 : i32
      %mul3A_795 = arith.constant 64 : i32
      %mul3A_796 = vector.broadcast %mul3A_795 : i32 to vector<16xi32>
      %mul3A_797 = arith.muli %min3A_86, %mul3A_796 : vector<16xi32>
      %add3A_798 = vector.broadcast %mul3A_794 : i32 to vector<16xi32>
      %add3A_799 = arith.addi %add3A_798, %mul3A_797 : vector<16xi32>
      %mul3A_800 = arith.constant 8 : i32
      %mul3A_801 = arith.muli %select_n3A_710, %mul3A_800 : i32
      %add3A_802 = arith.constant 5 : i32
      %add3A_803 = arith.addi %mul3A_801, %add3A_802 : i32
      %add3A_804 = vector.broadcast %add3A_803 : i32 to vector<16xi32>
      %add3A_805 = arith.addi %add3A_799, %add3A_804 : vector<16xi32>
      %gather3A_806 = tpu.vector_load_idx %arg5[%add3A_805] : memref<16640xf32, #tpu.memory_space<vmem>>[vector<16xi32>], vector<16xf32>,
      %mul3A_807 = arith.constant 640 : i32
      %mul3A_808 = arith.muli %select_n3A_684, %mul3A_807 : i32
      %mul3A_809 = arith.constant 64 : i32
      %mul3A_810 = vector.broadcast %mul3A_809 : i32 to vector<16xi32>
      %mul3A_811 = arith.muli %min3A_86, %mul3A_810 : vector<16xi32>
      %add3A_812 = vector.broadcast %mul3A_808 : i32 to vector<16xi32>
      %add3A_813 = arith.addi %add3A_812, %mul3A_811 : vector<16xi32>
      %mul3A_814 = arith.constant 8 : i32
      %mul3A_815 = arith.muli %select_n3A_710, %mul3A_814 : i32
      %add3A_816 = arith.constant 6 : i32
      %add3A_817 = arith.addi %mul3A_815, %add3A_816 : i32
      %add3A_818 = vector.broadcast %add3A_817 : i32 to vector<16xi32>
      %add3A_819 = arith.addi %add3A_813, %add3A_818 : vector<16xi32>
      %gather3A_820 = tpu.vector_load_idx %arg5[%add3A_819] : memref<16640xf32, #tpu.memory_space<vmem>>[vector<16xi32>], vector<16xf32>,
      %mul3A_821 = arith.constant 640 : i32
      %mul3A_822 = arith.muli %select_n3A_684, %mul3A_821 : i32
      %mul3A_823 = arith.constant 64 : i32
      %mul3A_824 = vector.broadcast %mul3A_823 : i32 to vector<16xi32>
      %mul3A_825 = arith.muli %min3A_86, %mul3A_824 : vector<16xi32>
      %add3A_826 = vector.broadcast %mul3A_822 : i32 to vector<16xi32>
      %add3A_827 = arith.addi %add3A_826, %mul3A_825 : vector<16xi32>
      %mul3A_828 = arith.constant 8 : i32
      %mul3A_829 = arith.muli %select_n3A_710, %mul3A_828 : i32
      %add3A_830 = arith.constant 7 : i32
      %add3A_831 = arith.addi %mul3A_829, %add3A_830 : i32
      %add3A_832 = vector.broadcast %add3A_831 : i32 to vector<16xi32>
      %add3A_833 = arith.addi %add3A_827, %add3A_832 : vector<16xi32>
      %gather3A_834 = tpu.vector_load_idx %arg5[%add3A_833] : memref<16640xf32, #tpu.memory_space<vmem>>[vector<16xi32>], vector<16xf32>,
      %scan3A_835 = arith.constant 0 : i32
      %scan3A_836 = arith.constant 32 : i32
      %scan3A_837 = arith.addi %scan3A_835, %scan3A_836 : i32
      %scan3A_838 = arith.constant 1 : i32
      scf.for %scan3A_846 = %scan3A_835 to %scan3A_837 step %scan3A_838  : i32 {
        %mul3A_847 = arith.constant 1 : i32
        %mul3A_848 = arith.muli %scan3A_846, %mul3A_847 : i32
        %add3A_849 = arith.constant 0 : i32
        %add3A_850 = arith.addi %add3A_849, %mul3A_848 : i32
        %mul3A_851 = arith.constant 4096 : i32
        %mul3A_852 = arith.muli %rem3A_712, %mul3A_851 : i32
        %mul3A_853 = arith.constant 128 : i32
        %mul3A_854 = arith.muli %add3A_850, %mul3A_853 : i32
        %add3A_855 = arith.addi %mul3A_852, %mul3A_854 : i32
        %add3A_856 = arith.constant 0 : i32
        %add3A_857 = arith.addi %add3A_855, %add3A_856 : i32
        %get3A = arith.index_cast %select_n3A_716 : i32 to index
        %get3A_858 = arith.index_cast %add3A_857 : i32 to index
        %get3A_859 = tpu.vector_load %arg6[%get3A, %get3A_858] {strides = array<i32>} : memref<2x16384xi32, #tpu.memory_space<vmem>>, vector<16xi32>,
        %add3A_860 = arith.constant 16 : i32
        %add3A_861 = arith.addi %add3A_855, %add3A_860 : i32
        %get3A_862 = arith.index_cast %select_n3A_716 : i32 to index
        %get3A_863 = arith.index_cast %add3A_861 : i32 to index
        %get3A_864 = tpu.vector_load %arg6[%get3A_862, %get3A_863] {strides = array<i32>} : memref<2x16384xi32, #tpu.memory_space<vmem>>, vector<16xi32>,
        %add3A_865 = arith.constant 32 : i32
        %add3A_866 = arith.addi %add3A_855, %add3A_865 : i32
        %get3A_867 = arith.index_cast %select_n3A_716 : i32 to index
        %get3A_868 = arith.index_cast %add3A_866 : i32 to index
        %get3A_869 = tpu.vector_load %arg6[%get3A_867, %get3A_868] {strides = array<i32>} : memref<2x16384xi32, #tpu.memory_space<vmem>>, vector<16xi32>,
        %add3A_870 = arith.constant 48 : i32
        %add3A_871 = arith.addi %add3A_855, %add3A_870 : i32
        %get3A_872 = arith.index_cast %select_n3A_716 : i32 to index
        %get3A_873 = arith.index_cast %add3A_871 : i32 to index
        %get3A_874 = tpu.vector_load %arg6[%get3A_872, %get3A_873] {strides = array<i32>} : memref<2x16384xi32, #tpu.memory_space<vmem>>, vector<16xi32>,
        %add3A_875 = arith.constant 64 : i32
        %add3A_876 = arith.addi %add3A_855, %add3A_875 : i32
        %get3A_877 = arith.index_cast %select_n3A_716 : i32 to index
        %get3A_878 = arith.index_cast %add3A_876 : i32 to index
        %get3A_879 = tpu.vector_load %arg6[%get3A_877, %get3A_878] {strides = array<i32>} : memref<2x16384xi32, #tpu.memory_space<vmem>>, vector<16xi32>,
        %add3A_880 = arith.constant 80 : i32
        %add3A_881 = arith.addi %add3A_855, %add3A_880 : i32
        %get3A_882 = arith.index_cast %select_n3A_716 : i32 to index
        %get3A_883 = arith.index_cast %add3A_881 : i32 to index
        %get3A_884 = tpu.vector_load %arg6[%get3A_882, %get3A_883] {strides = array<i32>} : memref<2x16384xi32, #tpu.memory_space<vmem>>, vector<16xi32>,
        %add3A_885 = arith.constant 96 : i32
        %add3A_886 = arith.addi %add3A_855, %add3A_885 : i32
        %get3A_887 = arith.index_cast %select_n3A_716 : i32 to index
        %get3A_888 = arith.index_cast %add3A_886 : i32 to index
        %get3A_889 = tpu.vector_load %arg6[%get3A_887, %get3A_888] {strides = array<i32>} : memref<2x16384xi32, #tpu.memory_space<vmem>>, vector<16xi32>,
        %add3A_890 = arith.constant 112 : i32
        %add3A_891 = arith.addi %add3A_855, %add3A_890 : i32
        %get3A_892 = arith.index_cast %select_n3A_716 : i32 to index
        %get3A_893 = arith.index_cast %add3A_891 : i32 to index
        %get3A_894 = tpu.vector_load %arg6[%get3A_892, %get3A_893] {strides = array<i32>} : memref<2x16384xi32, #tpu.memory_space<vmem>>, vector<16xi32>,
        %reshape3A = vector.shape_cast %get3A_859 : vector<16xi32> to vector<16x1xi32>
        %gather3A_895 = vector.shape_cast %reshape3A : vector<16x1xi32> to vector<16xi32>
        %gather3A_896 = tpu.dynamic_gather %gather3A_736[%gather3A_895] in [0] : vector<16xf32>, vector<16xi32> -> vector<16xf32>
        %mul3A_897 = arith.constant 128 : i32
        %mul3A_898 = arith.muli %add3A_850, %mul3A_897 : i32
        %add3A_899 = arith.constant 0 : i32
        %add3A_900 = arith.addi %mul3A_898, %add3A_899 : i32
        %swap3A = arith.constant 0 : i32
        %swap3A_901 = arith.constant 0 : i32
        %swap3A_902 = arith.index_cast %swap3A : i32 to index
        %swap3A_903 = arith.index_cast %swap3A_901 : i32 to index
        %swap3A_904 = arith.index_cast %add3A_900 : i32 to index
        %swap3A_905 = tpu.vector_load %arg8[%swap3A_902, %swap3A_903, %swap3A_904] {strides = array<i32>} : memref<1x8x4096xf32, #tpu.memory_space<vmem>>, vector<16xf32>,
        tpu.vector_store %arg8[%swap3A_902, %swap3A_903, %swap3A_904], %gather3A_896 {strides = array<i32>} : memref<1x8x4096xf32, #tpu.memory_space<vmem>>, vector<16xf32>,
        %reshape3A_906 = vector.shape_cast %get3A_864 : vector<16xi32> to vector<16x1xi32>
        %gather3A_907 = vector.shape_cast %reshape3A_906 : vector<16x1xi32> to vector<16xi32>
        %gather3A_908 = tpu.dynamic_gather %gather3A_736[%gather3A_907] in [0] : vector<16xf32>, vector<16xi32> -> vector<16xf32>
        %mul3A_909 = arith.constant 128 : i32
        %mul3A_910 = arith.muli %add3A_850, %mul3A_909 : i32
        %add3A_911 = arith.constant 16 : i32
        %add3A_912 = arith.addi %mul3A_910, %add3A_911 : i32
        %swap3A_913 = arith.constant 0 : i32
        %swap3A_914 = arith.constant 0 : i32
        %swap3A_915 = arith.index_cast %swap3A_913 : i32 to index
        %swap3A_916 = arith.index_cast %swap3A_914 : i32 to index
        %swap3A_917 = arith.index_cast %add3A_912 : i32 to index
        %swap3A_918 = tpu.vector_load %arg8[%swap3A_915, %swap3A_916, %swap3A_917] {strides = array<i32>} : memref<1x8x4096xf32, #tpu.memory_space<vmem>>, vector<16xf32>,
        tpu.vector_store %arg8[%swap3A_915, %swap3A_916, %swap3A_917], %gather3A_908 {strides = array<i32>} : memref<1x8x4096xf32, #tpu.memory_space<vmem>>, vector<16xf32>,
        %reshape3A_919 = vector.shape_cast %get3A_869 : vector<16xi32> to vector<16x1xi32>
        %gather3A_920 = vector.shape_cast %reshape3A_919 : vector<16x1xi32> to vector<16xi32>
        %gather3A_921 = tpu.dynamic_gather %gather3A_736[%gather3A_920] in [0] : vector<16xf32>, vector<16xi32> -> vector<16xf32>
        %mul3A_922 = arith.constant 128 : i32
        %mul3A_923 = arith.muli %add3A_850, %mul3A_922 : i32
        %add3A_924 = arith.constant 32 : i32
        %add3A_925 = arith.addi %mul3A_923, %add3A_924 : i32
        %swap3A_926 = arith.constant 0 : i32
        %swap3A_927 = arith.constant 0 : i32
        %swap3A_928 = arith.index_cast %swap3A_926 : i32 to index
        %swap3A_929 = arith.index_cast %swap3A_927 : i32 to index
        %swap3A_930 = arith.index_cast %add3A_925 : i32 to index
        %swap3A_931 = tpu.vector_load %arg8[%swap3A_928, %swap3A_929, %swap3A_930] {strides = array<i32>} : memref<1x8x4096xf32, #tpu.memory_space<vmem>>, vector<16xf32>,
        tpu.vector_store %arg8[%swap3A_928, %swap3A_929, %swap3A_930], %gather3A_921 {strides = array<i32>} : memref<1x8x4096xf32, #tpu.memory_space<vmem>>, vector<16xf32>,
        %reshape3A_932 = vector.shape_cast %get3A_874 : vector<16xi32> to vector<16x1xi32>
        %gather3A_933 = vector.shape_cast %reshape3A_932 : vector<16x1xi32> to vector<16xi32>
        %gather3A_934 = tpu.dynamic_gather %gather3A_736[%gather3A_933] in [0] : vector<16xf32>, vector<16xi32> -> vector<16xf32>
        %mul3A_935 = arith.constant 128 : i32
        %mul3A_936 = arith.muli %add3A_850, %mul3A_935 : i32
        %add3A_937 = arith.constant 48 : i32
        %add3A_938 = arith.addi %mul3A_936, %add3A_937 : i32
        %swap3A_939 = arith.constant 0 : i32
        %swap3A_940 = arith.constant 0 : i32
        %swap3A_941 = arith.index_cast %swap3A_939 : i32 to index
        %swap3A_942 = arith.index_cast %swap3A_940 : i32 to index
        %swap3A_943 = arith.index_cast %add3A_938 : i32 to index
        %swap3A_944 = tpu.vector_load %arg8[%swap3A_941, %swap3A_942, %swap3A_943] {strides = array<i32>} : memref<1x8x4096xf32, #tpu.memory_space<vmem>>, vector<16xf32>,
        tpu.vector_store %arg8[%swap3A_941, %swap3A_942, %swap3A_943], %gather3A_934 {strides = array<i32>} : memref<1x8x4096xf32, #tpu.memory_space<vmem>>, vector<16xf32>,
        %reshape3A_945 = vector.shape_cast %get3A_879 : vector<16xi32> to vector<16x1xi32>
        %gather3A_946 = vector.shape_cast %reshape3A_945 : vector<16x1xi32> to vector<16xi32>
        %gather3A_947 = tpu.dynamic_gather %gather3A_736[%gather3A_946] in [0] : vector<16xf32>, vector<16xi32> -> vector<16xf32>
        %mul3A_948 = arith.constant 128 : i32
        %mul3A_949 = arith.muli %add3A_850, %mul3A_948 : i32
        %add3A_950 = arith.constant 64 : i32
        %add3A_951 = arith.addi %mul3A_949, %add3A_950 : i32
        %swap3A_952 = arith.constant 0 : i32
        %swap3A_953 = arith.constant 0 : i32
        %swap3A_954 = arith.index_cast %swap3A_952 : i32 to index
        %swap3A_955 = arith.index_cast %swap3A_953 : i32 to index
        %swap3A_956 = arith.index_cast %add3A_951 : i32 to index
        %swap3A_957 = tpu.vector_load %arg8[%swap3A_954, %swap3A_955, %swap3A_956] {strides = array<i32>} : memref<1x8x4096xf32, #tpu.memory_space<vmem>>, vector<16xf32>,
        tpu.vector_store %arg8[%swap3A_954, %swap3A_955, %swap3A_956], %gather3A_947 {strides = array<i32>} : memref<1x8x4096xf32, #tpu.memory_space<vmem>>, vector<16xf32>,
        %reshape3A_958 = vector.shape_cast %get3A_884 : vector<16xi32> to vector<16x1xi32>
        %gather3A_959 = vector.shape_cast %reshape3A_958 : vector<16x1xi32> to vector<16xi32>
        %gather3A_960 = tpu.dynamic_gather %gather3A_736[%gather3A_959] in [0] : vector<16xf32>, vector<16xi32> -> vector<16xf32>
        %mul3A_961 = arith.constant 128 : i32
        %mul3A_962 = arith.muli %add3A_850, %mul3A_961 : i32
        %add3A_963 = arith.constant 80 : i32
        %add3A_964 = arith.addi %mul3A_962, %add3A_963 : i32
        %swap3A_965 = arith.constant 0 : i32
        %swap3A_966 = arith.constant 0 : i32
        %swap3A_967 = arith.index_cast %swap3A_965 : i32 to index
        %swap3A_968 = arith.index_cast %swap3A_966 : i32 to index
        %swap3A_969 = arith.index_cast %add3A_964 : i32 to index
        %swap3A_970 = tpu.vector_load %arg8[%swap3A_967, %swap3A_968, %swap3A_969] {strides = array<i32>} : memref<1x8x4096xf32, #tpu.memory_space<vmem>>, vector<16xf32>,
        tpu.vector_store %arg8[%swap3A_967, %swap3A_968, %swap3A_969], %gather3A_960 {strides = array<i32>} : memref<1x8x4096xf32, #tpu.memory_space<vmem>>, vector<16xf32>,
        %reshape3A_971 = vector.shape_cast %get3A_889 : vector<16xi32> to vector<16x1xi32>
        %gather3A_972 = vector.shape_cast %reshape3A_971 : vector<16x1xi32> to vector<16xi32>
        %gather3A_973 = tpu.dynamic_gather %gather3A_736[%gather3A_972] in [0] : vector<16xf32>, vector<16xi32> -> vector<16xf32>
        %mul3A_974 = arith.constant 128 : i32
        %mul3A_975 = arith.muli %add3A_850, %mul3A_974 : i32
        %add3A_976 = arith.constant 96 : i32
        %add3A_977 = arith.addi %mul3A_975, %add3A_976 : i32
        %swap3A_978 = arith.constant 0 : i32
        %swap3A_979 = arith.constant 0 : i32
        %swap3A_980 = arith.index_cast %swap3A_978 : i32 to index
        %swap3A_981 = arith.index_cast %swap3A_979 : i32 to index
        %swap3A_982 = arith.index_cast %add3A_977 : i32 to index
        %swap3A_983 = tpu.vector_load %arg8[%swap3A_980, %swap3A_981, %swap3A_982] {strides = array<i32>} : memref<1x8x4096xf32, #tpu.memory_space<vmem>>, vector<16xf32>,
        tpu.vector_store %arg8[%swap3A_980, %swap3A_981, %swap3A_982], %gather3A_973 {strides = array<i32>} : memref<1x8x4096xf32, #tpu.memory_space<vmem>>, vector<16xf32>,
        %reshape3A_984 = vector.shape_cast %get3A_894 : vector<16xi32> to vector<16x1xi32>
        %gather3A_985 = vector.shape_cast %reshape3A_984 : vector<16x1xi32> to vector<16xi32>
        %gather3A_986 = tpu.dynamic_gather %gather3A_736[%gather3A_985] in [0] : vector<16xf32>, vector<16xi32> -> vector<16xf32>
        %mul3A_987 = arith.constant 128 : i32
        %mul3A_988 = arith.muli %add3A_850, %mul3A_987 : i32
        %add3A_989 = arith.constant 112 : i32
        %add3A_990 = arith.addi %mul3A_988, %add3A_989 : i32
        %swap3A_991 = arith.constant 0 : i32
        %swap3A_992 = arith.constant 0 : i32
        %swap3A_993 = arith.index_cast %swap3A_991 : i32 to index
        %swap3A_994 = arith.index_cast %swap3A_992 : i32 to index
        %swap3A_995 = arith.index_cast %add3A_990 : i32 to index
        %swap3A_996 = tpu.vector_load %arg8[%swap3A_993, %swap3A_994, %swap3A_995] {strides = array<i32>} : memref<1x8x4096xf32, #tpu.memory_space<vmem>>, vector<16xf32>,
        tpu.vector_store %arg8[%swap3A_993, %swap3A_994, %swap3A_995], %gather3A_986 {strides = array<i32>} : memref<1x8x4096xf32, #tpu.memory_space<vmem>>, vector<16xf32>,
        %reshape3A_997 = vector.shape_cast %get3A_859 : vector<16xi32> to vector<16x1xi32>
        %gather3A_998 = vector.shape_cast %reshape3A_997 : vector<16x1xi32> to vector<16xi32>
        %gather3A_999 = tpu.dynamic_gather %gather3A_750[%gather3A_998] in [0] : vector<16xf32>, vector<16xi32> -> vector<16xf32>
        %mul3A_1000 = arith.constant 128 : i32
        %mul3A_1001 = arith.muli %add3A_850, %mul3A_1000 : i32
        %add3A_1002 = arith.constant 0 : i32
        %add3A_1003 = arith.addi %mul3A_1001, %add3A_1002 : i32
        %swap3A_1004 = arith.constant 0 : i32
        %swap3A_1005 = arith.constant 1 : i32
        %swap3A_1006 = arith.index_cast %swap3A_1004 : i32 to index
        %swap3A_1007 = arith.index_cast %swap3A_1005 : i32 to index
        %swap3A_1008 = arith.index_cast %add3A_1003 : i32 to index
        %swap3A_1009 = tpu.vector_load %arg8[%swap3A_1006, %swap3A_1007, %swap3A_1008] {strides = array<i32>} : memref<1x8x4096xf32, #tpu.memory_space<vmem>>, vector<16xf32>,
        tpu.vector_store %arg8[%swap3A_1006, %swap3A_1007, %swap3A_1008], %gather3A_999 {strides = array<i32>} : memref<1x8x4096xf32, #tpu.memory_space<vmem>>, vector<16xf32>,
        %reshape3A_1010 = vector.shape_cast %get3A_864 : vector<16xi32> to vector<16x1xi32>
        %gather3A_1011 = vector.shape_cast %reshape3A_1010 : vector<16x1xi32> to vector<16xi32>
        %gather3A_1012 = tpu.dynamic_gather %gather3A_750[%gather3A_1011] in [0] : vector<16xf32>, vector<16xi32> -> vector<16xf32>
        %mul3A_1013 = arith.constant 128 : i32
        %mul3A_1014 = arith.muli %add3A_850, %mul3A_1013 : i32
        %add3A_1015 = arith.constant 16 : i32
        %add3A_1016 = arith.addi %mul3A_1014, %add3A_1015 : i32
        %swap3A_1017 = arith.constant 0 : i32
        %swap3A_1018 = arith.constant 1 : i32
        %swap3A_1019 = arith.index_cast %swap3A_1017 : i32 to index
        %swap3A_1020 = arith.index_cast %swap3A_1018 : i32 to index
        %swap3A_1021 = arith.index_cast %add3A_1016 : i32 to index
        %swap3A_1022 = tpu.vector_load %arg8[%swap3A_1019, %swap3A_1020, %swap3A_1021] {strides = array<i32>} : memref<1x8x4096xf32, #tpu.memory_space<vmem>>, vector<16xf32>,
        tpu.vector_store %arg8[%swap3A_1019, %swap3A_1020, %swap3A_1021], %gather3A_1012 {strides = array<i32>} : memref<1x8x4096xf32, #tpu.memory_space<vmem>>, vector<16xf32>,
        %reshape3A_1023 = vector.shape_cast %get3A_869 : vector<16xi32> to vector<16x1xi32>
        %gather3A_1024 = vector.shape_cast %reshape3A_1023 : vector<16x1xi32> to vector<16xi32>
        %gather3A_1025 = tpu.dynamic_gather %gather3A_750[%gather3A_1024] in [0] : vector<16xf32>, vector<16xi32> -> vector<16xf32>
        %mul3A_1026 = arith.constant 128 : i32
        %mul3A_1027 = arith.muli %add3A_850, %mul3A_1026 : i32
        %add3A_1028 = arith.constant 32 : i32
        %add3A_1029 = arith.addi %mul3A_1027, %add3A_1028 : i32
        %swap3A_1030 = arith.constant 0 : i32
        %swap3A_1031 = arith.constant 1 : i32
        %swap3A_1032 = arith.index_cast %swap3A_1030 : i32 to index
        %swap3A_1033 = arith.index_cast %swap3A_1031 : i32 to index
        %swap3A_1034 = arith.index_cast %add3A_1029 : i32 to index
        %swap3A_1035 = tpu.vector_load %arg8[%swap3A_1032, %swap3A_1033, %swap3A_1034] {strides = array<i32>} : memref<1x8x4096xf32, #tpu.memory_space<vmem>>, vector<16xf32>,
        tpu.vector_store %arg8[%swap3A_1032, %swap3A_1033, %swap3A_1034], %gather3A_1025 {strides = array<i32>} : memref<1x8x4096xf32, #tpu.memory_space<vmem>>, vector<16xf32>,
        %reshape3A_1036 = vector.shape_cast %get3A_874 : vector<16xi32> to vector<16x1xi32>
        %gather3A_1037 = vector.shape_cast %reshape3A_1036 : vector<16x1xi32> to vector<16xi32>
        %gather3A_1038 = tpu.dynamic_gather %gather3A_750[%gather3A_1037] in [0] : vector<16xf32>, vector<16xi32> -> vector<16xf32>
        %mul3A_1039 = arith.constant 128 : i32
        %mul3A_1040 = arith.muli %add3A_850, %mul3A_1039 : i32
        %add3A_1041 = arith.constant 48 : i32
        %add3A_1042 = arith.addi %mul3A_1040, %add3A_1041 : i32
        %swap3A_1043 = arith.constant 0 : i32
        %swap3A_1044 = arith.constant 1 : i32
        %swap3A_1045 = arith.index_cast %swap3A_1043 : i32 to index
        %swap3A_1046 = arith.index_cast %swap3A_1044 : i32 to index
        %swap3A_1047 = arith.index_cast %add3A_1042 : i32 to index
        %swap3A_1048 = tpu.vector_load %arg8[%swap3A_1045, %swap3A_1046, %swap3A_1047] {strides = array<i32>} : memref<1x8x4096xf32, #tpu.memory_space<vmem>>, vector<16xf32>,
        tpu.vector_store %arg8[%swap3A_1045, %swap3A_1046, %swap3A_1047], %gather3A_1038 {strides = array<i32>} : memref<1x8x4096xf32, #tpu.memory_space<vmem>>, vector<16xf32>,
        %reshape3A_1049 = vector.shape_cast %get3A_879 : vector<16xi32> to vector<16x1xi32>
        %gather3A_1050 = vector.shape_cast %reshape3A_1049 : vector<16x1xi32> to vector<16xi32>
        %gather3A_1051 = tpu.dynamic_gather %gather3A_750[%gather3A_1050] in [0] : vector<16xf32>, vector<16xi32> -> vector<16xf32>
        %mul3A_1052 = arith.constant 128 : i32
        %mul3A_1053 = arith.muli %add3A_850, %mul3A_1052 : i32
        %add3A_1054 = arith.constant 64 : i32
        %add3A_1055 = arith.addi %mul3A_1053, %add3A_1054 : i32
        %swap3A_1056 = arith.constant 0 : i32
        %swap3A_1057 = arith.constant 1 : i32
        %swap3A_1058 = arith.index_cast %swap3A_1056 : i32 to index
        %swap3A_1059 = arith.index_cast %swap3A_1057 : i32 to index
        %swap3A_1060 = arith.index_cast %add3A_1055 : i32 to index
        %swap3A_1061 = tpu.vector_load %arg8[%swap3A_1058, %swap3A_1059, %swap3A_1060] {strides = array<i32>} : memref<1x8x4096xf32, #tpu.memory_space<vmem>>, vector<16xf32>,
        tpu.vector_store %arg8[%swap3A_1058, %swap3A_1059, %swap3A_1060], %gather3A_1051 {strides = array<i32>} : memref<1x8x4096xf32, #tpu.memory_space<vmem>>, vector<16xf32>,
        %reshape3A_1062 = vector.shape_cast %get3A_884 : vector<16xi32> to vector<16x1xi32>
        %gather3A_1063 = vector.shape_cast %reshape3A_1062 : vector<16x1xi32> to vector<16xi32>
        %gather3A_1064 = tpu.dynamic_gather %gather3A_750[%gather3A_1063] in [0] : vector<16xf32>, vector<16xi32> -> vector<16xf32>
        %mul3A_1065 = arith.constant 128 : i32
        %mul3A_1066 = arith.muli %add3A_850, %mul3A_1065 : i32
        %add3A_1067 = arith.constant 80 : i32
        %add3A_1068 = arith.addi %mul3A_1066, %add3A_1067 : i32
        %swap3A_1069 = arith.constant 0 : i32
        %swap3A_1070 = arith.constant 1 : i32
        %swap3A_1071 = arith.index_cast %swap3A_1069 : i32 to index
        %swap3A_1072 = arith.index_cast %swap3A_1070 : i32 to index
        %swap3A_1073 = arith.index_cast %add3A_1068 : i32 to index
        %swap3A_1074 = tpu.vector_load %arg8[%swap3A_1071, %swap3A_1072, %swap3A_1073] {strides = array<i32>} : memref<1x8x4096xf32, #tpu.memory_space<vmem>>, vector<16xf32>,
        tpu.vector_store %arg8[%swap3A_1071, %swap3A_1072, %swap3A_1073], %gather3A_1064 {strides = array<i32>} : memref<1x8x4096xf32, #tpu.memory_space<vmem>>, vector<16xf32>,
        %reshape3A_1075 = vector.shape_cast %get3A_889 : vector<16xi32> to vector<16x1xi32>
        %gather3A_1076 = vector.shape_cast %reshape3A_1075 : vector<16x1xi32> to vector<16xi32>
        %gather3A_1077 = tpu.dynamic_gather %gather3A_750[%gather3A_1076] in [0] : vector<16xf32>, vector<16xi32> -> vector<16xf32>
        %mul3A_1078 = arith.constant 128 : i32
        %mul3A_1079 = arith.muli %add3A_850, %mul3A_1078 : i32
        %add3A_1080 = arith.constant 96 : i32
        %add3A_1081 = arith.addi %mul3A_1079, %add3A_1080 : i32
        %swap3A_1082 = arith.constant 0 : i32
        %swap3A_1083 = arith.constant 1 : i32
        %swap3A_1084 = arith.index_cast %swap3A_1082 : i32 to index
        %swap3A_1085 = arith.index_cast %swap3A_1083 : i32 to index
        %swap3A_1086 = arith.index_cast %add3A_1081 : i32 to index
        %swap3A_1087 = tpu.vector_load %arg8[%swap3A_1084, %swap3A_1085, %swap3A_1086] {strides = array<i32>} : memref<1x8x4096xf32, #tpu.memory_space<vmem>>, vector<16xf32>,
        tpu.vector_store %arg8[%swap3A_1084, %swap3A_1085, %swap3A_1086], %gather3A_1077 {strides = array<i32>} : memref<1x8x4096xf32, #tpu.memory_space<vmem>>, vector<16xf32>,
        %reshape3A_1088 = vector.shape_cast %get3A_894 : vector<16xi32> to vector<16x1xi32>
        %gather3A_1089 = vector.shape_cast %reshape3A_1088 : vector<16x1xi32> to vector<16xi32>
        %gather3A_1090 = tpu.dynamic_gather %gather3A_750[%gather3A_1089] in [0] : vector<16xf32>, vector<16xi32> -> vector<16xf32>
        %mul3A_1091 = arith.constant 128 : i32
        %mul3A_1092 = arith.muli %add3A_850, %mul3A_1091 : i32
        %add3A_1093 = arith.constant 112 : i32
        %add3A_1094 = arith.addi %mul3A_1092, %add3A_1093 : i32
        %swap3A_1095 = arith.constant 0 : i32
        %swap3A_1096 = arith.constant 1 : i32
        %swap3A_1097 = arith.index_cast %swap3A_1095 : i32 to index
        %swap3A_1098 = arith.index_cast %swap3A_1096 : i32 to index
        %swap3A_1099 = arith.index_cast %add3A_1094 : i32 to index
        %swap3A_1100 = tpu.vector_load %arg8[%swap3A_1097, %swap3A_1098, %swap3A_1099] {strides = array<i32>} : memref<1x8x4096xf32, #tpu.memory_space<vmem>>, vector<16xf32>,
        tpu.vector_store %arg8[%swap3A_1097, %swap3A_1098, %swap3A_1099], %gather3A_1090 {strides = array<i32>} : memref<1x8x4096xf32, #tpu.memory_space<vmem>>, vector<16xf32>,
        %reshape3A_1101 = vector.shape_cast %get3A_859 : vector<16xi32> to vector<16x1xi32>
        %gather3A_1102 = vector.shape_cast %reshape3A_1101 : vector<16x1xi32> to vector<16xi32>
        %gather3A_1103 = tpu.dynamic_gather %gather3A_764[%gather3A_1102] in [0] : vector<16xf32>, vector<16xi32> -> vector<16xf32>
        %mul3A_1104 = arith.constant 128 : i32
        %mul3A_1105 = arith.muli %add3A_850, %mul3A_1104 : i32
        %add3A_1106 = arith.constant 0 : i32
        %add3A_1107 = arith.addi %mul3A_1105, %add3A_1106 : i32
        %swap3A_1108 = arith.constant 0 : i32
        %swap3A_1109 = arith.constant 2 : i32
        %swap3A_1110 = arith.index_cast %swap3A_1108 : i32 to index
        %swap3A_1111 = arith.index_cast %swap3A_1109 : i32 to index
        %swap3A_1112 = arith.index_cast %add3A_1107 : i32 to index
        %swap3A_1113 = tpu.vector_load %arg8[%swap3A_1110, %swap3A_1111, %swap3A_1112] {strides = array<i32>} : memref<1x8x4096xf32, #tpu.memory_space<vmem>>, vector<16xf32>,
        tpu.vector_store %arg8[%swap3A_1110, %swap3A_1111, %swap3A_1112], %gather3A_1103 {strides = array<i32>} : memref<1x8x4096xf32, #tpu.memory_space<vmem>>, vector<16xf32>,
        %reshape3A_1114 = vector.shape_cast %get3A_864 : vector<16xi32> to vector<16x1xi32>
        %gather3A_1115 = vector.shape_cast %reshape3A_1114 : vector<16x1xi32> to vector<16xi32>
        %gather3A_1116 = tpu.dynamic_gather %gather3A_764[%gather3A_1115] in [0] : vector<16xf32>, vector<16xi32> -> vector<16xf32>
        %mul3A_1117 = arith.constant 128 : i32
        %mul3A_1118 = arith.muli %add3A_850, %mul3A_1117 : i32
        %add3A_1119 = arith.constant 16 : i32
        %add3A_1120 = arith.addi %mul3A_1118, %add3A_1119 : i32
        %swap3A_1121 = arith.constant 0 : i32
        %swap3A_1122 = arith.constant 2 : i32
        %swap3A_1123 = arith.index_cast %swap3A_1121 : i32 to index
        %swap3A_1124 = arith.index_cast %swap3A_1122 : i32 to index
        %swap3A_1125 = arith.index_cast %add3A_1120 : i32 to index
        %swap3A_1126 = tpu.vector_load %arg8[%swap3A_1123, %swap3A_1124, %swap3A_1125] {strides = array<i32>} : memref<1x8x4096xf32, #tpu.memory_space<vmem>>, vector<16xf32>,
        tpu.vector_store %arg8[%swap3A_1123, %swap3A_1124, %swap3A_1125], %gather3A_1116 {strides = array<i32>} : memref<1x8x4096xf32, #tpu.memory_space<vmem>>, vector<16xf32>,
        %reshape3A_1127 = vector.shape_cast %get3A_869 : vector<16xi32> to vector<16x1xi32>
        %gather3A_1128 = vector.shape_cast %reshape3A_1127 : vector<16x1xi32> to vector<16xi32>
        %gather3A_1129 = tpu.dynamic_gather %gather3A_764[%gather3A_1128] in [0] : vector<16xf32>, vector<16xi32> -> vector<16xf32>
        %mul3A_1130 = arith.constant 128 : i32
        %mul3A_1131 = arith.muli %add3A_850, %mul3A_1130 : i32
        %add3A_1132 = arith.constant 32 : i32
        %add3A_1133 = arith.addi %mul3A_1131, %add3A_1132 : i32
        %swap3A_1134 = arith.constant 0 : i32
        %swap3A_1135 = arith.constant 2 : i32
        %swap3A_1136 = arith.index_cast %swap3A_1134 : i32 to index
        %swap3A_1137 = arith.index_cast %swap3A_1135 : i32 to index
        %swap3A_1138 = arith.index_cast %add3A_1133 : i32 to index
        %swap3A_1139 = tpu.vector_load %arg8[%swap3A_1136, %swap3A_1137, %swap3A_1138] {strides = array<i32>} : memref<1x8x4096xf32, #tpu.memory_space<vmem>>, vector<16xf32>,
        tpu.vector_store %arg8[%swap3A_1136, %swap3A_1137, %swap3A_1138], %gather3A_1129 {strides = array<i32>} : memref<1x8x4096xf32, #tpu.memory_space<vmem>>, vector<16xf32>,
        %reshape3A_1140 = vector.shape_cast %get3A_874 : vector<16xi32> to vector<16x1xi32>
        %gather3A_1141 = vector.shape_cast %reshape3A_1140 : vector<16x1xi32> to vector<16xi32>
        %gather3A_1142 = tpu.dynamic_gather %gather3A_764[%gather3A_1141] in [0] : vector<16xf32>, vector<16xi32> -> vector<16xf32>
        %mul3A_1143 = arith.constant 128 : i32
        %mul3A_1144 = arith.muli %add3A_850, %mul3A_1143 : i32
        %add3A_1145 = arith.constant 48 : i32
        %add3A_1146 = arith.addi %mul3A_1144, %add3A_1145 : i32
        %swap3A_1147 = arith.constant 0 : i32
        %swap3A_1148 = arith.constant 2 : i32
        %swap3A_1149 = arith.index_cast %swap3A_1147 : i32 to index
        %swap3A_1150 = arith.index_cast %swap3A_1148 : i32 to index
        %swap3A_1151 = arith.index_cast %add3A_1146 : i32 to index
        %swap3A_1152 = tpu.vector_load %arg8[%swap3A_1149, %swap3A_1150, %swap3A_1151] {strides = array<i32>} : memref<1x8x4096xf32, #tpu.memory_space<vmem>>, vector<16xf32>,
        tpu.vector_store %arg8[%swap3A_1149, %swap3A_1150, %swap3A_1151], %gather3A_1142 {strides = array<i32>} : memref<1x8x4096xf32, #tpu.memory_space<vmem>>, vector<16xf32>,
        %reshape3A_1153 = vector.shape_cast %get3A_879 : vector<16xi32> to vector<16x1xi32>
        %gather3A_1154 = vector.shape_cast %reshape3A_1153 : vector<16x1xi32> to vector<16xi32>
        %gather3A_1155 = tpu.dynamic_gather %gather3A_764[%gather3A_1154] in [0] : vector<16xf32>, vector<16xi32> -> vector<16xf32>
        %mul3A_1156 = arith.constant 128 : i32
        %mul3A_1157 = arith.muli %add3A_850, %mul3A_1156 : i32
        %add3A_1158 = arith.constant 64 : i32
        %add3A_1159 = arith.addi %mul3A_1157, %add3A_1158 : i32
        %swap3A_1160 = arith.constant 0 : i32
        %swap3A_1161 = arith.constant 2 : i32
        %swap3A_1162 = arith.index_cast %swap3A_1160 : i32 to index
        %swap3A_1163 = arith.index_cast %swap3A_1161 : i32 to index
        %swap3A_1164 = arith.index_cast %add3A_1159 : i32 to index
        %swap3A_1165 = tpu.vector_load %arg8[%swap3A_1162, %swap3A_1163, %swap3A_1164] {strides = array<i32>} : memref<1x8x4096xf32, #tpu.memory_space<vmem>>, vector<16xf32>,
        tpu.vector_store %arg8[%swap3A_1162, %swap3A_1163, %swap3A_1164], %gather3A_1155 {strides = array<i32>} : memref<1x8x4096xf32, #tpu.memory_space<vmem>>, vector<16xf32>,
        %reshape3A_1166 = vector.shape_cast %get3A_884 : vector<16xi32> to vector<16x1xi32>
        %gather3A_1167 = vector.shape_cast %reshape3A_1166 : vector<16x1xi32> to vector<16xi32>
        %gather3A_1168 = tpu.dynamic_gather %gather3A_764[%gather3A_1167] in [0] : vector<16xf32>, vector<16xi32> -> vector<16xf32>
        %mul3A_1169 = arith.constant 128 : i32
        %mul3A_1170 = arith.muli %add3A_850, %mul3A_1169 : i32
        %add3A_1171 = arith.constant 80 : i32
        %add3A_1172 = arith.addi %mul3A_1170, %add3A_1171 : i32
        %swap3A_1173 = arith.constant 0 : i32
        %swap3A_1174 = arith.constant 2 : i32
        %swap3A_1175 = arith.index_cast %swap3A_1173 : i32 to index
        %swap3A_1176 = arith.index_cast %swap3A_1174 : i32 to index
        %swap3A_1177 = arith.index_cast %add3A_1172 : i32 to index
        %swap3A_1178 = tpu.vector_load %arg8[%swap3A_1175, %swap3A_1176, %swap3A_1177] {strides = array<i32>} : memref<1x8x4096xf32, #tpu.memory_space<vmem>>, vector<16xf32>,
        tpu.vector_store %arg8[%swap3A_1175, %swap3A_1176, %swap3A_1177], %gather3A_1168 {strides = array<i32>} : memref<1x8x4096xf32, #tpu.memory_space<vmem>>, vector<16xf32>,
        %reshape3A_1179 = vector.shape_cast %get3A_889 : vector<16xi32> to vector<16x1xi32>
        %gather3A_1180 = vector.shape_cast %reshape3A_1179 : vector<16x1xi32> to vector<16xi32>
        %gather3A_1181 = tpu.dynamic_gather %gather3A_764[%gather3A_1180] in [0] : vector<16xf32>, vector<16xi32> -> vector<16xf32>
        %mul3A_1182 = arith.constant 128 : i32
        %mul3A_1183 = arith.muli %add3A_850, %mul3A_1182 : i32
        %add3A_1184 = arith.constant 96 : i32
        %add3A_1185 = arith.addi %mul3A_1183, %add3A_1184 : i32
        %swap3A_1186 = arith.constant 0 : i32
        %swap3A_1187 = arith.constant 2 : i32
        %swap3A_1188 = arith.index_cast %swap3A_1186 : i32 to index
        %swap3A_1189 = arith.index_cast %swap3A_1187 : i32 to index
        %swap3A_1190 = arith.index_cast %add3A_1185 : i32 to index
        %swap3A_1191 = tpu.vector_load %arg8[%swap3A_1188, %swap3A_1189, %swap3A_1190] {strides = array<i32>} : memref<1x8x4096xf32, #tpu.memory_space<vmem>>, vector<16xf32>,
        tpu.vector_store %arg8[%swap3A_1188, %swap3A_1189, %swap3A_1190], %gather3A_1181 {strides = array<i32>} : memref<1x8x4096xf32, #tpu.memory_space<vmem>>, vector<16xf32>,
        %reshape3A_1192 = vector.shape_cast %get3A_894 : vector<16xi32> to vector<16x1xi32>
        %gather3A_1193 = vector.shape_cast %reshape3A_1192 : vector<16x1xi32> to vector<16xi32>
        %gather3A_1194 = tpu.dynamic_gather %gather3A_764[%gather3A_1193] in [0] : vector<16xf32>, vector<16xi32> -> vector<16xf32>
        %mul3A_1195 = arith.constant 128 : i32
        %mul3A_1196 = arith.muli %add3A_850, %mul3A_1195 : i32
        %add3A_1197 = arith.constant 112 : i32
        %add3A_1198 = arith.addi %mul3A_1196, %add3A_1197 : i32
        %swap3A_1199 = arith.constant 0 : i32
        %swap3A_1200 = arith.constant 2 : i32
        %swap3A_1201 = arith.index_cast %swap3A_1199 : i32 to index
        %swap3A_1202 = arith.index_cast %swap3A_1200 : i32 to index
        %swap3A_1203 = arith.index_cast %add3A_1198 : i32 to index
        %swap3A_1204 = tpu.vector_load %arg8[%swap3A_1201, %swap3A_1202, %swap3A_1203] {strides = array<i32>} : memref<1x8x4096xf32, #tpu.memory_space<vmem>>, vector<16xf32>,
        tpu.vector_store %arg8[%swap3A_1201, %swap3A_1202, %swap3A_1203], %gather3A_1194 {strides = array<i32>} : memref<1x8x4096xf32, #tpu.memory_space<vmem>>, vector<16xf32>,
        %reshape3A_1205 = vector.shape_cast %get3A_859 : vector<16xi32> to vector<16x1xi32>
        %gather3A_1206 = vector.shape_cast %reshape3A_1205 : vector<16x1xi32> to vector<16xi32>
        %gather3A_1207 = tpu.dynamic_gather %gather3A_778[%gather3A_1206] in [0] : vector<16xf32>, vector<16xi32> -> vector<16xf32>
        %mul3A_1208 = arith.constant 128 : i32
        %mul3A_1209 = arith.muli %add3A_850, %mul3A_1208 : i32
        %add3A_1210 = arith.constant 0 : i32
        %add3A_1211 = arith.addi %mul3A_1209, %add3A_1210 : i32
        %swap3A_1212 = arith.constant 0 : i32
        %swap3A_1213 = arith.constant 3 : i32
        %swap3A_1214 = arith.index_cast %swap3A_1212 : i32 to index
        %swap3A_1215 = arith.index_cast %swap3A_1213 : i32 to index
        %swap3A_1216 = arith.index_cast %add3A_1211 : i32 to index
        %swap3A_1217 = tpu.vector_load %arg8[%swap3A_1214, %swap3A_1215, %swap3A_1216] {strides = array<i32>} : memref<1x8x4096xf32, #tpu.memory_space<vmem>>, vector<16xf32>,
        tpu.vector_store %arg8[%swap3A_1214, %swap3A_1215, %swap3A_1216], %gather3A_1207 {strides = array<i32>} : memref<1x8x4096xf32, #tpu.memory_space<vmem>>, vector<16xf32>,
        %reshape3A_1218 = vector.shape_cast %get3A_864 : vector<16xi32> to vector<16x1xi32>
        %gather3A_1219 = vector.shape_cast %reshape3A_1218 : vector<16x1xi32> to vector<16xi32>
        %gather3A_1220 = tpu.dynamic_gather %gather3A_778[%gather3A_1219] in [0] : vector<16xf32>, vector<16xi32> -> vector<16xf32>
        %mul3A_1221 = arith.constant 128 : i32
        %mul3A_1222 = arith.muli %add3A_850, %mul3A_1221 : i32
        %add3A_1223 = arith.constant 16 : i32
        %add3A_1224 = arith.addi %mul3A_1222, %add3A_1223 : i32
        %swap3A_1225 = arith.constant 0 : i32
        %swap3A_1226 = arith.constant 3 : i32
        %swap3A_1227 = arith.index_cast %swap3A_1225 : i32 to index
        %swap3A_1228 = arith.index_cast %swap3A_1226 : i32 to index
        %swap3A_1229 = arith.index_cast %add3A_1224 : i32 to index
        %swap3A_1230 = tpu.vector_load %arg8[%swap3A_1227, %swap3A_1228, %swap3A_1229] {strides = array<i32>} : memref<1x8x4096xf32, #tpu.memory_space<vmem>>, vector<16xf32>,
        tpu.vector_store %arg8[%swap3A_1227, %swap3A_1228, %swap3A_1229], %gather3A_1220 {strides = array<i32>} : memref<1x8x4096xf32, #tpu.memory_space<vmem>>, vector<16xf32>,
        %reshape3A_1231 = vector.shape_cast %get3A_869 : vector<16xi32> to vector<16x1xi32>
        %gather3A_1232 = vector.shape_cast %reshape3A_1231 : vector<16x1xi32> to vector<16xi32>
        %gather3A_1233 = tpu.dynamic_gather %gather3A_778[%gather3A_1232] in [0] : vector<16xf32>, vector<16xi32> -> vector<16xf32>
        %mul3A_1234 = arith.constant 128 : i32
        %mul3A_1235 = arith.muli %add3A_850, %mul3A_1234 : i32
        %add3A_1236 = arith.constant 32 : i32
        %add3A_1237 = arith.addi %mul3A_1235, %add3A_1236 : i32
        %swap3A_1238 = arith.constant 0 : i32
        %swap3A_1239 = arith.constant 3 : i32
        %swap3A_1240 = arith.index_cast %swap3A_1238 : i32 to index
        %swap3A_1241 = arith.index_cast %swap3A_1239 : i32 to index
        %swap3A_1242 = arith.index_cast %add3A_1237 : i32 to index
        %swap3A_1243 = tpu.vector_load %arg8[%swap3A_1240, %swap3A_1241, %swap3A_1242] {strides = array<i32>} : memref<1x8x4096xf32, #tpu.memory_space<vmem>>, vector<16xf32>,
        tpu.vector_store %arg8[%swap3A_1240, %swap3A_1241, %swap3A_1242], %gather3A_1233 {strides = array<i32>} : memref<1x8x4096xf32, #tpu.memory_space<vmem>>, vector<16xf32>,
        %reshape3A_1244 = vector.shape_cast %get3A_874 : vector<16xi32> to vector<16x1xi32>
        %gather3A_1245 = vector.shape_cast %reshape3A_1244 : vector<16x1xi32> to vector<16xi32>
        %gather3A_1246 = tpu.dynamic_gather %gather3A_778[%gather3A_1245] in [0] : vector<16xf32>, vector<16xi32> -> vector<16xf32>
        %mul3A_1247 = arith.constant 128 : i32
        %mul3A_1248 = arith.muli %add3A_850, %mul3A_1247 : i32
        %add3A_1249 = arith.constant 48 : i32
        %add3A_1250 = arith.addi %mul3A_1248, %add3A_1249 : i32
        %swap3A_1251 = arith.constant 0 : i32
        %swap3A_1252 = arith.constant 3 : i32
        %swap3A_1253 = arith.index_cast %swap3A_1251 : i32 to index
        %swap3A_1254 = arith.index_cast %swap3A_1252 : i32 to index
        %swap3A_1255 = arith.index_cast %add3A_1250 : i32 to index
        %swap3A_1256 = tpu.vector_load %arg8[%swap3A_1253, %swap3A_1254, %swap3A_1255] {strides = array<i32>} : memref<1x8x4096xf32, #tpu.memory_space<vmem>>, vector<16xf32>,
        tpu.vector_store %arg8[%swap3A_1253, %swap3A_1254, %swap3A_1255], %gather3A_1246 {strides = array<i32>} : memref<1x8x4096xf32, #tpu.memory_space<vmem>>, vector<16xf32>,
        %reshape3A_1257 = vector.shape_cast %get3A_879 : vector<16xi32> to vector<16x1xi32>
        %gather3A_1258 = vector.shape_cast %reshape3A_1257 : vector<16x1xi32> to vector<16xi32>
        %gather3A_1259 = tpu.dynamic_gather %gather3A_778[%gather3A_1258] in [0] : vector<16xf32>, vector<16xi32> -> vector<16xf32>
        %mul3A_1260 = arith.constant 128 : i32
        %mul3A_1261 = arith.muli %add3A_850, %mul3A_1260 : i32
        %add3A_1262 = arith.constant 64 : i32
        %add3A_1263 = arith.addi %mul3A_1261, %add3A_1262 : i32
        %swap3A_1264 = arith.constant 0 : i32
        %swap3A_1265 = arith.constant 3 : i32
        %swap3A_1266 = arith.index_cast %swap3A_1264 : i32 to index
        %swap3A_1267 = arith.index_cast %swap3A_1265 : i32 to index
        %swap3A_1268 = arith.index_cast %add3A_1263 : i32 to index
        %swap3A_1269 = tpu.vector_load %arg8[%swap3A_1266, %swap3A_1267, %swap3A_1268] {strides = array<i32>} : memref<1x8x4096xf32, #tpu.memory_space<vmem>>, vector<16xf32>,
        tpu.vector_store %arg8[%swap3A_1266, %swap3A_1267, %swap3A_1268], %gather3A_1259 {strides = array<i32>} : memref<1x8x4096xf32, #tpu.memory_space<vmem>>, vector<16xf32>,
        %reshape3A_1270 = vector.shape_cast %get3A_884 : vector<16xi32> to vector<16x1xi32>
        %gather3A_1271 = vector.shape_cast %reshape3A_1270 : vector<16x1xi32> to vector<16xi32>
        %gather3A_1272 = tpu.dynamic_gather %gather3A_778[%gather3A_1271] in [0] : vector<16xf32>, vector<16xi32> -> vector<16xf32>
        %mul3A_1273 = arith.constant 128 : i32
        %mul3A_1274 = arith.muli %add3A_850, %mul3A_1273 : i32
        %add3A_1275 = arith.constant 80 : i32
        %add3A_1276 = arith.addi %mul3A_1274, %add3A_1275 : i32
        %swap3A_1277 = arith.constant 0 : i32
        %swap3A_1278 = arith.constant 3 : i32
        %swap3A_1279 = arith.index_cast %swap3A_1277 : i32 to index
        %swap3A_1280 = arith.index_cast %swap3A_1278 : i32 to index
        %swap3A_1281 = arith.index_cast %add3A_1276 : i32 to index
        %swap3A_1282 = tpu.vector_load %arg8[%swap3A_1279, %swap3A_1280, %swap3A_1281] {strides = array<i32>} : memref<1x8x4096xf32, #tpu.memory_space<vmem>>, vector<16xf32>,
        tpu.vector_store %arg8[%swap3A_1279, %swap3A_1280, %swap3A_1281], %gather3A_1272 {strides = array<i32>} : memref<1x8x4096xf32, #tpu.memory_space<vmem>>, vector<16xf32>,
        %reshape3A_1283 = vector.shape_cast %get3A_889 : vector<16xi32> to vector<16x1xi32>
        %gather3A_1284 = vector.shape_cast %reshape3A_1283 : vector<16x1xi32> to vector<16xi32>
        %gather3A_1285 = tpu.dynamic_gather %gather3A_778[%gather3A_1284] in [0] : vector<16xf32>, vector<16xi32> -> vector<16xf32>
        %mul3A_1286 = arith.constant 128 : i32
        %mul3A_1287 = arith.muli %add3A_850, %mul3A_1286 : i32
        %add3A_1288 = arith.constant 96 : i32
        %add3A_1289 = arith.addi %mul3A_1287, %add3A_1288 : i32
        %swap3A_1290 = arith.constant 0 : i32
        %swap3A_1291 = arith.constant 3 : i32
        %swap3A_1292 = arith.index_cast %swap3A_1290 : i32 to index
        %swap3A_1293 = arith.index_cast %swap3A_1291 : i32 to index
        %swap3A_1294 = arith.index_cast %add3A_1289 : i32 to index
        %swap3A_1295 = tpu.vector_load %arg8[%swap3A_1292, %swap3A_1293, %swap3A_1294] {strides = array<i32>} : memref<1x8x4096xf32, #tpu.memory_space<vmem>>, vector<16xf32>,
        tpu.vector_store %arg8[%swap3A_1292, %swap3A_1293, %swap3A_1294], %gather3A_1285 {strides = array<i32>} : memref<1x8x4096xf32, #tpu.memory_space<vmem>>, vector<16xf32>,
        %reshape3A_1296 = vector.shape_cast %get3A_894 : vector<16xi32> to vector<16x1xi32>
        %gather3A_1297 = vector.shape_cast %reshape3A_1296 : vector<16x1xi32> to vector<16xi32>
        %gather3A_1298 = tpu.dynamic_gather %gather3A_778[%gather3A_1297] in [0] : vector<16xf32>, vector<16xi32> -> vector<16xf32>
        %mul3A_1299 = arith.constant 128 : i32
        %mul3A_1300 = arith.muli %add3A_850, %mul3A_1299 : i32
        %add3A_1301 = arith.constant 112 : i32
        %add3A_1302 = arith.addi %mul3A_1300, %add3A_1301 : i32
        %swap3A_1303 = arith.constant 0 : i32
        %swap3A_1304 = arith.constant 3 : i32
        %swap3A_1305 = arith.index_cast %swap3A_1303 : i32 to index
        %swap3A_1306 = arith.index_cast %swap3A_1304 : i32 to index
        %swap3A_1307 = arith.index_cast %add3A_1302 : i32 to index
        %swap3A_1308 = tpu.vector_load %arg8[%swap3A_1305, %swap3A_1306, %swap3A_1307] {strides = array<i32>} : memref<1x8x4096xf32, #tpu.memory_space<vmem>>, vector<16xf32>,
        tpu.vector_store %arg8[%swap3A_1305, %swap3A_1306, %swap3A_1307], %gather3A_1298 {strides = array<i32>} : memref<1x8x4096xf32, #tpu.memory_space<vmem>>, vector<16xf32>,
        %reshape3A_1309 = vector.shape_cast %get3A_859 : vector<16xi32> to vector<16x1xi32>
        %gather3A_1310 = vector.shape_cast %reshape3A_1309 : vector<16x1xi32> to vector<16xi32>
        %gather3A_1311 = tpu.dynamic_gather %gather3A_792[%gather3A_1310] in [0] : vector<16xf32>, vector<16xi32> -> vector<16xf32>
        %mul3A_1312 = arith.constant 128 : i32
        %mul3A_1313 = arith.muli %add3A_850, %mul3A_1312 : i32
        %add3A_1314 = arith.constant 0 : i32
        %add3A_1315 = arith.addi %mul3A_1313, %add3A_1314 : i32
        %swap3A_1316 = arith.constant 0 : i32
        %swap3A_1317 = arith.constant 4 : i32
        %swap3A_1318 = arith.index_cast %swap3A_1316 : i32 to index
        %swap3A_1319 = arith.index_cast %swap3A_1317 : i32 to index
        %swap3A_1320 = arith.index_cast %add3A_1315 : i32 to index
        %swap3A_1321 = tpu.vector_load %arg8[%swap3A_1318, %swap3A_1319, %swap3A_1320] {strides = array<i32>} : memref<1x8x4096xf32, #tpu.memory_space<vmem>>, vector<16xf32>,
        tpu.vector_store %arg8[%swap3A_1318, %swap3A_1319, %swap3A_1320], %gather3A_1311 {strides = array<i32>} : memref<1x8x4096xf32, #tpu.memory_space<vmem>>, vector<16xf32>,
        %reshape3A_1322 = vector.shape_cast %get3A_864 : vector<16xi32> to vector<16x1xi32>
        %gather3A_1323 = vector.shape_cast %reshape3A_1322 : vector<16x1xi32> to vector<16xi32>
        %gather3A_1324 = tpu.dynamic_gather %gather3A_792[%gather3A_1323] in [0] : vector<16xf32>, vector<16xi32> -> vector<16xf32>
        %mul3A_1325 = arith.constant 128 : i32
        %mul3A_1326 = arith.muli %add3A_850, %mul3A_1325 : i32
        %add3A_1327 = arith.constant 16 : i32
        %add3A_1328 = arith.addi %mul3A_1326, %add3A_1327 : i32
        %swap3A_1329 = arith.constant 0 : i32
        %swap3A_1330 = arith.constant 4 : i32
        %swap3A_1331 = arith.index_cast %swap3A_1329 : i32 to index
        %swap3A_1332 = arith.index_cast %swap3A_1330 : i32 to index
        %swap3A_1333 = arith.index_cast %add3A_1328 : i32 to index
        %swap3A_1334 = tpu.vector_load %arg8[%swap3A_1331, %swap3A_1332, %swap3A_1333] {strides = array<i32>} : memref<1x8x4096xf32, #tpu.memory_space<vmem>>, vector<16xf32>,
        tpu.vector_store %arg8[%swap3A_1331, %swap3A_1332, %swap3A_1333], %gather3A_1324 {strides = array<i32>} : memref<1x8x4096xf32, #tpu.memory_space<vmem>>, vector<16xf32>,
        %reshape3A_1335 = vector.shape_cast %get3A_869 : vector<16xi32> to vector<16x1xi32>
        %gather3A_1336 = vector.shape_cast %reshape3A_1335 : vector<16x1xi32> to vector<16xi32>
        %gather3A_1337 = tpu.dynamic_gather %gather3A_792[%gather3A_1336] in [0] : vector<16xf32>, vector<16xi32> -> vector<16xf32>
        %mul3A_1338 = arith.constant 128 : i32
        %mul3A_1339 = arith.muli %add3A_850, %mul3A_1338 : i32
        %add3A_1340 = arith.constant 32 : i32
        %add3A_1341 = arith.addi %mul3A_1339, %add3A_1340 : i32
        %swap3A_1342 = arith.constant 0 : i32
        %swap3A_1343 = arith.constant 4 : i32
        %swap3A_1344 = arith.index_cast %swap3A_1342 : i32 to index
        %swap3A_1345 = arith.index_cast %swap3A_1343 : i32 to index
        %swap3A_1346 = arith.index_cast %add3A_1341 : i32 to index
        %swap3A_1347 = tpu.vector_load %arg8[%swap3A_1344, %swap3A_1345, %swap3A_1346] {strides = array<i32>} : memref<1x8x4096xf32, #tpu.memory_space<vmem>>, vector<16xf32>,
        tpu.vector_store %arg8[%swap3A_1344, %swap3A_1345, %swap3A_1346], %gather3A_1337 {strides = array<i32>} : memref<1x8x4096xf32, #tpu.memory_space<vmem>>, vector<16xf32>,
        %reshape3A_1348 = vector.shape_cast %get3A_874 : vector<16xi32> to vector<16x1xi32>
        %gather3A_1349 = vector.shape_cast %reshape3A_1348 : vector<16x1xi32> to vector<16xi32>
        %gather3A_1350 = tpu.dynamic_gather %gather3A_792[%gather3A_1349] in [0] : vector<16xf32>, vector<16xi32> -> vector<16xf32>
        %mul3A_1351 = arith.constant 128 : i32
        %mul3A_1352 = arith.muli %add3A_850, %mul3A_1351 : i32
        %add3A_1353 = arith.constant 48 : i32
        %add3A_1354 = arith.addi %mul3A_1352, %add3A_1353 : i32
        %swap3A_1355 = arith.constant 0 : i32
        %swap3A_1356 = arith.constant 4 : i32
        %swap3A_1357 = arith.index_cast %swap3A_1355 : i32 to index
        %swap3A_1358 = arith.index_cast %swap3A_1356 : i32 to index
        %swap3A_1359 = arith.index_cast %add3A_1354 : i32 to index
        %swap3A_1360 = tpu.vector_load %arg8[%swap3A_1357, %swap3A_1358, %swap3A_1359] {strides = array<i32>} : memref<1x8x4096xf32, #tpu.memory_space<vmem>>, vector<16xf32>,
        tpu.vector_store %arg8[%swap3A_1357, %swap3A_1358, %swap3A_1359], %gather3A_1350 {strides = array<i32>} : memref<1x8x4096xf32, #tpu.memory_space<vmem>>, vector<16xf32>,
        %reshape3A_1361 = vector.shape_cast %get3A_879 : vector<16xi32> to vector<16x1xi32>
        %gather3A_1362 = vector.shape_cast %reshape3A_1361 : vector<16x1xi32> to vector<16xi32>
        %gather3A_1363 = tpu.dynamic_gather %gather3A_792[%gather3A_1362] in [0] : vector<16xf32>, vector<16xi32> -> vector<16xf32>
        %mul3A_1364 = arith.constant 128 : i32
        %mul3A_1365 = arith.muli %add3A_850, %mul3A_1364 : i32
        %add3A_1366 = arith.constant 64 : i32
        %add3A_1367 = arith.addi %mul3A_1365, %add3A_1366 : i32
        %swap3A_1368 = arith.constant 0 : i32
        %swap3A_1369 = arith.constant 4 : i32
        %swap3A_1370 = arith.index_cast %swap3A_1368 : i32 to index
        %swap3A_1371 = arith.index_cast %swap3A_1369 : i32 to index
        %swap3A_1372 = arith.index_cast %add3A_1367 : i32 to index
        %swap3A_1373 = tpu.vector_load %arg8[%swap3A_1370, %swap3A_1371, %swap3A_1372] {strides = array<i32>} : memref<1x8x4096xf32, #tpu.memory_space<vmem>>, vector<16xf32>,
        tpu.vector_store %arg8[%swap3A_1370, %swap3A_1371, %swap3A_1372], %gather3A_1363 {strides = array<i32>} : memref<1x8x4096xf32, #tpu.memory_space<vmem>>, vector<16xf32>,
        %reshape3A_1374 = vector.shape_cast %get3A_884 : vector<16xi32> to vector<16x1xi32>
        %gather3A_1375 = vector.shape_cast %reshape3A_1374 : vector<16x1xi32> to vector<16xi32>
        %gather3A_1376 = tpu.dynamic_gather %gather3A_792[%gather3A_1375] in [0] : vector<16xf32>, vector<16xi32> -> vector<16xf32>
        %mul3A_1377 = arith.constant 128 : i32
        %mul3A_1378 = arith.muli %add3A_850, %mul3A_1377 : i32
        %add3A_1379 = arith.constant 80 : i32
        %add3A_1380 = arith.addi %mul3A_1378, %add3A_1379 : i32
        %swap3A_1381 = arith.constant 0 : i32
        %swap3A_1382 = arith.constant 4 : i32
        %swap3A_1383 = arith.index_cast %swap3A_1381 : i32 to index
        %swap3A_1384 = arith.index_cast %swap3A_1382 : i32 to index
        %swap3A_1385 = arith.index_cast %add3A_1380 : i32 to index
        %swap3A_1386 = tpu.vector_load %arg8[%swap3A_1383, %swap3A_1384, %swap3A_1385] {strides = array<i32>} : memref<1x8x4096xf32, #tpu.memory_space<vmem>>, vector<16xf32>,
        tpu.vector_store %arg8[%swap3A_1383, %swap3A_1384, %swap3A_1385], %gather3A_1376 {strides = array<i32>} : memref<1x8x4096xf32, #tpu.memory_space<vmem>>, vector<16xf32>,
        %reshape3A_1387 = vector.shape_cast %get3A_889 : vector<16xi32> to vector<16x1xi32>
        %gather3A_1388 = vector.shape_cast %reshape3A_1387 : vector<16x1xi32> to vector<16xi32>
        %gather3A_1389 = tpu.dynamic_gather %gather3A_792[%gather3A_1388] in [0] : vector<16xf32>, vector<16xi32> -> vector<16xf32>
        %mul3A_1390 = arith.constant 128 : i32
        %mul3A_1391 = arith.muli %add3A_850, %mul3A_1390 : i32
        %add3A_1392 = arith.constant 96 : i32
        %add3A_1393 = arith.addi %mul3A_1391, %add3A_1392 : i32
        %swap3A_1394 = arith.constant 0 : i32
        %swap3A_1395 = arith.constant 4 : i32
        %swap3A_1396 = arith.index_cast %swap3A_1394 : i32 to index
        %swap3A_1397 = arith.index_cast %swap3A_1395 : i32 to index
        %swap3A_1398 = arith.index_cast %add3A_1393 : i32 to index
        %swap3A_1399 = tpu.vector_load %arg8[%swap3A_1396, %swap3A_1397, %swap3A_1398] {strides = array<i32>} : memref<1x8x4096xf32, #tpu.memory_space<vmem>>, vector<16xf32>,
        tpu.vector_store %arg8[%swap3A_1396, %swap3A_1397, %swap3A_1398], %gather3A_1389 {strides = array<i32>} : memref<1x8x4096xf32, #tpu.memory_space<vmem>>, vector<16xf32>,
        %reshape3A_1400 = vector.shape_cast %get3A_894 : vector<16xi32> to vector<16x1xi32>
        %gather3A_1401 = vector.shape_cast %reshape3A_1400 : vector<16x1xi32> to vector<16xi32>
        %gather3A_1402 = tpu.dynamic_gather %gather3A_792[%gather3A_1401] in [0] : vector<16xf32>, vector<16xi32> -> vector<16xf32>
        %mul3A_1403 = arith.constant 128 : i32
        %mul3A_1404 = arith.muli %add3A_850, %mul3A_1403 : i32
        %add3A_1405 = arith.constant 112 : i32
        %add3A_1406 = arith.addi %mul3A_1404, %add3A_1405 : i32
        %swap3A_1407 = arith.constant 0 : i32
        %swap3A_1408 = arith.constant 4 : i32
        %swap3A_1409 = arith.index_cast %swap3A_1407 : i32 to index
        %swap3A_1410 = arith.index_cast %swap3A_1408 : i32 to index
        %swap3A_1411 = arith.index_cast %add3A_1406 : i32 to index
        %swap3A_1412 = tpu.vector_load %arg8[%swap3A_1409, %swap3A_1410, %swap3A_1411] {strides = array<i32>} : memref<1x8x4096xf32, #tpu.memory_space<vmem>>, vector<16xf32>,
        tpu.vector_store %arg8[%swap3A_1409, %swap3A_1410, %swap3A_1411], %gather3A_1402 {strides = array<i32>} : memref<1x8x4096xf32, #tpu.memory_space<vmem>>, vector<16xf32>,
        %reshape3A_1413 = vector.shape_cast %get3A_859 : vector<16xi32> to vector<16x1xi32>
        %gather3A_1414 = vector.shape_cast %reshape3A_1413 : vector<16x1xi32> to vector<16xi32>
        %gather3A_1415 = tpu.dynamic_gather %gather3A_806[%gather3A_1414] in [0] : vector<16xf32>, vector<16xi32> -> vector<16xf32>
        %mul3A_1416 = arith.constant 128 : i32
        %mul3A_1417 = arith.muli %add3A_850, %mul3A_1416 : i32
        %add3A_1418 = arith.constant 0 : i32
        %add3A_1419 = arith.addi %mul3A_1417, %add3A_1418 : i32
        %swap3A_1420 = arith.constant 0 : i32
        %swap3A_1421 = arith.constant 5 : i32
        %swap3A_1422 = arith.index_cast %swap3A_1420 : i32 to index
        %swap3A_1423 = arith.index_cast %swap3A_1421 : i32 to index
        %swap3A_1424 = arith.index_cast %add3A_1419 : i32 to index
        %swap3A_1425 = tpu.vector_load %arg8[%swap3A_1422, %swap3A_1423, %swap3A_1424] {strides = array<i32>} : memref<1x8x4096xf32, #tpu.memory_space<vmem>>, vector<16xf32>,
        tpu.vector_store %arg8[%swap3A_1422, %swap3A_1423, %swap3A_1424], %gather3A_1415 {strides = array<i32>} : memref<1x8x4096xf32, #tpu.memory_space<vmem>>, vector<16xf32>,
        %reshape3A_1426 = vector.shape_cast %get3A_864 : vector<16xi32> to vector<16x1xi32>
        %gather3A_1427 = vector.shape_cast %reshape3A_1426 : vector<16x1xi32> to vector<16xi32>
        %gather3A_1428 = tpu.dynamic_gather %gather3A_806[%gather3A_1427] in [0] : vector<16xf32>, vector<16xi32> -> vector<16xf32>
        %mul3A_1429 = arith.constant 128 : i32
        %mul3A_1430 = arith.muli %add3A_850, %mul3A_1429 : i32
        %add3A_1431 = arith.constant 16 : i32
        %add3A_1432 = arith.addi %mul3A_1430, %add3A_1431 : i32
        %swap3A_1433 = arith.constant 0 : i32
        %swap3A_1434 = arith.constant 5 : i32
        %swap3A_1435 = arith.index_cast %swap3A_1433 : i32 to index
        %swap3A_1436 = arith.index_cast %swap3A_1434 : i32 to index
        %swap3A_1437 = arith.index_cast %add3A_1432 : i32 to index
        %swap3A_1438 = tpu.vector_load %arg8[%swap3A_1435, %swap3A_1436, %swap3A_1437] {strides = array<i32>} : memref<1x8x4096xf32, #tpu.memory_space<vmem>>, vector<16xf32>,
        tpu.vector_store %arg8[%swap3A_1435, %swap3A_1436, %swap3A_1437], %gather3A_1428 {strides = array<i32>} : memref<1x8x4096xf32, #tpu.memory_space<vmem>>, vector<16xf32>,
        %reshape3A_1439 = vector.shape_cast %get3A_869 : vector<16xi32> to vector<16x1xi32>
        %gather3A_1440 = vector.shape_cast %reshape3A_1439 : vector<16x1xi32> to vector<16xi32>
        %gather3A_1441 = tpu.dynamic_gather %gather3A_806[%gather3A_1440] in [0] : vector<16xf32>, vector<16xi32> -> vector<16xf32>
        %mul3A_1442 = arith.constant 128 : i32
        %mul3A_1443 = arith.muli %add3A_850, %mul3A_1442 : i32
        %add3A_1444 = arith.constant 32 : i32
        %add3A_1445 = arith.addi %mul3A_1443, %add3A_1444 : i32
        %swap3A_1446 = arith.constant 0 : i32
        %swap3A_1447 = arith.constant 5 : i32
        %swap3A_1448 = arith.index_cast %swap3A_1446 : i32 to index
        %swap3A_1449 = arith.index_cast %swap3A_1447 : i32 to index
        %swap3A_1450 = arith.index_cast %add3A_1445 : i32 to index
        %swap3A_1451 = tpu.vector_load %arg8[%swap3A_1448, %swap3A_1449, %swap3A_1450] {strides = array<i32>} : memref<1x8x4096xf32, #tpu.memory_space<vmem>>, vector<16xf32>,
        tpu.vector_store %arg8[%swap3A_1448, %swap3A_1449, %swap3A_1450], %gather3A_1441 {strides = array<i32>} : memref<1x8x4096xf32, #tpu.memory_space<vmem>>, vector<16xf32>,
        %reshape3A_1452 = vector.shape_cast %get3A_874 : vector<16xi32> to vector<16x1xi32>
        %gather3A_1453 = vector.shape_cast %reshape3A_1452 : vector<16x1xi32> to vector<16xi32>
        %gather3A_1454 = tpu.dynamic_gather %gather3A_806[%gather3A_1453] in [0] : vector<16xf32>, vector<16xi32> -> vector<16xf32>
        %mul3A_1455 = arith.constant 128 : i32
        %mul3A_1456 = arith.muli %add3A_850, %mul3A_1455 : i32
        %add3A_1457 = arith.constant 48 : i32
        %add3A_1458 = arith.addi %mul3A_1456, %add3A_1457 : i32
        %swap3A_1459 = arith.constant 0 : i32
        %swap3A_1460 = arith.constant 5 : i32
        %swap3A_1461 = arith.index_cast %swap3A_1459 : i32 to index
        %swap3A_1462 = arith.index_cast %swap3A_1460 : i32 to index
        %swap3A_1463 = arith.index_cast %add3A_1458 : i32 to index
        %swap3A_1464 = tpu.vector_load %arg8[%swap3A_1461, %swap3A_1462, %swap3A_1463] {strides = array<i32>} : memref<1x8x4096xf32, #tpu.memory_space<vmem>>, vector<16xf32>,
        tpu.vector_store %arg8[%swap3A_1461, %swap3A_1462, %swap3A_1463], %gather3A_1454 {strides = array<i32>} : memref<1x8x4096xf32, #tpu.memory_space<vmem>>, vector<16xf32>,
        %reshape3A_1465 = vector.shape_cast %get3A_879 : vector<16xi32> to vector<16x1xi32>
        %gather3A_1466 = vector.shape_cast %reshape3A_1465 : vector<16x1xi32> to vector<16xi32>
        %gather3A_1467 = tpu.dynamic_gather %gather3A_806[%gather3A_1466] in [0] : vector<16xf32>, vector<16xi32> -> vector<16xf32>
        %mul3A_1468 = arith.constant 128 : i32
        %mul3A_1469 = arith.muli %add3A_850, %mul3A_1468 : i32
        %add3A_1470 = arith.constant 64 : i32
        %add3A_1471 = arith.addi %mul3A_1469, %add3A_1470 : i32
        %swap3A_1472 = arith.constant 0 : i32
        %swap3A_1473 = arith.constant 5 : i32
        %swap3A_1474 = arith.index_cast %swap3A_1472 : i32 to index
        %swap3A_1475 = arith.index_cast %swap3A_1473 : i32 to index
        %swap3A_1476 = arith.index_cast %add3A_1471 : i32 to index
        %swap3A_1477 = tpu.vector_load %arg8[%swap3A_1474, %swap3A_1475, %swap3A_1476] {strides = array<i32>} : memref<1x8x4096xf32, #tpu.memory_space<vmem>>, vector<16xf32>,
        tpu.vector_store %arg8[%swap3A_1474, %swap3A_1475, %swap3A_1476], %gather3A_1467 {strides = array<i32>} : memref<1x8x4096xf32, #tpu.memory_space<vmem>>, vector<16xf32>,
        %reshape3A_1478 = vector.shape_cast %get3A_884 : vector<16xi32> to vector<16x1xi32>
        %gather3A_1479 = vector.shape_cast %reshape3A_1478 : vector<16x1xi32> to vector<16xi32>
        %gather3A_1480 = tpu.dynamic_gather %gather3A_806[%gather3A_1479] in [0] : vector<16xf32>, vector<16xi32> -> vector<16xf32>
        %mul3A_1481 = arith.constant 128 : i32
        %mul3A_1482 = arith.muli %add3A_850, %mul3A_1481 : i32
        %add3A_1483 = arith.constant 80 : i32
        %add3A_1484 = arith.addi %mul3A_1482, %add3A_1483 : i32
        %swap3A_1485 = arith.constant 0 : i32
        %swap3A_1486 = arith.constant 5 : i32
        %swap3A_1487 = arith.index_cast %swap3A_1485 : i32 to index
        %swap3A_1488 = arith.index_cast %swap3A_1486 : i32 to index
        %swap3A_1489 = arith.index_cast %add3A_1484 : i32 to index
        %swap3A_1490 = tpu.vector_load %arg8[%swap3A_1487, %swap3A_1488, %swap3A_1489] {strides = array<i32>} : memref<1x8x4096xf32, #tpu.memory_space<vmem>>, vector<16xf32>,
        tpu.vector_store %arg8[%swap3A_1487, %swap3A_1488, %swap3A_1489], %gather3A_1480 {strides = array<i32>} : memref<1x8x4096xf32, #tpu.memory_space<vmem>>, vector<16xf32>,
        %reshape3A_1491 = vector.shape_cast %get3A_889 : vector<16xi32> to vector<16x1xi32>
        %gather3A_1492 = vector.shape_cast %reshape3A_1491 : vector<16x1xi32> to vector<16xi32>
        %gather3A_1493 = tpu.dynamic_gather %gather3A_806[%gather3A_1492] in [0] : vector<16xf32>, vector<16xi32> -> vector<16xf32>
        %mul3A_1494 = arith.constant 128 : i32
        %mul3A_1495 = arith.muli %add3A_850, %mul3A_1494 : i32
        %add3A_1496 = arith.constant 96 : i32
        %add3A_1497 = arith.addi %mul3A_1495, %add3A_1496 : i32
        %swap3A_1498 = arith.constant 0 : i32
        %swap3A_1499 = arith.constant 5 : i32
        %swap3A_1500 = arith.index_cast %swap3A_1498 : i32 to index
        %swap3A_1501 = arith.index_cast %swap3A_1499 : i32 to index
        %swap3A_1502 = arith.index_cast %add3A_1497 : i32 to index
        %swap3A_1503 = tpu.vector_load %arg8[%swap3A_1500, %swap3A_1501, %swap3A_1502] {strides = array<i32>} : memref<1x8x4096xf32, #tpu.memory_space<vmem>>, vector<16xf32>,
        tpu.vector_store %arg8[%swap3A_1500, %swap3A_1501, %swap3A_1502], %gather3A_1493 {strides = array<i32>} : memref<1x8x4096xf32, #tpu.memory_space<vmem>>, vector<16xf32>,
        %reshape3A_1504 = vector.shape_cast %get3A_894 : vector<16xi32> to vector<16x1xi32>
        %gather3A_1505 = vector.shape_cast %reshape3A_1504 : vector<16x1xi32> to vector<16xi32>
        %gather3A_1506 = tpu.dynamic_gather %gather3A_806[%gather3A_1505] in [0] : vector<16xf32>, vector<16xi32> -> vector<16xf32>
        %mul3A_1507 = arith.constant 128 : i32
        %mul3A_1508 = arith.muli %add3A_850, %mul3A_1507 : i32
        %add3A_1509 = arith.constant 112 : i32
        %add3A_1510 = arith.addi %mul3A_1508, %add3A_1509 : i32
        %swap3A_1511 = arith.constant 0 : i32
        %swap3A_1512 = arith.constant 5 : i32
        %swap3A_1513 = arith.index_cast %swap3A_1511 : i32 to index
        %swap3A_1514 = arith.index_cast %swap3A_1512 : i32 to index
        %swap3A_1515 = arith.index_cast %add3A_1510 : i32 to index
        %swap3A_1516 = tpu.vector_load %arg8[%swap3A_1513, %swap3A_1514, %swap3A_1515] {strides = array<i32>} : memref<1x8x4096xf32, #tpu.memory_space<vmem>>, vector<16xf32>,
        tpu.vector_store %arg8[%swap3A_1513, %swap3A_1514, %swap3A_1515], %gather3A_1506 {strides = array<i32>} : memref<1x8x4096xf32, #tpu.memory_space<vmem>>, vector<16xf32>,
        %reshape3A_1517 = vector.shape_cast %get3A_859 : vector<16xi32> to vector<16x1xi32>
        %gather3A_1518 = vector.shape_cast %reshape3A_1517 : vector<16x1xi32> to vector<16xi32>
        %gather3A_1519 = tpu.dynamic_gather %gather3A_820[%gather3A_1518] in [0] : vector<16xf32>, vector<16xi32> -> vector<16xf32>
        %mul3A_1520 = arith.constant 128 : i32
        %mul3A_1521 = arith.muli %add3A_850, %mul3A_1520 : i32
        %add3A_1522 = arith.constant 0 : i32
        %add3A_1523 = arith.addi %mul3A_1521, %add3A_1522 : i32
        %swap3A_1524 = arith.constant 0 : i32
        %swap3A_1525 = arith.constant 6 : i32
        %swap3A_1526 = arith.index_cast %swap3A_1524 : i32 to index
        %swap3A_1527 = arith.index_cast %swap3A_1525 : i32 to index
        %swap3A_1528 = arith.index_cast %add3A_1523 : i32 to index
        %swap3A_1529 = tpu.vector_load %arg8[%swap3A_1526, %swap3A_1527, %swap3A_1528] {strides = array<i32>} : memref<1x8x4096xf32, #tpu.memory_space<vmem>>, vector<16xf32>,
        tpu.vector_store %arg8[%swap3A_1526, %swap3A_1527, %swap3A_1528], %gather3A_1519 {strides = array<i32>} : memref<1x8x4096xf32, #tpu.memory_space<vmem>>, vector<16xf32>,
        %reshape3A_1530 = vector.shape_cast %get3A_864 : vector<16xi32> to vector<16x1xi32>
        %gather3A_1531 = vector.shape_cast %reshape3A_1530 : vector<16x1xi32> to vector<16xi32>
        %gather3A_1532 = tpu.dynamic_gather %gather3A_820[%gather3A_1531] in [0] : vector<16xf32>, vector<16xi32> -> vector<16xf32>
        %mul3A_1533 = arith.constant 128 : i32
        %mul3A_1534 = arith.muli %add3A_850, %mul3A_1533 : i32
        %add3A_1535 = arith.constant 16 : i32
        %add3A_1536 = arith.addi %mul3A_1534, %add3A_1535 : i32
        %swap3A_1537 = arith.constant 0 : i32
        %swap3A_1538 = arith.constant 6 : i32
        %swap3A_1539 = arith.index_cast %swap3A_1537 : i32 to index
        %swap3A_1540 = arith.index_cast %swap3A_1538 : i32 to index
        %swap3A_1541 = arith.index_cast %add3A_1536 : i32 to index
        %swap3A_1542 = tpu.vector_load %arg8[%swap3A_1539, %swap3A_1540, %swap3A_1541] {strides = array<i32>} : memref<1x8x4096xf32, #tpu.memory_space<vmem>>, vector<16xf32>,
        tpu.vector_store %arg8[%swap3A_1539, %swap3A_1540, %swap3A_1541], %gather3A_1532 {strides = array<i32>} : memref<1x8x4096xf32, #tpu.memory_space<vmem>>, vector<16xf32>,
        %reshape3A_1543 = vector.shape_cast %get3A_869 : vector<16xi32> to vector<16x1xi32>
        %gather3A_1544 = vector.shape_cast %reshape3A_1543 : vector<16x1xi32> to vector<16xi32>
        %gather3A_1545 = tpu.dynamic_gather %gather3A_820[%gather3A_1544] in [0] : vector<16xf32>, vector<16xi32> -> vector<16xf32>
        %mul3A_1546 = arith.constant 128 : i32
        %mul3A_1547 = arith.muli %add3A_850, %mul3A_1546 : i32
        %add3A_1548 = arith.constant 32 : i32
        %add3A_1549 = arith.addi %mul3A_1547, %add3A_1548 : i32
        %swap3A_1550 = arith.constant 0 : i32
        %swap3A_1551 = arith.constant 6 : i32
        %swap3A_1552 = arith.index_cast %swap3A_1550 : i32 to index
        %swap3A_1553 = arith.index_cast %swap3A_1551 : i32 to index
        %swap3A_1554 = arith.index_cast %add3A_1549 : i32 to index
        %swap3A_1555 = tpu.vector_load %arg8[%swap3A_1552, %swap3A_1553, %swap3A_1554] {strides = array<i32>} : memref<1x8x4096xf32, #tpu.memory_space<vmem>>, vector<16xf32>,
        tpu.vector_store %arg8[%swap3A_1552, %swap3A_1553, %swap3A_1554], %gather3A_1545 {strides = array<i32>} : memref<1x8x4096xf32, #tpu.memory_space<vmem>>, vector<16xf32>,
        %reshape3A_1556 = vector.shape_cast %get3A_874 : vector<16xi32> to vector<16x1xi32>
        %gather3A_1557 = vector.shape_cast %reshape3A_1556 : vector<16x1xi32> to vector<16xi32>
        %gather3A_1558 = tpu.dynamic_gather %gather3A_820[%gather3A_1557] in [0] : vector<16xf32>, vector<16xi32> -> vector<16xf32>
        %mul3A_1559 = arith.constant 128 : i32
        %mul3A_1560 = arith.muli %add3A_850, %mul3A_1559 : i32
        %add3A_1561 = arith.constant 48 : i32
        %add3A_1562 = arith.addi %mul3A_1560, %add3A_1561 : i32
        %swap3A_1563 = arith.constant 0 : i32
        %swap3A_1564 = arith.constant 6 : i32
        %swap3A_1565 = arith.index_cast %swap3A_1563 : i32 to index
        %swap3A_1566 = arith.index_cast %swap3A_1564 : i32 to index
        %swap3A_1567 = arith.index_cast %add3A_1562 : i32 to index
        %swap3A_1568 = tpu.vector_load %arg8[%swap3A_1565, %swap3A_1566, %swap3A_1567] {strides = array<i32>} : memref<1x8x4096xf32, #tpu.memory_space<vmem>>, vector<16xf32>,
        tpu.vector_store %arg8[%swap3A_1565, %swap3A_1566, %swap3A_1567], %gather3A_1558 {strides = array<i32>} : memref<1x8x4096xf32, #tpu.memory_space<vmem>>, vector<16xf32>,
        %reshape3A_1569 = vector.shape_cast %get3A_879 : vector<16xi32> to vector<16x1xi32>
        %gather3A_1570 = vector.shape_cast %reshape3A_1569 : vector<16x1xi32> to vector<16xi32>
        %gather3A_1571 = tpu.dynamic_gather %gather3A_820[%gather3A_1570] in [0] : vector<16xf32>, vector<16xi32> -> vector<16xf32>
        %mul3A_1572 = arith.constant 128 : i32
        %mul3A_1573 = arith.muli %add3A_850, %mul3A_1572 : i32
        %add3A_1574 = arith.constant 64 : i32
        %add3A_1575 = arith.addi %mul3A_1573, %add3A_1574 : i32
        %swap3A_1576 = arith.constant 0 : i32
        %swap3A_1577 = arith.constant 6 : i32
        %swap3A_1578 = arith.index_cast %swap3A_1576 : i32 to index
        %swap3A_1579 = arith.index_cast %swap3A_1577 : i32 to index
        %swap3A_1580 = arith.index_cast %add3A_1575 : i32 to index
        %swap3A_1581 = tpu.vector_load %arg8[%swap3A_1578, %swap3A_1579, %swap3A_1580] {strides = array<i32>} : memref<1x8x4096xf32, #tpu.memory_space<vmem>>, vector<16xf32>,
        tpu.vector_store %arg8[%swap3A_1578, %swap3A_1579, %swap3A_1580], %gather3A_1571 {strides = array<i32>} : memref<1x8x4096xf32, #tpu.memory_space<vmem>>, vector<16xf32>,
        %reshape3A_1582 = vector.shape_cast %get3A_884 : vector<16xi32> to vector<16x1xi32>
        %gather3A_1583 = vector.shape_cast %reshape3A_1582 : vector<16x1xi32> to vector<16xi32>
        %gather3A_1584 = tpu.dynamic_gather %gather3A_820[%gather3A_1583] in [0] : vector<16xf32>, vector<16xi32> -> vector<16xf32>
        %mul3A_1585 = arith.constant 128 : i32
        %mul3A_1586 = arith.muli %add3A_850, %mul3A_1585 : i32
        %add3A_1587 = arith.constant 80 : i32
        %add3A_1588 = arith.addi %mul3A_1586, %add3A_1587 : i32
        %swap3A_1589 = arith.constant 0 : i32
        %swap3A_1590 = arith.constant 6 : i32
        %swap3A_1591 = arith.index_cast %swap3A_1589 : i32 to index
        %swap3A_1592 = arith.index_cast %swap3A_1590 : i32 to index
        %swap3A_1593 = arith.index_cast %add3A_1588 : i32 to index
        %swap3A_1594 = tpu.vector_load %arg8[%swap3A_1591, %swap3A_1592, %swap3A_1593] {strides = array<i32>} : memref<1x8x4096xf32, #tpu.memory_space<vmem>>, vector<16xf32>,
        tpu.vector_store %arg8[%swap3A_1591, %swap3A_1592, %swap3A_1593], %gather3A_1584 {strides = array<i32>} : memref<1x8x4096xf32, #tpu.memory_space<vmem>>, vector<16xf32>,
        %reshape3A_1595 = vector.shape_cast %get3A_889 : vector<16xi32> to vector<16x1xi32>
        %gather3A_1596 = vector.shape_cast %reshape3A_1595 : vector<16x1xi32> to vector<16xi32>
        %gather3A_1597 = tpu.dynamic_gather %gather3A_820[%gather3A_1596] in [0] : vector<16xf32>, vector<16xi32> -> vector<16xf32>
        %mul3A_1598 = arith.constant 128 : i32
        %mul3A_1599 = arith.muli %add3A_850, %mul3A_1598 : i32
        %add3A_1600 = arith.constant 96 : i32
        %add3A_1601 = arith.addi %mul3A_1599, %add3A_1600 : i32
        %swap3A_1602 = arith.constant 0 : i32
        %swap3A_1603 = arith.constant 6 : i32
        %swap3A_1604 = arith.index_cast %swap3A_1602 : i32 to index
        %swap3A_1605 = arith.index_cast %swap3A_1603 : i32 to index
        %swap3A_1606 = arith.index_cast %add3A_1601 : i32 to index
        %swap3A_1607 = tpu.vector_load %arg8[%swap3A_1604, %swap3A_1605, %swap3A_1606] {strides = array<i32>} : memref<1x8x4096xf32, #tpu.memory_space<vmem>>, vector<16xf32>,
        tpu.vector_store %arg8[%swap3A_1604, %swap3A_1605, %swap3A_1606], %gather3A_1597 {strides = array<i32>} : memref<1x8x4096xf32, #tpu.memory_space<vmem>>, vector<16xf32>,
        %reshape3A_1608 = vector.shape_cast %get3A_894 : vector<16xi32> to vector<16x1xi32>
        %gather3A_1609 = vector.shape_cast %reshape3A_1608 : vector<16x1xi32> to vector<16xi32>
        %gather3A_1610 = tpu.dynamic_gather %gather3A_820[%gather3A_1609] in [0] : vector<16xf32>, vector<16xi32> -> vector<16xf32>
        %mul3A_1611 = arith.constant 128 : i32
        %mul3A_1612 = arith.muli %add3A_850, %mul3A_1611 : i32
        %add3A_1613 = arith.constant 112 : i32
        %add3A_1614 = arith.addi %mul3A_1612, %add3A_1613 : i32
        %swap3A_1615 = arith.constant 0 : i32
        %swap3A_1616 = arith.constant 6 : i32
        %swap3A_1617 = arith.index_cast %swap3A_1615 : i32 to index
        %swap3A_1618 = arith.index_cast %swap3A_1616 : i32 to index
        %swap3A_1619 = arith.index_cast %add3A_1614 : i32 to index
        %swap3A_1620 = tpu.vector_load %arg8[%swap3A_1617, %swap3A_1618, %swap3A_1619] {strides = array<i32>} : memref<1x8x4096xf32, #tpu.memory_space<vmem>>, vector<16xf32>,
        tpu.vector_store %arg8[%swap3A_1617, %swap3A_1618, %swap3A_1619], %gather3A_1610 {strides = array<i32>} : memref<1x8x4096xf32, #tpu.memory_space<vmem>>, vector<16xf32>,
        %reshape3A_1621 = vector.shape_cast %get3A_859 : vector<16xi32> to vector<16x1xi32>
        %gather3A_1622 = vector.shape_cast %reshape3A_1621 : vector<16x1xi32> to vector<16xi32>
        %gather3A_1623 = tpu.dynamic_gather %gather3A_834[%gather3A_1622] in [0] : vector<16xf32>, vector<16xi32> -> vector<16xf32>
        %mul3A_1624 = arith.constant 128 : i32
        %mul3A_1625 = arith.muli %add3A_850, %mul3A_1624 : i32
        %add3A_1626 = arith.constant 0 : i32
        %add3A_1627 = arith.addi %mul3A_1625, %add3A_1626 : i32
        %swap3A_1628 = arith.constant 0 : i32
        %swap3A_1629 = arith.constant 7 : i32
        %swap3A_1630 = arith.index_cast %swap3A_1628 : i32 to index
        %swap3A_1631 = arith.index_cast %swap3A_1629 : i32 to index
        %swap3A_1632 = arith.index_cast %add3A_1627 : i32 to index
        %swap3A_1633 = tpu.vector_load %arg8[%swap3A_1630, %swap3A_1631, %swap3A_1632] {strides = array<i32>} : memref<1x8x4096xf32, #tpu.memory_space<vmem>>, vector<16xf32>,
        tpu.vector_store %arg8[%swap3A_1630, %swap3A_1631, %swap3A_1632], %gather3A_1623 {strides = array<i32>} : memref<1x8x4096xf32, #tpu.memory_space<vmem>>, vector<16xf32>,
        %reshape3A_1634 = vector.shape_cast %get3A_864 : vector<16xi32> to vector<16x1xi32>
        %gather3A_1635 = vector.shape_cast %reshape3A_1634 : vector<16x1xi32> to vector<16xi32>
        %gather3A_1636 = tpu.dynamic_gather %gather3A_834[%gather3A_1635] in [0] : vector<16xf32>, vector<16xi32> -> vector<16xf32>
        %mul3A_1637 = arith.constant 128 : i32
        %mul3A_1638 = arith.muli %add3A_850, %mul3A_1637 : i32
        %add3A_1639 = arith.constant 16 : i32
        %add3A_1640 = arith.addi %mul3A_1638, %add3A_1639 : i32
        %swap3A_1641 = arith.constant 0 : i32
        %swap3A_1642 = arith.constant 7 : i32
        %swap3A_1643 = arith.index_cast %swap3A_1641 : i32 to index
        %swap3A_1644 = arith.index_cast %swap3A_1642 : i32 to index
        %swap3A_1645 = arith.index_cast %add3A_1640 : i32 to index
        %swap3A_1646 = tpu.vector_load %arg8[%swap3A_1643, %swap3A_1644, %swap3A_1645] {strides = array<i32>} : memref<1x8x4096xf32, #tpu.memory_space<vmem>>, vector<16xf32>,
        tpu.vector_store %arg8[%swap3A_1643, %swap3A_1644, %swap3A_1645], %gather3A_1636 {strides = array<i32>} : memref<1x8x4096xf32, #tpu.memory_space<vmem>>, vector<16xf32>,
        %reshape3A_1647 = vector.shape_cast %get3A_869 : vector<16xi32> to vector<16x1xi32>
        %gather3A_1648 = vector.shape_cast %reshape3A_1647 : vector<16x1xi32> to vector<16xi32>
        %gather3A_1649 = tpu.dynamic_gather %gather3A_834[%gather3A_1648] in [0] : vector<16xf32>, vector<16xi32> -> vector<16xf32>
        %mul3A_1650 = arith.constant 128 : i32
        %mul3A_1651 = arith.muli %add3A_850, %mul3A_1650 : i32
        %add3A_1652 = arith.constant 32 : i32
        %add3A_1653 = arith.addi %mul3A_1651, %add3A_1652 : i32
        %swap3A_1654 = arith.constant 0 : i32
        %swap3A_1655 = arith.constant 7 : i32
        %swap3A_1656 = arith.index_cast %swap3A_1654 : i32 to index
        %swap3A_1657 = arith.index_cast %swap3A_1655 : i32 to index
        %swap3A_1658 = arith.index_cast %add3A_1653 : i32 to index
        %swap3A_1659 = tpu.vector_load %arg8[%swap3A_1656, %swap3A_1657, %swap3A_1658] {strides = array<i32>} : memref<1x8x4096xf32, #tpu.memory_space<vmem>>, vector<16xf32>,
        tpu.vector_store %arg8[%swap3A_1656, %swap3A_1657, %swap3A_1658], %gather3A_1649 {strides = array<i32>} : memref<1x8x4096xf32, #tpu.memory_space<vmem>>, vector<16xf32>,
        %reshape3A_1660 = vector.shape_cast %get3A_874 : vector<16xi32> to vector<16x1xi32>
        %gather3A_1661 = vector.shape_cast %reshape3A_1660 : vector<16x1xi32> to vector<16xi32>
        %gather3A_1662 = tpu.dynamic_gather %gather3A_834[%gather3A_1661] in [0] : vector<16xf32>, vector<16xi32> -> vector<16xf32>
        %mul3A_1663 = arith.constant 128 : i32
        %mul3A_1664 = arith.muli %add3A_850, %mul3A_1663 : i32
        %add3A_1665 = arith.constant 48 : i32
        %add3A_1666 = arith.addi %mul3A_1664, %add3A_1665 : i32
        %swap3A_1667 = arith.constant 0 : i32
        %swap3A_1668 = arith.constant 7 : i32
        %swap3A_1669 = arith.index_cast %swap3A_1667 : i32 to index
        %swap3A_1670 = arith.index_cast %swap3A_1668 : i32 to index
        %swap3A_1671 = arith.index_cast %add3A_1666 : i32 to index
        %swap3A_1672 = tpu.vector_load %arg8[%swap3A_1669, %swap3A_1670, %swap3A_1671] {strides = array<i32>} : memref<1x8x4096xf32, #tpu.memory_space<vmem>>, vector<16xf32>,
        tpu.vector_store %arg8[%swap3A_1669, %swap3A_1670, %swap3A_1671], %gather3A_1662 {strides = array<i32>} : memref<1x8x4096xf32, #tpu.memory_space<vmem>>, vector<16xf32>,
        %reshape3A_1673 = vector.shape_cast %get3A_879 : vector<16xi32> to vector<16x1xi32>
        %gather3A_1674 = vector.shape_cast %reshape3A_1673 : vector<16x1xi32> to vector<16xi32>
        %gather3A_1675 = tpu.dynamic_gather %gather3A_834[%gather3A_1674] in [0] : vector<16xf32>, vector<16xi32> -> vector<16xf32>
        %mul3A_1676 = arith.constant 128 : i32
        %mul3A_1677 = arith.muli %add3A_850, %mul3A_1676 : i32
        %add3A_1678 = arith.constant 64 : i32
        %add3A_1679 = arith.addi %mul3A_1677, %add3A_1678 : i32
        %swap3A_1680 = arith.constant 0 : i32
        %swap3A_1681 = arith.constant 7 : i32
        %swap3A_1682 = arith.index_cast %swap3A_1680 : i32 to index
        %swap3A_1683 = arith.index_cast %swap3A_1681 : i32 to index
        %swap3A_1684 = arith.index_cast %add3A_1679 : i32 to index
        %swap3A_1685 = tpu.vector_load %arg8[%swap3A_1682, %swap3A_1683, %swap3A_1684] {strides = array<i32>} : memref<1x8x4096xf32, #tpu.memory_space<vmem>>, vector<16xf32>,
        tpu.vector_store %arg8[%swap3A_1682, %swap3A_1683, %swap3A_1684], %gather3A_1675 {strides = array<i32>} : memref<1x8x4096xf32, #tpu.memory_space<vmem>>, vector<16xf32>,
        %reshape3A_1686 = vector.shape_cast %get3A_884 : vector<16xi32> to vector<16x1xi32>
        %gather3A_1687 = vector.shape_cast %reshape3A_1686 : vector<16x1xi32> to vector<16xi32>
        %gather3A_1688 = tpu.dynamic_gather %gather3A_834[%gather3A_1687] in [0] : vector<16xf32>, vector<16xi32> -> vector<16xf32>
        %mul3A_1689 = arith.constant 128 : i32
        %mul3A_1690 = arith.muli %add3A_850, %mul3A_1689 : i32
        %add3A_1691 = arith.constant 80 : i32
        %add3A_1692 = arith.addi %mul3A_1690, %add3A_1691 : i32
        %swap3A_1693 = arith.constant 0 : i32
        %swap3A_1694 = arith.constant 7 : i32
        %swap3A_1695 = arith.index_cast %swap3A_1693 : i32 to index
        %swap3A_1696 = arith.index_cast %swap3A_1694 : i32 to index
        %swap3A_1697 = arith.index_cast %add3A_1692 : i32 to index
        %swap3A_1698 = tpu.vector_load %arg8[%swap3A_1695, %swap3A_1696, %swap3A_1697] {strides = array<i32>} : memref<1x8x4096xf32, #tpu.memory_space<vmem>>, vector<16xf32>,
        tpu.vector_store %arg8[%swap3A_1695, %swap3A_1696, %swap3A_1697], %gather3A_1688 {strides = array<i32>} : memref<1x8x4096xf32, #tpu.memory_space<vmem>>, vector<16xf32>,
        %reshape3A_1699 = vector.shape_cast %get3A_889 : vector<16xi32> to vector<16x1xi32>
        %gather3A_1700 = vector.shape_cast %reshape3A_1699 : vector<16x1xi32> to vector<16xi32>
        %gather3A_1701 = tpu.dynamic_gather %gather3A_834[%gather3A_1700] in [0] : vector<16xf32>, vector<16xi32> -> vector<16xf32>
        %mul3A_1702 = arith.constant 128 : i32
        %mul3A_1703 = arith.muli %add3A_850, %mul3A_1702 : i32
        %add3A_1704 = arith.constant 96 : i32
        %add3A_1705 = arith.addi %mul3A_1703, %add3A_1704 : i32
        %swap3A_1706 = arith.constant 0 : i32
        %swap3A_1707 = arith.constant 7 : i32
        %swap3A_1708 = arith.index_cast %swap3A_1706 : i32 to index
        %swap3A_1709 = arith.index_cast %swap3A_1707 : i32 to index
        %swap3A_1710 = arith.index_cast %add3A_1705 : i32 to index
        %swap3A_1711 = tpu.vector_load %arg8[%swap3A_1708, %swap3A_1709, %swap3A_1710] {strides = array<i32>} : memref<1x8x4096xf32, #tpu.memory_space<vmem>>, vector<16xf32>,
        tpu.vector_store %arg8[%swap3A_1708, %swap3A_1709, %swap3A_1710], %gather3A_1701 {strides = array<i32>} : memref<1x8x4096xf32, #tpu.memory_space<vmem>>, vector<16xf32>,
        %reshape3A_1712 = vector.shape_cast %get3A_894 : vector<16xi32> to vector<16x1xi32>
        %gather3A_1713 = vector.shape_cast %reshape3A_1712 : vector<16x1xi32> to vector<16xi32>
        %gather3A_1714 = tpu.dynamic_gather %gather3A_834[%gather3A_1713] in [0] : vector<16xf32>, vector<16xi32> -> vector<16xf32>
        %mul3A_1715 = arith.constant 128 : i32
        %mul3A_1716 = arith.muli %add3A_850, %mul3A_1715 : i32
        %add3A_1717 = arith.constant 112 : i32
        %add3A_1718 = arith.addi %mul3A_1716, %add3A_1717 : i32
        %swap3A_1719 = arith.constant 0 : i32
        %swap3A_1720 = arith.constant 7 : i32
        %swap3A_1721 = arith.index_cast %swap3A_1719 : i32 to index
        %swap3A_1722 = arith.index_cast %swap3A_1720 : i32 to index
        %swap3A_1723 = arith.index_cast %add3A_1718 : i32 to index
        %swap3A_1724 = tpu.vector_load %arg8[%swap3A_1721, %swap3A_1722, %swap3A_1723] {strides = array<i32>} : memref<1x8x4096xf32, #tpu.memory_space<vmem>>, vector<16xf32>,
        tpu.vector_store %arg8[%swap3A_1721, %swap3A_1722, %swap3A_1723], %gather3A_1714 {strides = array<i32>} : memref<1x8x4096xf32, #tpu.memory_space<vmem>>, vector<16xf32>,
      }
      %scan3A_839 = arith.constant 32 : i32
      %mul3A_840 = arith.constant 8 : i32
      %mul3A_841 = arith.muli %select_n3A_710, %mul3A_840 : i32
      %mul3A_842 = arith.constant 4096 : i32
      %mul3A_843 = arith.muli %rem3A_712, %mul3A_842 : i32
      %dma_start3A_844 = tpu.memref_slice %arg4[%select_n3A_684, %mul3A_841, %mul3A_843] : memref<26x64x16384xf32, #tpu.memory_space<hbm>> -> memref<1x8x4096xf32, #tpu.memory_space<hbm>>
      %dma_start3A_845 = tpu.memref_slice %arg4[%select_n3A_684, %mul3A_841, %mul3A_843] : memref<26x64x16384xf32, #tpu.memory_space<hbm>> -> memref<1x8x4096xf32, #tpu.memory_space<hbm>>
      tpu.enqueue_dma source(%arg8 : memref<1x8x4096xf32, #tpu.memory_space<vmem>>) target(%dma_start3A_845 : memref<1x8x4096xf32, #tpu.memory_space<hbm>>) target_semaphore(%arg10 : memref<!tpu.dma_semaphore, #tpu.memory_space<semaphore_mem>>)
    }
    %scan3A_450 = arith.constant 12 : i32
    %dma_wait3A_451 = arith.constant 0 : i32
    %dma_wait3A_452 = arith.constant 0 : i32
    %dma_wait3A_453 = arith.constant 0 : i32
    %dma_wait3A_454 = tpu.memref_slice %arg4[%dma_wait3A_451, %dma_wait3A_452, %dma_wait3A_453] : memref<26x64x16384xf32, #tpu.memory_space<hbm>> -> memref<1x8x4096xf32, #tpu.memory_space<hbm>>
    %dma_wait3A_455 = arith.constant 0 : i32
    %dma_wait3A_456 = arith.constant 0 : i32
    %dma_wait3A_457 = arith.constant 0 : i32
    %dma_wait3A_458 = tpu.memref_slice %arg4[%dma_wait3A_455, %dma_wait3A_456, %dma_wait3A_457] : memref<26x64x16384xf32, #tpu.memory_space<hbm>> -> memref<1x8x4096xf32, #tpu.memory_space<hbm>>
    tpu.wait_dma2 semaphore(%arg9 : memref<!tpu.dma_semaphore, #tpu.memory_space<semaphore_mem>>) src(%arg7 : memref<1x8x4096xf32, #tpu.memory_space<vmem>>) dst(%dma_wait3A_458 : memref<1x8x4096xf32, #tpu.memory_space<hbm>>)
    %dma_wait3A_459 = arith.constant 0 : i32
    %dma_wait3A_460 = arith.constant 0 : i32
    %dma_wait3A_461 = arith.constant 0 : i32
    %dma_wait3A_462 = tpu.memref_slice %arg4[%dma_wait3A_459, %dma_wait3A_460, %dma_wait3A_461] : memref<26x64x16384xf32, #tpu.memory_space<hbm>> -> memref<1x8x4096xf32, #tpu.memory_space<hbm>>
    %dma_wait3A_463 = arith.constant 0 : i32
    %dma_wait3A_464 = arith.constant 0 : i32
    %dma_wait3A_465 = arith.constant 0 : i32
    %dma_wait3A_466 = tpu.memref_slice %arg4[%dma_wait3A_463, %dma_wait3A_464, %dma_wait3A_465] : memref<26x64x16384xf32, #tpu.memory_space<hbm>> -> memref<1x8x4096xf32, #tpu.memory_space<hbm>>
    tpu.wait_dma2 semaphore(%arg10 : memref<!tpu.dma_semaphore, #tpu.memory_space<semaphore_mem>>) src(%arg8 : memref<1x8x4096xf32, #tpu.memory_space<vmem>>) dst(%dma_wait3A_466 : memref<1x8x4096xf32, #tpu.memory_space<hbm>>)
    return
  }
}

</mosaic_0001>

<sc_bundles>
// kernel: kernel.3.cloned.1.call-start
scs
__scs_entry_jumppad:
0x0: {  	(pc) =	sbr.rel $0x88, $3  }
0x1: {  	(tag) =	ssettag $0x0;
	lr =	simm.s32 $0x1  }
0x2: {  	[smem:$0x3F9F] =	sst lr;
	_ =	strace $0xD0000000  }
0x3: {  	_ = 	snop  }
0x4: {  	_ = 	snop  }
0x5: {  	_ = 	snop  }
0x6: {  	_ = 	snop  }
0x7: {  	_ = 	snop  }
__scs_overlays_trampoline_lowered:
0x8: {  	[smem:$0x3FAE] =	sst s0  }
0x9: {  	[smem:$0x3FAF] =	sst s1  }
0xa: {  	[smem:$0x3FB0] =	sst s2  }
0xb: {  	[smem:$0x3FB1] =	sst s3  }
0xc: {  	[smem:$0x3FB2] =	sst s4  }
0xd: {  	[smem:$0x3FB3] =	sst s5  }
0xe: {  	[smem:$0x3FB4] =	sst s6  }
0xf: {  	[smem:$0x3FB5] =	sst s7  }
0x10: {  	[smem:$0x3FB6] =	sst s8  }
0x11: {  	[smem:$0x3FB7] =	sst s9;
	s0 =	simm.s32 @!p0 $0x0  }
0x12: {  	s1 =	sld [smem:$0x3F9D];
	s0 =	simm.s32 @p0 $0x1  }
0x13: {  	[smem:$0x3FB8] =	sst s0;
	s0 =	simm.s32 @!p1 $0x0  }
0x14: {  	s2 =	sld [smem:$0x3F9C];
	s0 =	simm.s32 @p1 $0x1  }
0x15: {  	[smem:$0x3FB9] =	sst s0;
	s0 =	simm.s32 @!p2 $0x0  }
0x16: {  	s3 =	sld [smem:$0x3FDB];
	s0 =	simm.s32 @p2 $0x1  }
0x17: {  	s4 =	simm.s32 $0x1BF5;
	[smem:$0x3FBB] =	sst s0  }
0x18: {  	s0 =	sld [smem:$0x3F9E];
	_ =	swait.ge [sflag:s4], $0x0  }
0x19: {  	s7 =	sld [smem:$0x3F9F]  }
0x1a: {  	s8 =	sadd.s32 $0xFFFFE003, lr  }
0x1b: {  	s9 =	sadd.s32 $0xFFFFFEF7, lr;
	s5 =	simm.s32 $0xFFFFFFFF;
	p2 =	slt.u32 s8, $0xFFFFF086  }
0x1c: {  	p1 =	slt.u32 s9, $0xF7A;
	s5 =	simm.s32 @!p2 $0x0  }
0x1d: {  	s5 =	simm.s32 @p1 $0x1;
	p0 =	seq.s32 s7, s2  }
0x1e: {  	s7 =	smul.u32 @!p0 $0xF7A, s2;
	p2 =	seq.s32 @!p0 s5, $0x0  }
0x1f: {  	s9 =	smul.u32 $0xF7A, s1;
	s8 =	simm.s32 @!p0 $0x1BF5;
	p2 =	por !p2, p0  }
0x20: {  	[sflag:s8] =	ssyncset.s32 @!p0 $0xFFFFF086;
	s6 =	sadd.s32 @!p0 s3, s7;
	s7 =	simm.s32 @!p0 $0x108  }
0x21: {  	s3 =	sadd.s32 s3, s9;
	s6 =	sadd.s32 @!p0 $0x88, s6;
	s7 =	simm.s32 @p2 $0x1082  }
0x22: {  	[simem:s7], [sflag:s8] =	dma.local @!p0 [hbm:s6], $0xF7A  }
0x23: {  	s9 =	sor.u32 $0xD0000000, s2;
	s6 =	simm.s32 $0x108;
	_ =	swait.ge @!p0 [sflag:s8], $0x0  }
0x24: {  	s3 =	sadd.s32 $0x88, s3;
	s6 =	simm.s32 @!p1 $0x1082;
	[sflag:s4] =	ssyncset.s32 $0xFFFFF086  }
0x25: {  	[simem:s6], [sflag:s4] =	dma.local [hbm:s3], $0xF7A  }
0x26: {  	[smem:$0x3F9F] =	sst s1;
	(tag) =	ssettag s2;
	_ =	strace s9  }
0x27: {  	s1 =	sld [smem:$0x3FAF]  }
0x28: {  	s2 =	sld [smem:$0x3FB0]  }
0x29: {  	s4 =	sld [smem:$0x3FB2]  }
0x2a: {  	p0 =	seq.s32 s5, $0x0;
	s5 =	sld [smem:$0x3FB3]  }
0x2b: {  	s6 =	sld [smem:$0x3FB4]  }
0x2c: {  	s7 =	sld [smem:$0x3FB5]  }
0x2d: {  	s3 =	simm.s32 $0x108;
	s8 =	sld [smem:$0x3FB6]  }
0x2e: {  	s3 =	simm.s32 @!p0 $0x1082;
	s9 =	sld [smem:$0x3FB7]  }
0x2f: {  	lr =	sadd.s32 s0, s3;
	s0 =	sld [smem:$0x3FAE]  }
0x30: {  	s3 =	sld [smem:$0x3FB1]  }
0x31: {  	[smem:$0x3FBA] =	sst s10  }
0x32: {  	s10 =	sld [smem:$0x3FB8];
	_ =	sdelay $0x3  }
0x33: {  	p0 =	seq.s32 s10, $0x1;
	s10 =	sld [smem:$0x3FBA];
	_ =	sdelay $0x3  }
0x34: {  	[smem:$0x3FBA] =	sst s10  }
0x35: {  	s10 =	sld [smem:$0x3FB9];
	_ =	sdelay $0x3  }
0x36: {  	p1 =	seq.s32 s10, $0x1;
	s10 =	sld [smem:$0x3FBA];
	_ =	sdelay $0x3  }
0x37: {  	[smem:$0x3FBA] =	sst s10  }
0x38: {  	s10 =	sld [smem:$0x3FBB]  }
0x39: {  	_ = 	snop;
	(pc) =	sbr.ind lr, $3  }
0x3a: {  	_ = 	snop  }
0x3b: {  	_ = 	snop  }
0x3c: {  	p2 =	seq.s32 s10, $0x1;
	s10 =	sld [smem:$0x3FBA]  }
0x3d: {  	_ =	shalt  }
0x3e: {  	_ =	shalt  }
0x3f: {  	_ =	shalt  }
0x40: {  	_ =	shalt  }
0x41: {  	_ =	shalt  }
0x42: {  	_ =	shalt  }
0x43: {  	_ =	shalt  }
0x44: {  	_ =	shalt  }
0x45: {  	_ =	shalt  }
0x46: {  	_ =	shalt  }
0x47: {  	_ =	shalt  }
0x48: {  	_ =	shalt  }
0x49: {  	_ =	shalt  }
0x4a: {  	_ =	shalt  }
0x4b: {  	_ =	shalt  }
0x4c: {  	_ =	shalt  }
0x4d: {  	_ =	shalt  }
0x4e: {  	_ =	shalt  }
0x4f: {  	_ =	shalt  }
0x50: {  	_ =	shalt  }
0x51: {  	_ =	shalt  }
0x52: {  	_ =	shalt  }
0x53: {  	_ =	shalt  }
0x54: {  	_ =	shalt  }
0x55: {  	_ =	shalt  }
0x56: {  	_ =	shalt  }
0x57: {  	_ =	shalt  }
0x58: {  	_ =	shalt  }
0x59: {  	_ =	shalt  }
0x5a: {  	_ =	shalt  }
0x5b: {  	_ =	shalt  }
0x5c: {  	_ =	shalt  }
0x5d: {  	_ =	shalt  }
0x5e: {  	_ =	shalt  }
0x5f: {  	_ =	shalt  }
0x60: {  	_ =	shalt  }
0x61: {  	_ =	shalt  }
0x62: {  	_ =	shalt  }
0x63: {  	_ =	shalt  }
0x64: {  	_ =	shalt  }
0x65: {  	_ =	shalt  }
0x66: {  	_ =	shalt  }
0x67: {  	_ =	shalt  }
0x68: {  	_ =	shalt  }
0x69: {  	_ =	shalt  }
0x6a: {  	_ =	shalt  }
0x6b: {  	_ =	shalt  }
0x6c: {  	_ =	shalt  }
0x6d: {  	_ =	shalt  }
0x6e: {  	_ =	shalt  }
0x6f: {  	_ =	shalt  }
0x70: {  	_ =	shalt  }
0x71: {  	_ =	shalt  }
0x72: {  	_ =	shalt  }
0x73: {  	_ =	shalt  }
0x74: {  	_ =	shalt  }
0x75: {  	_ =	shalt  }
0x76: {  	_ =	shalt  }
0x77: {  	_ =	shalt  }
0x78: {  	_ =	shalt  }
0x79: {  	_ =	shalt  }
0x7a: {  	_ =	shalt  }
0x7b: {  	_ =	shalt  }
0x7c: {  	_ =	shalt  }
0x7d: {  	_ =	shalt  }
0x7e: {  	_ =	shalt  }
0x7f: {  	_ =	shalt  }
0x80: {  	_ =	shalt  }
0x81: {  	_ =	shalt  }
0x82: {  	_ =	shalt  }
0x83: {  	_ =	shalt  }
0x84: {  	_ =	shalt  }
0x85: {  	_ =	shalt  }
0x86: {  	_ =	shalt  }
0x87: {  	_ =	shalt  }
.Lfunc_end0:
.L_simem_size_0:
called_computation_lowered:
.L_overlay_start_0:
0x88: {  	s2 =	sld [smem:$0x3FD9]  }
0x89: {  	s3 =	sld [smem:$0x3FFE];
	_ =	sdelay $0x1  }
0x8a: {  	s1 =	srdreg.scid  }
0x8b: {  	s0 =	sand.u32 $0x1, s1  }
0x8c: {  	s17 =	sshll.u32 s0, $0xA;
	s2 =	sadd.s32 s3, s2  }
0x8d: {  	s2 =	sadd.s32 s2, s17  }
0x8e: {  	[smem:$0x3FC6] =	sst s2  }
0x8f: {  	_ = 	snop  }
0x90: {  	s2 =	sld [smem:$0x3FC9]  }
0x91: {  	s18 =	sld [smem:$0x3FD0];
	(tm) =	ssettm $0x1  }
0x92: {  	s4 =	sld [smem:$0x3FFB];
	_ =	sdelay $0x3  }
0x93: {  	_ =	strace s4  }
0x94: {  	s4 =	sld [smem:$0x3FFC];
	_ =	sdelay $0x3  }
0x95: {  	_ =	strace s4  }
0x96: {  	s4 =	sld [smem:$0x3FFD];
	_ =	sdelay $0x3  }
0x97: {  	_ =	strace s4  }
0x98: {  	_ =	strace $0x8FFFFFFF  }
0x99: {  	s19 =	sld [smem:$0x3FDB];
	_ =	sdelay $0x1  }
0x9a: {  	s5 =	simm.s32 $_scs_section_size  }
0x9b: {  	s6 =	simm.s32 $_size__tile_overlayer_lowered;
	s7 =	simm.s32 $_tile_overlayer_lowered  }
0x9c: {  	s22 =	simm.s32 $0x1BFF;
	s21 =	sshll.u32 s7, $0x1;
	s4 =	sadd.s32 s5, s19  }
0x9d: {  	s8 =	simm.s32 $0x0;
	s20 =	sshll.u32 s6, $0x1;
	s6 =	sadd.s32 s21, s4  }
0x9e: {  	[timem:s8], [sflag:s22] =	dma.local [hbm:s6], s20  }
0x9f: {  	_ =	swait.ge [sflag:s22], s20  }
0xa0: {  	s5 =	ssub.s32 $0x0, s20;
	[sflag:s22] =	ssyncset.done $0x0  }
0xa1: {  	[sflag:s22] =	ssyncadd.s32 s5;
	_ =	sdelay $0x1  }
0xa2: {  	s23 =	simm.s32 $0x1B8B  }
0xa3: {  	_ =	swait.ge [sflag:s23], $0x1  }
0xa4: {  	[sflag:s23] =	ssyncset.done $0x0  }
0xa5: {  	s25 =	simm.s32 $0x1B8E;
	s24 =	sld [smem:$0x3FFE];
	[sflag:s23] =	ssyncadd.s32 $0xFFFFFFFF  }
0xa6: {  	s26 =	simm.s32 $execute0_lowered;
	[smem:$0x3FD2] =	sst s25  }
0xa7: {  	s6 =	sshll.u32 s26, $0x1;
	_ =	strace $0x80000046;
	[dreg:$0x1] =	wrdreg $0xFFFFFFFF  }
0xa8: {  	s28 =	simm.s32 $_size_execute0_lowered;
	s4 =	sadd.s32 s4, s6;
	[dreg:$0x0] =	wrdreg $0x0  }
0xa9: {  	s6 =	sshll.u32 s28, $0x1;
	[dreg:$0x2] =	wrdreg s4  }
0xaa: {  	[dreg:$0x3] =	wrdreg s6  }
0xab: {  	[dreg:$0x4] =	wrdreg $0xC0  }
0xac: {  	_ =	task [dreg:s8], $0x5FFFF  }
0xad: {  	[dreg:$0x1] =	wrdreg $0xFFFFFFFF  }
0xae: {  	[dreg:$0x0] =	wrdreg $0x60  }
0xaf: {  	[dreg:$0x2] =	wrdreg s2  }
0xb0: {  	[dreg:$0x3] =	wrdreg s24  }
0xb1: {  	[dreg:$0x4] =	wrdreg s18  }
0xb2: {  	[dreg:$0x5] =	wrdreg $0x9  }
0xb3: {  	_ =	task.clear_ibuf [dreg:s8], $0x6FFFF;
	_ =	strace $0x90000046  }
0xb4: {  	s29 =	simm.s32 $0x9;
	_ =	strace $0x80000048  }
0xb5: {  	_ =	swait.ge [sflag:s29], $0x1  }
0xb6: {  	[sflag:s29] =	ssyncadd.s32 $0xFFFFFFFF  }
0xb7: {  	_ =	strace $0x90000048  }
0xb8: {  	_ =	sfence  }
0xb9: {  	s30 =	sld [smem:$0x0];
	_ =	sdelay $0x2  }
0xba: {  	s31 =	sshll.u32 s1, $0xD;
	s1 =	sshrl.u32 s1, $0x2  }
0xbb: {  	s3 =	sand.u32 $0x4000, s31;
	s1 =	sadd.s32 s1, s30  }
0xbc: {  	s0 =	sor.u32 s3, s0;
	s1 =	sshll.u32 s1, $0x11  }
0xbd: {  	s0 =	sor.u32 s1, s0  }
0xbe: {  	s0 =	sadd.s32 $0x8F2B, s0  }
0xbf: {  	[sflag:s0] =	ssyncadd.remote.s32 $0x1  }
0xc0: {  	_ =	sfence.sel $0xFFFF  }
0xc1: {  	[dreg:$0x0] =	wrdreg $0xFFFFFFFF;
	(pc) =	sbr.abs _section_cstart, $3  }
0xc2: {  	[dreg:$0x1] =	wrdreg $0xFFFFFFFF  }
0xc3: {  	_ =	task.clear_ibuf [dreg:s8], $0x2FFFF;
	_ =	strace $0x9FFFFFFF  }
0xc4: {  	(tm) =	ssettm $0x7FFFFFFF  }
0xc5: {  	_ =	shalt  }
tec
execute0_lowered:
.L_overlay_start_1:
0x0: {  	(tag) =	ssettag $0x1  }
0x1: {  	s7 =	rddreg [dreg:$0x0]  }
0x2: {  	s4 =	rddreg [dreg:$0x1]  }
0x3: {  	s8 =	srdreg.scid;
	s2 =	rddreg [dreg:$0x2]  }
0x4: {  	s0 =	stileid.u32;
	s1 =	rddreg [dreg:$0x3]  }
0x5: {  	s3 =	simm.s32 $0x0;
	s9 =	sand.u32 $0x1, s8;
	s5 =	sshll.u32 s0, $0x1  }
0x6: {  	[smem:$0x7FF] =	sst s3;
	s4 =	sadd.s32 $0x400, s4;
	s5 =	sor.u32 s9, s5  }
0x7: {  	s23 =	sshll.u32 s8, $0x1;
	s6 =	ssub.s32 $0x2, s9;
	s11 =	smul.u32 $0x1A, s5  }
0x8: {  	_ =	strace $0x80000047;
	s20 =	sshll.u32 s9, $0x10;
	s26 =	sshrl.u32 s6, $0x1  }
0x9: {  	v0 =	vimm.s32 $0xC0804000;
	s12 =	ssub.s32 s6, s26;
	s28 =	sshrl.u32 s11, $0x1;
	s5 =	sshrl.u32 s11, $0x5  }
0xa: {  	v0 =	vunpack.c.0.s8.s32 v0;
	s10 =	sshll.u32 s11, $0x6;
	s13 =	sadd.s32 $0x18, s11;
	s14 =	sshrl.u32 s11, $0x2  }
0xb: {  	s12 =	smax.u32 s12, $0x1;
	s6 =	sand.u32 $0x70, s28;
	s10 =	sand.u32 $0xC000, s10  }
0xc: {  	vm0 =	vcmask $0xF00;
	v0 =	vand.u32 $0xFF, v0;
	s29 =	sshrl.u32 s13, $0x1;
	s13 =	sshll.u32 s13, $0x6;
	s14 =	sand.u32 $0x7, s14  }
0xd: {  	vm11 =	vcmask $0x1310;
	v0 =	vnsel vm0, $0x240, v0;
	s30 =	smul.u32 $0x280, s5;
	s17 =	sshll.u32 s5, $0x14;
	s6 =	sadd.s32 s7, s6  }
0xe: {  	vm12 =	vcmask $0x1714;
	v0 =	vsel vm11, $0x100, v0;
	s13 =	sand.u32 $0x1C000, s13;
	s15 =	sshll.u32 s14, $0x3;
	s18 =	sshll.u32 s14, $0x11  }
0xf: {  	vm13 =	vcmask $0x1B18;
	v0 =	vsel vm12, $0x140, v0;
	s22 =	sshllo.u32 s14, $0x3;
	s6 =	sadd.s32 s10, s6;
	s10 =	sand.u32 $0x70, s29  }
0x10: {  	vm14 =	vcmask $0x1F1C;
	v0 =	vsel vm13, $0x180, v0;
	s31 =	sor.u32 $0x1, s15;
	s16 =	sor.u32 $0x2, s15;
	s19 =	sor.u32 $0x3, s15  }
0x11: {  	vm15 =	vcmask $0x2320;
	s24 =	sor.u32 s17, s18;
	s25 =	sor.u32 $0x4, s15;
	s26 =	sor.u32 $0x5, s15;
	v0 =	vsel vm14, $0x1C0, v0  }
0x12: {  	s21 =	sor.u32 $0x6, s15;
	s29 =	ssub.s32 $0x2, s23;
	s17 =	simm.s32 $0x14100;
	v0 =	vsel vm15, $0x200, v0  }
0x13: {  	s18 =	simm.s32 $0x0;
	s7 =	sadd.s32 s7, s10;
	v8 =	vadd.s32 s30, v0;
	s30 =	sshrl.u32 s20, $0x2  }
0x14: {  	s9 =	sor.u32 s20, s24;
	v2 =	vor.u32 s31, v8;
	s31 =	sadd.s32 $0x4140, s30;
	s20 =	sadd.s32 $0x6170, s30  }
0x15: {  	s10 =	sadd.s32 $0x2, s11;
	s11 =	sadd.s32 $0x3, s11;
	s28 =	sor.u32 $0x8000, s9;
	v9 =	vmov s31;
	v10 =	vmov s20  }
0x16: {  	s7 =	sadd.s32 s13, s7;
	s9 =	sshrl.u32 s9, $0x3;
	s14 =	sshrl.u32 s28, $0x3  }
0x17: {  	s8 =	sadd.s32 s2, s9;
	v1 =	vor.u32 s15, v8;
	s9 =	sadd.s32 s2, s14;
	s14 =	sshrl.u32 s29, $0x1  }
0x18: {  	s13 =	sxor.u32 $0x3, s23;
	v3 =	vor.u32 s16, v8;
	v4 =	vor.u32 s19, v8;
	v5 =	vor.u32 s25, v8;
	s15 =	simm.s32 $0x2;
	s14 =	sand.u32 $0x1, s14  }
0x19: {  	v6 =	vor.u32 s26, v8;
	v7 =	vor.u32 s21, v8;
	v8 =	vor.u32 s22, v8;
	s16 =	simm.s32 $0xC100;
	p0 =	seq.s32 s14, $0x1;
	s14 =	simm.s32 $0x1  }
.LBB2_1:
0x1a: {  	[tilespmem:s3], [sflag:$0x1] =	stream.linear.gather [hbm4b:s4+s3], $0x4100, $0x38;
	[tilespmem:$0x1C100] =	vst v63  }
0x1b: {  	s19 =	simm.s32 $0x4100  }
0x1c: {  	s20 =	simm.s32 $0x80;
	s22 =	sadd.s32 $0x0, s6;
	s21 =	simm.s32 $0x4200  }
.LBB2_2:
0x1d: {  	[tilespmem:s19], [sflag:$0x2] =	stream.linear.gather [hbm4b:s22+s3], $0x80, $0x38;
	[tilespmem:$0x1C100] =	vst v63  }
0x1e: {  	s22 =	smov.u32 s20;
	s19 =	smov.u32 s21;
	p1 =	sne.s32 s20, $0x3F80  }
.Ltmp0:
0x1f: {  	s20 =	sadd.s32 $0x80, s20;
	(pc) =	sbr.rel @p1 .LBB2_2-.Ltmp0, $2  }
0x20: {  	_ =	sdelay $0x2  }
0x21: {  	s21 =	sadd.s32 $0x100, s21;
	s22 =	sadd.s32 s22, s6  }
0x22: {  	[tilespmem:s19], [sflag:$0x2] =	stream.linear.gather [hbm4b:s22+s3], $0x80, $0x38;
	[tilespmem:$0x1C100] =	vst v63  }
0x23: {  	s19 =	simm.s32 $0x4180  }
0x24: {  	s20 =	simm.s32 $0x80;
	s22 =	sadd.s32 $0x0, s7;
	s21 =	simm.s32 $0x4280  }
.LBB2_4:
0x25: {  	[tilespmem:s19], [sflag:$0x2] =	stream.linear.gather [hbm4b:s22+s3], $0x80, $0x38;
	[tilespmem:$0x1C100] =	vst v63  }
0x26: {  	s22 =	smov.u32 s20;
	s19 =	smov.u32 s21;
	p1 =	sne.s32 s20, $0x3F80  }
.Ltmp1:
0x27: {  	s20 =	sadd.s32 $0x80, s20;
	(pc) =	sbr.rel @p1 .LBB2_4-.Ltmp1, $2  }
0x28: {  	_ =	sdelay $0x2  }
0x29: {  	s21 =	sadd.s32 $0x100, s21;
	s22 =	sadd.s32 s22, s7  }
0x2a: {  	[tilespmem:s19], [sflag:$0x2] =	stream.linear.gather [hbm4b:s22+s3], $0x80, $0x38;
	[tilespmem:$0x1C100] =	vst v63  }
0x2b: {  	_ =	swait.ge [sflag:s14], $0x4100  }
0x2c: {  	[sflag:s14] =	ssyncset.done $0x0  }
0x2d: {  	[sflag:s14] =	ssyncadd.s32 $0xFFFFBF00  }
0x2e: {  	_ =	swait.ge [sflag:s15], $0x4000  }
0x2f: {  	[sflag:s15] =	ssyncset.done $0x0  }
0x30: {  	[sflag:s15] =	ssyncadd.s32 $0xFFFFC000  }
0x31: {  	_ =	swait.ge [sflag:s15], $0x4000  }
0x32: {  	[sflag:s15] =	ssyncset.done $0x0  }
0x33: {  	s31 =	simm.s32 $0x0;
	[sflag:s15] =	ssyncadd.s32 $0xFFFFC000  }
0x34: {  	v18 =	vld.idx.msk [tilespmem:v1+s31+$0x0], $0xffff  }
0x35: {  	v11 =	vld.idx.msk [tilespmem:v2+s31+$0x0], $0xffff  }
0x36: {  	v12 =	vld.idx.msk [tilespmem:v3+s31+$0x0], $0xffff  }
0x37: {  	v13 =	vld.idx.msk [tilespmem:v4+s31+$0x0], $0xffff  }
0x38: {  	v14 =	vld.idx.msk [tilespmem:v5+s31+$0x0], $0xffff  }
0x39: {  	v15 =	vld.idx.msk [tilespmem:v6+s31+$0x0], $0xffff  }
0x3a: {  	v16 =	vld.idx.msk [tilespmem:v7+s31+$0x0], $0xffff  }
0x3b: {  	s20 =	simm.s32 $0x0;
	v17 =	vld.idx.msk [tilespmem:v8+s31+$0x0], $0xffff  }
0x3c: {  	v20 =	vld.idx.msk [tilespmem:v9+s20+$0x30 ss:$0x1], $0xffff  }
0x3d: {  	v21 =	vld.idx.msk [tilespmem:v9+s20+$0xFFFFFFC0 ss:$0x1], $0xffff  }
0x3e: {  	v22 =	vld.idx.msk [tilespmem:v9+s20+$0xFFFFFFD0 ss:$0x1], $0xffff  }
0x3f: {  	v19 =	vld.idx.msk [tilespmem:v9+s20+$0xFFFFFFE0 ss:$0x1], $0xffff  }
0x40: {  	v23 =	vld.idx.msk [tilespmem:v9+s20+$0xFFFFFFF0 ss:$0x1], $0xffff  }
0x41: {  	v24 =	vld.idx.msk [tilespmem:v9+s20+$0x0 ss:$0x1], $0xffff;
	v25 =	vperm.xlane v17, v20  }
0x42: {  	s19 =	simm.s32 $0xC300;
	v26 =	vld.idx.msk [tilespmem:v9+s20+$0x10 ss:$0x1], $0xffff;
	v27 =	vperm.xlane v18, v20  }
0x43: {  	v28 =	vld.idx.msk [tilespmem:v9+s20+$0x20 ss:$0x1], $0xffff;
	v29 =	vperm.xlane v18, v21;
	[tilespmem:s19+$0x1F0] =	vst v25  }
0x44: {  	v41 =	vperm.xlane v18, v22;
	[tilespmem:s19+$0xFFFFFE70] =	vst v27  }
0x45: {  	v42 =	vperm.xlane v18, v19;
	[tilespmem:s19+$0xFFFFFE00] =	vst v29  }
0x46: {  	v43 =	vperm.xlane v18, v23;
	[tilespmem:s19+$0xFFFFFE10] =	vst v41  }
0x47: {  	v44 =	vperm.xlane v18, v24;
	[tilespmem:s19+$0xFFFFFE20] =	vst v42  }
0x48: {  	v45 =	vperm.xlane v17, v26;
	[tilespmem:s19+$0xFFFFFE30] =	vst v43  }
0x49: {  	v46 =	vperm.xlane v18, v28;
	[tilespmem:s19+$0xFFFFFE40] =	vst v44  }
0x4a: {  	v47 =	vperm.xlane v17, v28;
	[tilespmem:s19+$0x1D0] =	vst v45  }
0x4b: {  	v48 =	vperm.xlane v16, v28;
	[tilespmem:s19+$0xFFFFFE60] =	vst v46  }
0x4c: {  	v49 =	vperm.xlane v16, v26;
	[tilespmem:s19+$0x1E0] =	vst v47  }
0x4d: {  	v50 =	vperm.xlane v15, v28;
	[tilespmem:s19+$0x160] =	vst v48  }
0x4e: {  	v51 =	vperm.xlane v15, v26;
	[tilespmem:s19+$0x150] =	vst v49  }
0x4f: {  	v52 =	vperm.xlane v14, v28;
	[tilespmem:s19+$0xE0] =	vst v50  }
0x50: {  	v53 =	vperm.xlane v14, v26;
	[tilespmem:s19+$0xD0] =	vst v51  }
0x51: {  	v54 =	vperm.xlane v13, v28;
	[tilespmem:s19+$0x60] =	vst v52  }
0x52: {  	v55 =	vperm.xlane v13, v26;
	[tilespmem:s19+$0x50] =	vst v53  }
0x53: {  	v56 =	vperm.xlane v12, v28;
	[tilespmem:s19+$0xFFFFFFE0] =	vst v54  }
0x54: {  	v57 =	vperm.xlane v12, v26;
	[tilespmem:s19+$0xFFFFFFD0] =	vst v55  }
0x55: {  	v58 =	vperm.xlane v11, v28;
	[tilespmem:s19+$0xFFFFFF60] =	vst v56  }
0x56: {  	v59 =	vperm.xlane v11, v26;
	[tilespmem:s19+$0xFFFFFF50] =	vst v57  }
0x57: {  	v60 =	vperm.xlane v18, v26;
	[tilespmem:s19+$0xFFFFFEE0] =	vst v58  }
0x58: {  	v61 =	vperm.xlane v11, v22;
	[tilespmem:s19+$0xFFFFFED0] =	vst v59  }
0x59: {  	v62 =	vperm.xlane v11, v21;
	[tilespmem:s19+$0xFFFFFE50] =	vst v60  }
0x5a: {  	v63 =	vperm.xlane v17, v24;
	[tilespmem:s19+$0xFFFFFE90] =	vst v61  }
0x5b: {  	v30 =	vperm.xlane v17, v23;
	[tilespmem:s19+$0xFFFFFE80] =	vst v62  }
0x5c: {  	v31 =	vperm.xlane v17, v19;
	[tilespmem:s19+$0x1C0] =	vst v63  }
0x5d: {  	v32 =	vperm.xlane v17, v22;
	[tilespmem:s19+$0x1B0] =	vst v30  }
0x5e: {  	v33 =	vperm.xlane v17, v21;
	[tilespmem:s19+$0x1A0] =	vst v31  }
0x5f: {  	v34 =	vperm.xlane v16, v20;
	[tilespmem:s19+$0x190] =	vst v32  }
0x60: {  	v35 =	vperm.xlane v16, v24;
	[tilespmem:s19+$0x180] =	vst v33  }
0x61: {  	v36 =	vperm.xlane v16, v23;
	[tilespmem:s19+$0x170] =	vst v34  }
0x62: {  	v37 =	vperm.xlane v16, v19;
	[tilespmem:s19+$0x140] =	vst v35  }
0x63: {  	v38 =	vperm.xlane v16, v22;
	[tilespmem:s19+$0x130] =	vst v36  }
0x64: {  	v39 =	vperm.xlane v16, v21;
	[tilespmem:s19+$0x120] =	vst v37  }
0x65: {  	v40 =	vperm.xlane v15, v20;
	[tilespmem:s19+$0x110] =	vst v38  }
0x66: {  	v41 =	vperm.xlane v15, v24;
	[tilespmem:s19+$0x100] =	vst v39  }
0x67: {  	v42 =	vperm.xlane v15, v23;
	[tilespmem:s19+$0xF0] =	vst v40  }
0x68: {  	v43 =	vperm.xlane v15, v19;
	[tilespmem:s19+$0xC0] =	vst v41  }
0x69: {  	v44 =	vperm.xlane v15, v22;
	[tilespmem:s19+$0xB0] =	vst v42  }
0x6a: {  	v45 =	vperm.xlane v15, v21;
	[tilespmem:s19+$0xA0] =	vst v43  }
0x6b: {  	v46 =	vperm.xlane v14, v20;
	[tilespmem:s19+$0x90] =	vst v44  }
0x6c: {  	v47 =	vperm.xlane v14, v24;
	[tilespmem:s19+$0x80] =	vst v45  }
0x6d: {  	v48 =	vperm.xlane v14, v23;
	[tilespmem:s19+$0x70] =	vst v46  }
0x6e: {  	v49 =	vperm.xlane v14, v19;
	[tilespmem:s19+$0x40] =	vst v47  }
0x6f: {  	v50 =	vperm.xlane v14, v22;
	[tilespmem:s19+$0x30] =	vst v48  }
0x70: {  	v51 =	vperm.xlane v14, v21;
	[tilespmem:s19+$0x20] =	vst v49  }
0x71: {  	v52 =	vperm.xlane v13, v20;
	[tilespmem:s19+$0x10] =	vst v50  }
0x72: {  	v53 =	vperm.xlane v13, v24;
	[tilespmem:s19+$0x0] =	vst v51  }
0x73: {  	v54 =	vperm.xlane v13, v23;
	[tilespmem:s19+$0xFFFFFFF0] =	vst v52  }
0x74: {  	v55 =	vperm.xlane v13, v19;
	[tilespmem:s19+$0xFFFFFFC0] =	vst v53  }
0x75: {  	v56 =	vperm.xlane v13, v22;
	[tilespmem:s19+$0xFFFFFFB0] =	vst v54  }
0x76: {  	v57 =	vperm.xlane v13, v21;
	[tilespmem:s19+$0xFFFFFFA0] =	vst v55  }
0x77: {  	v58 =	vperm.xlane v12, v20;
	[tilespmem:s19+$0xFFFFFF90] =	vst v56  }
0x78: {  	v59 =	vperm.xlane v12, v24;
	[tilespmem:s19+$0xFFFFFF80] =	vst v57  }
0x79: {  	v60 =	vperm.xlane v12, v23;
	[tilespmem:s19+$0xFFFFFF70] =	vst v58  }
0x7a: {  	v61 =	vperm.xlane v12, v19;
	[tilespmem:s19+$0xFFFFFF40] =	vst v59  }
0x7b: {  	v22 =	vperm.xlane v12, v22;
	[tilespmem:s19+$0xFFFFFF30] =	vst v60  }
0x7c: {  	v21 =	vperm.xlane v12, v21;
	[tilespmem:s19+$0xFFFFFF20] =	vst v61  }
0x7d: {  	v20 =	vperm.xlane v11, v20;
	[tilespmem:s19+$0xFFFFFF10] =	vst v22  }
0x7e: {  	v62 =	vperm.xlane v11, v24;
	[tilespmem:s19+$0xFFFFFF00] =	vst v21  }
0x7f: {  	v63 =	vperm.xlane v11, v23;
	[tilespmem:s19+$0xFFFFFEF0] =	vst v20  }
0x80: {  	v19 =	vperm.xlane v11, v19;
	[tilespmem:s19+$0xFFFFFEC0] =	vst v62  }
0x81: {  	[tilespmem:s19+$0xFFFFFEB0] =	vst v63  }
0x82: {  	s21 =	simm.s32 $0x100;
	s20 =	simm.s32 $0x800;
	[tilespmem:s19+$0xFFFFFEA0] =	vst v19  }
.LBB2_6:
0x83: {  	p1 =	sne.s32 s20, $0x7C00;
	v20 =	vld.idx.msk [tilespmem:v9+s21+$0x30 ss:$0x1], $0xffff;
	_ =	sdelay $0x1  }
0x84: {  	v23 =	vld.idx.msk [tilespmem:v9+s21+$0xFFFFFFC0 ss:$0x1], $0xffff  }
0x85: {  	v24 =	vld.idx.msk [tilespmem:v9+s21+$0xFFFFFFD0 ss:$0x1], $0xffff  }
0x86: {  	v21 =	vld.idx.msk [tilespmem:v9+s21+$0xFFFFFFE0 ss:$0x1], $0xffff  }
0x87: {  	v22 =	vld.idx.msk [tilespmem:v9+s21+$0xFFFFFFF0 ss:$0x1], $0xffff  }
0x88: {  	v26 =	vperm.xlane v18, v20;
	v27 =	vperm.xlane v17, v20;
	v25 =	vld.idx.msk [tilespmem:v9+s21+$0x0 ss:$0x1], $0xffff  }
0x89: {  	s19 =	sadd.s32 $0x400, s19;
	v19 =	vperm.xlane v15, v20;
	v29 =	vperm.xlane v16, v20;
	v28 =	vld.idx.msk [tilespmem:v9+s21+$0x10 ss:$0x1], $0xffff  }
0x8a: {  	v31 =	vperm.xlane v18, v23;
	v32 =	vperm.xlane v11, v23;
	v30 =	vld.idx.msk [tilespmem:v9+s21+$0x20 ss:$0x1], $0xffff;
	[tilespmem:s19+$0x1F0] =	vst v27  }
0x8b: {  	v27 =	vperm.xlane v18, v24;
	[tilespmem:s19+$0xFFFFFE70] =	vst v26;
	v26 =	vperm.xlane v11, v24  }
0x8c: {  	v33 =	vperm.xlane v17, v21;
	[tilespmem:s19+$0xFFFFFE00] =	vst v31;
	v31 =	vperm.xlane v18, v21  }
0x8d: {  	v34 =	vperm.xlane v17, v22;
	[tilespmem:s19+$0xFFFFFE10] =	vst v27;
	v27 =	vperm.xlane v18, v22  }
0x8e: {  	v35 =	vperm.xlane v17, v25;
	[tilespmem:s19+$0xFFFFFE20] =	vst v31;
	v31 =	vperm.xlane v18, v25  }
0x8f: {  	v36 =	vperm.xlane v17, v28;
	[tilespmem:s19+$0xFFFFFE30] =	vst v27;
	v27 =	vperm.xlane v16, v28  }
0x90: {  	v37 =	vperm.xlane v17, v30;
	[tilespmem:s19+$0xFFFFFE40] =	vst v31;
	v31 =	vperm.xlane v18, v30  }
0x91: {  	v38 =	vperm.xlane v15, v30;
	v39 =	vperm.xlane v16, v30;
	[tilespmem:s19+$0x1D0] =	vst v36  }
0x92: {  	v36 =	vperm.xlane v15, v28;
	[tilespmem:s19+$0xFFFFFE60] =	vst v31;
	v31 =	vperm.xlane v14, v30  }
0x93: {  	v41 =	vperm.xlane v14, v28;
	v40 =	vperm.xlane v13, v30;
	[tilespmem:s19+$0x1E0] =	vst v37  }
0x94: {  	v42 =	vperm.xlane v13, v28;
	v37 =	vperm.xlane v12, v30;
	[tilespmem:s19+$0x160] =	vst v39  }
0x95: {  	v30 =	vperm.xlane v11, v30;
	v39 =	vperm.xlane v12, v28;
	[tilespmem:s19+$0x150] =	vst v27  }
0x96: {  	v27 =	vperm.xlane v18, v28;
	v28 =	vperm.xlane v11, v28;
	[tilespmem:s19+$0xE0] =	vst v38  }
0x97: {  	v38 =	vperm.xlane v17, v24;
	[tilespmem:s19+$0xD0] =	vst v36;
	v36 =	vperm.xlane v17, v23  }
0x98: {  	v43 =	vperm.xlane v16, v25;
	[tilespmem:s19+$0x60] =	vst v31;
	v31 =	vperm.xlane v16, v22  }
0x99: {  	v44 =	vperm.xlane v16, v21;
	[tilespmem:s19+$0x50] =	vst v41;
	v41 =	vperm.xlane v16, v24  }
0x9a: {  	v45 =	vperm.xlane v16, v23;
	[tilespmem:s19+$0xFFFFFFE0] =	vst v40;
	v40 =	vperm.xlane v15, v25  }
0x9b: {  	v46 =	vperm.xlane v15, v22;
	[tilespmem:s19+$0xFFFFFFD0] =	vst v42;
	v42 =	vperm.xlane v15, v21  }
0x9c: {  	v47 =	vperm.xlane v15, v24;
	[tilespmem:s19+$0xFFFFFF60] =	vst v37;
	v37 =	vperm.xlane v15, v23  }
0x9d: {  	v48 =	vperm.xlane v14, v20;
	[tilespmem:s19+$0xFFFFFF50] =	vst v39;
	v39 =	vperm.xlane v14, v25  }
0x9e: {  	v49 =	vperm.xlane v14, v22;
	[tilespmem:s19+$0xFFFFFEE0] =	vst v30;
	v30 =	vperm.xlane v14, v21  }
0x9f: {  	v50 =	vperm.xlane v14, v24;
	[tilespmem:s19+$0xFFFFFED0] =	vst v28;
	v28 =	vperm.xlane v14, v23  }
0xa0: {  	v51 =	vperm.xlane v13, v20;
	[tilespmem:s19+$0xFFFFFE50] =	vst v27;
	v27 =	vperm.xlane v13, v25  }
0xa1: {  	v52 =	vperm.xlane v13, v22;
	[tilespmem:s19+$0xFFFFFE90] =	vst v26;
	v26 =	vperm.xlane v13, v21  }
0xa2: {  	v53 =	vperm.xlane v13, v24;
	[tilespmem:s19+$0xFFFFFE80] =	vst v32;
	v32 =	vperm.xlane v13, v23  }
0xa3: {  	v55 =	vperm.xlane v12, v20;
	v54 =	vperm.xlane v12, v25;
	[tilespmem:s19+$0x1C0] =	vst v35  }
0xa4: {  	v56 =	vperm.xlane v12, v22;
	v35 =	vperm.xlane v12, v21;
	[tilespmem:s19+$0x1B0] =	vst v34  }
0xa5: {  	v24 =	vperm.xlane v12, v24;
	v23 =	vperm.xlane v12, v23;
	[tilespmem:s19+$0x1A0] =	vst v33  }
0xa6: {  	v20 =	vperm.xlane v11, v20;
	v25 =	vperm.xlane v11, v25;
	[tilespmem:s19+$0x190] =	vst v38  }
0xa7: {  	v22 =	vperm.xlane v11, v22;
	v21 =	vperm.xlane v11, v21;
	[tilespmem:s19+$0x180] =	vst v36  }
0xa8: {  	[tilespmem:s19+$0x170] =	vst v29  }
0xa9: {  	[tilespmem:s19+$0x140] =	vst v43  }
0xaa: {  	[tilespmem:s19+$0x130] =	vst v31  }
0xab: {  	[tilespmem:s19+$0x120] =	vst v44  }
0xac: {  	[tilespmem:s19+$0x110] =	vst v41  }
0xad: {  	[tilespmem:s19+$0x100] =	vst v45  }
0xae: {  	[tilespmem:s19+$0xF0] =	vst v19  }
0xaf: {  	[tilespmem:s19+$0xC0] =	vst v40  }
0xb0: {  	[tilespmem:s19+$0xB0] =	vst v46  }
0xb1: {  	[tilespmem:s19+$0xA0] =	vst v42  }
0xb2: {  	[tilespmem:s19+$0x90] =	vst v47  }
0xb3: {  	[tilespmem:s19+$0x80] =	vst v37  }
0xb4: {  	[tilespmem:s19+$0x70] =	vst v48  }
0xb5: {  	[tilespmem:s19+$0x40] =	vst v39  }
0xb6: {  	[tilespmem:s19+$0x30] =	vst v49  }
0xb7: {  	[tilespmem:s19+$0x20] =	vst v30  }
0xb8: {  	[tilespmem:s19+$0x10] =	vst v50  }
0xb9: {  	[tilespmem:s19+$0x0] =	vst v28  }
0xba: {  	[tilespmem:s19+$0xFFFFFFF0] =	vst v51  }
0xbb: {  	[tilespmem:s19+$0xFFFFFFC0] =	vst v27  }
0xbc: {  	[tilespmem:s19+$0xFFFFFFB0] =	vst v52  }
0xbd: {  	[tilespmem:s19+$0xFFFFFFA0] =	vst v26  }
0xbe: {  	[tilespmem:s19+$0xFFFFFF90] =	vst v53  }
0xbf: {  	[tilespmem:s19+$0xFFFFFF80] =	vst v32  }
0xc0: {  	[tilespmem:s19+$0xFFFFFF70] =	vst v55  }
0xc1: {  	[tilespmem:s19+$0xFFFFFF40] =	vst v54  }
0xc2: {  	[tilespmem:s19+$0xFFFFFF30] =	vst v56  }
0xc3: {  	[tilespmem:s19+$0xFFFFFF20] =	vst v35  }
0xc4: {  	[tilespmem:s19+$0xFFFFFF10] =	vst v24  }
.Ltmp2:
0xc5: {  	[tilespmem:s19+$0xFFFFFF00] =	vst v23;
	(pc) =	sbr.rel @p1 .LBB2_6-.Ltmp2, $4  }
0xc6: {  	[tilespmem:s19+$0xFFFFFEF0] =	vst v20  }
0xc7: {  	[tilespmem:s19+$0xFFFFFEC0] =	vst v25  }
0xc8: {  	[tilespmem:s19+$0xFFFFFEB0] =	vst v22  }
0xc9: {  	s21 =	sshra.s32 s20, $0x2;
	s20 =	sadd.s32 $0x400, s20;
	[tilespmem:s19+$0xFFFFFEA0] =	vst v21  }
0xca: {  	_ =	sdelay $0x3  }
0xcb: {  	v20 =	vld.idx.msk [tilespmem:v9+s21+$0x30 ss:$0x1], $0xffff  }
0xcc: {  	v21 =	vld.idx.msk [tilespmem:v9+s21+$0xFFFFFFC0 ss:$0x1], $0xffff  }
0xcd: {  	v22 =	vld.idx.msk [tilespmem:v9+s21+$0xFFFFFFD0 ss:$0x1], $0xffff  }
0xce: {  	v19 =	vld.idx.msk [tilespmem:v9+s21+$0xFFFFFFE0 ss:$0x1], $0xffff  }
0xcf: {  	v23 =	vld.idx.msk [tilespmem:v9+s21+$0xFFFFFFF0 ss:$0x1], $0xffff  }
0xd0: {  	v24 =	vld.idx.msk [tilespmem:v9+s21+$0x0 ss:$0x1], $0xffff;
	v25 =	vperm.xlane v17, v20  }
0xd1: {  	v26 =	vld.idx.msk [tilespmem:v9+s21+$0x10 ss:$0x1], $0xffff;
	s19 =	sadd.s32 $0x400, s19;
	v27 =	vperm.xlane v18, v20  }
0xd2: {  	v28 =	vld.idx.msk [tilespmem:v9+s21+$0x20 ss:$0x1], $0xffff;
	v29 =	vperm.xlane v18, v21;
	[tilespmem:s19+$0x1F0] =	vst v25  }
0xd3: {  	v45 =	vperm.xlane v18, v22;
	[tilespmem:s19+$0xFFFFFE70] =	vst v27  }
0xd4: {  	v46 =	vperm.xlane v18, v19;
	[tilespmem:s19+$0xFFFFFE00] =	vst v29  }
0xd5: {  	v47 =	vperm.xlane v18, v23;
	[tilespmem:s19+$0xFFFFFE10] =	vst v45  }
0xd6: {  	v48 =	vperm.xlane v18, v24;
	[tilespmem:s19+$0xFFFFFE20] =	vst v46  }
0xd7: {  	v49 =	vperm.xlane v17, v26;
	[tilespmem:s19+$0xFFFFFE30] =	vst v47  }
0xd8: {  	v50 =	vperm.xlane v18, v28;
	[tilespmem:s19+$0xFFFFFE40] =	vst v48  }
0xd9: {  	v51 =	vperm.xlane v17, v28;
	[tilespmem:s19+$0x1D0] =	vst v49  }
0xda: {  	v52 =	vperm.xlane v16, v28;
	[tilespmem:s19+$0xFFFFFE60] =	vst v50  }
0xdb: {  	v53 =	vperm.xlane v16, v26;
	[tilespmem:s19+$0x1E0] =	vst v51  }
0xdc: {  	v54 =	vperm.xlane v15, v28;
	[tilespmem:s19+$0x160] =	vst v52  }
0xdd: {  	v55 =	vperm.xlane v15, v26;
	[tilespmem:s19+$0x150] =	vst v53  }
0xde: {  	v56 =	vperm.xlane v14, v28;
	[tilespmem:s19+$0xE0] =	vst v54  }
0xdf: {  	v57 =	vperm.xlane v14, v26;
	[tilespmem:s19+$0xD0] =	vst v55  }
0xe0: {  	v58 =	vperm.xlane v13, v28;
	[tilespmem:s19+$0x60] =	vst v56  }
0xe1: {  	v59 =	vperm.xlane v13, v26;
	[tilespmem:s19+$0x50] =	vst v57  }
0xe2: {  	v60 =	vperm.xlane v12, v28;
	[tilespmem:s19+$0xFFFFFFE0] =	vst v58  }
0xe3: {  	v61 =	vperm.xlane v12, v26;
	[tilespmem:s19+$0xFFFFFFD0] =	vst v59  }
0xe4: {  	v62 =	vperm.xlane v11, v28;
	[tilespmem:s19+$0xFFFFFF60] =	vst v60  }
0xe5: {  	v63 =	vperm.xlane v11, v26;
	[tilespmem:s19+$0xFFFFFF50] =	vst v61  }
0xe6: {  	v18 =	vperm.xlane v18, v26;
	[tilespmem:s19+$0xFFFFFEE0] =	vst v62  }
0xe7: {  	v32 =	vperm.xlane v11, v22;
	[tilespmem:s19+$0xFFFFFED0] =	vst v63  }
0xe8: {  	v33 =	vperm.xlane v11, v21;
	[tilespmem:s19+$0xFFFFFE50] =	vst v18  }
0xe9: {  	v34 =	vperm.xlane v17, v23;
	[tilespmem:s19+$0xFFFFFE90] =	vst v32  }
0xea: {  	v35 =	vperm.xlane v17, v19;
	[tilespmem:s19+$0xFFFFFE80] =	vst v33  }
0xeb: {  	v36 =	vperm.xlane v16, v20;
	[tilespmem:s19+$0x1B0] =	vst v34  }
0xec: {  	v18 =	vperm.xlane v17, v24;
	[tilespmem:s19+$0x1A0] =	vst v35  }
0xed: {  	v37 =	vperm.xlane v16, v19;
	[tilespmem:s19+$0x170] =	vst v36  }
0xee: {  	[tilespmem:s19+$0x1C0] =	vst v18;
	v18 =	vperm.xlane v17, v22  }
0xef: {  	[tilespmem:s19+$0x120] =	vst v37;
	v17 =	vperm.xlane v17, v21  }
0xf0: {  	[tilespmem:s19+$0x190] =	vst v18;
	v18 =	vperm.xlane v16, v24  }
0xf1: {  	[tilespmem:s19+$0x180] =	vst v17;
	v17 =	vperm.xlane v16, v23  }
0xf2: {  	[tilespmem:s19+$0x140] =	vst v18;
	v18 =	vperm.xlane v16, v22  }
0xf3: {  	[tilespmem:s19+$0x130] =	vst v17;
	v16 =	vperm.xlane v16, v21  }
0xf4: {  	v17 =	vperm.xlane v15, v20;
	[tilespmem:s19+$0x110] =	vst v18  }
0xf5: {  	v18 =	vperm.xlane v15, v24;
	[tilespmem:s19+$0x100] =	vst v16  }
0xf6: {  	v16 =	vperm.xlane v15, v23;
	[tilespmem:s19+$0xF0] =	vst v17  }
0xf7: {  	v17 =	vperm.xlane v15, v19;
	[tilespmem:s19+$0xC0] =	vst v18  }
0xf8: {  	v18 =	vperm.xlane v15, v22;
	[tilespmem:s19+$0xB0] =	vst v16  }
0xf9: {  	v15 =	vperm.xlane v15, v21;
	[tilespmem:s19+$0xA0] =	vst v17  }
0xfa: {  	v16 =	vperm.xlane v14, v20;
	[tilespmem:s19+$0x90] =	vst v18  }
0xfb: {  	v17 =	vperm.xlane v14, v24;
	[tilespmem:s19+$0x80] =	vst v15  }
0xfc: {  	v15 =	vperm.xlane v14, v23;
	[tilespmem:s19+$0x70] =	vst v16  }
0xfd: {  	v16 =	vperm.xlane v14, v19;
	[tilespmem:s19+$0x40] =	vst v17  }
0xfe: {  	v17 =	vperm.xlane v14, v22;
	[tilespmem:s19+$0x30] =	vst v15  }
0xff: {  	v14 =	vperm.xlane v14, v21;
	[tilespmem:s19+$0x20] =	vst v16  }
0x100: {  	v15 =	vperm.xlane v13, v20;
	[tilespmem:s19+$0x10] =	vst v17  }
0x101: {  	v16 =	vperm.xlane v13, v24;
	[tilespmem:s19+$0x0] =	vst v14  }
0x102: {  	v14 =	vperm.xlane v13, v23;
	[tilespmem:s19+$0xFFFFFFF0] =	vst v15  }
0x103: {  	v15 =	vperm.xlane v13, v19;
	[tilespmem:s19+$0xFFFFFFC0] =	vst v16  }
0x104: {  	v16 =	vperm.xlane v13, v22;
	[tilespmem:s19+$0xFFFFFFB0] =	vst v14  }
0x105: {  	v13 =	vperm.xlane v13, v21;
	[tilespmem:s19+$0xFFFFFFA0] =	vst v15  }
0x106: {  	v14 =	vperm.xlane v12, v20;
	[tilespmem:s19+$0xFFFFFF90] =	vst v16  }
0x107: {  	v15 =	vperm.xlane v12, v24;
	[tilespmem:s19+$0xFFFFFF80] =	vst v13  }
0x108: {  	v13 =	vperm.xlane v12, v23;
	[tilespmem:s19+$0xFFFFFF70] =	vst v14  }
0x109: {  	v14 =	vperm.xlane v12, v19;
	[tilespmem:s19+$0xFFFFFF40] =	vst v15  }
0x10a: {  	v15 =	vperm.xlane v12, v22;
	[tilespmem:s19+$0xFFFFFF30] =	vst v13  }
0x10b: {  	v12 =	vperm.xlane v12, v21;
	[tilespmem:s19+$0xFFFFFF20] =	vst v14  }
0x10c: {  	v13 =	vperm.xlane v11, v20;
	[tilespmem:s19+$0xFFFFFF10] =	vst v15  }
0x10d: {  	v14 =	vperm.xlane v11, v24;
	[tilespmem:s19+$0xFFFFFF00] =	vst v12  }
0x10e: {  	v12 =	vperm.xlane v11, v23;
	[tilespmem:s19+$0xFFFFFEF0] =	vst v13  }
0x10f: {  	v11 =	vperm.xlane v11, v19;
	[tilespmem:s19+$0xFFFFFEC0] =	vst v14  }
0x110: {  	[tilespmem:s19+$0xFFFFFEB0] =	vst v12  }
0x111: {  	s31 =	simm.s32 $0x0;
	[tilespmem:s19+$0xFFFFFEA0] =	vst v11  }
0x112: {  	[hbm4b:s8+s31] =	stream.linear.scatter [tilespmem:s16], [sflag:$0x1], $0x8000, $0x38;
	[tilespmem:$0x1C100] =	vst v63  }
0x113: {  	v18 =	vld.idx.msk [tilespmem:v1+s31+$0x0], $0xffff  }
0x114: {  	v11 =	vld.idx.msk [tilespmem:v2+s31+$0x0], $0xffff  }
0x115: {  	v12 =	vld.idx.msk [tilespmem:v3+s31+$0x0], $0xffff  }
0x116: {  	v13 =	vld.idx.msk [tilespmem:v4+s31+$0x0], $0xffff  }
0x117: {  	v14 =	vld.idx.msk [tilespmem:v5+s31+$0x0], $0xffff  }
0x118: {  	v15 =	vld.idx.msk [tilespmem:v6+s31+$0x0], $0xffff  }
0x119: {  	v16 =	vld.idx.msk [tilespmem:v7+s31+$0x0], $0xffff  }
0x11a: {  	s20 =	simm.s32 $0x0;
	v17 =	vld.idx.msk [tilespmem:v8+s31+$0x0], $0xffff  }
0x11b: {  	v20 =	vld.idx.msk [tilespmem:v10+s20+$0x0 ss:$0x1], $0xffff  }
0x11c: {  	v21 =	vld.idx.msk [tilespmem:v10+s20+$0xFFFFFF90 ss:$0x1], $0xffff  }
0x11d: {  	v22 =	vld.idx.msk [tilespmem:v10+s20+$0xFFFFFFA0 ss:$0x1], $0xffff  }
0x11e: {  	v19 =	vld.idx.msk [tilespmem:v10+s20+$0xFFFFFFB0 ss:$0x1], $0xffff  }
0x11f: {  	v23 =	vld.idx.msk [tilespmem:v10+s20+$0xFFFFFFC0 ss:$0x1], $0xffff  }
0x120: {  	v24 =	vld.idx.msk [tilespmem:v10+s20+$0xFFFFFFD0 ss:$0x1], $0xffff;
	v38 =	vperm.xlane v17, v20  }
0x121: {  	s19 =	simm.s32 $0x14300;
	v26 =	vld.idx.msk [tilespmem:v10+s20+$0xFFFFFFE0 ss:$0x1], $0xffff;
	v39 =	vperm.xlane v18, v20  }
0x122: {  	v28 =	vld.idx.msk [tilespmem:v10+s20+$0xFFFFFFF0 ss:$0x1], $0xffff;
	v40 =	vperm.xlane v18, v21;
	[tilespmem:s19+$0x1F0] =	vst v38  }
0x123: {  	v41 =	vperm.xlane v18, v22;
	[tilespmem:s19+$0xFFFFFE70] =	vst v39  }
0x124: {  	v42 =	vperm.xlane v18, v19;
	[tilespmem:s19+$0xFFFFFE00] =	vst v40  }
0x125: {  	v43 =	vperm.xlane v18, v23;
	[tilespmem:s19+$0xFFFFFE10] =	vst v41  }
0x126: {  	v44 =	vperm.xlane v18, v24;
	[tilespmem:s19+$0xFFFFFE20] =	vst v42  }
0x127: {  	v45 =	vperm.xlane v17, v26;
	[tilespmem:s19+$0xFFFFFE30] =	vst v43  }
0x128: {  	v46 =	vperm.xlane v18, v28;
	[tilespmem:s19+$0xFFFFFE40] =	vst v44  }
0x129: {  	v47 =	vperm.xlane v17, v28;
	[tilespmem:s19+$0x1D0] =	vst v45  }
0x12a: {  	v48 =	vperm.xlane v16, v28;
	[tilespmem:s19+$0xFFFFFE60] =	vst v46  }
0x12b: {  	v49 =	vperm.xlane v16, v26;
	[tilespmem:s19+$0x1E0] =	vst v47  }
0x12c: {  	v50 =	vperm.xlane v15, v28;
	[tilespmem:s19+$0x160] =	vst v48  }
0x12d: {  	v51 =	vperm.xlane v15, v26;
	[tilespmem:s19+$0x150] =	vst v49  }
0x12e: {  	v52 =	vperm.xlane v14, v28;
	[tilespmem:s19+$0xE0] =	vst v50  }
0x12f: {  	v53 =	vperm.xlane v14, v26;
	[tilespmem:s19+$0xD0] =	vst v51  }
0x130: {  	v54 =	vperm.xlane v13, v28;
	[tilespmem:s19+$0x60] =	vst v52  }
0x131: {  	v55 =	vperm.xlane v13, v26;
	[tilespmem:s19+$0x50] =	vst v53  }
0x132: {  	v56 =	vperm.xlane v12, v28;
	[tilespmem:s19+$0xFFFFFFE0] =	vst v54  }
0x133: {  	v57 =	vperm.xlane v12, v26;
	[tilespmem:s19+$0xFFFFFFD0] =	vst v55  }
0x134: {  	v58 =	vperm.xlane v11, v28;
	[tilespmem:s19+$0xFFFFFF60] =	vst v56  }
0x135: {  	v59 =	vperm.xlane v11, v26;
	[tilespmem:s19+$0xFFFFFF50] =	vst v57  }
0x136: {  	v60 =	vperm.xlane v18, v26;
	[tilespmem:s19+$0xFFFFFEE0] =	vst v58  }
0x137: {  	v61 =	vperm.xlane v11, v22;
	[tilespmem:s19+$0xFFFFFED0] =	vst v59  }
0x138: {  	v62 =	vperm.xlane v11, v21;
	[tilespmem:s19+$0xFFFFFE50] =	vst v60  }
0x139: {  	v63 =	vperm.xlane v17, v24;
	[tilespmem:s19+$0xFFFFFE90] =	vst v61  }
0x13a: {  	v30 =	vperm.xlane v17, v23;
	[tilespmem:s19+$0xFFFFFE80] =	vst v62  }
0x13b: {  	v31 =	vperm.xlane v17, v19;
	[tilespmem:s19+$0x1C0] =	vst v63  }
0x13c: {  	v32 =	vperm.xlane v17, v22;
	[tilespmem:s19+$0x1B0] =	vst v30  }
0x13d: {  	v33 =	vperm.xlane v17, v21;
	[tilespmem:s19+$0x1A0] =	vst v31  }
0x13e: {  	v34 =	vperm.xlane v16, v20;
	[tilespmem:s19+$0x190] =	vst v32  }
0x13f: {  	v35 =	vperm.xlane v16, v24;
	[tilespmem:s19+$0x180] =	vst v33  }
0x140: {  	v36 =	vperm.xlane v16, v23;
	[tilespmem:s19+$0x170] =	vst v34  }
0x141: {  	v37 =	vperm.xlane v16, v19;
	[tilespmem:s19+$0x140] =	vst v35  }
0x142: {  	v38 =	vperm.xlane v16, v22;
	[tilespmem:s19+$0x130] =	vst v36  }
0x143: {  	v39 =	vperm.xlane v16, v21;
	[tilespmem:s19+$0x120] =	vst v37  }
0x144: {  	v40 =	vperm.xlane v15, v20;
	[tilespmem:s19+$0x110] =	vst v38  }
0x145: {  	v41 =	vperm.xlane v15, v24;
	[tilespmem:s19+$0x100] =	vst v39  }
0x146: {  	v42 =	vperm.xlane v15, v23;
	[tilespmem:s19+$0xF0] =	vst v40  }
0x147: {  	v43 =	vperm.xlane v15, v19;
	[tilespmem:s19+$0xC0] =	vst v41  }
0x148: {  	v44 =	vperm.xlane v15, v22;
	[tilespmem:s19+$0xB0] =	vst v42  }
0x149: {  	v45 =	vperm.xlane v15, v21;
	[tilespmem:s19+$0xA0] =	vst v43  }
0x14a: {  	v46 =	vperm.xlane v14, v20;
	[tilespmem:s19+$0x90] =	vst v44  }
0x14b: {  	v47 =	vperm.xlane v14, v24;
	[tilespmem:s19+$0x80] =	vst v45  }
0x14c: {  	v48 =	vperm.xlane v14, v23;
	[tilespmem:s19+$0x70] =	vst v46  }
0x14d: {  	v49 =	vperm.xlane v14, v19;
	[tilespmem:s19+$0x40] =	vst v47  }
0x14e: {  	v50 =	vperm.xlane v14, v22;
	[tilespmem:s19+$0x30] =	vst v48  }
0x14f: {  	v51 =	vperm.xlane v14, v21;
	[tilespmem:s19+$0x20] =	vst v49  }
0x150: {  	v52 =	vperm.xlane v13, v20;
	[tilespmem:s19+$0x10] =	vst v50  }
0x151: {  	v53 =	vperm.xlane v13, v24;
	[tilespmem:s19+$0x0] =	vst v51  }
0x152: {  	v54 =	vperm.xlane v13, v23;
	[tilespmem:s19+$0xFFFFFFF0] =	vst v52  }
0x153: {  	v55 =	vperm.xlane v13, v19;
	[tilespmem:s19+$0xFFFFFFC0] =	vst v53  }
0x154: {  	v56 =	vperm.xlane v13, v22;
	[tilespmem:s19+$0xFFFFFFB0] =	vst v54  }
0x155: {  	v57 =	vperm.xlane v13, v21;
	[tilespmem:s19+$0xFFFFFFA0] =	vst v55  }
0x156: {  	v58 =	vperm.xlane v12, v20;
	[tilespmem:s19+$0xFFFFFF90] =	vst v56  }
0x157: {  	v59 =	vperm.xlane v12, v24;
	[tilespmem:s19+$0xFFFFFF80] =	vst v57  }
0x158: {  	v60 =	vperm.xlane v12, v23;
	[tilespmem:s19+$0xFFFFFF70] =	vst v58  }
0x159: {  	v61 =	vperm.xlane v12, v19;
	[tilespmem:s19+$0xFFFFFF40] =	vst v59  }
0x15a: {  	v22 =	vperm.xlane v12, v22;
	[tilespmem:s19+$0xFFFFFF30] =	vst v60  }
0x15b: {  	v21 =	vperm.xlane v12, v21;
	[tilespmem:s19+$0xFFFFFF20] =	vst v61  }
0x15c: {  	v20 =	vperm.xlane v11, v20;
	[tilespmem:s19+$0xFFFFFF10] =	vst v22  }
0x15d: {  	v62 =	vperm.xlane v11, v24;
	[tilespmem:s19+$0xFFFFFF00] =	vst v21  }
0x15e: {  	v63 =	vperm.xlane v11, v23;
	[tilespmem:s19+$0xFFFFFEF0] =	vst v20  }
0x15f: {  	v19 =	vperm.xlane v11, v19;
	[tilespmem:s19+$0xFFFFFEC0] =	vst v62  }
0x160: {  	[tilespmem:s19+$0xFFFFFEB0] =	vst v63  }
0x161: {  	s21 =	simm.s32 $0x100;
	s20 =	simm.s32 $0x800;
	[tilespmem:s19+$0xFFFFFEA0] =	vst v19  }
.LBB2_8:
0x162: {  	p1 =	sne.s32 s20, $0x7C00;
	v20 =	vld.idx.msk [tilespmem:v10+s21+$0x0 ss:$0x1], $0xffff;
	_ =	sdelay $0x1  }
0x163: {  	v23 =	vld.idx.msk [tilespmem:v10+s21+$0xFFFFFF90 ss:$0x1], $0xffff  }
0x164: {  	v24 =	vld.idx.msk [tilespmem:v10+s21+$0xFFFFFFA0 ss:$0x1], $0xffff  }
0x165: {  	v21 =	vld.idx.msk [tilespmem:v10+s21+$0xFFFFFFB0 ss:$0x1], $0xffff  }
0x166: {  	v22 =	vld.idx.msk [tilespmem:v10+s21+$0xFFFFFFC0 ss:$0x1], $0xffff  }
0x167: {  	v26 =	vperm.xlane v18, v20;
	v27 =	vperm.xlane v17, v20;
	v25 =	vld.idx.msk [tilespmem:v10+s21+$0xFFFFFFD0 ss:$0x1], $0xffff  }
0x168: {  	s19 =	sadd.s32 $0x400, s19;
	v19 =	vperm.xlane v15, v20;
	v29 =	vperm.xlane v16, v20;
	v28 =	vld.idx.msk [tilespmem:v10+s21+$0xFFFFFFE0 ss:$0x1], $0xffff  }
0x169: {  	v31 =	vperm.xlane v18, v23;
	v32 =	vperm.xlane v11, v23;
	v30 =	vld.idx.msk [tilespmem:v10+s21+$0xFFFFFFF0 ss:$0x1], $0xffff;
	[tilespmem:s19+$0x1F0] =	vst v27  }
0x16a: {  	v27 =	vperm.xlane v18, v24;
	[tilespmem:s19+$0xFFFFFE70] =	vst v26;
	v26 =	vperm.xlane v11, v24  }
0x16b: {  	v33 =	vperm.xlane v17, v21;
	[tilespmem:s19+$0xFFFFFE00] =	vst v31;
	v31 =	vperm.xlane v18, v21  }
0x16c: {  	v34 =	vperm.xlane v17, v22;
	[tilespmem:s19+$0xFFFFFE10] =	vst v27;
	v27 =	vperm.xlane v18, v22  }
0x16d: {  	v35 =	vperm.xlane v17, v25;
	[tilespmem:s19+$0xFFFFFE20] =	vst v31;
	v31 =	vperm.xlane v18, v25  }
0x16e: {  	v36 =	vperm.xlane v17, v28;
	[tilespmem:s19+$0xFFFFFE30] =	vst v27;
	v27 =	vperm.xlane v16, v28  }
0x16f: {  	v37 =	vperm.xlane v17, v30;
	[tilespmem:s19+$0xFFFFFE40] =	vst v31;
	v31 =	vperm.xlane v18, v30  }
0x170: {  	v38 =	vperm.xlane v15, v30;
	v39 =	vperm.xlane v16, v30;
	[tilespmem:s19+$0x1D0] =	vst v36  }
0x171: {  	v36 =	vperm.xlane v15, v28;
	[tilespmem:s19+$0xFFFFFE60] =	vst v31;
	v31 =	vperm.xlane v14, v30  }
0x172: {  	v41 =	vperm.xlane v14, v28;
	v40 =	vperm.xlane v13, v30;
	[tilespmem:s19+$0x1E0] =	vst v37  }
0x173: {  	v42 =	vperm.xlane v13, v28;
	v37 =	vperm.xlane v12, v30;
	[tilespmem:s19+$0x160] =	vst v39  }
0x174: {  	v30 =	vperm.xlane v11, v30;
	v39 =	vperm.xlane v12, v28;
	[tilespmem:s19+$0x150] =	vst v27  }
0x175: {  	v27 =	vperm.xlane v18, v28;
	v28 =	vperm.xlane v11, v28;
	[tilespmem:s19+$0xE0] =	vst v38  }
0x176: {  	v38 =	vperm.xlane v17, v24;
	[tilespmem:s19+$0xD0] =	vst v36;
	v36 =	vperm.xlane v17, v23  }
0x177: {  	v43 =	vperm.xlane v16, v25;
	[tilespmem:s19+$0x60] =	vst v31;
	v31 =	vperm.xlane v16, v22  }
0x178: {  	v44 =	vperm.xlane v16, v21;
	[tilespmem:s19+$0x50] =	vst v41;
	v41 =	vperm.xlane v16, v24  }
0x179: {  	v45 =	vperm.xlane v16, v23;
	[tilespmem:s19+$0xFFFFFFE0] =	vst v40;
	v40 =	vperm.xlane v15, v25  }
0x17a: {  	v46 =	vperm.xlane v15, v22;
	[tilespmem:s19+$0xFFFFFFD0] =	vst v42;
	v42 =	vperm.xlane v15, v21  }
0x17b: {  	v47 =	vperm.xlane v15, v24;
	[tilespmem:s19+$0xFFFFFF60] =	vst v37;
	v37 =	vperm.xlane v15, v23  }
0x17c: {  	v48 =	vperm.xlane v14, v20;
	[tilespmem:s19+$0xFFFFFF50] =	vst v39;
	v39 =	vperm.xlane v14, v25  }
0x17d: {  	v49 =	vperm.xlane v14, v22;
	[tilespmem:s19+$0xFFFFFEE0] =	vst v30;
	v30 =	vperm.xlane v14, v21  }
0x17e: {  	v50 =	vperm.xlane v14, v24;
	[tilespmem:s19+$0xFFFFFED0] =	vst v28;
	v28 =	vperm.xlane v14, v23  }
0x17f: {  	v51 =	vperm.xlane v13, v20;
	[tilespmem:s19+$0xFFFFFE50] =	vst v27;
	v27 =	vperm.xlane v13, v25  }
0x180: {  	v52 =	vperm.xlane v13, v22;
	[tilespmem:s19+$0xFFFFFE90] =	vst v26;
	v26 =	vperm.xlane v13, v21  }
0x181: {  	v53 =	vperm.xlane v13, v24;
	[tilespmem:s19+$0xFFFFFE80] =	vst v32;
	v32 =	vperm.xlane v13, v23  }
0x182: {  	v55 =	vperm.xlane v12, v20;
	v54 =	vperm.xlane v12, v25;
	[tilespmem:s19+$0x1C0] =	vst v35  }
0x183: {  	v56 =	vperm.xlane v12, v22;
	v35 =	vperm.xlane v12, v21;
	[tilespmem:s19+$0x1B0] =	vst v34  }
0x184: {  	v24 =	vperm.xlane v12, v24;
	v23 =	vperm.xlane v12, v23;
	[tilespmem:s19+$0x1A0] =	vst v33  }
0x185: {  	v20 =	vperm.xlane v11, v20;
	v25 =	vperm.xlane v11, v25;
	[tilespmem:s19+$0x190] =	vst v38  }
0x186: {  	v22 =	vperm.xlane v11, v22;
	v21 =	vperm.xlane v11, v21;
	[tilespmem:s19+$0x180] =	vst v36  }
0x187: {  	[tilespmem:s19+$0x170] =	vst v29  }
0x188: {  	[tilespmem:s19+$0x140] =	vst v43  }
0x189: {  	[tilespmem:s19+$0x130] =	vst v31  }
0x18a: {  	[tilespmem:s19+$0x120] =	vst v44  }
0x18b: {  	[tilespmem:s19+$0x110] =	vst v41  }
0x18c: {  	[tilespmem:s19+$0x100] =	vst v45  }
0x18d: {  	[tilespmem:s19+$0xF0] =	vst v19  }
0x18e: {  	[tilespmem:s19+$0xC0] =	vst v40  }
0x18f: {  	[tilespmem:s19+$0xB0] =	vst v46  }
0x190: {  	[tilespmem:s19+$0xA0] =	vst v42  }
0x191: {  	[tilespmem:s19+$0x90] =	vst v47  }
0x192: {  	[tilespmem:s19+$0x80] =	vst v37  }
0x193: {  	[tilespmem:s19+$0x70] =	vst v48  }
0x194: {  	[tilespmem:s19+$0x40] =	vst v39  }
0x195: {  	[tilespmem:s19+$0x30] =	vst v49  }
0x196: {  	[tilespmem:s19+$0x20] =	vst v30  }
0x197: {  	[tilespmem:s19+$0x10] =	vst v50  }
0x198: {  	[tilespmem:s19+$0x0] =	vst v28  }
0x199: {  	[tilespmem:s19+$0xFFFFFFF0] =	vst v51  }
0x19a: {  	[tilespmem:s19+$0xFFFFFFC0] =	vst v27  }
0x19b: {  	[tilespmem:s19+$0xFFFFFFB0] =	vst v52  }
0x19c: {  	[tilespmem:s19+$0xFFFFFFA0] =	vst v26  }
0x19d: {  	[tilespmem:s19+$0xFFFFFF90] =	vst v53  }
0x19e: {  	[tilespmem:s19+$0xFFFFFF80] =	vst v32  }
0x19f: {  	[tilespmem:s19+$0xFFFFFF70] =	vst v55  }
0x1a0: {  	[tilespmem:s19+$0xFFFFFF40] =	vst v54  }
0x1a1: {  	[tilespmem:s19+$0xFFFFFF30] =	vst v56  }
0x1a2: {  	[tilespmem:s19+$0xFFFFFF20] =	vst v35  }
0x1a3: {  	[tilespmem:s19+$0xFFFFFF10] =	vst v24  }
.Ltmp3:
0x1a4: {  	[tilespmem:s19+$0xFFFFFF00] =	vst v23;
	(pc) =	sbr.rel @p1 .LBB2_8-.Ltmp3, $4  }
0x1a5: {  	[tilespmem:s19+$0xFFFFFEF0] =	vst v20  }
0x1a6: {  	[tilespmem:s19+$0xFFFFFEC0] =	vst v25  }
0x1a7: {  	[tilespmem:s19+$0xFFFFFEB0] =	vst v22  }
0x1a8: {  	s21 =	sshra.s32 s20, $0x2;
	s20 =	sadd.s32 $0x400, s20;
	[tilespmem:s19+$0xFFFFFEA0] =	vst v21  }
0x1a9: {  	_ =	sdelay $0x3  }
0x1aa: {  	v20 =	vld.idx.msk [tilespmem:v10+s21+$0x0 ss:$0x1], $0xffff  }
0x1ab: {  	v21 =	vld.idx.msk [tilespmem:v10+s21+$0xFFFFFF90 ss:$0x1], $0xffff  }
0x1ac: {  	v22 =	vld.idx.msk [tilespmem:v10+s21+$0xFFFFFFA0 ss:$0x1], $0xffff  }
0x1ad: {  	v19 =	vld.idx.msk [tilespmem:v10+s21+$0xFFFFFFB0 ss:$0x1], $0xffff  }
0x1ae: {  	v23 =	vld.idx.msk [tilespmem:v10+s21+$0xFFFFFFC0 ss:$0x1], $0xffff  }
0x1af: {  	v24 =	vld.idx.msk [tilespmem:v10+s21+$0xFFFFFFD0 ss:$0x1], $0xffff;
	v25 =	vperm.xlane v17, v20  }
0x1b0: {  	v26 =	vld.idx.msk [tilespmem:v10+s21+$0xFFFFFFE0 ss:$0x1], $0xffff;
	s19 =	sadd.s32 $0x400, s19;
	v27 =	vperm.xlane v18, v20  }
0x1b1: {  	v28 =	vld.idx.msk [tilespmem:v10+s21+$0xFFFFFFF0 ss:$0x1], $0xffff;
	v29 =	vperm.xlane v18, v21;
	[tilespmem:s19+$0x1F0] =	vst v25  }
0x1b2: {  	v40 =	vperm.xlane v18, v22;
	[tilespmem:s19+$0xFFFFFE70] =	vst v27  }
0x1b3: {  	v41 =	vperm.xlane v18, v19;
	[tilespmem:s19+$0xFFFFFE00] =	vst v29  }
0x1b4: {  	v42 =	vperm.xlane v18, v23;
	[tilespmem:s19+$0xFFFFFE10] =	vst v40  }
0x1b5: {  	v43 =	vperm.xlane v18, v24;
	[tilespmem:s19+$0xFFFFFE20] =	vst v41  }
0x1b6: {  	v44 =	vperm.xlane v17, v26;
	[tilespmem:s19+$0xFFFFFE30] =	vst v42  }
0x1b7: {  	v45 =	vperm.xlane v18, v28;
	[tilespmem:s19+$0xFFFFFE40] =	vst v43  }
0x1b8: {  	v46 =	vperm.xlane v17, v28;
	[tilespmem:s19+$0x1D0] =	vst v44  }
0x1b9: {  	v47 =	vperm.xlane v16, v28;
	[tilespmem:s19+$0xFFFFFE60] =	vst v45  }
0x1ba: {  	v48 =	vperm.xlane v16, v26;
	[tilespmem:s19+$0x1E0] =	vst v46  }
0x1bb: {  	v49 =	vperm.xlane v15, v28;
	[tilespmem:s19+$0x160] =	vst v47  }
0x1bc: {  	v50 =	vperm.xlane v15, v26;
	[tilespmem:s19+$0x150] =	vst v48  }
0x1bd: {  	v51 =	vperm.xlane v14, v28;
	[tilespmem:s19+$0xE0] =	vst v49  }
0x1be: {  	v52 =	vperm.xlane v14, v26;
	[tilespmem:s19+$0xD0] =	vst v50  }
0x1bf: {  	v53 =	vperm.xlane v13, v28;
	[tilespmem:s19+$0x60] =	vst v51  }
0x1c0: {  	v54 =	vperm.xlane v13, v26;
	[tilespmem:s19+$0x50] =	vst v52  }
0x1c1: {  	v55 =	vperm.xlane v12, v28;
	[tilespmem:s19+$0xFFFFFFE0] =	vst v53  }
0x1c2: {  	v56 =	vperm.xlane v12, v26;
	[tilespmem:s19+$0xFFFFFFD0] =	vst v54  }
0x1c3: {  	v57 =	vperm.xlane v11, v28;
	[tilespmem:s19+$0xFFFFFF60] =	vst v55  }
0x1c4: {  	v58 =	vperm.xlane v11, v26;
	[tilespmem:s19+$0xFFFFFF50] =	vst v56  }
0x1c5: {  	v59 =	vperm.xlane v18, v26;
	[tilespmem:s19+$0xFFFFFEE0] =	vst v57  }
0x1c6: {  	v60 =	vperm.xlane v11, v22;
	[tilespmem:s19+$0xFFFFFED0] =	vst v58  }
0x1c7: {  	v61 =	vperm.xlane v11, v21;
	[tilespmem:s19+$0xFFFFFE50] =	vst v59  }
0x1c8: {  	v62 =	vperm.xlane v17, v24;
	[tilespmem:s19+$0xFFFFFE90] =	vst v60  }
0x1c9: {  	v63 =	vperm.xlane v17, v23;
	[tilespmem:s19+$0xFFFFFE80] =	vst v61  }
0x1ca: {  	v28 =	vperm.xlane v17, v19;
	[tilespmem:s19+$0x1C0] =	vst v62  }
0x1cb: {  	v30 =	vperm.xlane v17, v21;
	[tilespmem:s19+$0x1B0] =	vst v63  }
0x1cc: {  	v31 =	vperm.xlane v16, v20;
	[tilespmem:s19+$0x1A0] =	vst v28  }
0x1cd: {  	v32 =	vperm.xlane v16, v24;
	[tilespmem:s19+$0x180] =	vst v30  }
0x1ce: {  	v33 =	vperm.xlane v16, v23;
	[tilespmem:s19+$0x170] =	vst v31  }
0x1cf: {  	v34 =	vperm.xlane v16, v19;
	[tilespmem:s19+$0x140] =	vst v32  }
0x1d0: {  	v35 =	vperm.xlane v16, v22;
	[tilespmem:s19+$0x130] =	vst v33  }
0x1d1: {  	v36 =	vperm.xlane v16, v21;
	[tilespmem:s19+$0x120] =	vst v34  }
0x1d2: {  	v37 =	vperm.xlane v15, v20;
	[tilespmem:s19+$0x110] =	vst v35  }
0x1d3: {  	v38 =	vperm.xlane v15, v24;
	[tilespmem:s19+$0x100] =	vst v36  }
0x1d4: {  	v39 =	vperm.xlane v15, v23;
	[tilespmem:s19+$0xF0] =	vst v37  }
0x1d5: {  	v29 =	vperm.xlane v17, v22;
	[tilespmem:s19+$0xC0] =	vst v38  }
0x1d6: {  	v40 =	vperm.xlane v15, v19;
	[tilespmem:s19+$0xB0] =	vst v39  }
0x1d7: {  	v41 =	vperm.xlane v15, v22;
	[tilespmem:s19+$0x190] =	vst v29  }
0x1d8: {  	v42 =	vperm.xlane v15, v21;
	[tilespmem:s19+$0xA0] =	vst v40  }
0x1d9: {  	v43 =	vperm.xlane v14, v20;
	[tilespmem:s19+$0x90] =	vst v41  }
0x1da: {  	v44 =	vperm.xlane v14, v24;
	[tilespmem:s19+$0x80] =	vst v42  }
0x1db: {  	v45 =	vperm.xlane v14, v23;
	[tilespmem:s19+$0x70] =	vst v43  }
0x1dc: {  	v46 =	vperm.xlane v14, v19;
	[tilespmem:s19+$0x40] =	vst v44  }
0x1dd: {  	v47 =	vperm.xlane v14, v22;
	[tilespmem:s19+$0x30] =	vst v45  }
0x1de: {  	v48 =	vperm.xlane v14, v21;
	[tilespmem:s19+$0x20] =	vst v46  }
0x1df: {  	v49 =	vperm.xlane v13, v20;
	[tilespmem:s19+$0x10] =	vst v47  }
0x1e0: {  	v50 =	vperm.xlane v13, v24;
	[tilespmem:s19+$0x0] =	vst v48  }
0x1e1: {  	v51 =	vperm.xlane v13, v23;
	[tilespmem:s19+$0xFFFFFFF0] =	vst v49  }
0x1e2: {  	v52 =	vperm.xlane v13, v19;
	[tilespmem:s19+$0xFFFFFFC0] =	vst v50  }
0x1e3: {  	v53 =	vperm.xlane v13, v22;
	[tilespmem:s19+$0xFFFFFFB0] =	vst v51  }
0x1e4: {  	v54 =	vperm.xlane v13, v21;
	[tilespmem:s19+$0xFFFFFFA0] =	vst v52  }
0x1e5: {  	v55 =	vperm.xlane v12, v20;
	[tilespmem:s19+$0xFFFFFF90] =	vst v53  }
0x1e6: {  	v56 =	vperm.xlane v12, v24;
	[tilespmem:s19+$0xFFFFFF80] =	vst v54  }
0x1e7: {  	v57 =	vperm.xlane v12, v23;
	[tilespmem:s19+$0xFFFFFF70] =	vst v55  }
0x1e8: {  	v58 =	vperm.xlane v12, v19;
	[tilespmem:s19+$0xFFFFFF40] =	vst v56  }
0x1e9: {  	v59 =	vperm.xlane v12, v22;
	[tilespmem:s19+$0xFFFFFF30] =	vst v57  }
0x1ea: {  	v60 =	vperm.xlane v12, v21;
	[tilespmem:s19+$0xFFFFFF20] =	vst v58  }
0x1eb: {  	v61 =	vperm.xlane v11, v20;
	[tilespmem:s19+$0xFFFFFF10] =	vst v59  }
0x1ec: {  	v62 =	vperm.xlane v11, v24;
	[tilespmem:s19+$0xFFFFFF00] =	vst v60  }
0x1ed: {  	v63 =	vperm.xlane v11, v23;
	[tilespmem:s19+$0xFFFFFEF0] =	vst v61  }
0x1ee: {  	v11 =	vperm.xlane v11, v19;
	[tilespmem:s19+$0xFFFFFEC0] =	vst v62  }
0x1ef: {  	s20 =	smov.u32 s13;
	[tilespmem:s19+$0xFFFFFEB0] =	vst v63  }
0x1f0: {  	p1 =	por p0, p0;
	s21 =	simm.s32 $0x0;
	[tilespmem:s19+$0xFFFFFEA0] =	vst v11;
	s19 =	simm.s32 $0x0  }
0x1f1: {  	[hbm4b:s9+s19] =	stream.linear.scatter [tilespmem:s17], [sflag:$0x2], $0x8000, $0x38;
	[tilespmem:$0x1C100] =	vst v63  }
.LBB2_10:
0x1f2: {  	s22 =	sshll.u32 s21, $0x1  }
0x1f3: {  	s28 =	sadd.s32 s22, s10  }
0x1f4: {  	s24 =	sshrl.u32 s28, $0x5  }
0x1f5: {  	s23 =	sshrl.u32 s28, $0x2;
	s25 =	smul.u32 $0x280, s24  }
0x1f6: {  	s26 =	simm.s32 $0x1;
	s30 =	simm.s32 $0x0;
	s23 =	sand.u32 $0x7, s23  }
0x1f7: {  	s26 =	simm.s32 @!p1 $0x0;
	p2 =	seq.s32 s24, s5;
	s29 =	sshll.u32 s23, $0x3;
	v13 =	vadd.s32 s25, v0  }
0x1f8: {  	s26 =	sshll.u32 s26, $0x10;
	s30 =	simm.s32 @!p2 $0x200;
	s31 =	sor.u32 $0x1, s29;
	v11 =	vor.u32 s29, v13  }
0x1f9: {  	s26 =	sor.u32 s30, s26;
	v12 =	vor.u32 s31, v13;
	s31 =	sor.u32 $0x2, s29  }
0x1fa: {  	_ =	swait.ge [sflag:s14], $0x8000;
	s26 =	sshrl.u32 s26, $0x2;
	v14 =	vor.u32 s31, v13;
	s31 =	sor.u32 $0x3, s29  }
0x1fb: {  	[sflag:s14] =	ssyncset.done $0x0;
	s26 =	sadd.s32 $0x4140, s26;
	v15 =	vor.u32 s31, v13  }
0x1fc: {  	[sflag:s14] =	ssyncadd.s32 $0xFFFF8000;
	s31 =	sor.u32 $0x4, s29;
	v19 =	vmov s26  }
0x1fd: {  	v16 =	vor.u32 s31, v13;
	s31 =	sor.u32 $0x5, s29;
	v17 =	vld.idx.msk [tilespmem:v11+s19+$0x0], $0xffff  }
0x1fe: {  	v18 =	vor.u32 s31, v13;
	s31 =	sor.u32 $0x6, s29;
	v11 =	vld.idx.msk [tilespmem:v12+s19+$0x0], $0xffff  }
0x1ff: {  	v20 =	vor.u32 s31, v13;
	s31 =	sshllo.u32 s23, $0x3;
	v12 =	vld.idx.msk [tilespmem:v14+s19+$0x0], $0xffff  }
0x200: {  	v21 =	vor.u32 s31, v13;
	s31 =	simm.s32 $0x0;
	v13 =	vld.idx.msk [tilespmem:v15+s19+$0x0], $0xffff  }
0x201: {  	v22 =	vld.idx.msk [tilespmem:v19+s31+$0xFFFFFFC0 ss:$0x1], $0xffff  }
0x202: {  	v23 =	vld.idx.msk [tilespmem:v19+s31+$0xFFFFFFD0 ss:$0x1], $0xffff  }
0x203: {  	v24 =	vld.idx.msk [tilespmem:v19+s31+$0xFFFFFFF0 ss:$0x1], $0xffff  }
0x204: {  	v25 =	vld.idx.msk [tilespmem:v19+s31+$0x0 ss:$0x1], $0xffff  }
0x205: {  	v27 =	vld.idx.msk [tilespmem:v19+s31+$0x10 ss:$0x1], $0xffff  }
0x206: {  	v29 =	vld.idx.msk [tilespmem:v19+s31+$0x20 ss:$0x1], $0xffff  }
0x207: {  	v14 =	vld.idx.msk [tilespmem:v16+s19+$0x0], $0xffff  }
0x208: {  	v15 =	vld.idx.msk [tilespmem:v18+s19+$0x0], $0xffff  }
0x209: {  	v16 =	vld.idx.msk [tilespmem:v20+s19+$0x0], $0xffff  }
0x20a: {  	v20 =	vld.idx.msk [tilespmem:v19+s31+$0xFFFFFFE0 ss:$0x1], $0xffff;
	v30 =	vperm.xlane v17, v22  }
0x20b: {  	s26 =	simm.s32 $0xC300;
	v18 =	vld.idx.msk [tilespmem:v21+s19+$0x0], $0xffff;
	v39 =	vperm.xlane v17, v23  }
0x20c: {  	v21 =	vld.idx.msk [tilespmem:v19+s31+$0x30 ss:$0x1], $0xffff;
	v41 =	vperm.xlane v17, v24;
	[tilespmem:s26+$0xFFFFFE00] =	vst v30  }
0x20d: {  	v42 =	vperm.xlane v17, v25;
	[tilespmem:s26+$0xFFFFFE10] =	vst v39  }
0x20e: {  	v44 =	vperm.xlane v17, v29;
	[tilespmem:s26+$0xFFFFFE30] =	vst v41  }
0x20f: {  	v52 =	vperm.xlane v13, v29;
	[tilespmem:s26+$0xFFFFFE40] =	vst v42  }
0x210: {  	v53 =	vperm.xlane v13, v27;
	[tilespmem:s26+$0xFFFFFE60] =	vst v44  }
0x211: {  	v54 =	vperm.xlane v12, v29;
	[tilespmem:s26+$0xFFFFFFE0] =	vst v52  }
0x212: {  	v55 =	vperm.xlane v12, v27;
	[tilespmem:s26+$0xFFFFFFD0] =	vst v53  }
0x213: {  	v56 =	vperm.xlane v11, v29;
	[tilespmem:s26+$0xFFFFFF60] =	vst v54  }
0x214: {  	v57 =	vperm.xlane v11, v27;
	[tilespmem:s26+$0xFFFFFF50] =	vst v55  }
0x215: {  	v58 =	vperm.xlane v17, v27;
	[tilespmem:s26+$0xFFFFFEE0] =	vst v56  }
0x216: {  	v59 =	vperm.xlane v11, v23;
	[tilespmem:s26+$0xFFFFFED0] =	vst v57  }
0x217: {  	v60 =	vperm.xlane v11, v22;
	[tilespmem:s26+$0xFFFFFE50] =	vst v58  }
0x218: {  	v50 =	vperm.xlane v14, v29;
	[tilespmem:s26+$0xFFFFFE90] =	vst v59  }
0x219: {  	v51 =	vperm.xlane v14, v27;
	[tilespmem:s26+$0xFFFFFE80] =	vst v60  }
0x21a: {  	v48 =	vperm.xlane v15, v29;
	[tilespmem:s26+$0x60] =	vst v50  }
0x21b: {  	v49 =	vperm.xlane v15, v27;
	[tilespmem:s26+$0x50] =	vst v51  }
0x21c: {  	v41 =	vperm.xlane v15, v25;
	[tilespmem:s26+$0xE0] =	vst v48  }
0x21d: {  	v42 =	vperm.xlane v15, v24;
	[tilespmem:s26+$0xD0] =	vst v49  }
0x21e: {  	v44 =	vperm.xlane v15, v23;
	[tilespmem:s26+$0xC0] =	vst v41  }
0x21f: {  	v53 =	vperm.xlane v13, v25;
	[tilespmem:s26+$0xB0] =	vst v42  }
0x220: {  	v54 =	vperm.xlane v13, v24;
	[tilespmem:s26+$0x90] =	vst v44  }
0x221: {  	v56 =	vperm.xlane v13, v23;
	[tilespmem:s26+$0xFFFFFFC0] =	vst v53  }
0x222: {  	v57 =	vperm.xlane v13, v22;
	[tilespmem:s26+$0xFFFFFFB0] =	vst v54  }
0x223: {  	v59 =	vperm.xlane v12, v25;
	[tilespmem:s26+$0xFFFFFF90] =	vst v56  }
0x224: {  	v60 =	vperm.xlane v12, v24;
	[tilespmem:s26+$0xFFFFFF80] =	vst v57  }
0x225: {  	v40 =	vperm.xlane v17, v20;
	[tilespmem:s26+$0xFFFFFF40] =	vst v59  }
0x226: {  	v46 =	vperm.xlane v16, v29;
	[tilespmem:s26+$0xFFFFFF30] =	vst v60  }
0x227: {  	v47 =	vperm.xlane v16, v27;
	[tilespmem:s26+$0xFFFFFE20] =	vst v40  }
0x228: {  	v35 =	vperm.xlane v16, v25;
	[tilespmem:s26+$0x160] =	vst v46  }
0x229: {  	v36 =	vperm.xlane v16, v24;
	[tilespmem:s26+$0x150] =	vst v47  }
0x22a: {  	v37 =	vperm.xlane v16, v20;
	[tilespmem:s26+$0x140] =	vst v35  }
0x22b: {  	v38 =	vperm.xlane v16, v23;
	[tilespmem:s26+$0x130] =	vst v36  }
0x22c: {  	v39 =	vperm.xlane v16, v22;
	[tilespmem:s26+$0x120] =	vst v37  }
0x22d: {  	v50 =	vperm.xlane v14, v23;
	[tilespmem:s26+$0x110] =	vst v38  }
0x22e: {  	v51 =	vperm.xlane v14, v22;
	[tilespmem:s26+$0x100] =	vst v39  }
0x22f: {  	v55 =	vperm.xlane v13, v20;
	[tilespmem:s26+$0x10] =	vst v50  }
0x230: {  	v26 =	vperm.xlane v18, v21;
	[tilespmem:s26+$0x0] =	vst v51  }
0x231: {  	v28 =	vperm.xlane v17, v21;
	[tilespmem:s26+$0xFFFFFFA0] =	vst v55  }
0x232: {  	v43 =	vperm.xlane v18, v27;
	[tilespmem:s26+$0x1F0] =	vst v26  }
0x233: {  	v45 =	vperm.xlane v18, v29;
	[tilespmem:s26+$0xFFFFFE70] =	vst v28  }
0x234: {  	v61 =	vperm.xlane v18, v25;
	[tilespmem:s26+$0x1D0] =	vst v43  }
0x235: {  	v62 =	vperm.xlane v18, v24;
	[tilespmem:s26+$0x1E0] =	vst v45  }
0x236: {  	v63 =	vperm.xlane v18, v20;
	[tilespmem:s26+$0x1C0] =	vst v61  }
0x237: {  	v32 =	vperm.xlane v18, v23;
	[tilespmem:s26+$0x1B0] =	vst v62  }
0x238: {  	v33 =	vperm.xlane v18, v22;
	[tilespmem:s26+$0x1A0] =	vst v63  }
0x239: {  	v34 =	vperm.xlane v16, v21;
	[tilespmem:s26+$0x190] =	vst v32  }
0x23a: {  	v48 =	vperm.xlane v14, v24;
	[tilespmem:s26+$0x180] =	vst v33  }
0x23b: {  	v49 =	vperm.xlane v14, v20;
	[tilespmem:s26+$0x170] =	vst v34  }
0x23c: {  	v52 =	vperm.xlane v13, v21;
	[tilespmem:s26+$0x30] =	vst v48  }
0x23d: {  	v58 =	vperm.xlane v12, v21;
	[tilespmem:s26+$0x20] =	vst v49  }
0x23e: {  	v23 =	vperm.xlane v12, v23;
	[tilespmem:s26+$0xFFFFFFF0] =	vst v52  }
0x23f: {  	v40 =	vperm.xlane v15, v21;
	[tilespmem:s26+$0xFFFFFF70] =	vst v58  }
0x240: {  	v46 =	vperm.xlane v14, v21;
	[tilespmem:s26+$0xFFFFFF10] =	vst v23  }
0x241: {  	v47 =	vperm.xlane v14, v25;
	[tilespmem:s26+$0xF0] =	vst v40  }
0x242: {  	v21 =	vperm.xlane v11, v21;
	[tilespmem:s26+$0x70] =	vst v46  }
0x243: {  	v43 =	vperm.xlane v15, v20;
	[tilespmem:s26+$0x40] =	vst v47  }
0x244: {  	v45 =	vperm.xlane v15, v22;
	[tilespmem:s26+$0xFFFFFEF0] =	vst v21  }
0x245: {  	v61 =	vperm.xlane v12, v20;
	[tilespmem:s26+$0xA0] =	vst v43  }
0x246: {  	v22 =	vperm.xlane v12, v22;
	[tilespmem:s26+$0x80] =	vst v45  }
0x247: {  	v62 =	vperm.xlane v11, v25;
	[tilespmem:s26+$0xFFFFFF20] =	vst v61  }
0x248: {  	v63 =	vperm.xlane v11, v24;
	[tilespmem:s26+$0xFFFFFF00] =	vst v22  }
0x249: {  	s28 =	sshll.u32 s28, $0xC;
	v20 =	vperm.xlane v11, v20;
	[tilespmem:s26+$0xFFFFFEC0] =	vst v62  }
0x24a: {  	s28 =	sand.u32 $0x2000, s28;
	s31 =	sand.u32 $0x3, s20;
	[tilespmem:s26+$0xFFFFFEB0] =	vst v63  }
0x24b: {  	s30 =	simm.s32 $0x100;
	s29 =	simm.s32 $0x800;
	s25 =	sshll.u32 s31, $0xF;
	[tilespmem:s26+$0xFFFFFEA0] =	vst v20  }
.LBB2_11:
0x24c: {  	p2 =	sne.s32 s29, $0x7C00;
	v21 =	vld.idx.msk [tilespmem:v19+s30+$0x30 ss:$0x1], $0xffff;
	_ =	sdelay $0x1  }
0x24d: {  	v24 =	vld.idx.msk [tilespmem:v19+s30+$0xFFFFFFC0 ss:$0x1], $0xffff  }
0x24e: {  	v25 =	vld.idx.msk [tilespmem:v19+s30+$0xFFFFFFD0 ss:$0x1], $0xffff  }
0x24f: {  	v22 =	vld.idx.msk [tilespmem:v19+s30+$0xFFFFFFE0 ss:$0x1], $0xffff  }
0x250: {  	v23 =	vld.idx.msk [tilespmem:v19+s30+$0xFFFFFFF0 ss:$0x1], $0xffff  }
0x251: {  	v27 =	vperm.xlane v17, v21;
	v28 =	vperm.xlane v18, v21;
	v26 =	vld.idx.msk [tilespmem:v19+s30+$0x0 ss:$0x1], $0xffff  }
0x252: {  	s26 =	sadd.s32 $0x400, s26;
	v20 =	vperm.xlane v15, v21;
	v30 =	vperm.xlane v16, v21;
	v29 =	vld.idx.msk [tilespmem:v19+s30+$0x10 ss:$0x1], $0xffff  }
0x253: {  	v32 =	vperm.xlane v17, v24;
	v33 =	vperm.xlane v11, v24;
	v31 =	vld.idx.msk [tilespmem:v19+s30+$0x20 ss:$0x1], $0xffff;
	[tilespmem:s26+$0x1F0] =	vst v28  }
0x254: {  	v28 =	vperm.xlane v17, v25;
	[tilespmem:s26+$0xFFFFFE70] =	vst v27;
	v27 =	vperm.xlane v11, v25  }
0x255: {  	v34 =	vperm.xlane v18, v22;
	[tilespmem:s26+$0xFFFFFE00] =	vst v32;
	v32 =	vperm.xlane v17, v22  }
0x256: {  	v35 =	vperm.xlane v18, v23;
	[tilespmem:s26+$0xFFFFFE10] =	vst v28;
	v28 =	vperm.xlane v17, v23  }
0x257: {  	v36 =	vperm.xlane v18, v26;
	[tilespmem:s26+$0xFFFFFE20] =	vst v32;
	v32 =	vperm.xlane v17, v26  }
0x258: {  	v37 =	vperm.xlane v18, v29;
	[tilespmem:s26+$0xFFFFFE30] =	vst v28;
	v28 =	vperm.xlane v16, v29  }
0x259: {  	v38 =	vperm.xlane v18, v31;
	[tilespmem:s26+$0xFFFFFE40] =	vst v32;
	v32 =	vperm.xlane v17, v31  }
0x25a: {  	v39 =	vperm.xlane v15, v31;
	v40 =	vperm.xlane v16, v31;
	[tilespmem:s26+$0x1D0] =	vst v37  }
0x25b: {  	v37 =	vperm.xlane v15, v29;
	[tilespmem:s26+$0xFFFFFE60] =	vst v32;
	v32 =	vperm.xlane v14, v31  }
0x25c: {  	v42 =	vperm.xlane v14, v29;
	v41 =	vperm.xlane v13, v31;
	[tilespmem:s26+$0x1E0] =	vst v38  }
0x25d: {  	v43 =	vperm.xlane v13, v29;
	v38 =	vperm.xlane v12, v31;
	[tilespmem:s26+$0x160] =	vst v40  }
0x25e: {  	v31 =	vperm.xlane v11, v31;
	v40 =	vperm.xlane v12, v29;
	[tilespmem:s26+$0x150] =	vst v28  }
0x25f: {  	v28 =	vperm.xlane v17, v29;
	v29 =	vperm.xlane v11, v29;
	[tilespmem:s26+$0xE0] =	vst v39  }
0x260: {  	v39 =	vperm.xlane v18, v25;
	[tilespmem:s26+$0xD0] =	vst v37;
	v37 =	vperm.xlane v18, v24  }
0x261: {  	v44 =	vperm.xlane v16, v26;
	[tilespmem:s26+$0x60] =	vst v32;
	v32 =	vperm.xlane v16, v23  }
0x262: {  	v45 =	vperm.xlane v16, v22;
	[tilespmem:s26+$0x50] =	vst v42;
	v42 =	vperm.xlane v16, v25  }
0x263: {  	v46 =	vperm.xlane v16, v24;
	[tilespmem:s26+$0xFFFFFFE0] =	vst v41;
	v41 =	vperm.xlane v15, v26  }
0x264: {  	v47 =	vperm.xlane v15, v23;
	[tilespmem:s26+$0xFFFFFFD0] =	vst v43;
	v43 =	vperm.xlane v15, v22  }
0x265: {  	v48 =	vperm.xlane v15, v25;
	[tilespmem:s26+$0xFFFFFF60] =	vst v38;
	v38 =	vperm.xlane v15, v24  }
0x266: {  	v49 =	vperm.xlane v14, v21;
	[tilespmem:s26+$0xFFFFFF50] =	vst v40;
	v40 =	vperm.xlane v14, v26  }
0x267: {  	v50 =	vperm.xlane v14, v23;
	[tilespmem:s26+$0xFFFFFEE0] =	vst v31;
	v31 =	vperm.xlane v14, v22  }
0x268: {  	v51 =	vperm.xlane v14, v25;
	[tilespmem:s26+$0xFFFFFED0] =	vst v29;
	v29 =	vperm.xlane v14, v24  }
0x269: {  	v52 =	vperm.xlane v13, v21;
	[tilespmem:s26+$0xFFFFFE50] =	vst v28;
	v28 =	vperm.xlane v13, v26  }
0x26a: {  	v53 =	vperm.xlane v13, v23;
	[tilespmem:s26+$0xFFFFFE90] =	vst v27;
	v27 =	vperm.xlane v13, v22  }
0x26b: {  	v54 =	vperm.xlane v13, v25;
	[tilespmem:s26+$0xFFFFFE80] =	vst v33;
	v33 =	vperm.xlane v13, v24  }
0x26c: {  	v56 =	vperm.xlane v12, v21;
	v55 =	vperm.xlane v12, v26;
	[tilespmem:s26+$0x1C0] =	vst v36  }
0x26d: {  	v57 =	vperm.xlane v12, v23;
	v36 =	vperm.xlane v12, v22;
	[tilespmem:s26+$0x1B0] =	vst v35  }
0x26e: {  	v25 =	vperm.xlane v12, v25;
	v24 =	vperm.xlane v12, v24;
	[tilespmem:s26+$0x1A0] =	vst v34  }
0x26f: {  	v21 =	vperm.xlane v11, v21;
	v26 =	vperm.xlane v11, v26;
	[tilespmem:s26+$0x190] =	vst v39  }
0x270: {  	v23 =	vperm.xlane v11, v23;
	v22 =	vperm.xlane v11, v22;
	[tilespmem:s26+$0x180] =	vst v37  }
0x271: {  	[tilespmem:s26+$0x170] =	vst v30  }
0x272: {  	[tilespmem:s26+$0x140] =	vst v44  }
0x273: {  	[tilespmem:s26+$0x130] =	vst v32  }
0x274: {  	[tilespmem:s26+$0x120] =	vst v45  }
0x275: {  	[tilespmem:s26+$0x110] =	vst v42  }
0x276: {  	[tilespmem:s26+$0x100] =	vst v46  }
0x277: {  	[tilespmem:s26+$0xF0] =	vst v20  }
0x278: {  	[tilespmem:s26+$0xC0] =	vst v41  }
0x279: {  	[tilespmem:s26+$0xB0] =	vst v47  }
0x27a: {  	[tilespmem:s26+$0xA0] =	vst v43  }
0x27b: {  	[tilespmem:s26+$0x90] =	vst v48  }
0x27c: {  	[tilespmem:s26+$0x80] =	vst v38  }
0x27d: {  	[tilespmem:s26+$0x70] =	vst v49  }
0x27e: {  	[tilespmem:s26+$0x40] =	vst v40  }
0x27f: {  	[tilespmem:s26+$0x30] =	vst v50  }
0x280: {  	[tilespmem:s26+$0x20] =	vst v31  }
0x281: {  	[tilespmem:s26+$0x10] =	vst v51  }
0x282: {  	[tilespmem:s26+$0x0] =	vst v29  }
0x283: {  	[tilespmem:s26+$0xFFFFFFF0] =	vst v52  }
0x284: {  	[tilespmem:s26+$0xFFFFFFC0] =	vst v28  }
0x285: {  	[tilespmem:s26+$0xFFFFFFB0] =	vst v53  }
0x286: {  	[tilespmem:s26+$0xFFFFFFA0] =	vst v27  }
0x287: {  	[tilespmem:s26+$0xFFFFFF90] =	vst v54  }
0x288: {  	[tilespmem:s26+$0xFFFFFF80] =	vst v33  }
0x289: {  	[tilespmem:s26+$0xFFFFFF70] =	vst v56  }
0x28a: {  	[tilespmem:s26+$0xFFFFFF40] =	vst v55  }
0x28b: {  	[tilespmem:s26+$0xFFFFFF30] =	vst v57  }
0x28c: {  	[tilespmem:s26+$0xFFFFFF20] =	vst v36  }
0x28d: {  	[tilespmem:s26+$0xFFFFFF10] =	vst v25  }
.Ltmp4:
0x28e: {  	[tilespmem:s26+$0xFFFFFF00] =	vst v24;
	(pc) =	sbr.rel @p2 .LBB2_11-.Ltmp4, $4  }
0x28f: {  	[tilespmem:s26+$0xFFFFFEF0] =	vst v21  }
0x290: {  	[tilespmem:s26+$0xFFFFFEC0] =	vst v26  }
0x291: {  	[tilespmem:s26+$0xFFFFFEB0] =	vst v23  }
0x292: {  	s30 =	sshra.s32 s29, $0x2;
	s29 =	sadd.s32 $0x400, s29;
	[tilespmem:s26+$0xFFFFFEA0] =	vst v22  }
0x293: {  	_ =	sdelay $0x3  }
0x294: {  	v21 =	vld.idx.msk [tilespmem:v19+s30+$0x30 ss:$0x1], $0xffff  }
0x295: {  	v22 =	vld.idx.msk [tilespmem:v19+s30+$0xFFFFFFC0 ss:$0x1], $0xffff  }
0x296: {  	v23 =	vld.idx.msk [tilespmem:v19+s30+$0xFFFFFFD0 ss:$0x1], $0xffff  }
0x297: {  	v20 =	vld.idx.msk [tilespmem:v19+s30+$0xFFFFFFE0 ss:$0x1], $0xffff  }
0x298: {  	v24 =	vld.idx.msk [tilespmem:v19+s30+$0xFFFFFFF0 ss:$0x1], $0xffff  }
0x299: {  	v25 =	vld.idx.msk [tilespmem:v19+s30+$0x0 ss:$0x1], $0xffff;
	v26 =	vperm.xlane v18, v21  }
0x29a: {  	v27 =	vld.idx.msk [tilespmem:v19+s30+$0x10 ss:$0x1], $0xffff;
	s26 =	sadd.s32 $0x400, s26;
	v28 =	vperm.xlane v17, v21  }
0x29b: {  	v19 =	vld.idx.msk [tilespmem:v19+s30+$0x20 ss:$0x1], $0xffff;
	v29 =	vperm.xlane v17, v22;
	[tilespmem:s26+$0x1F0] =	vst v26  }
0x29c: {  	v47 =	vperm.xlane v17, v23;
	[tilespmem:s26+$0xFFFFFE70] =	vst v28  }
0x29d: {  	v48 =	vperm.xlane v17, v20;
	[tilespmem:s26+$0xFFFFFE00] =	vst v29  }
0x29e: {  	v49 =	vperm.xlane v17, v24;
	[tilespmem:s26+$0xFFFFFE10] =	vst v47  }
0x29f: {  	v50 =	vperm.xlane v17, v25;
	[tilespmem:s26+$0xFFFFFE20] =	vst v48  }
0x2a0: {  	v51 =	vperm.xlane v18, v27;
	[tilespmem:s26+$0xFFFFFE30] =	vst v49  }
0x2a1: {  	v52 =	vperm.xlane v17, v19;
	[tilespmem:s26+$0xFFFFFE40] =	vst v50  }
0x2a2: {  	v53 =	vperm.xlane v18, v19;
	[tilespmem:s26+$0x1D0] =	vst v51  }
0x2a3: {  	v54 =	vperm.xlane v16, v19;
	[tilespmem:s26+$0xFFFFFE60] =	vst v52  }
0x2a4: {  	v55 =	vperm.xlane v16, v27;
	[tilespmem:s26+$0x1E0] =	vst v53  }
0x2a5: {  	v56 =	vperm.xlane v15, v19;
	[tilespmem:s26+$0x160] =	vst v54  }
0x2a6: {  	v57 =	vperm.xlane v15, v27;
	[tilespmem:s26+$0x150] =	vst v55  }
0x2a7: {  	v58 =	vperm.xlane v14, v19;
	[tilespmem:s26+$0xE0] =	vst v56  }
0x2a8: {  	v59 =	vperm.xlane v14, v27;
	[tilespmem:s26+$0xD0] =	vst v57  }
0x2a9: {  	v60 =	vperm.xlane v13, v19;
	[tilespmem:s26+$0x60] =	vst v58  }
0x2aa: {  	v61 =	vperm.xlane v13, v27;
	[tilespmem:s26+$0x50] =	vst v59  }
0x2ab: {  	v62 =	vperm.xlane v12, v19;
	[tilespmem:s26+$0xFFFFFFE0] =	vst v60  }
0x2ac: {  	v63 =	vperm.xlane v12, v27;
	[tilespmem:s26+$0xFFFFFFD0] =	vst v61  }
0x2ad: {  	v19 =	vperm.xlane v11, v19;
	[tilespmem:s26+$0xFFFFFF60] =	vst v62  }
0x2ae: {  	v32 =	vperm.xlane v11, v27;
	[tilespmem:s26+$0xFFFFFF50] =	vst v63  }
0x2af: {  	v17 =	vperm.xlane v17, v27;
	[tilespmem:s26+$0xFFFFFEE0] =	vst v19  }
0x2b0: {  	v33 =	vperm.xlane v11, v22;
	[tilespmem:s26+$0xFFFFFED0] =	vst v32  }
0x2b1: {  	v34 =	vperm.xlane v18, v20;
	[tilespmem:s26+$0xFFFFFE50] =	vst v17  }
0x2b2: {  	v19 =	vperm.xlane v11, v23;
	[tilespmem:s26+$0xFFFFFE80] =	vst v33  }
0x2b3: {  	v17 =	vperm.xlane v18, v25;
	[tilespmem:s26+$0x1A0] =	vst v34  }
0x2b4: {  	[tilespmem:s26+$0xFFFFFE90] =	vst v19;
	v19 =	vperm.xlane v18, v24  }
0x2b5: {  	[tilespmem:s26+$0x1C0] =	vst v17;
	v17 =	vperm.xlane v18, v23  }
0x2b6: {  	v18 =	vperm.xlane v18, v22;
	[tilespmem:s26+$0x1B0] =	vst v19  }
0x2b7: {  	v19 =	vperm.xlane v16, v21;
	[tilespmem:s26+$0x190] =	vst v17  }
0x2b8: {  	v17 =	vperm.xlane v16, v25;
	[tilespmem:s26+$0x180] =	vst v18  }
0x2b9: {  	v18 =	vperm.xlane v16, v24;
	[tilespmem:s26+$0x170] =	vst v19  }
0x2ba: {  	v19 =	vperm.xlane v16, v20;
	[tilespmem:s26+$0x140] =	vst v17  }
0x2bb: {  	v17 =	vperm.xlane v16, v23;
	[tilespmem:s26+$0x130] =	vst v18  }
0x2bc: {  	v16 =	vperm.xlane v16, v22;
	[tilespmem:s26+$0x120] =	vst v19  }
0x2bd: {  	v18 =	vperm.xlane v15, v21;
	[tilespmem:s26+$0x110] =	vst v17  }
0x2be: {  	v17 =	vperm.xlane v15, v25;
	[tilespmem:s26+$0x100] =	vst v16  }
0x2bf: {  	v16 =	vperm.xlane v15, v24;
	[tilespmem:s26+$0xF0] =	vst v18  }
0x2c0: {  	v18 =	vperm.xlane v15, v20;
	[tilespmem:s26+$0xC0] =	vst v17  }
0x2c1: {  	v17 =	vperm.xlane v15, v23;
	[tilespmem:s26+$0xB0] =	vst v16  }
0x2c2: {  	v15 =	vperm.xlane v15, v22;
	[tilespmem:s26+$0xA0] =	vst v18  }
0x2c3: {  	v16 =	vperm.xlane v14, v21;
	[tilespmem:s26+$0x90] =	vst v17  }
0x2c4: {  	v17 =	vperm.xlane v14, v25;
	[tilespmem:s26+$0x80] =	vst v15  }
0x2c5: {  	v15 =	vperm.xlane v14, v24;
	[tilespmem:s26+$0x70] =	vst v16  }
0x2c6: {  	v16 =	vperm.xlane v14, v20;
	[tilespmem:s26+$0x40] =	vst v17  }
0x2c7: {  	v17 =	vperm.xlane v14, v23;
	[tilespmem:s26+$0x30] =	vst v15  }
0x2c8: {  	v14 =	vperm.xlane v14, v22;
	[tilespmem:s26+$0x20] =	vst v16  }
0x2c9: {  	v15 =	vperm.xlane v13, v21;
	[tilespmem:s26+$0x10] =	vst v17  }
0x2ca: {  	v16 =	vperm.xlane v13, v25;
	[tilespmem:s26+$0x0] =	vst v14  }
0x2cb: {  	v14 =	vperm.xlane v13, v24;
	[tilespmem:s26+$0xFFFFFFF0] =	vst v15  }
0x2cc: {  	v15 =	vperm.xlane v13, v20;
	[tilespmem:s26+$0xFFFFFFC0] =	vst v16  }
0x2cd: {  	v16 =	vperm.xlane v13, v23;
	[tilespmem:s26+$0xFFFFFFB0] =	vst v14  }
0x2ce: {  	v13 =	vperm.xlane v13, v22;
	[tilespmem:s26+$0xFFFFFFA0] =	vst v15  }
0x2cf: {  	v14 =	vperm.xlane v12, v21;
	[tilespmem:s26+$0xFFFFFF90] =	vst v16  }
0x2d0: {  	v15 =	vperm.xlane v12, v25;
	[tilespmem:s26+$0xFFFFFF80] =	vst v13  }
0x2d1: {  	v13 =	vperm.xlane v12, v24;
	[tilespmem:s26+$0xFFFFFF70] =	vst v14  }
0x2d2: {  	v14 =	vperm.xlane v12, v20;
	[tilespmem:s26+$0xFFFFFF40] =	vst v15  }
0x2d3: {  	v15 =	vperm.xlane v12, v23;
	[tilespmem:s26+$0xFFFFFF30] =	vst v13  }
0x2d4: {  	v12 =	vperm.xlane v12, v22;
	[tilespmem:s26+$0xFFFFFF20] =	vst v14  }
0x2d5: {  	v13 =	vperm.xlane v11, v21;
	[tilespmem:s26+$0xFFFFFF10] =	vst v15  }
0x2d6: {  	v14 =	vperm.xlane v11, v25;
	[tilespmem:s26+$0xFFFFFF00] =	vst v12  }
0x2d7: {  	s24 =	sshll.u32 s24, $0x11;
	v12 =	vperm.xlane v11, v24;
	[tilespmem:s26+$0xFFFFFEF0] =	vst v13  }
0x2d8: {  	s24 =	sadd.s32 s2, s24;
	v11 =	vperm.xlane v11, v20;
	[tilespmem:s26+$0xFFFFFEC0] =	vst v14  }
0x2d9: {  	s23 =	sshll.u32 s23, $0xE;
	s24 =	sadd.s32 s28, s24;
	[tilespmem:s26+$0xFFFFFEB0] =	vst v12  }
0x2da: {  	s30 =	sadd.s32 s22, s11;
	s23 =	sadd.s32 s23, s24;
	[tilespmem:s26+$0xFFFFFEA0] =	vst v11;
	s26 =	simm.s32 $0x0  }
0x2db: {  	[hbm4b:s23+s26] =	stream.linear.scatter [tilespmem:s16], [sflag:$0x1], $0x8000, $0x38;
	[tilespmem:$0x1C100] =	vst v63  }
0x2dc: {  	s23 =	sshrl.u32 s30, $0x5  }
0x2dd: {  	s22 =	sshrl.u32 s30, $0x2;
	s28 =	smul.u32 $0x280, s23  }
0x2de: {  	s22 =	sand.u32 $0x7, s22  }
0x2df: {  	s29 =	sshll.u32 s22, $0x3;
	v13 =	vadd.s32 s28, v0  }
0x2e0: {  	s28 =	sor.u32 $0x1, s29;
	v11 =	vor.u32 s29, v13  }
0x2e1: {  	v12 =	vor.u32 s28, v13;
	s28 =	sor.u32 $0x2, s29  }
0x2e2: {  	_ =	swait.ge [sflag:s15], $0x8000;
	v14 =	vor.u32 s28, v13;
	s28 =	sor.u32 $0x3, s29  }
0x2e3: {  	[sflag:s15] =	ssyncset.done $0x0;
	v15 =	vor.u32 s28, v13;
	s28 =	sor.u32 $0x4, s29  }
0x2e4: {  	[sflag:s15] =	ssyncadd.s32 $0xFFFF8000;
	v16 =	vor.u32 s28, v13;
	s28 =	sor.u32 $0x5, s29  }
0x2e5: {  	v17 =	vor.u32 s28, v13;
	s28 =	sor.u32 $0x6, s29;
	v18 =	vld.idx.msk [tilespmem:v11+s26+$0x0], $0xffff  }
0x2e6: {  	v11 =	vld.idx.msk [tilespmem:v12+s26+$0x0], $0xffff;
	v19 =	vor.u32 s28, v13;
	s28 =	sshllo.u32 s22, $0x3  }
0x2e7: {  	v12 =	vld.idx.msk [tilespmem:v14+s26+$0x0], $0xffff;
	v20 =	vor.u32 s28, v13  }
0x2e8: {  	v13 =	vld.idx.msk [tilespmem:v15+s26+$0x0], $0xffff  }
0x2e9: {  	v14 =	vld.idx.msk [tilespmem:v16+s26+$0x0], $0xffff  }
0x2ea: {  	v15 =	vld.idx.msk [tilespmem:v17+s26+$0x0], $0xffff  }
0x2eb: {  	p2 =	seq.s32 s23, s5;
	v16 =	vld.idx.msk [tilespmem:v19+s26+$0x0], $0xffff  }
0x2ec: {  	v17 =	vld.idx.msk [tilespmem:v20+s26+$0x0], $0xffff;
	s26 =	simm.s32 @!p2 $0x200  }
0x2ed: {  	s25 =	sadd.s32 s26, s25  }
0x2ee: {  	s25 =	sshrl.u32 s25, $0x2  }
0x2ef: {  	s25 =	sadd.s32 $0x4140, s25  }
0x2f0: {  	v19 =	vmov s25;
	_ =	sdelay $0x3  }
0x2f1: {  	s31 =	simm.s32 $0x0  }
0x2f2: {  	v21 =	vld.idx.msk [tilespmem:v19+s31+$0x30 ss:$0x1], $0xffff  }
0x2f3: {  	v22 =	vld.idx.msk [tilespmem:v19+s31+$0xFFFFFFC0 ss:$0x1], $0xffff  }
0x2f4: {  	v23 =	vld.idx.msk [tilespmem:v19+s31+$0xFFFFFFD0 ss:$0x1], $0xffff  }
0x2f5: {  	v20 =	vld.idx.msk [tilespmem:v19+s31+$0xFFFFFFE0 ss:$0x1], $0xffff  }
0x2f6: {  	v24 =	vld.idx.msk [tilespmem:v19+s31+$0xFFFFFFF0 ss:$0x1], $0xffff  }
0x2f7: {  	v25 =	vld.idx.msk [tilespmem:v19+s31+$0x0 ss:$0x1], $0xffff;
	v35 =	vperm.xlane v17, v21  }
0x2f8: {  	s25 =	simm.s32 $0x14300;
	v36 =	vld.idx.msk [tilespmem:v19+s31+$0x10 ss:$0x1], $0xffff;
	v37 =	vperm.xlane v18, v21  }
0x2f9: {  	v38 =	vld.idx.msk [tilespmem:v19+s31+$0x20 ss:$0x1], $0xffff;
	v30 =	vperm.xlane v18, v22;
	[tilespmem:s25+$0x1F0] =	vst v35  }
0x2fa: {  	v39 =	vperm.xlane v18, v23;
	[tilespmem:s25+$0xFFFFFE70] =	vst v37  }
0x2fb: {  	v40 =	vperm.xlane v18, v20;
	[tilespmem:s25+$0xFFFFFE00] =	vst v30  }
0x2fc: {  	v41 =	vperm.xlane v18, v24;
	[tilespmem:s25+$0xFFFFFE10] =	vst v39  }
0x2fd: {  	v42 =	vperm.xlane v18, v25;
	[tilespmem:s25+$0xFFFFFE20] =	vst v40  }
0x2fe: {  	v43 =	vperm.xlane v17, v36;
	[tilespmem:s25+$0xFFFFFE30] =	vst v41  }
0x2ff: {  	v44 =	vperm.xlane v18, v38;
	[tilespmem:s25+$0xFFFFFE40] =	vst v42  }
0x300: {  	v45 =	vperm.xlane v17, v38;
	[tilespmem:s25+$0x1D0] =	vst v43  }
0x301: {  	v46 =	vperm.xlane v16, v38;
	[tilespmem:s25+$0xFFFFFE60] =	vst v44  }
0x302: {  	v47 =	vperm.xlane v16, v36;
	[tilespmem:s25+$0x1E0] =	vst v45  }
0x303: {  	v48 =	vperm.xlane v15, v38;
	[tilespmem:s25+$0x160] =	vst v46  }
0x304: {  	v49 =	vperm.xlane v15, v36;
	[tilespmem:s25+$0x150] =	vst v47  }
0x305: {  	v50 =	vperm.xlane v14, v38;
	[tilespmem:s25+$0xE0] =	vst v48  }
0x306: {  	v51 =	vperm.xlane v14, v36;
	[tilespmem:s25+$0xD0] =	vst v49  }
0x307: {  	v52 =	vperm.xlane v13, v38;
	[tilespmem:s25+$0x60] =	vst v50  }
0x308: {  	v53 =	vperm.xlane v13, v36;
	[tilespmem:s25+$0x50] =	vst v51  }
0x309: {  	v54 =	vperm.xlane v12, v38;
	[tilespmem:s25+$0xFFFFFFE0] =	vst v52  }
0x30a: {  	v55 =	vperm.xlane v12, v36;
	[tilespmem:s25+$0xFFFFFFD0] =	vst v53  }
0x30b: {  	v56 =	vperm.xlane v11, v38;
	[tilespmem:s25+$0xFFFFFF60] =	vst v54  }
0x30c: {  	v57 =	vperm.xlane v11, v36;
	[tilespmem:s25+$0xFFFFFF50] =	vst v55  }
0x30d: {  	v58 =	vperm.xlane v18, v36;
	[tilespmem:s25+$0xFFFFFEE0] =	vst v56  }
0x30e: {  	v59 =	vperm.xlane v11, v23;
	[tilespmem:s25+$0xFFFFFED0] =	vst v57  }
0x30f: {  	v60 =	vperm.xlane v11, v22;
	[tilespmem:s25+$0xFFFFFE50] =	vst v58  }
0x310: {  	v61 =	vperm.xlane v17, v25;
	[tilespmem:s25+$0xFFFFFE90] =	vst v59  }
0x311: {  	v62 =	vperm.xlane v17, v24;
	[tilespmem:s25+$0xFFFFFE80] =	vst v60  }
0x312: {  	v63 =	vperm.xlane v17, v20;
	[tilespmem:s25+$0x1C0] =	vst v61  }
0x313: {  	v32 =	vperm.xlane v17, v23;
	[tilespmem:s25+$0x1B0] =	vst v62  }
0x314: {  	v33 =	vperm.xlane v17, v22;
	[tilespmem:s25+$0x1A0] =	vst v63  }
0x315: {  	v34 =	vperm.xlane v16, v21;
	[tilespmem:s25+$0x190] =	vst v32  }
0x316: {  	v36 =	vperm.xlane v16, v24;
	[tilespmem:s25+$0x180] =	vst v33  }
0x317: {  	v38 =	vperm.xlane v16, v23;
	[tilespmem:s25+$0x170] =	vst v34  }
0x318: {  	v35 =	vperm.xlane v16, v25;
	[tilespmem:s25+$0x130] =	vst v36  }
0x319: {  	v37 =	vperm.xlane v16, v20;
	[tilespmem:s25+$0x110] =	vst v38  }
0x31a: {  	v39 =	vperm.xlane v16, v22;
	[tilespmem:s25+$0x140] =	vst v35  }
0x31b: {  	v40 =	vperm.xlane v15, v21;
	[tilespmem:s25+$0x120] =	vst v37  }
0x31c: {  	v41 =	vperm.xlane v15, v25;
	[tilespmem:s25+$0x100] =	vst v39  }
0x31d: {  	v42 =	vperm.xlane v15, v24;
	[tilespmem:s25+$0xF0] =	vst v40  }
0x31e: {  	v43 =	vperm.xlane v15, v20;
	[tilespmem:s25+$0xC0] =	vst v41  }
0x31f: {  	v44 =	vperm.xlane v15, v23;
	[tilespmem:s25+$0xB0] =	vst v42  }
0x320: {  	v45 =	vperm.xlane v15, v22;
	[tilespmem:s25+$0xA0] =	vst v43  }
0x321: {  	v46 =	vperm.xlane v14, v21;
	[tilespmem:s25+$0x90] =	vst v44  }
0x322: {  	v47 =	vperm.xlane v14, v25;
	[tilespmem:s25+$0x80] =	vst v45  }
0x323: {  	v48 =	vperm.xlane v14, v24;
	[tilespmem:s25+$0x70] =	vst v46  }
0x324: {  	v49 =	vperm.xlane v14, v20;
	[tilespmem:s25+$0x40] =	vst v47  }
0x325: {  	v50 =	vperm.xlane v14, v23;
	[tilespmem:s25+$0x30] =	vst v48  }
0x326: {  	v51 =	vperm.xlane v14, v22;
	[tilespmem:s25+$0x20] =	vst v49  }
0x327: {  	v52 =	vperm.xlane v13, v21;
	[tilespmem:s25+$0x10] =	vst v50  }
0x328: {  	v53 =	vperm.xlane v13, v25;
	[tilespmem:s25+$0x0] =	vst v51  }
0x329: {  	v54 =	vperm.xlane v13, v24;
	[tilespmem:s25+$0xFFFFFFF0] =	vst v52  }
0x32a: {  	v55 =	vperm.xlane v13, v20;
	[tilespmem:s25+$0xFFFFFFC0] =	vst v53  }
0x32b: {  	v56 =	vperm.xlane v13, v23;
	[tilespmem:s25+$0xFFFFFFB0] =	vst v54  }
0x32c: {  	v57 =	vperm.xlane v13, v22;
	[tilespmem:s25+$0xFFFFFFA0] =	vst v55  }
0x32d: {  	v58 =	vperm.xlane v12, v21;
	[tilespmem:s25+$0xFFFFFF90] =	vst v56  }
0x32e: {  	v59 =	vperm.xlane v12, v25;
	[tilespmem:s25+$0xFFFFFF80] =	vst v57  }
0x32f: {  	v60 =	vperm.xlane v12, v24;
	[tilespmem:s25+$0xFFFFFF70] =	vst v58  }
0x330: {  	v61 =	vperm.xlane v12, v20;
	[tilespmem:s25+$0xFFFFFF40] =	vst v59  }
0x331: {  	v23 =	vperm.xlane v12, v23;
	[tilespmem:s25+$0xFFFFFF30] =	vst v60  }
0x332: {  	v22 =	vperm.xlane v12, v22;
	[tilespmem:s25+$0xFFFFFF20] =	vst v61  }
0x333: {  	v21 =	vperm.xlane v11, v21;
	[tilespmem:s25+$0xFFFFFF10] =	vst v23  }
0x334: {  	v62 =	vperm.xlane v11, v25;
	[tilespmem:s25+$0xFFFFFF00] =	vst v22  }
0x335: {  	v63 =	vperm.xlane v11, v24;
	[tilespmem:s25+$0xFFFFFEF0] =	vst v21  }
0x336: {  	v20 =	vperm.xlane v11, v20;
	[tilespmem:s25+$0xFFFFFEC0] =	vst v62  }
0x337: {  	s24 =	sshll.u32 s30, $0xC;
	[tilespmem:s25+$0xFFFFFEB0] =	vst v63  }
0x338: {  	s24 =	sand.u32 $0x3000, s24;
	s28 =	simm.s32 $0x100;
	s26 =	simm.s32 $0x800;
	[tilespmem:s25+$0xFFFFFEA0] =	vst v20  }
.LBB2_13:
0x339: {  	p2 =	sne.s32 s26, $0x7C00;
	v21 =	vld.idx.msk [tilespmem:v19+s28+$0x30 ss:$0x1], $0xffff;
	_ =	sdelay $0x1  }
0x33a: {  	v24 =	vld.idx.msk [tilespmem:v19+s28+$0xFFFFFFC0 ss:$0x1], $0xffff  }
0x33b: {  	v25 =	vld.idx.msk [tilespmem:v19+s28+$0xFFFFFFD0 ss:$0x1], $0xffff  }
0x33c: {  	v22 =	vld.idx.msk [tilespmem:v19+s28+$0xFFFFFFE0 ss:$0x1], $0xffff  }
0x33d: {  	v23 =	vld.idx.msk [tilespmem:v19+s28+$0xFFFFFFF0 ss:$0x1], $0xffff  }
0x33e: {  	v27 =	vperm.xlane v18, v21;
	v28 =	vperm.xlane v17, v21;
	v26 =	vld.idx.msk [tilespmem:v19+s28+$0x0 ss:$0x1], $0xffff  }
0x33f: {  	s25 =	sadd.s32 $0x400, s25;
	v20 =	vperm.xlane v15, v21;
	v30 =	vperm.xlane v16, v21;
	v29 =	vld.idx.msk [tilespmem:v19+s28+$0x10 ss:$0x1], $0xffff  }
0x340: {  	v32 =	vperm.xlane v18, v24;
	v33 =	vperm.xlane v11, v24;
	v31 =	vld.idx.msk [tilespmem:v19+s28+$0x20 ss:$0x1], $0xffff;
	[tilespmem:s25+$0x1F0] =	vst v28  }
0x341: {  	v28 =	vperm.xlane v18, v25;
	[tilespmem:s25+$0xFFFFFE70] =	vst v27;
	v27 =	vperm.xlane v11, v25  }
0x342: {  	v34 =	vperm.xlane v17, v22;
	[tilespmem:s25+$0xFFFFFE00] =	vst v32;
	v32 =	vperm.xlane v18, v22  }
0x343: {  	v35 =	vperm.xlane v17, v23;
	[tilespmem:s25+$0xFFFFFE10] =	vst v28;
	v28 =	vperm.xlane v18, v23  }
0x344: {  	v36 =	vperm.xlane v17, v26;
	[tilespmem:s25+$0xFFFFFE20] =	vst v32;
	v32 =	vperm.xlane v18, v26  }
0x345: {  	v37 =	vperm.xlane v17, v29;
	[tilespmem:s25+$0xFFFFFE30] =	vst v28;
	v28 =	vperm.xlane v16, v29  }
0x346: {  	v38 =	vperm.xlane v17, v31;
	[tilespmem:s25+$0xFFFFFE40] =	vst v32;
	v32 =	vperm.xlane v18, v31  }
0x347: {  	v39 =	vperm.xlane v15, v31;
	v40 =	vperm.xlane v16, v31;
	[tilespmem:s25+$0x1D0] =	vst v37  }
0x348: {  	v37 =	vperm.xlane v15, v29;
	[tilespmem:s25+$0xFFFFFE60] =	vst v32;
	v32 =	vperm.xlane v14, v31  }
0x349: {  	v42 =	vperm.xlane v14, v29;
	v41 =	vperm.xlane v13, v31;
	[tilespmem:s25+$0x1E0] =	vst v38  }
0x34a: {  	v43 =	vperm.xlane v13, v29;
	v38 =	vperm.xlane v12, v31;
	[tilespmem:s25+$0x160] =	vst v40  }
0x34b: {  	v31 =	vperm.xlane v11, v31;
	v40 =	vperm.xlane v12, v29;
	[tilespmem:s25+$0x150] =	vst v28  }
0x34c: {  	v28 =	vperm.xlane v18, v29;
	v29 =	vperm.xlane v11, v29;
	[tilespmem:s25+$0xE0] =	vst v39  }
0x34d: {  	v39 =	vperm.xlane v17, v25;
	[tilespmem:s25+$0xD0] =	vst v37;
	v37 =	vperm.xlane v17, v24  }
0x34e: {  	v44 =	vperm.xlane v16, v26;
	[tilespmem:s25+$0x60] =	vst v32;
	v32 =	vperm.xlane v16, v23  }
0x34f: {  	v45 =	vperm.xlane v16, v22;
	[tilespmem:s25+$0x50] =	vst v42;
	v42 =	vperm.xlane v16, v25  }
0x350: {  	v46 =	vperm.xlane v16, v24;
	[tilespmem:s25+$0xFFFFFFE0] =	vst v41;
	v41 =	vperm.xlane v15, v26  }
0x351: {  	v47 =	vperm.xlane v15, v23;
	[tilespmem:s25+$0xFFFFFFD0] =	vst v43;
	v43 =	vperm.xlane v15, v22  }
0x352: {  	v48 =	vperm.xlane v15, v25;
	[tilespmem:s25+$0xFFFFFF60] =	vst v38;
	v38 =	vperm.xlane v15, v24  }
0x353: {  	v49 =	vperm.xlane v14, v21;
	[tilespmem:s25+$0xFFFFFF50] =	vst v40;
	v40 =	vperm.xlane v14, v26  }
0x354: {  	v50 =	vperm.xlane v14, v23;
	[tilespmem:s25+$0xFFFFFEE0] =	vst v31;
	v31 =	vperm.xlane v14, v22  }
0x355: {  	v51 =	vperm.xlane v14, v25;
	[tilespmem:s25+$0xFFFFFED0] =	vst v29;
	v29 =	vperm.xlane v14, v24  }
0x356: {  	v52 =	vperm.xlane v13, v21;
	[tilespmem:s25+$0xFFFFFE50] =	vst v28;
	v28 =	vperm.xlane v13, v26  }
0x357: {  	v53 =	vperm.xlane v13, v23;
	[tilespmem:s25+$0xFFFFFE90] =	vst v27;
	v27 =	vperm.xlane v13, v22  }
0x358: {  	v54 =	vperm.xlane v13, v25;
	[tilespmem:s25+$0xFFFFFE80] =	vst v33;
	v33 =	vperm.xlane v13, v24  }
0x359: {  	v56 =	vperm.xlane v12, v21;
	v55 =	vperm.xlane v12, v26;
	[tilespmem:s25+$0x1C0] =	vst v36  }
0x35a: {  	v57 =	vperm.xlane v12, v23;
	v36 =	vperm.xlane v12, v22;
	[tilespmem:s25+$0x1B0] =	vst v35  }
0x35b: {  	v25 =	vperm.xlane v12, v25;
	v24 =	vperm.xlane v12, v24;
	[tilespmem:s25+$0x1A0] =	vst v34  }
0x35c: {  	v21 =	vperm.xlane v11, v21;
	v26 =	vperm.xlane v11, v26;
	[tilespmem:s25+$0x190] =	vst v39  }
0x35d: {  	v23 =	vperm.xlane v11, v23;
	v22 =	vperm.xlane v11, v22;
	[tilespmem:s25+$0x180] =	vst v37  }
0x35e: {  	[tilespmem:s25+$0x170] =	vst v30  }
0x35f: {  	[tilespmem:s25+$0x140] =	vst v44  }
0x360: {  	[tilespmem:s25+$0x130] =	vst v32  }
0x361: {  	[tilespmem:s25+$0x120] =	vst v45  }
0x362: {  	[tilespmem:s25+$0x110] =	vst v42  }
0x363: {  	[tilespmem:s25+$0x100] =	vst v46  }
0x364: {  	[tilespmem:s25+$0xF0] =	vst v20  }
0x365: {  	[tilespmem:s25+$0xC0] =	vst v41  }
0x366: {  	[tilespmem:s25+$0xB0] =	vst v47  }
0x367: {  	[tilespmem:s25+$0xA0] =	vst v43  }
0x368: {  	[tilespmem:s25+$0x90] =	vst v48  }
0x369: {  	[tilespmem:s25+$0x80] =	vst v38  }
0x36a: {  	[tilespmem:s25+$0x70] =	vst v49  }
0x36b: {  	[tilespmem:s25+$0x40] =	vst v40  }
0x36c: {  	[tilespmem:s25+$0x30] =	vst v50  }
0x36d: {  	[tilespmem:s25+$0x20] =	vst v31  }
0x36e: {  	[tilespmem:s25+$0x10] =	vst v51  }
0x36f: {  	[tilespmem:s25+$0x0] =	vst v29  }
0x370: {  	[tilespmem:s25+$0xFFFFFFF0] =	vst v52  }
0x371: {  	[tilespmem:s25+$0xFFFFFFC0] =	vst v28  }
0x372: {  	[tilespmem:s25+$0xFFFFFFB0] =	vst v53  }
0x373: {  	[tilespmem:s25+$0xFFFFFFA0] =	vst v27  }
0x374: {  	[tilespmem:s25+$0xFFFFFF90] =	vst v54  }
0x375: {  	[tilespmem:s25+$0xFFFFFF80] =	vst v33  }
0x376: {  	[tilespmem:s25+$0xFFFFFF70] =	vst v56  }
0x377: {  	[tilespmem:s25+$0xFFFFFF40] =	vst v55  }
0x378: {  	[tilespmem:s25+$0xFFFFFF30] =	vst v57  }
0x379: {  	[tilespmem:s25+$0xFFFFFF20] =	vst v36  }
0x37a: {  	[tilespmem:s25+$0xFFFFFF10] =	vst v25  }
.Ltmp5:
0x37b: {  	[tilespmem:s25+$0xFFFFFF00] =	vst v24;
	(pc) =	sbr.rel @p2 .LBB2_13-.Ltmp5, $4  }
0x37c: {  	[tilespmem:s25+$0xFFFFFEF0] =	vst v21  }
0x37d: {  	[tilespmem:s25+$0xFFFFFEC0] =	vst v26  }
0x37e: {  	[tilespmem:s25+$0xFFFFFEB0] =	vst v23  }
0x37f: {  	s28 =	sshra.s32 s26, $0x2;
	s26 =	sadd.s32 $0x400, s26;
	[tilespmem:s25+$0xFFFFFEA0] =	vst v22  }
0x380: {  	_ =	sdelay $0x3  }
0x381: {  	v21 =	vld.idx.msk [tilespmem:v19+s28+$0x30 ss:$0x1], $0xffff  }
0x382: {  	v22 =	vld.idx.msk [tilespmem:v19+s28+$0xFFFFFFC0 ss:$0x1], $0xffff  }
0x383: {  	v23 =	vld.idx.msk [tilespmem:v19+s28+$0xFFFFFFD0 ss:$0x1], $0xffff  }
0x384: {  	v20 =	vld.idx.msk [tilespmem:v19+s28+$0xFFFFFFE0 ss:$0x1], $0xffff  }
0x385: {  	v24 =	vld.idx.msk [tilespmem:v19+s28+$0xFFFFFFF0 ss:$0x1], $0xffff  }
0x386: {  	v25 =	vld.idx.msk [tilespmem:v19+s28+$0x0 ss:$0x1], $0xffff;
	v26 =	vperm.xlane v17, v21  }
0x387: {  	v27 =	vld.idx.msk [tilespmem:v19+s28+$0x10 ss:$0x1], $0xffff;
	s25 =	sadd.s32 $0x400, s25;
	v28 =	vperm.xlane v18, v21  }
0x388: {  	v40 =	vld.idx.msk [tilespmem:v19+s28+$0x20 ss:$0x1], $0xffff;
	v29 =	vperm.xlane v18, v22;
	[tilespmem:s25+$0x1F0] =	vst v26  }
0x389: {  	v41 =	vperm.xlane v18, v23;
	[tilespmem:s25+$0xFFFFFE70] =	vst v28  }
0x38a: {  	v42 =	vperm.xlane v18, v20;
	[tilespmem:s25+$0xFFFFFE00] =	vst v29  }
0x38b: {  	v43 =	vperm.xlane v18, v24;
	[tilespmem:s25+$0xFFFFFE10] =	vst v41  }
0x38c: {  	v44 =	vperm.xlane v18, v25;
	[tilespmem:s25+$0xFFFFFE20] =	vst v42  }
0x38d: {  	v45 =	vperm.xlane v17, v27;
	[tilespmem:s25+$0xFFFFFE30] =	vst v43  }
0x38e: {  	v46 =	vperm.xlane v18, v40;
	[tilespmem:s25+$0xFFFFFE40] =	vst v44  }
0x38f: {  	v47 =	vperm.xlane v17, v40;
	[tilespmem:s25+$0x1D0] =	vst v45  }
0x390: {  	v48 =	vperm.xlane v16, v40;
	[tilespmem:s25+$0xFFFFFE60] =	vst v46  }
0x391: {  	v49 =	vperm.xlane v16, v27;
	[tilespmem:s25+$0x1E0] =	vst v47  }
0x392: {  	v50 =	vperm.xlane v15, v40;
	[tilespmem:s25+$0x160] =	vst v48  }
0x393: {  	v51 =	vperm.xlane v15, v27;
	[tilespmem:s25+$0x150] =	vst v49  }
0x394: {  	v52 =	vperm.xlane v14, v40;
	[tilespmem:s25+$0xE0] =	vst v50  }
0x395: {  	v53 =	vperm.xlane v14, v27;
	[tilespmem:s25+$0xD0] =	vst v51  }
0x396: {  	v54 =	vperm.xlane v13, v40;
	[tilespmem:s25+$0x60] =	vst v52  }
0x397: {  	v55 =	vperm.xlane v13, v27;
	[tilespmem:s25+$0x50] =	vst v53  }
0x398: {  	v56 =	vperm.xlane v12, v40;
	[tilespmem:s25+$0xFFFFFFE0] =	vst v54  }
0x399: {  	v57 =	vperm.xlane v12, v27;
	[tilespmem:s25+$0xFFFFFFD0] =	vst v55  }
0x39a: {  	v19 =	vperm.xlane v11, v40;
	[tilespmem:s25+$0xFFFFFF60] =	vst v56  }
0x39b: {  	v58 =	vperm.xlane v11, v27;
	[tilespmem:s25+$0xFFFFFF50] =	vst v57  }
0x39c: {  	v59 =	vperm.xlane v18, v27;
	[tilespmem:s25+$0xFFFFFEE0] =	vst v19  }
0x39d: {  	v60 =	vperm.xlane v11, v23;
	[tilespmem:s25+$0xFFFFFED0] =	vst v58  }
0x39e: {  	v61 =	vperm.xlane v11, v22;
	[tilespmem:s25+$0xFFFFFE50] =	vst v59  }
0x39f: {  	v62 =	vperm.xlane v17, v25;
	[tilespmem:s25+$0xFFFFFE90] =	vst v60  }
0x3a0: {  	v63 =	vperm.xlane v17, v24;
	[tilespmem:s25+$0xFFFFFE80] =	vst v61  }
0x3a1: {  	v30 =	vperm.xlane v17, v22;
	[tilespmem:s25+$0x1C0] =	vst v62  }
0x3a2: {  	v31 =	vperm.xlane v16, v21;
	[tilespmem:s25+$0x1B0] =	vst v63  }
0x3a3: {  	v32 =	vperm.xlane v16, v25;
	[tilespmem:s25+$0x180] =	vst v30  }
0x3a4: {  	v33 =	vperm.xlane v16, v24;
	[tilespmem:s25+$0x170] =	vst v31  }
0x3a5: {  	v34 =	vperm.xlane v16, v20;
	[tilespmem:s25+$0x140] =	vst v32  }
0x3a6: {  	v35 =	vperm.xlane v16, v23;
	[tilespmem:s25+$0x130] =	vst v33  }
0x3a7: {  	v36 =	vperm.xlane v16, v22;
	[tilespmem:s25+$0x120] =	vst v34  }
0x3a8: {  	v37 =	vperm.xlane v15, v21;
	[tilespmem:s25+$0x110] =	vst v35  }
0x3a9: {  	v38 =	vperm.xlane v15, v25;
	[tilespmem:s25+$0x100] =	vst v36  }
0x3aa: {  	v39 =	vperm.xlane v15, v24;
	[tilespmem:s25+$0xF0] =	vst v37  }
0x3ab: {  	v40 =	vperm.xlane v15, v20;
	[tilespmem:s25+$0xC0] =	vst v38  }
0x3ac: {  	v28 =	vperm.xlane v17, v20;
	[tilespmem:s25+$0xB0] =	vst v39  }
0x3ad: {  	v29 =	vperm.xlane v17, v23;
	[tilespmem:s25+$0xA0] =	vst v40  }
0x3ae: {  	v41 =	vperm.xlane v15, v23;
	[tilespmem:s25+$0x1A0] =	vst v28  }
0x3af: {  	v42 =	vperm.xlane v15, v22;
	[tilespmem:s25+$0x190] =	vst v29  }
0x3b0: {  	v43 =	vperm.xlane v14, v21;
	[tilespmem:s25+$0x90] =	vst v41  }
0x3b1: {  	v44 =	vperm.xlane v14, v25;
	[tilespmem:s25+$0x80] =	vst v42  }
0x3b2: {  	v45 =	vperm.xlane v14, v24;
	[tilespmem:s25+$0x70] =	vst v43  }
0x3b3: {  	v46 =	vperm.xlane v14, v20;
	[tilespmem:s25+$0x40] =	vst v44  }
0x3b4: {  	v47 =	vperm.xlane v14, v23;
	[tilespmem:s25+$0x30] =	vst v45  }
0x3b5: {  	v48 =	vperm.xlane v14, v22;
	[tilespmem:s25+$0x20] =	vst v46  }
0x3b6: {  	v49 =	vperm.xlane v13, v21;
	[tilespmem:s25+$0x10] =	vst v47  }
0x3b7: {  	v50 =	vperm.xlane v13, v25;
	[tilespmem:s25+$0x0] =	vst v48  }
0x3b8: {  	v51 =	vperm.xlane v13, v24;
	[tilespmem:s25+$0xFFFFFFF0] =	vst v49  }
0x3b9: {  	v52 =	vperm.xlane v13, v20;
	[tilespmem:s25+$0xFFFFFFC0] =	vst v50  }
0x3ba: {  	v53 =	vperm.xlane v13, v23;
	[tilespmem:s25+$0xFFFFFFB0] =	vst v51  }
0x3bb: {  	v54 =	vperm.xlane v13, v22;
	[tilespmem:s25+$0xFFFFFFA0] =	vst v52  }
0x3bc: {  	v55 =	vperm.xlane v12, v21;
	[tilespmem:s25+$0xFFFFFF90] =	vst v53  }
0x3bd: {  	v56 =	vperm.xlane v12, v25;
	[tilespmem:s25+$0xFFFFFF80] =	vst v54  }
0x3be: {  	v57 =	vperm.xlane v12, v24;
	[tilespmem:s25+$0xFFFFFF70] =	vst v55  }
0x3bf: {  	v58 =	vperm.xlane v12, v20;
	[tilespmem:s25+$0xFFFFFF40] =	vst v56  }
0x3c0: {  	v59 =	vperm.xlane v12, v23;
	[tilespmem:s25+$0xFFFFFF30] =	vst v57  }
0x3c1: {  	v60 =	vperm.xlane v12, v22;
	[tilespmem:s25+$0xFFFFFF20] =	vst v58  }
0x3c2: {  	s21 =	sadd.s32 $0x1, s21;
	v61 =	vperm.xlane v11, v21;
	[tilespmem:s25+$0xFFFFFF10] =	vst v59  }
0x3c3: {  	p2 =	sne.s32 s21, $0xC;
	v62 =	vperm.xlane v11, v25;
	[tilespmem:s25+$0xFFFFFF00] =	vst v60  }
.Ltmp6:
0x3c4: {  	s23 =	sshll.u32 s23, $0x11;
	v63 =	vperm.xlane v11, v24;
	[tilespmem:s25+$0xFFFFFEF0] =	vst v61;
	(pc) =	sbr.rel @p2 .LBB2_10-.Ltmp6, $4  }
0x3c5: {  	s23 =	sadd.s32 s2, s23;
	v11 =	vperm.xlane v11, v20;
	[tilespmem:s25+$0xFFFFFEC0] =	vst v62  }
0x3c6: {  	s22 =	sshll.u32 s22, $0xE;
	s23 =	sadd.s32 s24, s23;
	[tilespmem:s25+$0xFFFFFEB0] =	vst v63  }
0x3c7: {  	p1 =	por !p1, !p1;
	s20 =	sadd.s32 $0x2, s20;
	s22 =	sadd.s32 s22, s23;
	[tilespmem:s25+$0xFFFFFEA0] =	vst v11  }
0x3c8: {  	[hbm4b:s22+s3] =	stream.linear.scatter [tilespmem:s17], [sflag:$0x2], $0x8000, $0x38;
	[tilespmem:$0x1C100] =	vst v63  }
0x3c9: {  	s18 =	sadd.s32 $0x1, s18  }
0x3ca: {  	_ =	swait.ge [sflag:s14], $0x8000;
	p1 =	sne.s32 s18, s12  }
.Ltmp7:
0x3cb: {  	[sflag:s14] =	ssyncset.done $0x0;
	(pc) =	sbr.rel @p1 .LBB2_1-.Ltmp7, $4  }
0x3cc: {  	[sflag:s14] =	ssyncadd.s32 $0xFFFF8000  }
0x3cd: {  	_ =	swait.ge [sflag:s15], $0x8000  }
0x3ce: {  	[sflag:s15] =	ssyncset.done $0x0  }
0x3cf: {  	[sflag:s15] =	ssyncadd.s32 $0xFFFF8000  }
0x3d0: {  	_ =	sfence.sel $0x180000  }
0x3d1: {  	[bflag:$0x0] =	sbarrier.arrive $0xFFFF  }
0x3d2: {  	p0 =	sne.s32 s0, $0x0;
	_ =	strace $0x90000047  }
0x3d3: {  	s0 =	sadd.s32 @!p0 $0x100000, s1;
	[bflag:$0x2] =	sbarrier.arrive $0xFFFF  }
0x3d4: {  	[sflag:s0] =	ssyncadd.tile.s32 @!p0 $0x1;
	_ =	shalt  }
.Lfunc_end2:
_tile_overlayer_lowered:
.L_overlay_start_2:
0x3d5: {  	(tag) =	ssettag $0x2  }
0x3d6: {  	s0 =	rddreg [dreg:$0x0];
	s2 =	stileid.u32  }
0x3d7: {  	s1 =	rddreg [dreg:$0x1];
	p0 =	sne.s32 s2, $0x0  }
0x3d8: {  	s3 =	rddreg [dreg:$0x2];
	[bflag:$0x3] =	sbarrier.arrive $0xFFFF;
	s2 =	simm.s32 @!p0 $0x1C03  }
0x3d9: {  	[timem:s3], [sflag:s2] =	dma.local @!p0 [hbm:s0], s1  }
0x3da: {  	s0 =	simm.s32 @!p0 $0x3  }
0x3db: {  	_ =	swait.ge @!p0 [sflag:s0], s1  }
0x3dc: {  	s1 =	ssub.s32 @!p0 $0x0, s1;
	[sflag:s0] =	ssyncset.done @!p0 $0x0  }
0x3dd: {  	[sflag:s0] =	ssyncadd.s32 @!p0 s1  }
0x3de: {  	[bflag:$0x3] =	sbarrier.arrive $0xFFFF  }
0x3df: {  	_ =	shalt  }

</sc_bundles>
